<compile_context>
chip_gen: v7x
topology: tpu7x:2x2x1
jax: 0.10.2.dev20260603
libtpu: 0.0.44.dev20260713+nightly
codegen_flags: <defaults>
</compile_context>

<pallas_src>
import functools

import jax
import jax.numpy as jnp
from jax import lax
from jax.experimental import pallas as pl
from jax.experimental.pallas import tpu as pltpu
from jax.experimental.pallas import tpu_sc as plsc

N = 50000
E = 800000
NP = 50176
EP = 802816
ER2 = EP // 128
RPT = NP // 16
CONV_ROWS_PT = ER2 // 16
DEG_ROWS_PT = ER2 // 32
PK = NP // 8
SCE = 1568
EPT = EP // 16
NB = EPT // (2 * SCE)
DEPC = EP // 32
DNB = DEPC // (2 * SCE)

_mesh = plsc.VectorSubcoreMesh(core_axis_name="c", subcore_axis_name="s")
_sc_params = pltpu.CompilerParams(use_tc_tiling_on_sc=False)


@functools.partial(
    pl.kernel,
    mesh=_mesh,
    compiler_params=_sc_params,
    out_type=(jax.ShapeDtypeStruct((NP, 16), jnp.float32),
              jax.ShapeDtypeStruct((NP, 16), jnp.float32)),
    scratch_types=[
        pltpu.VMEM((SCE,), jnp.int32),
        pltpu.VMEM((SCE,), jnp.int32),
        pltpu.VMEM((SCE, 16), jnp.float32),
        pltpu.VMEM((RPT, 16), jnp.float32),
        pltpu.VMEM_SHARED((NP, 16), jnp.float32),
        pltpu.SemaphoreType.DMA,
        pltpu.SemaphoreType.DMA,
    ],
)
def _deg_kernel(dst1d, zeros_hbm, ones_hbm, deg0, deg1,
                didxa, didxb, ones_v, stage, acc, sema, semb):
    c = lax.axis_index("c")
    s = lax.axis_index("s")
    pltpu.sync_copy(ones_hbm, ones_v)
    pltpu.sync_copy(zeros_hbm.at[pl.ds(s * RPT, RPT)],
                    acc.at[pl.ds(s * RPT, RPT)])
    plsc.subcore_barrier()
    base = (c * 16 + s) * DEPC

    def drain(sem):
        pltpu.make_async_copy(zeros_hbm.at[pl.ds(0, SCE)], ones_v, sem).wait()

    pltpu.sync_copy(dst1d.at[pl.ds(base, SCE)], didxa)

    def body(i, carry):
        pltpu.async_copy(ones_v, acc.at[didxa], sema, add=True)
        pltpu.sync_copy(dst1d.at[pl.ds(base + (2 * i + 1) * SCE, SCE)], didxb)
        drain(sema)
        pltpu.async_copy(ones_v, acc.at[didxb], semb, add=True)
        rb2 = jnp.minimum(base + (2 * i + 2) * SCE,
                          base + (2 * DNB - 1) * SCE)
        pltpu.sync_copy(dst1d.at[pl.ds(rb2, SCE)], didxa)
        drain(semb)
        return carry

    lax.fori_loop(0, DNB, body, 0)
    plsc.subcore_barrier()

    @pl.when(c == 0)
    def _():
        pltpu.sync_copy(acc.at[pl.ds(s * RPT, RPT)],
                        deg0.at[pl.ds(s * RPT, RPT)])

    @pl.when(c == 1)
    def _():
        pltpu.sync_copy(acc.at[pl.ds(s * RPT, RPT)],
                        deg1.at[pl.ds(s * RPT, RPT)])


@functools.partial(
    pl.kernel,
    mesh=_mesh,
    compiler_params=_sc_params,
    out_type=tuple(jax.ShapeDtypeStruct((NP, 16), jnp.float32)
                   for _ in range(4)),
    scratch_types=[
        pltpu.VMEM((SCE,), jnp.int32),
        pltpu.VMEM((SCE,), jnp.int32),
        pltpu.VMEM((SCE,), jnp.int32),
        pltpu.VMEM((SCE,), jnp.int32),
        pltpu.VMEM((SCE, 16), jnp.float32),
        pltpu.VMEM((SCE, 16), jnp.float32),
        pltpu.VMEM_SHARED((NP, 16), jnp.float32),
        pltpu.SemaphoreType.DMA,
        pltpu.SemaphoreType.DMA,
        pltpu.SemaphoreType.DMA,
        pltpu.SemaphoreType.DMA,
        pltpu.SemaphoreType.DMA,
    ],
)
def _scatter_kernel(src1d, dst1d, g0, g1, g2, g3, o0, o1, o2, o3,
                    sidx0, sidx1, didx0, didx1, rows0, rows1, acc,
                    gsem0, gsem1, ssem0, ssem1, isem):
    c = lax.axis_index("c")
    s = lax.axis_index("s")

    def run(g_hbm, out_hbm):
        pltpu.sync_copy(g_hbm.at[pl.ds(s * RPT, RPT)],
                        acc.at[pl.ds(s * RPT, RPT)])
        plsc.subcore_barrier()

        base = s * EPT
        last = base + (2 * NB - 1) * SCE

        def load_idx_async(eb, sidx, didx):
            pltpu.async_copy(src1d.at[pl.ds(eb, SCE)], sidx, isem)
            pltpu.async_copy(dst1d.at[pl.ds(eb, SCE)], didx, isem)

        def drain(sem):
            pltpu.make_async_copy(g_hbm.at[pl.ds(0, SCE)], rows0, sem).wait()

        def drain_idx():
            pltpu.make_async_copy(src1d.at[pl.ds(0, SCE)], sidx0, isem).wait()
            pltpu.make_async_copy(src1d.at[pl.ds(0, SCE)], didx0, isem).wait()

        pltpu.sync_copy(src1d.at[pl.ds(base, SCE)], sidx0)
        pltpu.sync_copy(dst1d.at[pl.ds(base, SCE)], didx0)
        pltpu.async_copy(g_hbm.at[sidx0], rows0, gsem0)
        load_idx_async(base + SCE, sidx1, didx1)

        def body(i, carry):
            drain(gsem0)
            pltpu.async_copy(rows0, acc.at[didx0], ssem0, add=True)
            drain_idx()
            pltpu.async_copy(g_hbm.at[sidx1], rows1, gsem1)
            drain(ssem0)
            eb2 = jnp.minimum(base + (2 * i + 2) * SCE, last)
            load_idx_async(eb2, sidx0, didx0)
            drain(gsem1)
            pltpu.async_copy(rows1, acc.at[didx1], ssem1, add=True)
            drain_idx()

            @pl.when(i < NB - 1)
            def _():
                pltpu.async_copy(g_hbm.at[sidx0], rows0, gsem0)
            drain(ssem1)

            @pl.when(i < NB - 1)
            def _():
                eb3 = jnp.minimum(base + (2 * i + 3) * SCE, last)
                load_idx_async(eb3, sidx1, didx1)
            return carry

        lax.fori_loop(0, NB, body, 0)
        plsc.subcore_barrier()
        pltpu.sync_copy(acc.at[pl.ds(s * RPT, RPT)],
                        out_hbm.at[pl.ds(s * RPT, RPT)])

    gs = (g0, g1, g2, g3)
    outs = (o0, o1, o2, o3)
    for q in range(4):
        @pl.when(c == q // 2)
        def _(q=q):
            run(gs[q], outs[q])


_PBLK = 128
_GRID = PK // _PBLK



def _packspec():
    return pl.BlockSpec((_PBLK, 128), lambda i: (i, 0))


def _dinv_pk(d0_ref, d1_ref):
    return lax.rsqrt(d0_ref[...] + d1_ref[...] + 1.0)


def _dinv64(dpk):
    return jnp.concatenate(
        [jnp.broadcast_to(dpk[:, 16 * k:16 * k + 1], (_PBLK, 64))
         for k in range(8)], axis=1)


def _to64(chunks):
    cols = []
    for k in range(8):
        for q in range(4):
            cols.append(chunks[q][:, 16 * k:16 * k + 16])
    return jnp.concatenate(cols, axis=1)


def _from64(o, q):
    return jnp.concatenate(
        [o[:, 64 * k + 16 * q:64 * k + 16 * q + 16] for k in range(8)],
        axis=1)


def _dense1_body(d0, d1, xp, w1, g0, g1, g2, g3, dvo):
    d64 = _dinv64(_dinv_pk(d0, d1))
    xb = xp[...]
    o = jnp.concatenate(
        [jnp.dot(xb[:, 128 * k:128 * k + 128], w1[...],
                 preferred_element_type=jnp.float32) for k in range(8)],
        axis=1) * d64
    outs = (g0, g1, g2, g3)
    for q in range(4):
        outs[q][...] = _from64(o, q)
    dvo[...] = _dinv_pk(d0, d1)


_chunk_out = tuple(jax.ShapeDtypeStruct((PK, 128), jnp.float32)
                   for _ in range(4))

_dense1 = pl.pallas_call(
    _dense1_body,
    grid=(_GRID,),
    in_specs=[_packspec(), _packspec(),
              pl.BlockSpec((_PBLK, 1024), lambda i: (i, 0)),
              pl.BlockSpec((128, 64), lambda i: (0, 0))],
    out_specs=[_packspec()] * 5,
    out_shape=_chunk_out + (jax.ShapeDtypeStruct((PK, 128), jnp.float32),),
)


def _dense2_body(s0, s1, s2, s3, dv, w2, b1p, g20, g21, g22, g23):
    d64 = _dinv64(dv[...])
    h = jnp.maximum(_to64([s0[...], s1[...], s2[...], s3[...]]) * d64
                    + b1p[...], 0.0)
    o = jnp.concatenate(
        [jnp.dot(h[:, 64 * k:64 * k + 64], w2[...],
                 preferred_element_type=jnp.float32) for k in range(8)],
        axis=1) * d64
    outs = (g20, g21, g22, g23)
    for q in range(4):
        outs[q][...] = _from64(o, q)


_dense2 = pl.pallas_call(
    _dense2_body,
    grid=(_GRID,),
    in_specs=[_packspec()] * 5 + [
              pl.BlockSpec((64, 64), lambda i: (0, 0)),
              pl.BlockSpec((1, 512), lambda i: (0, 0))],
    out_specs=[_packspec()] * 4,
    out_shape=_chunk_out,
)


def _dense3_body(t0, t1, t2, t3, dv, wc, b2p, bc, out):
    d64 = _dinv64(dv[...])
    h = jnp.maximum(_to64([t0[...], t1[...], t2[...], t3[...]]) * d64
                    + b2p[...], 0.0)
    o = jnp.concatenate(
        [jnp.dot(h[:, 64 * k:64 * k + 64], wc[...],
                 preferred_element_type=jnp.float32) for k in range(8)],
        axis=1)
    out[...] = o + bc[0, 0]


_dense3 = pl.pallas_call(
    _dense3_body,
    grid=(_GRID,),
    in_specs=[_packspec()] * 5 + [
              pl.BlockSpec((64, 1), lambda i: (0, 0)),
              pl.BlockSpec((1, 512), lambda i: (0, 0)),
              pl.BlockSpec((1, 1), lambda i: (0, 0))],
    out_specs=pl.BlockSpec((_PBLK, 8), lambda i: (i, 0)),
    out_shape=jax.ShapeDtypeStruct((PK, 8), jnp.float32),
)


def _to16(a):
    return jnp.reshape(a, (NP, 16))


def _topack(a):
    return jnp.reshape(a, (PK, 128))


def kernel(x, edge_index, W1, b1, W2, b2, Wc, bc):
    src = edge_index[0].astype(jnp.int32)
    dst = edge_index[1].astype(jnp.int32)
    pad = EP - E
    src1d = jnp.concatenate([src, jnp.zeros((pad,), jnp.int32)])
    dst1d = jnp.concatenate([dst, jnp.full((pad,), N, jnp.int32)])
    zeros16 = jnp.zeros((NP, 16), jnp.float32)
    ones16 = jnp.ones((SCE, 16), jnp.float32)

    b1p = jnp.tile(b1, 8).reshape(1, 512)
    b2p = jnp.tile(b2, 8).reshape(1, 512)
    xp = x.reshape(N // 8, 1024)

    d0, d1 = _deg_kernel(dst1d, zeros16, ones16)
    dp0, dp1 = _topack(d0), _topack(d1)
    *g, dv = _dense1(dp0, dp1, xp, W1)
    s = _scatter_kernel(src1d, dst1d, *[_to16(a) for a in g])
    g2 = _dense2(*[_topack(a) for a in s], dv, W2, b1p)
    t = _scatter_kernel(src1d, dst1d, *[_to16(a) for a in g2])
    out = _dense3(*[_topack(a) for a in t], dv, Wc, b2p,
                  bc.reshape(1, 1))
    return out.reshape(NP)[:N]

# --- scband reference (transcript-rebuilt; emitter-appended) ---
"""Pipeline reference for scband-safety-gcn-26036091748418 (READ-ONLY COPY).

The authoritative reference and input builder live on the scoring server;
editing this copy changes nothing except your own understanding.
"""

import jax, jax.numpy as jnp
import numpy as np

N_NODES = 50000

def gcn_conv(x, edge_index, W, b):
    n = x.shape[0]
    src = edge_index[0]
    dst = edge_index[1]
    loop = jnp.arange(n, dtype=src.dtype)
    src = jnp.concatenate([src, loop])
    dst = jnp.concatenate([dst, loop])
    deg = jnp.zeros((n,), dtype=x.dtype).at[dst].add(1.0)
    dinv = jnp.where(deg > 0, deg ** -0.5, 0.0)
    norm = dinv[src] * dinv[dst]
    h = x @ W
    msg = h[src] * norm[:, None]
    out = jnp.zeros((n, h.shape[1]), dtype=x.dtype).at[dst].add(msg)
    return out + b

def setup_inputs(seed: int = 0) -> dict:
    key = jax.random.key(seed)
    ks = jax.random.split(key, 8)
    x = jax.random.normal(ks[0], (N_NODES, 128), dtype=jnp.float32)
    edge_index = jax.random.randint(ks[1], (2, 800000), 0, N_NODES, dtype=jnp.int64)
    W1 = jax.random.normal(ks[2], (128, 64), dtype=jnp.float32) * 0.05
    b1 = jnp.zeros((64,), dtype=jnp.float32)
    W2 = jax.random.normal(ks[3], (64, 64), dtype=jnp.float32) * 0.05
    b2 = jnp.zeros((64,), dtype=jnp.float32)
    Wc = jax.random.normal(ks[4], (64, 1), dtype=jnp.float32) * 0.05
    bc = jnp.zeros((1,), dtype=jnp.float32)
    return {"x": x, "edge_index": edge_index, "W1": W1, "b1": b1, "W2": W2, "b2": b2, "Wc": Wc, "bc": bc}

def reference(x, edge_index, W1, b1, W2, b2, Wc, bc):
    h = gcn_conv(x, edge_index, W1, b1)
    h = jax.nn.relu(h)
    h = gcn_conv(h, edge_index, W2, b2)
    h = jax.nn.relu(h)
    logits = (h @ Wc + bc).squeeze(-1)
    return logits

if __name__ == "__main__":
    import jax
    _d = setup_inputs()
    print(jax.jit(kernel)(*tuple(_d.values())))

</pallas_src>

<mosaic_0001>
#map = affine_map<(d0, d1) -> (0)>
#map1 = affine_map<(d0, d1) -> (0, 0)>
module attributes {stable_mosaic.version = 14 : i64} {
  func.func @_scatter_kernel(%arg0: i32, %arg1: i32, %arg2: memref<802816xi32, #tpu.memory_space<hbm>>, %arg3: memref<802816xi32, #tpu.memory_space<hbm>>, %arg4: memref<50176x16xf32, #tpu.memory_space<hbm>>, %arg5: memref<50176x16xf32, #tpu.memory_space<hbm>>, %arg6: memref<50176x16xf32, #tpu.memory_space<hbm>>, %arg7: memref<50176x16xf32, #tpu.memory_space<hbm>>, %arg8: memref<50176x16xf32, #tpu.memory_space<hbm>>, %arg9: memref<50176x16xf32, #tpu.memory_space<hbm>>, %arg10: memref<50176x16xf32, #tpu.memory_space<hbm>>, %arg11: memref<50176x16xf32, #tpu.memory_space<hbm>>, %arg12: memref<1568xi32, #tpu.memory_space<vmem>>, %arg13: memref<1568xi32, #tpu.memory_space<vmem>>, %arg14: memref<1568xi32, #tpu.memory_space<vmem>>, %arg15: memref<1568xi32, #tpu.memory_space<vmem>>, %arg16: memref<1568x16xf32, #tpu.memory_space<vmem>>, %arg17: memref<1568x16xf32, #tpu.memory_space<vmem>>, %arg18: memref<50176x16xf32, #tpu.memory_space<vmem_shared>>, %arg19: memref<!tpu.dma_semaphore, #tpu.memory_space<semaphore_mem>>, %arg20: memref<!tpu.dma_semaphore, #tpu.memory_space<semaphore_mem>>, %arg21: memref<!tpu.dma_semaphore, #tpu.memory_space<semaphore_mem>>, %arg22: memref<!tpu.dma_semaphore, #tpu.memory_space<semaphore_mem>>, %arg23: memref<!tpu.dma_semaphore, #tpu.memory_space<semaphore_mem>>) attributes {dimension_semantics = [#tpu.dimension_semantics<core_parallel>, #tpu.dimension_semantics<subcore_parallel>], iteration_bounds = array<i64: 2, 16>, scalar_prefetch = 0 : i64, scratch_operands = 12 : i64, tpu.core_type = #tpu.core_type<sc_vector_subcore>, window_params = [{transform_indices = #map}, {transform_indices = #map}, {transform_indices = #map1}, {transform_indices = #map1}, {transform_indices = #map1}, {transform_indices = #map1}, {transform_indices = #map1}, {transform_indices = #map1}, {transform_indices = #map1}, {transform_indices = #map1}]} {
    %eq3A = arith.constant 0 : i32
    %eq3A_0 = arith.cmpi eq, %arg0, %eq3A : i32
    %convert_element_type3A = arith.extui %eq3A_0 : i1 to i32
    %cond3A = arith.constant 0 : i32
    %cond3A_1 = arith.cmpi ne, %convert_element_type3A, %cond3A : i32
    scf.if %cond3A_1 {
      %mul3A = arith.constant 3136 : i32
      %mul3A_17 = arith.muli %arg1, %mul3A : i32
      %mul3A_18 = arith.constant 3136 : i32
      %mul3A_19 = arith.muli %arg1, %mul3A_18 : i32
      "tpu.region"() ({
        %run_scoped3A = tpu.sem_alloc : memref<!tpu.dma_semaphore, #tpu.memory_space<semaphore_mem>>
        %dma_start3A_41 = arith.constant 0 : i32
        %dma_start3A_42 = tpu.memref_slice %arg18[%mul3A_19, %dma_start3A_41] : memref<50176x16xf32, #tpu.memory_space<vmem_shared>> -> memref<3136x16xf32, #tpu.memory_space<vmem_shared>>
        %dma_start3A_43 = arith.constant 0 : i32
        %dma_start3A_44 = tpu.memref_slice %arg4[%mul3A_17, %dma_start3A_43] : memref<50176x16xf32, #tpu.memory_space<hbm>> -> memref<3136x16xf32, #tpu.memory_space<hbm>>
        tpu.enqueue_dma source(%dma_start3A_44 : memref<3136x16xf32, #tpu.memory_space<hbm>>) target(%dma_start3A_42 : memref<3136x16xf32, #tpu.memory_space<vmem_shared>>) target_semaphore(%run_scoped3A : memref<!tpu.dma_semaphore, #tpu.memory_space<semaphore_mem>>)
        %dma_wait3A = arith.constant 0 : i32
        %dma_wait3A_45 = tpu.memref_slice %arg18[%mul3A_19, %dma_wait3A] : memref<50176x16xf32, #tpu.memory_space<vmem_shared>> -> memref<3136x16xf32, #tpu.memory_space<vmem_shared>>
        %dma_wait3A_46 = arith.constant 0 : i32
        %dma_wait3A_47 = tpu.memref_slice %arg4[%mul3A_17, %dma_wait3A_46] : memref<50176x16xf32, #tpu.memory_space<hbm>> -> memref<3136x16xf32, #tpu.memory_space<hbm>>
        tpu.wait_dma2 semaphore(%run_scoped3A : memref<!tpu.dma_semaphore, #tpu.memory_space<semaphore_mem>>) src(%dma_wait3A_47 : memref<3136x16xf32, #tpu.memory_space<hbm>>) dst(%dma_wait3A_45 : memref<3136x16xf32, #tpu.memory_space<vmem_shared>>)
        tpu.yield
      }) : () -> ()
      %barrier3A = arith.constant 0 : index
      tpu.barrier barrier_id(%barrier3A)
      %mul3A_20 = arith.constant 50176 : i32
      %mul3A_21 = arith.muli %arg1, %mul3A_20 : i32
      %add3A = arith.constant 48608 : i32
      %add3A_22 = arith.addi %mul3A_21, %add3A : i32
      "tpu.region"() ({
        %run_scoped3A = tpu.sem_alloc : memref<!tpu.dma_semaphore, #tpu.memory_space<semaphore_mem>>
        %dma_start3A_41 = tpu.memref_slice %arg2[%mul3A_21] : memref<802816xi32, #tpu.memory_space<hbm>> -> memref<1568xi32, #tpu.memory_space<hbm>>
        %dma_start3A_42 = tpu.memref_slice %arg2[%mul3A_21] : memref<802816xi32, #tpu.memory_space<hbm>> -> memref<1568xi32, #tpu.memory_space<hbm>>
        tpu.enqueue_dma source(%dma_start3A_42 : memref<1568xi32, #tpu.memory_space<hbm>>) target(%arg12 : memref<1568xi32, #tpu.memory_space<vmem>>) target_semaphore(%run_scoped3A : memref<!tpu.dma_semaphore, #tpu.memory_space<semaphore_mem>>)
        %dma_wait3A = tpu.memref_slice %arg2[%mul3A_21] : memref<802816xi32, #tpu.memory_space<hbm>> -> memref<1568xi32, #tpu.memory_space<hbm>>
        %dma_wait3A_43 = tpu.memref_slice %arg2[%mul3A_21] : memref<802816xi32, #tpu.memory_space<hbm>> -> memref<1568xi32, #tpu.memory_space<hbm>>
        tpu.wait_dma2 semaphore(%run_scoped3A : memref<!tpu.dma_semaphore, #tpu.memory_space<semaphore_mem>>) src(%dma_wait3A_43 : memref<1568xi32, #tpu.memory_space<hbm>>) dst(%arg12 : memref<1568xi32, #tpu.memory_space<vmem>>)
        tpu.yield
      }) : () -> ()
      "tpu.region"() ({
        %run_scoped3A = tpu.sem_alloc : memref<!tpu.dma_semaphore, #tpu.memory_space<semaphore_mem>>
        %dma_start3A_41 = tpu.memref_slice %arg3[%mul3A_21] : memref<802816xi32, #tpu.memory_space<hbm>> -> memref<1568xi32, #tpu.memory_space<hbm>>
        %dma_start3A_42 = tpu.memref_slice %arg3[%mul3A_21] : memref<802816xi32, #tpu.memory_space<hbm>> -> memref<1568xi32, #tpu.memory_space<hbm>>
        tpu.enqueue_dma source(%dma_start3A_42 : memref<1568xi32, #tpu.memory_space<hbm>>) target(%arg14 : memref<1568xi32, #tpu.memory_space<vmem>>) target_semaphore(%run_scoped3A : memref<!tpu.dma_semaphore, #tpu.memory_space<semaphore_mem>>)
        %dma_wait3A = tpu.memref_slice %arg3[%mul3A_21] : memref<802816xi32, #tpu.memory_space<hbm>> -> memref<1568xi32, #tpu.memory_space<hbm>>
        %dma_wait3A_43 = tpu.memref_slice %arg3[%mul3A_21] : memref<802816xi32, #tpu.memory_space<hbm>> -> memref<1568xi32, #tpu.memory_space<hbm>>
        tpu.wait_dma2 semaphore(%run_scoped3A : memref<!tpu.dma_semaphore, #tpu.memory_space<semaphore_mem>>) src(%dma_wait3A_43 : memref<1568xi32, #tpu.memory_space<hbm>>) dst(%arg14 : memref<1568xi32, #tpu.memory_space<vmem>>)
        tpu.yield
      }) : () -> ()
      %dma_start3A = arith.constant 0 : i32
      %dma_start3A_23 = arith.constant 0 : i32
      %dma_start3A_24 = tpu.memref_slice %arg4[%dma_start3A, %dma_start3A_23] : memref<50176x16xf32, #tpu.memory_space<hbm>> -> memref<50176x16xf32, #tpu.memory_space<hbm>>
      tpu.enqueue_indirect_dma source(%dma_start3A_24 : memref<50176x16xf32, #tpu.memory_space<hbm>>) target(%arg16 : memref<1568x16xf32, #tpu.memory_space<vmem>>) offsets(%arg12 : memref<1568xi32, #tpu.memory_space<vmem>>) semaphore(%arg19 : memref<!tpu.dma_semaphore, #tpu.memory_space<semaphore_mem>>)
      %add3A_25 = arith.constant 1568 : i32
      %add3A_26 = arith.addi %mul3A_21, %add3A_25 : i32
      %dma_start3A_27 = tpu.memref_slice %arg2[%add3A_26] : memref<802816xi32, #tpu.memory_space<hbm>> -> memref<1568xi32, #tpu.memory_space<hbm>>
      %dma_start3A_28 = tpu.memref_slice %arg2[%add3A_26] : memref<802816xi32, #tpu.memory_space<hbm>> -> memref<1568xi32, #tpu.memory_space<hbm>>
      tpu.enqueue_dma source(%dma_start3A_28 : memref<1568xi32, #tpu.memory_space<hbm>>) target(%arg13 : memref<1568xi32, #tpu.memory_space<vmem>>) target_semaphore(%arg23 : memref<!tpu.dma_semaphore, #tpu.memory_space<semaphore_mem>>)
      %dma_start3A_29 = tpu.memref_slice %arg3[%add3A_26] : memref<802816xi32, #tpu.memory_space<hbm>> -> memref<1568xi32, #tpu.memory_space<hbm>>
      %dma_start3A_30 = tpu.memref_slice %arg3[%add3A_26] : memref<802816xi32, #tpu.memory_space<hbm>> -> memref<1568xi32, #tpu.memory_space<hbm>>
      tpu.enqueue_dma source(%dma_start3A_30 : memref<1568xi32, #tpu.memory_space<hbm>>) target(%arg15 : memref<1568xi32, #tpu.memory_space<vmem>>) target_semaphore(%arg23 : memref<!tpu.dma_semaphore, #tpu.memory_space<semaphore_mem>>)
      %scan3A = arith.constant 0 : i32
      %scan3A_31 = arith.constant 0 : i32
      %scan3A_32 = arith.constant 16 : i32
      %scan3A_33 = arith.addi %scan3A_31, %scan3A_32 : i32
      %scan3A_34 = arith.constant 1 : i32
      scf.for %scan3A_41 = %scan3A_31 to %scan3A_33 step %scan3A_34  : i32 {
        %dma_wait3A = arith.constant 0 : i32
        %dma_wait3A_42 = arith.constant 0 : i32
        %dma_wait3A_43 = tpu.memref_slice %arg4[%dma_wait3A, %dma_wait3A_42] : memref<50176x16xf32, #tpu.memory_space<hbm>> -> memref<1568x16xf32, #tpu.memory_space<hbm>>
        %dma_wait3A_44 = arith.constant 0 : i32
        %dma_wait3A_45 = arith.constant 0 : i32
        %dma_wait3A_46 = tpu.memref_slice %arg4[%dma_wait3A_44, %dma_wait3A_45] : memref<50176x16xf32, #tpu.memory_space<hbm>> -> memref<1568x16xf32, #tpu.memory_space<hbm>>
        tpu.wait_dma2 semaphore(%arg19 : memref<!tpu.dma_semaphore, #tpu.memory_space<semaphore_mem>>) src(%dma_wait3A_46 : memref<1568x16xf32, #tpu.memory_space<hbm>>) dst(%arg16 : memref<1568x16xf32, #tpu.memory_space<vmem>>)
        %dma_start3A_47 = arith.constant 0 : i32
        %dma_start3A_48 = arith.constant 0 : i32
        %dma_start3A_49 = tpu.memref_slice %arg18[%dma_start3A_47, %dma_start3A_48] : memref<50176x16xf32, #tpu.memory_space<vmem_shared>> -> memref<50176x16xf32, #tpu.memory_space<vmem_shared>>
        tpu.enqueue_indirect_dma source(%arg16 : memref<1568x16xf32, #tpu.memory_space<vmem>>) target(%dma_start3A_49 : memref<50176x16xf32, #tpu.memory_space<vmem_shared>>) offsets(%arg14 : memref<1568xi32, #tpu.memory_space<vmem>>) semaphore(%arg21 : memref<!tpu.dma_semaphore, #tpu.memory_space<semaphore_mem>>) {add = true}
        %dma_wait3A_50 = arith.constant 0 : i32
        %dma_wait3A_51 = tpu.memref_slice %arg2[%dma_wait3A_50] : memref<802816xi32, #tpu.memory_space<hbm>> -> memref<1568xi32, #tpu.memory_space<hbm>>
        %dma_wait3A_52 = arith.constant 0 : i32
        %dma_wait3A_53 = tpu.memref_slice %arg2[%dma_wait3A_52] : memref<802816xi32, #tpu.memory_space<hbm>> -> memref<1568xi32, #tpu.memory_space<hbm>>
        tpu.wait_dma2 semaphore(%arg23 : memref<!tpu.dma_semaphore, #tpu.memory_space<semaphore_mem>>) src(%dma_wait3A_53 : memref<1568xi32, #tpu.memory_space<hbm>>) dst(%arg12 : memref<1568xi32, #tpu.memory_space<vmem>>)
        %dma_wait3A_54 = arith.constant 0 : i32
        %dma_wait3A_55 = tpu.memref_slice %arg2[%dma_wait3A_54] : memref<802816xi32, #tpu.memory_space<hbm>> -> memref<1568xi32, #tpu.memory_space<hbm>>
        %dma_wait3A_56 = arith.constant 0 : i32
        %dma_wait3A_57 = tpu.memref_slice %arg2[%dma_wait3A_56] : memref<802816xi32, #tpu.memory_space<hbm>> -> memref<1568xi32, #tpu.memory_space<hbm>>
        tpu.wait_dma2 semaphore(%arg23 : memref<!tpu.dma_semaphore, #tpu.memory_space<semaphore_mem>>) src(%dma_wait3A_57 : memref<1568xi32, #tpu.memory_space<hbm>>) dst(%arg14 : memref<1568xi32, #tpu.memory_space<vmem>>)
        %dma_start3A_58 = arith.constant 0 : i32
        %dma_start3A_59 = arith.constant 0 : i32
        %dma_start3A_60 = tpu.memref_slice %arg4[%dma_start3A_58, %dma_start3A_59] : memref<50176x16xf32, #tpu.memory_space<hbm>> -> memref<50176x16xf32, #tpu.memory_space<hbm>>
        tpu.enqueue_indirect_dma source(%dma_start3A_60 : memref<50176x16xf32, #tpu.memory_space<hbm>>) target(%arg17 : memref<1568x16xf32, #tpu.memory_space<vmem>>) offsets(%arg13 : memref<1568xi32, #tpu.memory_space<vmem>>) semaphore(%arg20 : memref<!tpu.dma_semaphore, #tpu.memory_space<semaphore_mem>>)
        %dma_wait3A_61 = arith.constant 0 : i32
        %dma_wait3A_62 = arith.constant 0 : i32
        %dma_wait3A_63 = tpu.memref_slice %arg4[%dma_wait3A_61, %dma_wait3A_62] : memref<50176x16xf32, #tpu.memory_space<hbm>> -> memref<1568x16xf32, #tpu.memory_space<hbm>>
        %dma_wait3A_64 = arith.constant 0 : i32
        %dma_wait3A_65 = arith.constant 0 : i32
        %dma_wait3A_66 = tpu.memref_slice %arg4[%dma_wait3A_64, %dma_wait3A_65] : memref<50176x16xf32, #tpu.memory_space<hbm>> -> memref<1568x16xf32, #tpu.memory_space<hbm>>
        tpu.wait_dma2 semaphore(%arg21 : memref<!tpu.dma_semaphore, #tpu.memory_space<semaphore_mem>>) src(%dma_wait3A_66 : memref<1568x16xf32, #tpu.memory_space<hbm>>) dst(%arg16 : memref<1568x16xf32, #tpu.memory_space<vmem>>)
        %mul3A_67 = arith.constant 2 : i32
        %mul3A_68 = arith.muli %mul3A_67, %scan3A_41 : i32
        %add3A_69 = arith.constant 2 : i32
        %add3A_70 = arith.addi %mul3A_68, %add3A_69 : i32
        %mul3A_71 = arith.constant 1568 : i32
        %mul3A_72 = arith.muli %add3A_70, %mul3A_71 : i32
        %add3A_73 = arith.addi %mul3A_21, %mul3A_72 : i32
        %min3A = arith.minsi %add3A_73, %add3A_22 : i32
        %dma_start3A_74 = tpu.memref_slice %arg2[%min3A] : memref<802816xi32, #tpu.memory_space<hbm>> -> memref<1568xi32, #tpu.memory_space<hbm>>
        %dma_start3A_75 = tpu.memref_slice %arg2[%min3A] : memref<802816xi32, #tpu.memory_space<hbm>> -> memref<1568xi32, #tpu.memory_space<hbm>>
        tpu.enqueue_dma source(%dma_start3A_75 : memref<1568xi32, #tpu.memory_space<hbm>>) target(%arg12 : memref<1568xi32, #tpu.memory_space<vmem>>) target_semaphore(%arg23 : memref<!tpu.dma_semaphore, #tpu.memory_space<semaphore_mem>>)
        %dma_start3A_76 = tpu.memref_slice %arg3[%min3A] : memref<802816xi32, #tpu.memory_space<hbm>> -> memref<1568xi32, #tpu.memory_space<hbm>>
        %dma_start3A_77 = tpu.memref_slice %arg3[%min3A] : memref<802816xi32, #tpu.memory_space<hbm>> -> memref<1568xi32, #tpu.memory_space<hbm>>
        tpu.enqueue_dma source(%dma_start3A_77 : memref<1568xi32, #tpu.memory_space<hbm>>) target(%arg14 : memref<1568xi32, #tpu.memory_space<vmem>>) target_semaphore(%arg23 : memref<!tpu.dma_semaphore, #tpu.memory_space<semaphore_mem>>)
        %dma_wait3A_78 = arith.constant 0 : i32
        %dma_wait3A_79 = arith.constant 0 : i32
        %dma_wait3A_80 = tpu.memref_slice %arg4[%dma_wait3A_78, %dma_wait3A_79] : memref<50176x16xf32, #tpu.memory_space<hbm>> -> memref<1568x16xf32, #tpu.memory_space<hbm>>
        %dma_wait3A_81 = arith.constant 0 : i32
        %dma_wait3A_82 = arith.constant 0 : i32
        %dma_wait3A_83 = tpu.memref_slice %arg4[%dma_wait3A_81, %dma_wait3A_82] : memref<50176x16xf32, #tpu.memory_space<hbm>> -> memref<1568x16xf32, #tpu.memory_space<hbm>>
        tpu.wait_dma2 semaphore(%arg20 : memref<!tpu.dma_semaphore, #tpu.memory_space<semaphore_mem>>) src(%dma_wait3A_83 : memref<1568x16xf32, #tpu.memory_space<hbm>>) dst(%arg16 : memref<1568x16xf32, #tpu.memory_space<vmem>>)
        %dma_start3A_84 = arith.constant 0 : i32
        %dma_start3A_85 = arith.constant 0 : i32
        %dma_start3A_86 = tpu.memref_slice %arg18[%dma_start3A_84, %dma_start3A_85] : memref<50176x16xf32, #tpu.memory_space<vmem_shared>> -> memref<50176x16xf32, #tpu.memory_space<vmem_shared>>
        tpu.enqueue_indirect_dma source(%arg17 : memref<1568x16xf32, #tpu.memory_space<vmem>>) target(%dma_start3A_86 : memref<50176x16xf32, #tpu.memory_space<vmem_shared>>) offsets(%arg15 : memref<1568xi32, #tpu.memory_space<vmem>>) semaphore(%arg22 : memref<!tpu.dma_semaphore, #tpu.memory_space<semaphore_mem>>) {add = true}
        %dma_wait3A_87 = arith.constant 0 : i32
        %dma_wait3A_88 = tpu.memref_slice %arg2[%dma_wait3A_87] : memref<802816xi32, #tpu.memory_space<hbm>> -> memref<1568xi32, #tpu.memory_space<hbm>>
        %dma_wait3A_89 = arith.constant 0 : i32
        %dma_wait3A_90 = tpu.memref_slice %arg2[%dma_wait3A_89] : memref<802816xi32, #tpu.memory_space<hbm>> -> memref<1568xi32, #tpu.memory_space<hbm>>
        tpu.wait_dma2 semaphore(%arg23 : memref<!tpu.dma_semaphore, #tpu.memory_space<semaphore_mem>>) src(%dma_wait3A_90 : memref<1568xi32, #tpu.memory_space<hbm>>) dst(%arg12 : memref<1568xi32, #tpu.memory_space<vmem>>)
        %dma_wait3A_91 = arith.constant 0 : i32
        %dma_wait3A_92 = tpu.memref_slice %arg2[%dma_wait3A_91] : memref<802816xi32, #tpu.memory_space<hbm>> -> memref<1568xi32, #tpu.memory_space<hbm>>
        %dma_wait3A_93 = arith.constant 0 : i32
        %dma_wait3A_94 = tpu.memref_slice %arg2[%dma_wait3A_93] : memref<802816xi32, #tpu.memory_space<hbm>> -> memref<1568xi32, #tpu.memory_space<hbm>>
        tpu.wait_dma2 semaphore(%arg23 : memref<!tpu.dma_semaphore, #tpu.memory_space<semaphore_mem>>) src(%dma_wait3A_94 : memref<1568xi32, #tpu.memory_space<hbm>>) dst(%arg14 : memref<1568xi32, #tpu.memory_space<vmem>>)
        %lt3A = arith.constant 15 : i32
        %lt3A_95 = arith.cmpi slt, %scan3A_41, %lt3A : i32
        %convert_element_type3A_96 = arith.extui %lt3A_95 : i1 to i32
        %cond3A_97 = arith.constant 0 : i32
        %cond3A_98 = arith.cmpi ne, %convert_element_type3A_96, %cond3A_97 : i32
        scf.if %cond3A_98 {
          %dma_start3A_110 = arith.constant 0 : i32
          %dma_start3A_111 = arith.constant 0 : i32
          %dma_start3A_112 = tpu.memref_slice %arg4[%dma_start3A_110, %dma_start3A_111] : memref<50176x16xf32, #tpu.memory_space<hbm>> -> memref<50176x16xf32, #tpu.memory_space<hbm>>
          tpu.enqueue_indirect_dma source(%dma_start3A_112 : memref<50176x16xf32, #tpu.memory_space<hbm>>) target(%arg16 : memref<1568x16xf32, #tpu.memory_space<vmem>>) offsets(%arg12 : memref<1568xi32, #tpu.memory_space<vmem>>) semaphore(%arg19 : memref<!tpu.dma_semaphore, #tpu.memory_space<semaphore_mem>>)
        } else {
        }
        %dma_wait3A_99 = arith.constant 0 : i32
        %dma_wait3A_100 = arith.constant 0 : i32
        %dma_wait3A_101 = tpu.memref_slice %arg4[%dma_wait3A_99, %dma_wait3A_100] : memref<50176x16xf32, #tpu.memory_space<hbm>> -> memref<1568x16xf32, #tpu.memory_space<hbm>>
        %dma_wait3A_102 = arith.constant 0 : i32
        %dma_wait3A_103 = arith.constant 0 : i32
        %dma_wait3A_104 = tpu.memref_slice %arg4[%dma_wait3A_102, %dma_wait3A_103] : memref<50176x16xf32, #tpu.memory_space<hbm>> -> memref<1568x16xf32, #tpu.memory_space<hbm>>
        tpu.wait_dma2 semaphore(%arg22 : memref<!tpu.dma_semaphore, #tpu.memory_space<semaphore_mem>>) src(%dma_wait3A_104 : memref<1568x16xf32, #tpu.memory_space<hbm>>) dst(%arg16 : memref<1568x16xf32, #tpu.memory_space<vmem>>)
        %lt3A_105 = arith.constant 15 : i32
        %lt3A_106 = arith.cmpi slt, %scan3A_41, %lt3A_105 : i32
        %convert_element_type3A_107 = arith.extui %lt3A_106 : i1 to i32
        %cond3A_108 = arith.constant 0 : i32
        %cond3A_109 = arith.cmpi ne, %convert_element_type3A_107, %cond3A_108 : i32
        scf.if %cond3A_109 {
          %mul3A_110 = arith.constant 2 : i32
          %mul3A_111 = arith.muli %mul3A_110, %scan3A_41 : i32
          %add3A_112 = arith.constant 3 : i32
          %add3A_113 = arith.addi %mul3A_111, %add3A_112 : i32
          %mul3A_114 = arith.constant 1568 : i32
          %mul3A_115 = arith.muli %add3A_113, %mul3A_114 : i32
          %add3A_116 = arith.addi %mul3A_21, %mul3A_115 : i32
          %min3A_117 = arith.minsi %add3A_116, %add3A_22 : i32
          %dma_start3A_118 = tpu.memref_slice %arg2[%min3A_117] : memref<802816xi32, #tpu.memory_space<hbm>> -> memref<1568xi32, #tpu.memory_space<hbm>>
          %dma_start3A_119 = tpu.memref_slice %arg2[%min3A_117] : memref<802816xi32, #tpu.memory_space<hbm>> -> memref<1568xi32, #tpu.memory_space<hbm>>
          tpu.enqueue_dma source(%dma_start3A_119 : memref<1568xi32, #tpu.memory_space<hbm>>) target(%arg13 : memref<1568xi32, #tpu.memory_space<vmem>>) target_semaphore(%arg23 : memref<!tpu.dma_semaphore, #tpu.memory_space<semaphore_mem>>)
          %dma_start3A_120 = tpu.memref_slice %arg3[%min3A_117] : memref<802816xi32, #tpu.memory_space<hbm>> -> memref<1568xi32, #tpu.memory_space<hbm>>
          %dma_start3A_121 = tpu.memref_slice %arg3[%min3A_117] : memref<802816xi32, #tpu.memory_space<hbm>> -> memref<1568xi32, #tpu.memory_space<hbm>>
          tpu.enqueue_dma source(%dma_start3A_121 : memref<1568xi32, #tpu.memory_space<hbm>>) target(%arg15 : memref<1568xi32, #tpu.memory_space<vmem>>) target_semaphore(%arg23 : memref<!tpu.dma_semaphore, #tpu.memory_space<semaphore_mem>>)
        } else {
        }
      }
      %scan3A_35 = arith.constant 16 : i32
      %barrier3A_36 = arith.constant 0 : index
      tpu.barrier barrier_id(%barrier3A_36)
      %mul3A_37 = arith.constant 3136 : i32
      %mul3A_38 = arith.muli %arg1, %mul3A_37 : i32
      %mul3A_39 = arith.constant 3136 : i32
      %mul3A_40 = arith.muli %arg1, %mul3A_39 : i32
      "tpu.region"() ({
        %run_scoped3A = tpu.sem_alloc : memref<!tpu.dma_semaphore, #tpu.memory_space<semaphore_mem>>
        %dma_start3A_41 = arith.constant 0 : i32
        %dma_start3A_42 = tpu.memref_slice %arg8[%mul3A_40, %dma_start3A_41] : memref<50176x16xf32, #tpu.memory_space<hbm>> -> memref<3136x16xf32, #tpu.memory_space<hbm>>
        %dma_start3A_43 = arith.constant 0 : i32
        %dma_start3A_44 = tpu.memref_slice %arg18[%mul3A_38, %dma_start3A_43] : memref<50176x16xf32, #tpu.memory_space<vmem_shared>> -> memref<3136x16xf32, #tpu.memory_space<vmem_shared>>
        tpu.enqueue_dma source(%dma_start3A_44 : memref<3136x16xf32, #tpu.memory_space<vmem_shared>>) target(%dma_start3A_42 : memref<3136x16xf32, #tpu.memory_space<hbm>>) target_semaphore(%run_scoped3A : memref<!tpu.dma_semaphore, #tpu.memory_space<semaphore_mem>>)
        %dma_wait3A = arith.constant 0 : i32
        %dma_wait3A_45 = tpu.memref_slice %arg8[%mul3A_40, %dma_wait3A] : memref<50176x16xf32, #tpu.memory_space<hbm>> -> memref<3136x16xf32, #tpu.memory_space<hbm>>
        %dma_wait3A_46 = arith.constant 0 : i32
        %dma_wait3A_47 = tpu.memref_slice %arg18[%mul3A_38, %dma_wait3A_46] : memref<50176x16xf32, #tpu.memory_space<vmem_shared>> -> memref<3136x16xf32, #tpu.memory_space<vmem_shared>>
        tpu.wait_dma2 semaphore(%run_scoped3A : memref<!tpu.dma_semaphore, #tpu.memory_space<semaphore_mem>>) src(%dma_wait3A_47 : memref<3136x16xf32, #tpu.memory_space<vmem_shared>>) dst(%dma_wait3A_45 : memref<3136x16xf32, #tpu.memory_space<hbm>>)
        tpu.yield
      }) : () -> ()
    } else {
    }
    %eq3A_2 = arith.constant 0 : i32
    %eq3A_3 = arith.cmpi eq, %arg0, %eq3A_2 : i32
    %convert_element_type3A_4 = arith.extui %eq3A_3 : i1 to i32
    %cond3A_5 = arith.constant 0 : i32
    %cond3A_6 = arith.cmpi ne, %convert_element_type3A_4, %cond3A_5 : i32
    scf.if %cond3A_6 {
      %mul3A = arith.constant 3136 : i32
      %mul3A_17 = arith.muli %arg1, %mul3A : i32
      %mul3A_18 = arith.constant 3136 : i32
      %mul3A_19 = arith.muli %arg1, %mul3A_18 : i32
      "tpu.region"() ({
        %run_scoped3A = tpu.sem_alloc : memref<!tpu.dma_semaphore, #tpu.memory_space<semaphore_mem>>
        %dma_start3A_41 = arith.constant 0 : i32
        %dma_start3A_42 = tpu.memref_slice %arg18[%mul3A_19, %dma_start3A_41] : memref<50176x16xf32, #tpu.memory_space<vmem_shared>> -> memref<3136x16xf32, #tpu.memory_space<vmem_shared>>
        %dma_start3A_43 = arith.constant 0 : i32
        %dma_start3A_44 = tpu.memref_slice %arg5[%mul3A_17, %dma_start3A_43] : memref<50176x16xf32, #tpu.memory_space<hbm>> -> memref<3136x16xf32, #tpu.memory_space<hbm>>
        tpu.enqueue_dma source(%dma_start3A_44 : memref<3136x16xf32, #tpu.memory_space<hbm>>) target(%dma_start3A_42 : memref<3136x16xf32, #tpu.memory_space<vmem_shared>>) target_semaphore(%run_scoped3A : memref<!tpu.dma_semaphore, #tpu.memory_space<semaphore_mem>>)
        %dma_wait3A = arith.constant 0 : i32
        %dma_wait3A_45 = tpu.memref_slice %arg18[%mul3A_19, %dma_wait3A] : memref<50176x16xf32, #tpu.memory_space<vmem_shared>> -> memref<3136x16xf32, #tpu.memory_space<vmem_shared>>
        %dma_wait3A_46 = arith.constant 0 : i32
        %dma_wait3A_47 = tpu.memref_slice %arg5[%mul3A_17, %dma_wait3A_46] : memref<50176x16xf32, #tpu.memory_space<hbm>> -> memref<3136x16xf32, #tpu.memory_space<hbm>>
        tpu.wait_dma2 semaphore(%run_scoped3A : memref<!tpu.dma_semaphore, #tpu.memory_space<semaphore_mem>>) src(%dma_wait3A_47 : memref<3136x16xf32, #tpu.memory_space<hbm>>) dst(%dma_wait3A_45 : memref<3136x16xf32, #tpu.memory_space<vmem_shared>>)
        tpu.yield
      }) : () -> ()
      %barrier3A = arith.constant 0 : index
      tpu.barrier barrier_id(%barrier3A)
      %mul3A_20 = arith.constant 50176 : i32
      %mul3A_21 = arith.muli %arg1, %mul3A_20 : i32
      %add3A = arith.constant 48608 : i32
      %add3A_22 = arith.addi %mul3A_21, %add3A : i32
      "tpu.region"() ({
        %run_scoped3A = tpu.sem_alloc : memref<!tpu.dma_semaphore, #tpu.memory_space<semaphore_mem>>
        %dma_start3A_41 = tpu.memref_slice %arg2[%mul3A_21] : memref<802816xi32, #tpu.memory_space<hbm>> -> memref<1568xi32, #tpu.memory_space<hbm>>
        %dma_start3A_42 = tpu.memref_slice %arg2[%mul3A_21] : memref<802816xi32, #tpu.memory_space<hbm>> -> memref<1568xi32, #tpu.memory_space<hbm>>
        tpu.enqueue_dma source(%dma_start3A_42 : memref<1568xi32, #tpu.memory_space<hbm>>) target(%arg12 : memref<1568xi32, #tpu.memory_space<vmem>>) target_semaphore(%run_scoped3A : memref<!tpu.dma_semaphore, #tpu.memory_space<semaphore_mem>>)
        %dma_wait3A = tpu.memref_slice %arg2[%mul3A_21] : memref<802816xi32, #tpu.memory_space<hbm>> -> memref<1568xi32, #tpu.memory_space<hbm>>
        %dma_wait3A_43 = tpu.memref_slice %arg2[%mul3A_21] : memref<802816xi32, #tpu.memory_space<hbm>> -> memref<1568xi32, #tpu.memory_space<hbm>>
        tpu.wait_dma2 semaphore(%run_scoped3A : memref<!tpu.dma_semaphore, #tpu.memory_space<semaphore_mem>>) src(%dma_wait3A_43 : memref<1568xi32, #tpu.memory_space<hbm>>) dst(%arg12 : memref<1568xi32, #tpu.memory_space<vmem>>)
        tpu.yield
      }) : () -> ()
      "tpu.region"() ({
        %run_scoped3A = tpu.sem_alloc : memref<!tpu.dma_semaphore, #tpu.memory_space<semaphore_mem>>
        %dma_start3A_41 = tpu.memref_slice %arg3[%mul3A_21] : memref<802816xi32, #tpu.memory_space<hbm>> -> memref<1568xi32, #tpu.memory_space<hbm>>
        %dma_start3A_42 = tpu.memref_slice %arg3[%mul3A_21] : memref<802816xi32, #tpu.memory_space<hbm>> -> memref<1568xi32, #tpu.memory_space<hbm>>
        tpu.enqueue_dma source(%dma_start3A_42 : memref<1568xi32, #tpu.memory_space<hbm>>) target(%arg14 : memref<1568xi32, #tpu.memory_space<vmem>>) target_semaphore(%run_scoped3A : memref<!tpu.dma_semaphore, #tpu.memory_space<semaphore_mem>>)
        %dma_wait3A = tpu.memref_slice %arg3[%mul3A_21] : memref<802816xi32, #tpu.memory_space<hbm>> -> memref<1568xi32, #tpu.memory_space<hbm>>
        %dma_wait3A_43 = tpu.memref_slice %arg3[%mul3A_21] : memref<802816xi32, #tpu.memory_space<hbm>> -> memref<1568xi32, #tpu.memory_space<hbm>>
        tpu.wait_dma2 semaphore(%run_scoped3A : memref<!tpu.dma_semaphore, #tpu.memory_space<semaphore_mem>>) src(%dma_wait3A_43 : memref<1568xi32, #tpu.memory_space<hbm>>) dst(%arg14 : memref<1568xi32, #tpu.memory_space<vmem>>)
        tpu.yield
      }) : () -> ()
      %dma_start3A = arith.constant 0 : i32
      %dma_start3A_23 = arith.constant 0 : i32
      %dma_start3A_24 = tpu.memref_slice %arg5[%dma_start3A, %dma_start3A_23] : memref<50176x16xf32, #tpu.memory_space<hbm>> -> memref<50176x16xf32, #tpu.memory_space<hbm>>
      tpu.enqueue_indirect_dma source(%dma_start3A_24 : memref<50176x16xf32, #tpu.memory_space<hbm>>) target(%arg16 : memref<1568x16xf32, #tpu.memory_space<vmem>>) offsets(%arg12 : memref<1568xi32, #tpu.memory_space<vmem>>) semaphore(%arg19 : memref<!tpu.dma_semaphore, #tpu.memory_space<semaphore_mem>>)
      %add3A_25 = arith.constant 1568 : i32
      %add3A_26 = arith.addi %mul3A_21, %add3A_25 : i32
      %dma_start3A_27 = tpu.memref_slice %arg2[%add3A_26] : memref<802816xi32, #tpu.memory_space<hbm>> -> memref<1568xi32, #tpu.memory_space<hbm>>
      %dma_start3A_28 = tpu.memref_slice %arg2[%add3A_26] : memref<802816xi32, #tpu.memory_space<hbm>> -> memref<1568xi32, #tpu.memory_space<hbm>>
      tpu.enqueue_dma source(%dma_start3A_28 : memref<1568xi32, #tpu.memory_space<hbm>>) target(%arg13 : memref<1568xi32, #tpu.memory_space<vmem>>) target_semaphore(%arg23 : memref<!tpu.dma_semaphore, #tpu.memory_space<semaphore_mem>>)
      %dma_start3A_29 = tpu.memref_slice %arg3[%add3A_26] : memref<802816xi32, #tpu.memory_space<hbm>> -> memref<1568xi32, #tpu.memory_space<hbm>>
      %dma_start3A_30 = tpu.memref_slice %arg3[%add3A_26] : memref<802816xi32, #tpu.memory_space<hbm>> -> memref<1568xi32, #tpu.memory_space<hbm>>
      tpu.enqueue_dma source(%dma_start3A_30 : memref<1568xi32, #tpu.memory_space<hbm>>) target(%arg15 : memref<1568xi32, #tpu.memory_space<vmem>>) target_semaphore(%arg23 : memref<!tpu.dma_semaphore, #tpu.memory_space<semaphore_mem>>)
      %scan3A = arith.constant 0 : i32
      %scan3A_31 = arith.constant 0 : i32
      %scan3A_32 = arith.constant 16 : i32
      %scan3A_33 = arith.addi %scan3A_31, %scan3A_32 : i32
      %scan3A_34 = arith.constant 1 : i32
      scf.for %scan3A_41 = %scan3A_31 to %scan3A_33 step %scan3A_34  : i32 {
        %dma_wait3A = arith.constant 0 : i32
        %dma_wait3A_42 = arith.constant 0 : i32
        %dma_wait3A_43 = tpu.memref_slice %arg5[%dma_wait3A, %dma_wait3A_42] : memref<50176x16xf32, #tpu.memory_space<hbm>> -> memref<1568x16xf32, #tpu.memory_space<hbm>>
        %dma_wait3A_44 = arith.constant 0 : i32
        %dma_wait3A_45 = arith.constant 0 : i32
        %dma_wait3A_46 = tpu.memref_slice %arg5[%dma_wait3A_44, %dma_wait3A_45] : memref<50176x16xf32, #tpu.memory_space<hbm>> -> memref<1568x16xf32, #tpu.memory_space<hbm>>
        tpu.wait_dma2 semaphore(%arg19 : memref<!tpu.dma_semaphore, #tpu.memory_space<semaphore_mem>>) src(%dma_wait3A_46 : memref<1568x16xf32, #tpu.memory_space<hbm>>) dst(%arg16 : memref<1568x16xf32, #tpu.memory_space<vmem>>)
        %dma_start3A_47 = arith.constant 0 : i32
        %dma_start3A_48 = arith.constant 0 : i32
        %dma_start3A_49 = tpu.memref_slice %arg18[%dma_start3A_47, %dma_start3A_48] : memref<50176x16xf32, #tpu.memory_space<vmem_shared>> -> memref<50176x16xf32, #tpu.memory_space<vmem_shared>>
        tpu.enqueue_indirect_dma source(%arg16 : memref<1568x16xf32, #tpu.memory_space<vmem>>) target(%dma_start3A_49 : memref<50176x16xf32, #tpu.memory_space<vmem_shared>>) offsets(%arg14 : memref<1568xi32, #tpu.memory_space<vmem>>) semaphore(%arg21 : memref<!tpu.dma_semaphore, #tpu.memory_space<semaphore_mem>>) {add = true}
        %dma_wait3A_50 = arith.constant 0 : i32
        %dma_wait3A_51 = tpu.memref_slice %arg2[%dma_wait3A_50] : memref<802816xi32, #tpu.memory_space<hbm>> -> memref<1568xi32, #tpu.memory_space<hbm>>
        %dma_wait3A_52 = arith.constant 0 : i32
        %dma_wait3A_53 = tpu.memref_slice %arg2[%dma_wait3A_52] : memref<802816xi32, #tpu.memory_space<hbm>> -> memref<1568xi32, #tpu.memory_space<hbm>>
        tpu.wait_dma2 semaphore(%arg23 : memref<!tpu.dma_semaphore, #tpu.memory_space<semaphore_mem>>) src(%dma_wait3A_53 : memref<1568xi32, #tpu.memory_space<hbm>>) dst(%arg12 : memref<1568xi32, #tpu.memory_space<vmem>>)
        %dma_wait3A_54 = arith.constant 0 : i32
        %dma_wait3A_55 = tpu.memref_slice %arg2[%dma_wait3A_54] : memref<802816xi32, #tpu.memory_space<hbm>> -> memref<1568xi32, #tpu.memory_space<hbm>>
        %dma_wait3A_56 = arith.constant 0 : i32
        %dma_wait3A_57 = tpu.memref_slice %arg2[%dma_wait3A_56] : memref<802816xi32, #tpu.memory_space<hbm>> -> memref<1568xi32, #tpu.memory_space<hbm>>
        tpu.wait_dma2 semaphore(%arg23 : memref<!tpu.dma_semaphore, #tpu.memory_space<semaphore_mem>>) src(%dma_wait3A_57 : memref<1568xi32, #tpu.memory_space<hbm>>) dst(%arg14 : memref<1568xi32, #tpu.memory_space<vmem>>)
        %dma_start3A_58 = arith.constant 0 : i32
        %dma_start3A_59 = arith.constant 0 : i32
        %dma_start3A_60 = tpu.memref_slice %arg5[%dma_start3A_58, %dma_start3A_59] : memref<50176x16xf32, #tpu.memory_space<hbm>> -> memref<50176x16xf32, #tpu.memory_space<hbm>>
        tpu.enqueue_indirect_dma source(%dma_start3A_60 : memref<50176x16xf32, #tpu.memory_space<hbm>>) target(%arg17 : memref<1568x16xf32, #tpu.memory_space<vmem>>) offsets(%arg13 : memref<1568xi32, #tpu.memory_space<vmem>>) semaphore(%arg20 : memref<!tpu.dma_semaphore, #tpu.memory_space<semaphore_mem>>)
        %dma_wait3A_61 = arith.constant 0 : i32
        %dma_wait3A_62 = arith.constant 0 : i32
        %dma_wait3A_63 = tpu.memref_slice %arg5[%dma_wait3A_61, %dma_wait3A_62] : memref<50176x16xf32, #tpu.memory_space<hbm>> -> memref<1568x16xf32, #tpu.memory_space<hbm>>
        %dma_wait3A_64 = arith.constant 0 : i32
        %dma_wait3A_65 = arith.constant 0 : i32
        %dma_wait3A_66 = tpu.memref_slice %arg5[%dma_wait3A_64, %dma_wait3A_65] : memref<50176x16xf32, #tpu.memory_space<hbm>> -> memref<1568x16xf32, #tpu.memory_space<hbm>>
        tpu.wait_dma2 semaphore(%arg21 : memref<!tpu.dma_semaphore, #tpu.memory_space<semaphore_mem>>) src(%dma_wait3A_66 : memref<1568x16xf32, #tpu.memory_space<hbm>>) dst(%arg16 : memref<1568x16xf32, #tpu.memory_space<vmem>>)
        %mul3A_67 = arith.constant 2 : i32
        %mul3A_68 = arith.muli %mul3A_67, %scan3A_41 : i32
        %add3A_69 = arith.constant 2 : i32
        %add3A_70 = arith.addi %mul3A_68, %add3A_69 : i32
        %mul3A_71 = arith.constant 1568 : i32
        %mul3A_72 = arith.muli %add3A_70, %mul3A_71 : i32
        %add3A_73 = arith.addi %mul3A_21, %mul3A_72 : i32
        %min3A = arith.minsi %add3A_73, %add3A_22 : i32
        %dma_start3A_74 = tpu.memref_slice %arg2[%min3A] : memref<802816xi32, #tpu.memory_space<hbm>> -> memref<1568xi32, #tpu.memory_space<hbm>>
        %dma_start3A_75 = tpu.memref_slice %arg2[%min3A] : memref<802816xi32, #tpu.memory_space<hbm>> -> memref<1568xi32, #tpu.memory_space<hbm>>
        tpu.enqueue_dma source(%dma_start3A_75 : memref<1568xi32, #tpu.memory_space<hbm>>) target(%arg12 : memref<1568xi32, #tpu.memory_space<vmem>>) target_semaphore(%arg23 : memref<!tpu.dma_semaphore, #tpu.memory_space<semaphore_mem>>)
        %dma_start3A_76 = tpu.memref_slice %arg3[%min3A] : memref<802816xi32, #tpu.memory_space<hbm>> -> memref<1568xi32, #tpu.memory_space<hbm>>
        %dma_start3A_77 = tpu.memref_slice %arg3[%min3A] : memref<802816xi32, #tpu.memory_space<hbm>> -> memref<1568xi32, #tpu.memory_space<hbm>>
        tpu.enqueue_dma source(%dma_start3A_77 : memref<1568xi32, #tpu.memory_space<hbm>>) target(%arg14 : memref<1568xi32, #tpu.memory_space<vmem>>) target_semaphore(%arg23 : memref<!tpu.dma_semaphore, #tpu.memory_space<semaphore_mem>>)
        %dma_wait3A_78 = arith.constant 0 : i32
        %dma_wait3A_79 = arith.constant 0 : i32
        %dma_wait3A_80 = tpu.memref_slice %arg5[%dma_wait3A_78, %dma_wait3A_79] : memref<50176x16xf32, #tpu.memory_space<hbm>> -> memref<1568x16xf32, #tpu.memory_space<hbm>>
        %dma_wait3A_81 = arith.constant 0 : i32
        %dma_wait3A_82 = arith.constant 0 : i32
        %dma_wait3A_83 = tpu.memref_slice %arg5[%dma_wait3A_81, %dma_wait3A_82] : memref<50176x16xf32, #tpu.memory_space<hbm>> -> memref<1568x16xf32, #tpu.memory_space<hbm>>
        tpu.wait_dma2 semaphore(%arg20 : memref<!tpu.dma_semaphore, #tpu.memory_space<semaphore_mem>>) src(%dma_wait3A_83 : memref<1568x16xf32, #tpu.memory_space<hbm>>) dst(%arg16 : memref<1568x16xf32, #tpu.memory_space<vmem>>)
        %dma_start3A_84 = arith.constant 0 : i32
        %dma_start3A_85 = arith.constant 0 : i32
        %dma_start3A_86 = tpu.memref_slice %arg18[%dma_start3A_84, %dma_start3A_85] : memref<50176x16xf32, #tpu.memory_space<vmem_shared>> -> memref<50176x16xf32, #tpu.memory_space<vmem_shared>>
        tpu.enqueue_indirect_dma source(%arg17 : memref<1568x16xf32, #tpu.memory_space<vmem>>) target(%dma_start3A_86 : memref<50176x16xf32, #tpu.memory_space<vmem_shared>>) offsets(%arg15 : memref<1568xi32, #tpu.memory_space<vmem>>) semaphore(%arg22 : memref<!tpu.dma_semaphore, #tpu.memory_space<semaphore_mem>>) {add = true}
        %dma_wait3A_87 = arith.constant 0 : i32
        %dma_wait3A_88 = tpu.memref_slice %arg2[%dma_wait3A_87] : memref<802816xi32, #tpu.memory_space<hbm>> -> memref<1568xi32, #tpu.memory_space<hbm>>
        %dma_wait3A_89 = arith.constant 0 : i32
        %dma_wait3A_90 = tpu.memref_slice %arg2[%dma_wait3A_89] : memref<802816xi32, #tpu.memory_space<hbm>> -> memref<1568xi32, #tpu.memory_space<hbm>>
        tpu.wait_dma2 semaphore(%arg23 : memref<!tpu.dma_semaphore, #tpu.memory_space<semaphore_mem>>) src(%dma_wait3A_90 : memref<1568xi32, #tpu.memory_space<hbm>>) dst(%arg12 : memref<1568xi32, #tpu.memory_space<vmem>>)
        %dma_wait3A_91 = arith.constant 0 : i32
        %dma_wait3A_92 = tpu.memref_slice %arg2[%dma_wait3A_91] : memref<802816xi32, #tpu.memory_space<hbm>> -> memref<1568xi32, #tpu.memory_space<hbm>>
        %dma_wait3A_93 = arith.constant 0 : i32
        %dma_wait3A_94 = tpu.memref_slice %arg2[%dma_wait3A_93] : memref<802816xi32, #tpu.memory_space<hbm>> -> memref<1568xi32, #tpu.memory_space<hbm>>
        tpu.wait_dma2 semaphore(%arg23 : memref<!tpu.dma_semaphore, #tpu.memory_space<semaphore_mem>>) src(%dma_wait3A_94 : memref<1568xi32, #tpu.memory_space<hbm>>) dst(%arg14 : memref<1568xi32, #tpu.memory_space<vmem>>)
        %lt3A = arith.constant 15 : i32
        %lt3A_95 = arith.cmpi slt, %scan3A_41, %lt3A : i32
        %convert_element_type3A_96 = arith.extui %lt3A_95 : i1 to i32
        %cond3A_97 = arith.constant 0 : i32
        %cond3A_98 = arith.cmpi ne, %convert_element_type3A_96, %cond3A_97 : i32
        scf.if %cond3A_98 {
          %dma_start3A_110 = arith.constant 0 : i32
          %dma_start3A_111 = arith.constant 0 : i32
          %dma_start3A_112 = tpu.memref_slice %arg5[%dma_start3A_110, %dma_start3A_111] : memref<50176x16xf32, #tpu.memory_space<hbm>> -> memref<50176x16xf32, #tpu.memory_space<hbm>>
          tpu.enqueue_indirect_dma source(%dma_start3A_112 : memref<50176x16xf32, #tpu.memory_space<hbm>>) target(%arg16 : memref<1568x16xf32, #tpu.memory_space<vmem>>) offsets(%arg12 : memref<1568xi32, #tpu.memory_space<vmem>>) semaphore(%arg19 : memref<!tpu.dma_semaphore, #tpu.memory_space<semaphore_mem>>)
        } else {
        }
        %dma_wait3A_99 = arith.constant 0 : i32
        %dma_wait3A_100 = arith.constant 0 : i32
        %dma_wait3A_101 = tpu.memref_slice %arg5[%dma_wait3A_99, %dma_wait3A_100] : memref<50176x16xf32, #tpu.memory_space<hbm>> -> memref<1568x16xf32, #tpu.memory_space<hbm>>
        %dma_wait3A_102 = arith.constant 0 : i32
        %dma_wait3A_103 = arith.constant 0 : i32
        %dma_wait3A_104 = tpu.memref_slice %arg5[%dma_wait3A_102, %dma_wait3A_103] : memref<50176x16xf32, #tpu.memory_space<hbm>> -> memref<1568x16xf32, #tpu.memory_space<hbm>>
        tpu.wait_dma2 semaphore(%arg22 : memref<!tpu.dma_semaphore, #tpu.memory_space<semaphore_mem>>) src(%dma_wait3A_104 : memref<1568x16xf32, #tpu.memory_space<hbm>>) dst(%arg16 : memref<1568x16xf32, #tpu.memory_space<vmem>>)
        %lt3A_105 = arith.constant 15 : i32
        %lt3A_106 = arith.cmpi slt, %scan3A_41, %lt3A_105 : i32
        %convert_element_type3A_107 = arith.extui %lt3A_106 : i1 to i32
        %cond3A_108 = arith.constant 0 : i32
        %cond3A_109 = arith.cmpi ne, %convert_element_type3A_107, %cond3A_108 : i32
        scf.if %cond3A_109 {
          %mul3A_110 = arith.constant 2 : i32
          %mul3A_111 = arith.muli %mul3A_110, %scan3A_41 : i32
          %add3A_112 = arith.constant 3 : i32
          %add3A_113 = arith.addi %mul3A_111, %add3A_112 : i32
          %mul3A_114 = arith.constant 1568 : i32
          %mul3A_115 = arith.muli %add3A_113, %mul3A_114 : i32
          %add3A_116 = arith.addi %mul3A_21, %mul3A_115 : i32
          %min3A_117 = arith.minsi %add3A_116, %add3A_22 : i32
          %dma_start3A_118 = tpu.memref_slice %arg2[%min3A_117] : memref<802816xi32, #tpu.memory_space<hbm>> -> memref<1568xi32, #tpu.memory_space<hbm>>
          %dma_start3A_119 = tpu.memref_slice %arg2[%min3A_117] : memref<802816xi32, #tpu.memory_space<hbm>> -> memref<1568xi32, #tpu.memory_space<hbm>>
          tpu.enqueue_dma source(%dma_start3A_119 : memref<1568xi32, #tpu.memory_space<hbm>>) target(%arg13 : memref<1568xi32, #tpu.memory_space<vmem>>) target_semaphore(%arg23 : memref<!tpu.dma_semaphore, #tpu.memory_space<semaphore_mem>>)
          %dma_start3A_120 = tpu.memref_slice %arg3[%min3A_117] : memref<802816xi32, #tpu.memory_space<hbm>> -> memref<1568xi32, #tpu.memory_space<hbm>>
          %dma_start3A_121 = tpu.memref_slice %arg3[%min3A_117] : memref<802816xi32, #tpu.memory_space<hbm>> -> memref<1568xi32, #tpu.memory_space<hbm>>
          tpu.enqueue_dma source(%dma_start3A_121 : memref<1568xi32, #tpu.memory_space<hbm>>) target(%arg15 : memref<1568xi32, #tpu.memory_space<vmem>>) target_semaphore(%arg23 : memref<!tpu.dma_semaphore, #tpu.memory_space<semaphore_mem>>)
        } else {
        }
      }
      %scan3A_35 = arith.constant 16 : i32
      %barrier3A_36 = arith.constant 0 : index
      tpu.barrier barrier_id(%barrier3A_36)
      %mul3A_37 = arith.constant 3136 : i32
      %mul3A_38 = arith.muli %arg1, %mul3A_37 : i32
      %mul3A_39 = arith.constant 3136 : i32
      %mul3A_40 = arith.muli %arg1, %mul3A_39 : i32
      "tpu.region"() ({
        %run_scoped3A = tpu.sem_alloc : memref<!tpu.dma_semaphore, #tpu.memory_space<semaphore_mem>>
        %dma_start3A_41 = arith.constant 0 : i32
        %dma_start3A_42 = tpu.memref_slice %arg9[%mul3A_40, %dma_start3A_41] : memref<50176x16xf32, #tpu.memory_space<hbm>> -> memref<3136x16xf32, #tpu.memory_space<hbm>>
        %dma_start3A_43 = arith.constant 0 : i32
        %dma_start3A_44 = tpu.memref_slice %arg18[%mul3A_38, %dma_start3A_43] : memref<50176x16xf32, #tpu.memory_space<vmem_shared>> -> memref<3136x16xf32, #tpu.memory_space<vmem_shared>>
        tpu.enqueue_dma source(%dma_start3A_44 : memref<3136x16xf32, #tpu.memory_space<vmem_shared>>) target(%dma_start3A_42 : memref<3136x16xf32, #tpu.memory_space<hbm>>) target_semaphore(%run_scoped3A : memref<!tpu.dma_semaphore, #tpu.memory_space<semaphore_mem>>)
        %dma_wait3A = arith.constant 0 : i32
        %dma_wait3A_45 = tpu.memref_slice %arg9[%mul3A_40, %dma_wait3A] : memref<50176x16xf32, #tpu.memory_space<hbm>> -> memref<3136x16xf32, #tpu.memory_space<hbm>>
        %dma_wait3A_46 = arith.constant 0 : i32
        %dma_wait3A_47 = tpu.memref_slice %arg18[%mul3A_38, %dma_wait3A_46] : memref<50176x16xf32, #tpu.memory_space<vmem_shared>> -> memref<3136x16xf32, #tpu.memory_space<vmem_shared>>
        tpu.wait_dma2 semaphore(%run_scoped3A : memref<!tpu.dma_semaphore, #tpu.memory_space<semaphore_mem>>) src(%dma_wait3A_47 : memref<3136x16xf32, #tpu.memory_space<vmem_shared>>) dst(%dma_wait3A_45 : memref<3136x16xf32, #tpu.memory_space<hbm>>)
        tpu.yield
      }) : () -> ()
    } else {
    }
    %eq3A_7 = arith.constant 1 : i32
    %eq3A_8 = arith.cmpi eq, %arg0, %eq3A_7 : i32
    %convert_element_type3A_9 = arith.extui %eq3A_8 : i1 to i32
    %cond3A_10 = arith.constant 0 : i32
    %cond3A_11 = arith.cmpi ne, %convert_element_type3A_9, %cond3A_10 : i32
    scf.if %cond3A_11 {
      %mul3A = arith.constant 3136 : i32
      %mul3A_17 = arith.muli %arg1, %mul3A : i32
      %mul3A_18 = arith.constant 3136 : i32
      %mul3A_19 = arith.muli %arg1, %mul3A_18 : i32
      "tpu.region"() ({
        %run_scoped3A = tpu.sem_alloc : memref<!tpu.dma_semaphore, #tpu.memory_space<semaphore_mem>>
        %dma_start3A_41 = arith.constant 0 : i32
        %dma_start3A_42 = tpu.memref_slice %arg18[%mul3A_19, %dma_start3A_41] : memref<50176x16xf32, #tpu.memory_space<vmem_shared>> -> memref<3136x16xf32, #tpu.memory_space<vmem_shared>>
        %dma_start3A_43 = arith.constant 0 : i32
        %dma_start3A_44 = tpu.memref_slice %arg6[%mul3A_17, %dma_start3A_43] : memref<50176x16xf32, #tpu.memory_space<hbm>> -> memref<3136x16xf32, #tpu.memory_space<hbm>>
        tpu.enqueue_dma source(%dma_start3A_44 : memref<3136x16xf32, #tpu.memory_space<hbm>>) target(%dma_start3A_42 : memref<3136x16xf32, #tpu.memory_space<vmem_shared>>) target_semaphore(%run_scoped3A : memref<!tpu.dma_semaphore, #tpu.memory_space<semaphore_mem>>)
        %dma_wait3A = arith.constant 0 : i32
        %dma_wait3A_45 = tpu.memref_slice %arg18[%mul3A_19, %dma_wait3A] : memref<50176x16xf32, #tpu.memory_space<vmem_shared>> -> memref<3136x16xf32, #tpu.memory_space<vmem_shared>>
        %dma_wait3A_46 = arith.constant 0 : i32
        %dma_wait3A_47 = tpu.memref_slice %arg6[%mul3A_17, %dma_wait3A_46] : memref<50176x16xf32, #tpu.memory_space<hbm>> -> memref<3136x16xf32, #tpu.memory_space<hbm>>
        tpu.wait_dma2 semaphore(%run_scoped3A : memref<!tpu.dma_semaphore, #tpu.memory_space<semaphore_mem>>) src(%dma_wait3A_47 : memref<3136x16xf32, #tpu.memory_space<hbm>>) dst(%dma_wait3A_45 : memref<3136x16xf32, #tpu.memory_space<vmem_shared>>)
        tpu.yield
      }) : () -> ()
      %barrier3A = arith.constant 0 : index
      tpu.barrier barrier_id(%barrier3A)
      %mul3A_20 = arith.constant 50176 : i32
      %mul3A_21 = arith.muli %arg1, %mul3A_20 : i32
      %add3A = arith.constant 48608 : i32
      %add3A_22 = arith.addi %mul3A_21, %add3A : i32
      "tpu.region"() ({
        %run_scoped3A = tpu.sem_alloc : memref<!tpu.dma_semaphore, #tpu.memory_space<semaphore_mem>>
        %dma_start3A_41 = tpu.memref_slice %arg2[%mul3A_21] : memref<802816xi32, #tpu.memory_space<hbm>> -> memref<1568xi32, #tpu.memory_space<hbm>>
        %dma_start3A_42 = tpu.memref_slice %arg2[%mul3A_21] : memref<802816xi32, #tpu.memory_space<hbm>> -> memref<1568xi32, #tpu.memory_space<hbm>>
        tpu.enqueue_dma source(%dma_start3A_42 : memref<1568xi32, #tpu.memory_space<hbm>>) target(%arg12 : memref<1568xi32, #tpu.memory_space<vmem>>) target_semaphore(%run_scoped3A : memref<!tpu.dma_semaphore, #tpu.memory_space<semaphore_mem>>)
        %dma_wait3A = tpu.memref_slice %arg2[%mul3A_21] : memref<802816xi32, #tpu.memory_space<hbm>> -> memref<1568xi32, #tpu.memory_space<hbm>>
        %dma_wait3A_43 = tpu.memref_slice %arg2[%mul3A_21] : memref<802816xi32, #tpu.memory_space<hbm>> -> memref<1568xi32, #tpu.memory_space<hbm>>
        tpu.wait_dma2 semaphore(%run_scoped3A : memref<!tpu.dma_semaphore, #tpu.memory_space<semaphore_mem>>) src(%dma_wait3A_43 : memref<1568xi32, #tpu.memory_space<hbm>>) dst(%arg12 : memref<1568xi32, #tpu.memory_space<vmem>>)
        tpu.yield
      }) : () -> ()
      "tpu.region"() ({
        %run_scoped3A = tpu.sem_alloc : memref<!tpu.dma_semaphore, #tpu.memory_space<semaphore_mem>>
        %dma_start3A_41 = tpu.memref_slice %arg3[%mul3A_21] : memref<802816xi32, #tpu.memory_space<hbm>> -> memref<1568xi32, #tpu.memory_space<hbm>>
        %dma_start3A_42 = tpu.memref_slice %arg3[%mul3A_21] : memref<802816xi32, #tpu.memory_space<hbm>> -> memref<1568xi32, #tpu.memory_space<hbm>>
        tpu.enqueue_dma source(%dma_start3A_42 : memref<1568xi32, #tpu.memory_space<hbm>>) target(%arg14 : memref<1568xi32, #tpu.memory_space<vmem>>) target_semaphore(%run_scoped3A : memref<!tpu.dma_semaphore, #tpu.memory_space<semaphore_mem>>)
        %dma_wait3A = tpu.memref_slice %arg3[%mul3A_21] : memref<802816xi32, #tpu.memory_space<hbm>> -> memref<1568xi32, #tpu.memory_space<hbm>>
        %dma_wait3A_43 = tpu.memref_slice %arg3[%mul3A_21] : memref<802816xi32, #tpu.memory_space<hbm>> -> memref<1568xi32, #tpu.memory_space<hbm>>
        tpu.wait_dma2 semaphore(%run_scoped3A : memref<!tpu.dma_semaphore, #tpu.memory_space<semaphore_mem>>) src(%dma_wait3A_43 : memref<1568xi32, #tpu.memory_space<hbm>>) dst(%arg14 : memref<1568xi32, #tpu.memory_space<vmem>>)
        tpu.yield
      }) : () -> ()
      %dma_start3A = arith.constant 0 : i32
      %dma_start3A_23 = arith.constant 0 : i32
      %dma_start3A_24 = tpu.memref_slice %arg6[%dma_start3A, %dma_start3A_23] : memref<50176x16xf32, #tpu.memory_space<hbm>> -> memref<50176x16xf32, #tpu.memory_space<hbm>>
      tpu.enqueue_indirect_dma source(%dma_start3A_24 : memref<50176x16xf32, #tpu.memory_space<hbm>>) target(%arg16 : memref<1568x16xf32, #tpu.memory_space<vmem>>) offsets(%arg12 : memref<1568xi32, #tpu.memory_space<vmem>>) semaphore(%arg19 : memref<!tpu.dma_semaphore, #tpu.memory_space<semaphore_mem>>)
      %add3A_25 = arith.constant 1568 : i32
      %add3A_26 = arith.addi %mul3A_21, %add3A_25 : i32
      %dma_start3A_27 = tpu.memref_slice %arg2[%add3A_26] : memref<802816xi32, #tpu.memory_space<hbm>> -> memref<1568xi32, #tpu.memory_space<hbm>>
      %dma_start3A_28 = tpu.memref_slice %arg2[%add3A_26] : memref<802816xi32, #tpu.memory_space<hbm>> -> memref<1568xi32, #tpu.memory_space<hbm>>
      tpu.enqueue_dma source(%dma_start3A_28 : memref<1568xi32, #tpu.memory_space<hbm>>) target(%arg13 : memref<1568xi32, #tpu.memory_space<vmem>>) target_semaphore(%arg23 : memref<!tpu.dma_semaphore, #tpu.memory_space<semaphore_mem>>)
      %dma_start3A_29 = tpu.memref_slice %arg3[%add3A_26] : memref<802816xi32, #tpu.memory_space<hbm>> -> memref<1568xi32, #tpu.memory_space<hbm>>
      %dma_start3A_30 = tpu.memref_slice %arg3[%add3A_26] : memref<802816xi32, #tpu.memory_space<hbm>> -> memref<1568xi32, #tpu.memory_space<hbm>>
      tpu.enqueue_dma source(%dma_start3A_30 : memref<1568xi32, #tpu.memory_space<hbm>>) target(%arg15 : memref<1568xi32, #tpu.memory_space<vmem>>) target_semaphore(%arg23 : memref<!tpu.dma_semaphore, #tpu.memory_space<semaphore_mem>>)
      %scan3A = arith.constant 0 : i32
      %scan3A_31 = arith.constant 0 : i32
      %scan3A_32 = arith.constant 16 : i32
      %scan3A_33 = arith.addi %scan3A_31, %scan3A_32 : i32
      %scan3A_34 = arith.constant 1 : i32
      scf.for %scan3A_41 = %scan3A_31 to %scan3A_33 step %scan3A_34  : i32 {
        %dma_wait3A = arith.constant 0 : i32
        %dma_wait3A_42 = arith.constant 0 : i32
        %dma_wait3A_43 = tpu.memref_slice %arg6[%dma_wait3A, %dma_wait3A_42] : memref<50176x16xf32, #tpu.memory_space<hbm>> -> memref<1568x16xf32, #tpu.memory_space<hbm>>
        %dma_wait3A_44 = arith.constant 0 : i32
        %dma_wait3A_45 = arith.constant 0 : i32
        %dma_wait3A_46 = tpu.memref_slice %arg6[%dma_wait3A_44, %dma_wait3A_45] : memref<50176x16xf32, #tpu.memory_space<hbm>> -> memref<1568x16xf32, #tpu.memory_space<hbm>>
        tpu.wait_dma2 semaphore(%arg19 : memref<!tpu.dma_semaphore, #tpu.memory_space<semaphore_mem>>) src(%dma_wait3A_46 : memref<1568x16xf32, #tpu.memory_space<hbm>>) dst(%arg16 : memref<1568x16xf32, #tpu.memory_space<vmem>>)
        %dma_start3A_47 = arith.constant 0 : i32
        %dma_start3A_48 = arith.constant 0 : i32
        %dma_start3A_49 = tpu.memref_slice %arg18[%dma_start3A_47, %dma_start3A_48] : memref<50176x16xf32, #tpu.memory_space<vmem_shared>> -> memref<50176x16xf32, #tpu.memory_space<vmem_shared>>
        tpu.enqueue_indirect_dma source(%arg16 : memref<1568x16xf32, #tpu.memory_space<vmem>>) target(%dma_start3A_49 : memref<50176x16xf32, #tpu.memory_space<vmem_shared>>) offsets(%arg14 : memref<1568xi32, #tpu.memory_space<vmem>>) semaphore(%arg21 : memref<!tpu.dma_semaphore, #tpu.memory_space<semaphore_mem>>) {add = true}
        %dma_wait3A_50 = arith.constant 0 : i32
        %dma_wait3A_51 = tpu.memref_slice %arg2[%dma_wait3A_50] : memref<802816xi32, #tpu.memory_space<hbm>> -> memref<1568xi32, #tpu.memory_space<hbm>>
        %dma_wait3A_52 = arith.constant 0 : i32
        %dma_wait3A_53 = tpu.memref_slice %arg2[%dma_wait3A_52] : memref<802816xi32, #tpu.memory_space<hbm>> -> memref<1568xi32, #tpu.memory_space<hbm>>
        tpu.wait_dma2 semaphore(%arg23 : memref<!tpu.dma_semaphore, #tpu.memory_space<semaphore_mem>>) src(%dma_wait3A_53 : memref<1568xi32, #tpu.memory_space<hbm>>) dst(%arg12 : memref<1568xi32, #tpu.memory_space<vmem>>)
        %dma_wait3A_54 = arith.constant 0 : i32
        %dma_wait3A_55 = tpu.memref_slice %arg2[%dma_wait3A_54] : memref<802816xi32, #tpu.memory_space<hbm>> -> memref<1568xi32, #tpu.memory_space<hbm>>
        %dma_wait3A_56 = arith.constant 0 : i32
        %dma_wait3A_57 = tpu.memref_slice %arg2[%dma_wait3A_56] : memref<802816xi32, #tpu.memory_space<hbm>> -> memref<1568xi32, #tpu.memory_space<hbm>>
        tpu.wait_dma2 semaphore(%arg23 : memref<!tpu.dma_semaphore, #tpu.memory_space<semaphore_mem>>) src(%dma_wait3A_57 : memref<1568xi32, #tpu.memory_space<hbm>>) dst(%arg14 : memref<1568xi32, #tpu.memory_space<vmem>>)
        %dma_start3A_58 = arith.constant 0 : i32
        %dma_start3A_59 = arith.constant 0 : i32
        %dma_start3A_60 = tpu.memref_slice %arg6[%dma_start3A_58, %dma_start3A_59] : memref<50176x16xf32, #tpu.memory_space<hbm>> -> memref<50176x16xf32, #tpu.memory_space<hbm>>
        tpu.enqueue_indirect_dma source(%dma_start3A_60 : memref<50176x16xf32, #tpu.memory_space<hbm>>) target(%arg17 : memref<1568x16xf32, #tpu.memory_space<vmem>>) offsets(%arg13 : memref<1568xi32, #tpu.memory_space<vmem>>) semaphore(%arg20 : memref<!tpu.dma_semaphore, #tpu.memory_space<semaphore_mem>>)
        %dma_wait3A_61 = arith.constant 0 : i32
        %dma_wait3A_62 = arith.constant 0 : i32
        %dma_wait3A_63 = tpu.memref_slice %arg6[%dma_wait3A_61, %dma_wait3A_62] : memref<50176x16xf32, #tpu.memory_space<hbm>> -> memref<1568x16xf32, #tpu.memory_space<hbm>>
        %dma_wait3A_64 = arith.constant 0 : i32
        %dma_wait3A_65 = arith.constant 0 : i32
        %dma_wait3A_66 = tpu.memref_slice %arg6[%dma_wait3A_64, %dma_wait3A_65] : memref<50176x16xf32, #tpu.memory_space<hbm>> -> memref<1568x16xf32, #tpu.memory_space<hbm>>
        tpu.wait_dma2 semaphore(%arg21 : memref<!tpu.dma_semaphore, #tpu.memory_space<semaphore_mem>>) src(%dma_wait3A_66 : memref<1568x16xf32, #tpu.memory_space<hbm>>) dst(%arg16 : memref<1568x16xf32, #tpu.memory_space<vmem>>)
        %mul3A_67 = arith.constant 2 : i32
        %mul3A_68 = arith.muli %mul3A_67, %scan3A_41 : i32
        %add3A_69 = arith.constant 2 : i32
        %add3A_70 = arith.addi %mul3A_68, %add3A_69 : i32
        %mul3A_71 = arith.constant 1568 : i32
        %mul3A_72 = arith.muli %add3A_70, %mul3A_71 : i32
        %add3A_73 = arith.addi %mul3A_21, %mul3A_72 : i32
        %min3A = arith.minsi %add3A_73, %add3A_22 : i32
        %dma_start3A_74 = tpu.memref_slice %arg2[%min3A] : memref<802816xi32, #tpu.memory_space<hbm>> -> memref<1568xi32, #tpu.memory_space<hbm>>
        %dma_start3A_75 = tpu.memref_slice %arg2[%min3A] : memref<802816xi32, #tpu.memory_space<hbm>> -> memref<1568xi32, #tpu.memory_space<hbm>>
        tpu.enqueue_dma source(%dma_start3A_75 : memref<1568xi32, #tpu.memory_space<hbm>>) target(%arg12 : memref<1568xi32, #tpu.memory_space<vmem>>) target_semaphore(%arg23 : memref<!tpu.dma_semaphore, #tpu.memory_space<semaphore_mem>>)
        %dma_start3A_76 = tpu.memref_slice %arg3[%min3A] : memref<802816xi32, #tpu.memory_space<hbm>> -> memref<1568xi32, #tpu.memory_space<hbm>>
        %dma_start3A_77 = tpu.memref_slice %arg3[%min3A] : memref<802816xi32, #tpu.memory_space<hbm>> -> memref<1568xi32, #tpu.memory_space<hbm>>
        tpu.enqueue_dma source(%dma_start3A_77 : memref<1568xi32, #tpu.memory_space<hbm>>) target(%arg14 : memref<1568xi32, #tpu.memory_space<vmem>>) target_semaphore(%arg23 : memref<!tpu.dma_semaphore, #tpu.memory_space<semaphore_mem>>)
        %dma_wait3A_78 = arith.constant 0 : i32
        %dma_wait3A_79 = arith.constant 0 : i32
        %dma_wait3A_80 = tpu.memref_slice %arg6[%dma_wait3A_78, %dma_wait3A_79] : memref<50176x16xf32, #tpu.memory_space<hbm>> -> memref<1568x16xf32, #tpu.memory_space<hbm>>
        %dma_wait3A_81 = arith.constant 0 : i32
        %dma_wait3A_82 = arith.constant 0 : i32
        %dma_wait3A_83 = tpu.memref_slice %arg6[%dma_wait3A_81, %dma_wait3A_82] : memref<50176x16xf32, #tpu.memory_space<hbm>> -> memref<1568x16xf32, #tpu.memory_space<hbm>>
        tpu.wait_dma2 semaphore(%arg20 : memref<!tpu.dma_semaphore, #tpu.memory_space<semaphore_mem>>) src(%dma_wait3A_83 : memref<1568x16xf32, #tpu.memory_space<hbm>>) dst(%arg16 : memref<1568x16xf32, #tpu.memory_space<vmem>>)
        %dma_start3A_84 = arith.constant 0 : i32
        %dma_start3A_85 = arith.constant 0 : i32
        %dma_start3A_86 = tpu.memref_slice %arg18[%dma_start3A_84, %dma_start3A_85] : memref<50176x16xf32, #tpu.memory_space<vmem_shared>> -> memref<50176x16xf32, #tpu.memory_space<vmem_shared>>
        tpu.enqueue_indirect_dma source(%arg17 : memref<1568x16xf32, #tpu.memory_space<vmem>>) target(%dma_start3A_86 : memref<50176x16xf32, #tpu.memory_space<vmem_shared>>) offsets(%arg15 : memref<1568xi32, #tpu.memory_space<vmem>>) semaphore(%arg22 : memref<!tpu.dma_semaphore, #tpu.memory_space<semaphore_mem>>) {add = true}
        %dma_wait3A_87 = arith.constant 0 : i32
        %dma_wait3A_88 = tpu.memref_slice %arg2[%dma_wait3A_87] : memref<802816xi32, #tpu.memory_space<hbm>> -> memref<1568xi32, #tpu.memory_space<hbm>>
        %dma_wait3A_89 = arith.constant 0 : i32
        %dma_wait3A_90 = tpu.memref_slice %arg2[%dma_wait3A_89] : memref<802816xi32, #tpu.memory_space<hbm>> -> memref<1568xi32, #tpu.memory_space<hbm>>
        tpu.wait_dma2 semaphore(%arg23 : memref<!tpu.dma_semaphore, #tpu.memory_space<semaphore_mem>>) src(%dma_wait3A_90 : memref<1568xi32, #tpu.memory_space<hbm>>) dst(%arg12 : memref<1568xi32, #tpu.memory_space<vmem>>)
        %dma_wait3A_91 = arith.constant 0 : i32
        %dma_wait3A_92 = tpu.memref_slice %arg2[%dma_wait3A_91] : memref<802816xi32, #tpu.memory_space<hbm>> -> memref<1568xi32, #tpu.memory_space<hbm>>
        %dma_wait3A_93 = arith.constant 0 : i32
        %dma_wait3A_94 = tpu.memref_slice %arg2[%dma_wait3A_93] : memref<802816xi32, #tpu.memory_space<hbm>> -> memref<1568xi32, #tpu.memory_space<hbm>>
        tpu.wait_dma2 semaphore(%arg23 : memref<!tpu.dma_semaphore, #tpu.memory_space<semaphore_mem>>) src(%dma_wait3A_94 : memref<1568xi32, #tpu.memory_space<hbm>>) dst(%arg14 : memref<1568xi32, #tpu.memory_space<vmem>>)
        %lt3A = arith.constant 15 : i32
        %lt3A_95 = arith.cmpi slt, %scan3A_41, %lt3A : i32
        %convert_element_type3A_96 = arith.extui %lt3A_95 : i1 to i32
        %cond3A_97 = arith.constant 0 : i32
        %cond3A_98 = arith.cmpi ne, %convert_element_type3A_96, %cond3A_97 : i32
        scf.if %cond3A_98 {
          %dma_start3A_110 = arith.constant 0 : i32
          %dma_start3A_111 = arith.constant 0 : i32
          %dma_start3A_112 = tpu.memref_slice %arg6[%dma_start3A_110, %dma_start3A_111] : memref<50176x16xf32, #tpu.memory_space<hbm>> -> memref<50176x16xf32, #tpu.memory_space<hbm>>
          tpu.enqueue_indirect_dma source(%dma_start3A_112 : memref<50176x16xf32, #tpu.memory_space<hbm>>) target(%arg16 : memref<1568x16xf32, #tpu.memory_space<vmem>>) offsets(%arg12 : memref<1568xi32, #tpu.memory_space<vmem>>) semaphore(%arg19 : memref<!tpu.dma_semaphore, #tpu.memory_space<semaphore_mem>>)
        } else {
        }
        %dma_wait3A_99 = arith.constant 0 : i32
        %dma_wait3A_100 = arith.constant 0 : i32
        %dma_wait3A_101 = tpu.memref_slice %arg6[%dma_wait3A_99, %dma_wait3A_100] : memref<50176x16xf32, #tpu.memory_space<hbm>> -> memref<1568x16xf32, #tpu.memory_space<hbm>>
        %dma_wait3A_102 = arith.constant 0 : i32
        %dma_wait3A_103 = arith.constant 0 : i32
        %dma_wait3A_104 = tpu.memref_slice %arg6[%dma_wait3A_102, %dma_wait3A_103] : memref<50176x16xf32, #tpu.memory_space<hbm>> -> memref<1568x16xf32, #tpu.memory_space<hbm>>
        tpu.wait_dma2 semaphore(%arg22 : memref<!tpu.dma_semaphore, #tpu.memory_space<semaphore_mem>>) src(%dma_wait3A_104 : memref<1568x16xf32, #tpu.memory_space<hbm>>) dst(%arg16 : memref<1568x16xf32, #tpu.memory_space<vmem>>)
        %lt3A_105 = arith.constant 15 : i32
        %lt3A_106 = arith.cmpi slt, %scan3A_41, %lt3A_105 : i32
        %convert_element_type3A_107 = arith.extui %lt3A_106 : i1 to i32
        %cond3A_108 = arith.constant 0 : i32
        %cond3A_109 = arith.cmpi ne, %convert_element_type3A_107, %cond3A_108 : i32
        scf.if %cond3A_109 {
          %mul3A_110 = arith.constant 2 : i32
          %mul3A_111 = arith.muli %mul3A_110, %scan3A_41 : i32
          %add3A_112 = arith.constant 3 : i32
          %add3A_113 = arith.addi %mul3A_111, %add3A_112 : i32
          %mul3A_114 = arith.constant 1568 : i32
          %mul3A_115 = arith.muli %add3A_113, %mul3A_114 : i32
          %add3A_116 = arith.addi %mul3A_21, %mul3A_115 : i32
          %min3A_117 = arith.minsi %add3A_116, %add3A_22 : i32
          %dma_start3A_118 = tpu.memref_slice %arg2[%min3A_117] : memref<802816xi32, #tpu.memory_space<hbm>> -> memref<1568xi32, #tpu.memory_space<hbm>>
          %dma_start3A_119 = tpu.memref_slice %arg2[%min3A_117] : memref<802816xi32, #tpu.memory_space<hbm>> -> memref<1568xi32, #tpu.memory_space<hbm>>
          tpu.enqueue_dma source(%dma_start3A_119 : memref<1568xi32, #tpu.memory_space<hbm>>) target(%arg13 : memref<1568xi32, #tpu.memory_space<vmem>>) target_semaphore(%arg23 : memref<!tpu.dma_semaphore, #tpu.memory_space<semaphore_mem>>)
          %dma_start3A_120 = tpu.memref_slice %arg3[%min3A_117] : memref<802816xi32, #tpu.memory_space<hbm>> -> memref<1568xi32, #tpu.memory_space<hbm>>
          %dma_start3A_121 = tpu.memref_slice %arg3[%min3A_117] : memref<802816xi32, #tpu.memory_space<hbm>> -> memref<1568xi32, #tpu.memory_space<hbm>>
          tpu.enqueue_dma source(%dma_start3A_121 : memref<1568xi32, #tpu.memory_space<hbm>>) target(%arg15 : memref<1568xi32, #tpu.memory_space<vmem>>) target_semaphore(%arg23 : memref<!tpu.dma_semaphore, #tpu.memory_space<semaphore_mem>>)
        } else {
        }
      }
      %scan3A_35 = arith.constant 16 : i32
      %barrier3A_36 = arith.constant 0 : index
      tpu.barrier barrier_id(%barrier3A_36)
      %mul3A_37 = arith.constant 3136 : i32
      %mul3A_38 = arith.muli %arg1, %mul3A_37 : i32
      %mul3A_39 = arith.constant 3136 : i32
      %mul3A_40 = arith.muli %arg1, %mul3A_39 : i32
      "tpu.region"() ({
        %run_scoped3A = tpu.sem_alloc : memref<!tpu.dma_semaphore, #tpu.memory_space<semaphore_mem>>
        %dma_start3A_41 = arith.constant 0 : i32
        %dma_start3A_42 = tpu.memref_slice %arg10[%mul3A_40, %dma_start3A_41] : memref<50176x16xf32, #tpu.memory_space<hbm>> -> memref<3136x16xf32, #tpu.memory_space<hbm>>
        %dma_start3A_43 = arith.constant 0 : i32
        %dma_start3A_44 = tpu.memref_slice %arg18[%mul3A_38, %dma_start3A_43] : memref<50176x16xf32, #tpu.memory_space<vmem_shared>> -> memref<3136x16xf32, #tpu.memory_space<vmem_shared>>
        tpu.enqueue_dma source(%dma_start3A_44 : memref<3136x16xf32, #tpu.memory_space<vmem_shared>>) target(%dma_start3A_42 : memref<3136x16xf32, #tpu.memory_space<hbm>>) target_semaphore(%run_scoped3A : memref<!tpu.dma_semaphore, #tpu.memory_space<semaphore_mem>>)
        %dma_wait3A = arith.constant 0 : i32
        %dma_wait3A_45 = tpu.memref_slice %arg10[%mul3A_40, %dma_wait3A] : memref<50176x16xf32, #tpu.memory_space<hbm>> -> memref<3136x16xf32, #tpu.memory_space<hbm>>
        %dma_wait3A_46 = arith.constant 0 : i32
        %dma_wait3A_47 = tpu.memref_slice %arg18[%mul3A_38, %dma_wait3A_46] : memref<50176x16xf32, #tpu.memory_space<vmem_shared>> -> memref<3136x16xf32, #tpu.memory_space<vmem_shared>>
        tpu.wait_dma2 semaphore(%run_scoped3A : memref<!tpu.dma_semaphore, #tpu.memory_space<semaphore_mem>>) src(%dma_wait3A_47 : memref<3136x16xf32, #tpu.memory_space<vmem_shared>>) dst(%dma_wait3A_45 : memref<3136x16xf32, #tpu.memory_space<hbm>>)
        tpu.yield
      }) : () -> ()
    } else {
    }
    %eq3A_12 = arith.constant 1 : i32
    %eq3A_13 = arith.cmpi eq, %arg0, %eq3A_12 : i32
    %convert_element_type3A_14 = arith.extui %eq3A_13 : i1 to i32
    %cond3A_15 = arith.constant 0 : i32
    %cond3A_16 = arith.cmpi ne, %convert_element_type3A_14, %cond3A_15 : i32
    scf.if %cond3A_16 {
      %mul3A = arith.constant 3136 : i32
      %mul3A_17 = arith.muli %arg1, %mul3A : i32
      %mul3A_18 = arith.constant 3136 : i32
      %mul3A_19 = arith.muli %arg1, %mul3A_18 : i32
      "tpu.region"() ({
        %run_scoped3A = tpu.sem_alloc : memref<!tpu.dma_semaphore, #tpu.memory_space<semaphore_mem>>
        %dma_start3A_41 = arith.constant 0 : i32
        %dma_start3A_42 = tpu.memref_slice %arg18[%mul3A_19, %dma_start3A_41] : memref<50176x16xf32, #tpu.memory_space<vmem_shared>> -> memref<3136x16xf32, #tpu.memory_space<vmem_shared>>
        %dma_start3A_43 = arith.constant 0 : i32
        %dma_start3A_44 = tpu.memref_slice %arg7[%mul3A_17, %dma_start3A_43] : memref<50176x16xf32, #tpu.memory_space<hbm>> -> memref<3136x16xf32, #tpu.memory_space<hbm>>
        tpu.enqueue_dma source(%dma_start3A_44 : memref<3136x16xf32, #tpu.memory_space<hbm>>) target(%dma_start3A_42 : memref<3136x16xf32, #tpu.memory_space<vmem_shared>>) target_semaphore(%run_scoped3A : memref<!tpu.dma_semaphore, #tpu.memory_space<semaphore_mem>>)
        %dma_wait3A = arith.constant 0 : i32
        %dma_wait3A_45 = tpu.memref_slice %arg18[%mul3A_19, %dma_wait3A] : memref<50176x16xf32, #tpu.memory_space<vmem_shared>> -> memref<3136x16xf32, #tpu.memory_space<vmem_shared>>
        %dma_wait3A_46 = arith.constant 0 : i32
        %dma_wait3A_47 = tpu.memref_slice %arg7[%mul3A_17, %dma_wait3A_46] : memref<50176x16xf32, #tpu.memory_space<hbm>> -> memref<3136x16xf32, #tpu.memory_space<hbm>>
        tpu.wait_dma2 semaphore(%run_scoped3A : memref<!tpu.dma_semaphore, #tpu.memory_space<semaphore_mem>>) src(%dma_wait3A_47 : memref<3136x16xf32, #tpu.memory_space<hbm>>) dst(%dma_wait3A_45 : memref<3136x16xf32, #tpu.memory_space<vmem_shared>>)
        tpu.yield
      }) : () -> ()
      %barrier3A = arith.constant 0 : index
      tpu.barrier barrier_id(%barrier3A)
      %mul3A_20 = arith.constant 50176 : i32
      %mul3A_21 = arith.muli %arg1, %mul3A_20 : i32
      %add3A = arith.constant 48608 : i32
      %add3A_22 = arith.addi %mul3A_21, %add3A : i32
      "tpu.region"() ({
        %run_scoped3A = tpu.sem_alloc : memref<!tpu.dma_semaphore, #tpu.memory_space<semaphore_mem>>
        %dma_start3A_41 = tpu.memref_slice %arg2[%mul3A_21] : memref<802816xi32, #tpu.memory_space<hbm>> -> memref<1568xi32, #tpu.memory_space<hbm>>
        %dma_start3A_42 = tpu.memref_slice %arg2[%mul3A_21] : memref<802816xi32, #tpu.memory_space<hbm>> -> memref<1568xi32, #tpu.memory_space<hbm>>
        tpu.enqueue_dma source(%dma_start3A_42 : memref<1568xi32, #tpu.memory_space<hbm>>) target(%arg12 : memref<1568xi32, #tpu.memory_space<vmem>>) target_semaphore(%run_scoped3A : memref<!tpu.dma_semaphore, #tpu.memory_space<semaphore_mem>>)
        %dma_wait3A = tpu.memref_slice %arg2[%mul3A_21] : memref<802816xi32, #tpu.memory_space<hbm>> -> memref<1568xi32, #tpu.memory_space<hbm>>
        %dma_wait3A_43 = tpu.memref_slice %arg2[%mul3A_21] : memref<802816xi32, #tpu.memory_space<hbm>> -> memref<1568xi32, #tpu.memory_space<hbm>>
        tpu.wait_dma2 semaphore(%run_scoped3A : memref<!tpu.dma_semaphore, #tpu.memory_space<semaphore_mem>>) src(%dma_wait3A_43 : memref<1568xi32, #tpu.memory_space<hbm>>) dst(%arg12 : memref<1568xi32, #tpu.memory_space<vmem>>)
        tpu.yield
      }) : () -> ()
      "tpu.region"() ({
        %run_scoped3A = tpu.sem_alloc : memref<!tpu.dma_semaphore, #tpu.memory_space<semaphore_mem>>
        %dma_start3A_41 = tpu.memref_slice %arg3[%mul3A_21] : memref<802816xi32, #tpu.memory_space<hbm>> -> memref<1568xi32, #tpu.memory_space<hbm>>
        %dma_start3A_42 = tpu.memref_slice %arg3[%mul3A_21] : memref<802816xi32, #tpu.memory_space<hbm>> -> memref<1568xi32, #tpu.memory_space<hbm>>
        tpu.enqueue_dma source(%dma_start3A_42 : memref<1568xi32, #tpu.memory_space<hbm>>) target(%arg14 : memref<1568xi32, #tpu.memory_space<vmem>>) target_semaphore(%run_scoped3A : memref<!tpu.dma_semaphore, #tpu.memory_space<semaphore_mem>>)
        %dma_wait3A = tpu.memref_slice %arg3[%mul3A_21] : memref<802816xi32, #tpu.memory_space<hbm>> -> memref<1568xi32, #tpu.memory_space<hbm>>
        %dma_wait3A_43 = tpu.memref_slice %arg3[%mul3A_21] : memref<802816xi32, #tpu.memory_space<hbm>> -> memref<1568xi32, #tpu.memory_space<hbm>>
        tpu.wait_dma2 semaphore(%run_scoped3A : memref<!tpu.dma_semaphore, #tpu.memory_space<semaphore_mem>>) src(%dma_wait3A_43 : memref<1568xi32, #tpu.memory_space<hbm>>) dst(%arg14 : memref<1568xi32, #tpu.memory_space<vmem>>)
        tpu.yield
      }) : () -> ()
      %dma_start3A = arith.constant 0 : i32
      %dma_start3A_23 = arith.constant 0 : i32
      %dma_start3A_24 = tpu.memref_slice %arg7[%dma_start3A, %dma_start3A_23] : memref<50176x16xf32, #tpu.memory_space<hbm>> -> memref<50176x16xf32, #tpu.memory_space<hbm>>
      tpu.enqueue_indirect_dma source(%dma_start3A_24 : memref<50176x16xf32, #tpu.memory_space<hbm>>) target(%arg16 : memref<1568x16xf32, #tpu.memory_space<vmem>>) offsets(%arg12 : memref<1568xi32, #tpu.memory_space<vmem>>) semaphore(%arg19 : memref<!tpu.dma_semaphore, #tpu.memory_space<semaphore_mem>>)
      %add3A_25 = arith.constant 1568 : i32
      %add3A_26 = arith.addi %mul3A_21, %add3A_25 : i32
      %dma_start3A_27 = tpu.memref_slice %arg2[%add3A_26] : memref<802816xi32, #tpu.memory_space<hbm>> -> memref<1568xi32, #tpu.memory_space<hbm>>
      %dma_start3A_28 = tpu.memref_slice %arg2[%add3A_26] : memref<802816xi32, #tpu.memory_space<hbm>> -> memref<1568xi32, #tpu.memory_space<hbm>>
      tpu.enqueue_dma source(%dma_start3A_28 : memref<1568xi32, #tpu.memory_space<hbm>>) target(%arg13 : memref<1568xi32, #tpu.memory_space<vmem>>) target_semaphore(%arg23 : memref<!tpu.dma_semaphore, #tpu.memory_space<semaphore_mem>>)
      %dma_start3A_29 = tpu.memref_slice %arg3[%add3A_26] : memref<802816xi32, #tpu.memory_space<hbm>> -> memref<1568xi32, #tpu.memory_space<hbm>>
      %dma_start3A_30 = tpu.memref_slice %arg3[%add3A_26] : memref<802816xi32, #tpu.memory_space<hbm>> -> memref<1568xi32, #tpu.memory_space<hbm>>
      tpu.enqueue_dma source(%dma_start3A_30 : memref<1568xi32, #tpu.memory_space<hbm>>) target(%arg15 : memref<1568xi32, #tpu.memory_space<vmem>>) target_semaphore(%arg23 : memref<!tpu.dma_semaphore, #tpu.memory_space<semaphore_mem>>)
      %scan3A = arith.constant 0 : i32
      %scan3A_31 = arith.constant 0 : i32
      %scan3A_32 = arith.constant 16 : i32
      %scan3A_33 = arith.addi %scan3A_31, %scan3A_32 : i32
      %scan3A_34 = arith.constant 1 : i32
      scf.for %scan3A_41 = %scan3A_31 to %scan3A_33 step %scan3A_34  : i32 {
        %dma_wait3A = arith.constant 0 : i32
        %dma_wait3A_42 = arith.constant 0 : i32
        %dma_wait3A_43 = tpu.memref_slice %arg7[%dma_wait3A, %dma_wait3A_42] : memref<50176x16xf32, #tpu.memory_space<hbm>> -> memref<1568x16xf32, #tpu.memory_space<hbm>>
        %dma_wait3A_44 = arith.constant 0 : i32
        %dma_wait3A_45 = arith.constant 0 : i32
        %dma_wait3A_46 = tpu.memref_slice %arg7[%dma_wait3A_44, %dma_wait3A_45] : memref<50176x16xf32, #tpu.memory_space<hbm>> -> memref<1568x16xf32, #tpu.memory_space<hbm>>
        tpu.wait_dma2 semaphore(%arg19 : memref<!tpu.dma_semaphore, #tpu.memory_space<semaphore_mem>>) src(%dma_wait3A_46 : memref<1568x16xf32, #tpu.memory_space<hbm>>) dst(%arg16 : memref<1568x16xf32, #tpu.memory_space<vmem>>)
        %dma_start3A_47 = arith.constant 0 : i32
        %dma_start3A_48 = arith.constant 0 : i32
        %dma_start3A_49 = tpu.memref_slice %arg18[%dma_start3A_47, %dma_start3A_48] : memref<50176x16xf32, #tpu.memory_space<vmem_shared>> -> memref<50176x16xf32, #tpu.memory_space<vmem_shared>>
        tpu.enqueue_indirect_dma source(%arg16 : memref<1568x16xf32, #tpu.memory_space<vmem>>) target(%dma_start3A_49 : memref<50176x16xf32, #tpu.memory_space<vmem_shared>>) offsets(%arg14 : memref<1568xi32, #tpu.memory_space<vmem>>) semaphore(%arg21 : memref<!tpu.dma_semaphore, #tpu.memory_space<semaphore_mem>>) {add = true}
        %dma_wait3A_50 = arith.constant 0 : i32
        %dma_wait3A_51 = tpu.memref_slice %arg2[%dma_wait3A_50] : memref<802816xi32, #tpu.memory_space<hbm>> -> memref<1568xi32, #tpu.memory_space<hbm>>
        %dma_wait3A_52 = arith.constant 0 : i32
        %dma_wait3A_53 = tpu.memref_slice %arg2[%dma_wait3A_52] : memref<802816xi32, #tpu.memory_space<hbm>> -> memref<1568xi32, #tpu.memory_space<hbm>>
        tpu.wait_dma2 semaphore(%arg23 : memref<!tpu.dma_semaphore, #tpu.memory_space<semaphore_mem>>) src(%dma_wait3A_53 : memref<1568xi32, #tpu.memory_space<hbm>>) dst(%arg12 : memref<1568xi32, #tpu.memory_space<vmem>>)
        %dma_wait3A_54 = arith.constant 0 : i32
        %dma_wait3A_55 = tpu.memref_slice %arg2[%dma_wait3A_54] : memref<802816xi32, #tpu.memory_space<hbm>> -> memref<1568xi32, #tpu.memory_space<hbm>>
        %dma_wait3A_56 = arith.constant 0 : i32
        %dma_wait3A_57 = tpu.memref_slice %arg2[%dma_wait3A_56] : memref<802816xi32, #tpu.memory_space<hbm>> -> memref<1568xi32, #tpu.memory_space<hbm>>
        tpu.wait_dma2 semaphore(%arg23 : memref<!tpu.dma_semaphore, #tpu.memory_space<semaphore_mem>>) src(%dma_wait3A_57 : memref<1568xi32, #tpu.memory_space<hbm>>) dst(%arg14 : memref<1568xi32, #tpu.memory_space<vmem>>)
        %dma_start3A_58 = arith.constant 0 : i32
        %dma_start3A_59 = arith.constant 0 : i32
        %dma_start3A_60 = tpu.memref_slice %arg7[%dma_start3A_58, %dma_start3A_59] : memref<50176x16xf32, #tpu.memory_space<hbm>> -> memref<50176x16xf32, #tpu.memory_space<hbm>>
        tpu.enqueue_indirect_dma source(%dma_start3A_60 : memref<50176x16xf32, #tpu.memory_space<hbm>>) target(%arg17 : memref<1568x16xf32, #tpu.memory_space<vmem>>) offsets(%arg13 : memref<1568xi32, #tpu.memory_space<vmem>>) semaphore(%arg20 : memref<!tpu.dma_semaphore, #tpu.memory_space<semaphore_mem>>)
        %dma_wait3A_61 = arith.constant 0 : i32
        %dma_wait3A_62 = arith.constant 0 : i32
        %dma_wait3A_63 = tpu.memref_slice %arg7[%dma_wait3A_61, %dma_wait3A_62] : memref<50176x16xf32, #tpu.memory_space<hbm>> -> memref<1568x16xf32, #tpu.memory_space<hbm>>
        %dma_wait3A_64 = arith.constant 0 : i32
        %dma_wait3A_65 = arith.constant 0 : i32
        %dma_wait3A_66 = tpu.memref_slice %arg7[%dma_wait3A_64, %dma_wait3A_65] : memref<50176x16xf32, #tpu.memory_space<hbm>> -> memref<1568x16xf32, #tpu.memory_space<hbm>>
        tpu.wait_dma2 semaphore(%arg21 : memref<!tpu.dma_semaphore, #tpu.memory_space<semaphore_mem>>) src(%dma_wait3A_66 : memref<1568x16xf32, #tpu.memory_space<hbm>>) dst(%arg16 : memref<1568x16xf32, #tpu.memory_space<vmem>>)
        %mul3A_67 = arith.constant 2 : i32
        %mul3A_68 = arith.muli %mul3A_67, %scan3A_41 : i32
        %add3A_69 = arith.constant 2 : i32
        %add3A_70 = arith.addi %mul3A_68, %add3A_69 : i32
        %mul3A_71 = arith.constant 1568 : i32
        %mul3A_72 = arith.muli %add3A_70, %mul3A_71 : i32
        %add3A_73 = arith.addi %mul3A_21, %mul3A_72 : i32
        %min3A = arith.minsi %add3A_73, %add3A_22 : i32
        %dma_start3A_74 = tpu.memref_slice %arg2[%min3A] : memref<802816xi32, #tpu.memory_space<hbm>> -> memref<1568xi32, #tpu.memory_space<hbm>>
        %dma_start3A_75 = tpu.memref_slice %arg2[%min3A] : memref<802816xi32, #tpu.memory_space<hbm>> -> memref<1568xi32, #tpu.memory_space<hbm>>
        tpu.enqueue_dma source(%dma_start3A_75 : memref<1568xi32, #tpu.memory_space<hbm>>) target(%arg12 : memref<1568xi32, #tpu.memory_space<vmem>>) target_semaphore(%arg23 : memref<!tpu.dma_semaphore, #tpu.memory_space<semaphore_mem>>)
        %dma_start3A_76 = tpu.memref_slice %arg3[%min3A] : memref<802816xi32, #tpu.memory_space<hbm>> -> memref<1568xi32, #tpu.memory_space<hbm>>
        %dma_start3A_77 = tpu.memref_slice %arg3[%min3A] : memref<802816xi32, #tpu.memory_space<hbm>> -> memref<1568xi32, #tpu.memory_space<hbm>>
        tpu.enqueue_dma source(%dma_start3A_77 : memref<1568xi32, #tpu.memory_space<hbm>>) target(%arg14 : memref<1568xi32, #tpu.memory_space<vmem>>) target_semaphore(%arg23 : memref<!tpu.dma_semaphore, #tpu.memory_space<semaphore_mem>>)
        %dma_wait3A_78 = arith.constant 0 : i32
        %dma_wait3A_79 = arith.constant 0 : i32
        %dma_wait3A_80 = tpu.memref_slice %arg7[%dma_wait3A_78, %dma_wait3A_79] : memref<50176x16xf32, #tpu.memory_space<hbm>> -> memref<1568x16xf32, #tpu.memory_space<hbm>>
        %dma_wait3A_81 = arith.constant 0 : i32
        %dma_wait3A_82 = arith.constant 0 : i32
        %dma_wait3A_83 = tpu.memref_slice %arg7[%dma_wait3A_81, %dma_wait3A_82] : memref<50176x16xf32, #tpu.memory_space<hbm>> -> memref<1568x16xf32, #tpu.memory_space<hbm>>
        tpu.wait_dma2 semaphore(%arg20 : memref<!tpu.dma_semaphore, #tpu.memory_space<semaphore_mem>>) src(%dma_wait3A_83 : memref<1568x16xf32, #tpu.memory_space<hbm>>) dst(%arg16 : memref<1568x16xf32, #tpu.memory_space<vmem>>)
        %dma_start3A_84 = arith.constant 0 : i32
        %dma_start3A_85 = arith.constant 0 : i32
        %dma_start3A_86 = tpu.memref_slice %arg18[%dma_start3A_84, %dma_start3A_85] : memref<50176x16xf32, #tpu.memory_space<vmem_shared>> -> memref<50176x16xf32, #tpu.memory_space<vmem_shared>>
        tpu.enqueue_indirect_dma source(%arg17 : memref<1568x16xf32, #tpu.memory_space<vmem>>) target(%dma_start3A_86 : memref<50176x16xf32, #tpu.memory_space<vmem_shared>>) offsets(%arg15 : memref<1568xi32, #tpu.memory_space<vmem>>) semaphore(%arg22 : memref<!tpu.dma_semaphore, #tpu.memory_space<semaphore_mem>>) {add = true}
        %dma_wait3A_87 = arith.constant 0 : i32
        %dma_wait3A_88 = tpu.memref_slice %arg2[%dma_wait3A_87] : memref<802816xi32, #tpu.memory_space<hbm>> -> memref<1568xi32, #tpu.memory_space<hbm>>
        %dma_wait3A_89 = arith.constant 0 : i32
        %dma_wait3A_90 = tpu.memref_slice %arg2[%dma_wait3A_89] : memref<802816xi32, #tpu.memory_space<hbm>> -> memref<1568xi32, #tpu.memory_space<hbm>>
        tpu.wait_dma2 semaphore(%arg23 : memref<!tpu.dma_semaphore, #tpu.memory_space<semaphore_mem>>) src(%dma_wait3A_90 : memref<1568xi32, #tpu.memory_space<hbm>>) dst(%arg12 : memref<1568xi32, #tpu.memory_space<vmem>>)
        %dma_wait3A_91 = arith.constant 0 : i32
        %dma_wait3A_92 = tpu.memref_slice %arg2[%dma_wait3A_91] : memref<802816xi32, #tpu.memory_space<hbm>> -> memref<1568xi32, #tpu.memory_space<hbm>>
        %dma_wait3A_93 = arith.constant 0 : i32
        %dma_wait3A_94 = tpu.memref_slice %arg2[%dma_wait3A_93] : memref<802816xi32, #tpu.memory_space<hbm>> -> memref<1568xi32, #tpu.memory_space<hbm>>
        tpu.wait_dma2 semaphore(%arg23 : memref<!tpu.dma_semaphore, #tpu.memory_space<semaphore_mem>>) src(%dma_wait3A_94 : memref<1568xi32, #tpu.memory_space<hbm>>) dst(%arg14 : memref<1568xi32, #tpu.memory_space<vmem>>)
        %lt3A = arith.constant 15 : i32
        %lt3A_95 = arith.cmpi slt, %scan3A_41, %lt3A : i32
        %convert_element_type3A_96 = arith.extui %lt3A_95 : i1 to i32
        %cond3A_97 = arith.constant 0 : i32
        %cond3A_98 = arith.cmpi ne, %convert_element_type3A_96, %cond3A_97 : i32
        scf.if %cond3A_98 {
          %dma_start3A_110 = arith.constant 0 : i32
          %dma_start3A_111 = arith.constant 0 : i32
          %dma_start3A_112 = tpu.memref_slice %arg7[%dma_start3A_110, %dma_start3A_111] : memref<50176x16xf32, #tpu.memory_space<hbm>> -> memref<50176x16xf32, #tpu.memory_space<hbm>>
          tpu.enqueue_indirect_dma source(%dma_start3A_112 : memref<50176x16xf32, #tpu.memory_space<hbm>>) target(%arg16 : memref<1568x16xf32, #tpu.memory_space<vmem>>) offsets(%arg12 : memref<1568xi32, #tpu.memory_space<vmem>>) semaphore(%arg19 : memref<!tpu.dma_semaphore, #tpu.memory_space<semaphore_mem>>)
        } else {
        }
        %dma_wait3A_99 = arith.constant 0 : i32
        %dma_wait3A_100 = arith.constant 0 : i32
        %dma_wait3A_101 = tpu.memref_slice %arg7[%dma_wait3A_99, %dma_wait3A_100] : memref<50176x16xf32, #tpu.memory_space<hbm>> -> memref<1568x16xf32, #tpu.memory_space<hbm>>
        %dma_wait3A_102 = arith.constant 0 : i32
        %dma_wait3A_103 = arith.constant 0 : i32
        %dma_wait3A_104 = tpu.memref_slice %arg7[%dma_wait3A_102, %dma_wait3A_103] : memref<50176x16xf32, #tpu.memory_space<hbm>> -> memref<1568x16xf32, #tpu.memory_space<hbm>>
        tpu.wait_dma2 semaphore(%arg22 : memref<!tpu.dma_semaphore, #tpu.memory_space<semaphore_mem>>) src(%dma_wait3A_104 : memref<1568x16xf32, #tpu.memory_space<hbm>>) dst(%arg16 : memref<1568x16xf32, #tpu.memory_space<vmem>>)
        %lt3A_105 = arith.constant 15 : i32
        %lt3A_106 = arith.cmpi slt, %scan3A_41, %lt3A_105 : i32
        %convert_element_type3A_107 = arith.extui %lt3A_106 : i1 to i32
        %cond3A_108 = arith.constant 0 : i32
        %cond3A_109 = arith.cmpi ne, %convert_element_type3A_107, %cond3A_108 : i32
        scf.if %cond3A_109 {
          %mul3A_110 = arith.constant 2 : i32
          %mul3A_111 = arith.muli %mul3A_110, %scan3A_41 : i32
          %add3A_112 = arith.constant 3 : i32
          %add3A_113 = arith.addi %mul3A_111, %add3A_112 : i32
          %mul3A_114 = arith.constant 1568 : i32
          %mul3A_115 = arith.muli %add3A_113, %mul3A_114 : i32
          %add3A_116 = arith.addi %mul3A_21, %mul3A_115 : i32
          %min3A_117 = arith.minsi %add3A_116, %add3A_22 : i32
          %dma_start3A_118 = tpu.memref_slice %arg2[%min3A_117] : memref<802816xi32, #tpu.memory_space<hbm>> -> memref<1568xi32, #tpu.memory_space<hbm>>
          %dma_start3A_119 = tpu.memref_slice %arg2[%min3A_117] : memref<802816xi32, #tpu.memory_space<hbm>> -> memref<1568xi32, #tpu.memory_space<hbm>>
          tpu.enqueue_dma source(%dma_start3A_119 : memref<1568xi32, #tpu.memory_space<hbm>>) target(%arg13 : memref<1568xi32, #tpu.memory_space<vmem>>) target_semaphore(%arg23 : memref<!tpu.dma_semaphore, #tpu.memory_space<semaphore_mem>>)
          %dma_start3A_120 = tpu.memref_slice %arg3[%min3A_117] : memref<802816xi32, #tpu.memory_space<hbm>> -> memref<1568xi32, #tpu.memory_space<hbm>>
          %dma_start3A_121 = tpu.memref_slice %arg3[%min3A_117] : memref<802816xi32, #tpu.memory_space<hbm>> -> memref<1568xi32, #tpu.memory_space<hbm>>
          tpu.enqueue_dma source(%dma_start3A_121 : memref<1568xi32, #tpu.memory_space<hbm>>) target(%arg15 : memref<1568xi32, #tpu.memory_space<vmem>>) target_semaphore(%arg23 : memref<!tpu.dma_semaphore, #tpu.memory_space<semaphore_mem>>)
        } else {
        }
      }
      %scan3A_35 = arith.constant 16 : i32
      %barrier3A_36 = arith.constant 0 : index
      tpu.barrier barrier_id(%barrier3A_36)
      %mul3A_37 = arith.constant 3136 : i32
      %mul3A_38 = arith.muli %arg1, %mul3A_37 : i32
      %mul3A_39 = arith.constant 3136 : i32
      %mul3A_40 = arith.muli %arg1, %mul3A_39 : i32
      "tpu.region"() ({
        %run_scoped3A = tpu.sem_alloc : memref<!tpu.dma_semaphore, #tpu.memory_space<semaphore_mem>>
        %dma_start3A_41 = arith.constant 0 : i32
        %dma_start3A_42 = tpu.memref_slice %arg11[%mul3A_40, %dma_start3A_41] : memref<50176x16xf32, #tpu.memory_space<hbm>> -> memref<3136x16xf32, #tpu.memory_space<hbm>>
        %dma_start3A_43 = arith.constant 0 : i32
        %dma_start3A_44 = tpu.memref_slice %arg18[%mul3A_38, %dma_start3A_43] : memref<50176x16xf32, #tpu.memory_space<vmem_shared>> -> memref<3136x16xf32, #tpu.memory_space<vmem_shared>>
        tpu.enqueue_dma source(%dma_start3A_44 : memref<3136x16xf32, #tpu.memory_space<vmem_shared>>) target(%dma_start3A_42 : memref<3136x16xf32, #tpu.memory_space<hbm>>) target_semaphore(%run_scoped3A : memref<!tpu.dma_semaphore, #tpu.memory_space<semaphore_mem>>)
        %dma_wait3A = arith.constant 0 : i32
        %dma_wait3A_45 = tpu.memref_slice %arg11[%mul3A_40, %dma_wait3A] : memref<50176x16xf32, #tpu.memory_space<hbm>> -> memref<3136x16xf32, #tpu.memory_space<hbm>>
        %dma_wait3A_46 = arith.constant 0 : i32
        %dma_wait3A_47 = tpu.memref_slice %arg18[%mul3A_38, %dma_wait3A_46] : memref<50176x16xf32, #tpu.memory_space<vmem_shared>> -> memref<3136x16xf32, #tpu.memory_space<vmem_shared>>
        tpu.wait_dma2 semaphore(%run_scoped3A : memref<!tpu.dma_semaphore, #tpu.memory_space<semaphore_mem>>) src(%dma_wait3A_47 : memref<3136x16xf32, #tpu.memory_space<vmem_shared>>) dst(%dma_wait3A_45 : memref<3136x16xf32, #tpu.memory_space<hbm>>)
        tpu.yield
      }) : () -> ()
    } else {
    }
    return
  }
}

#map = affine_map<(d0, d1) -> (0)>
#map1 = affine_map<(d0, d1) -> (0, 0)>
module attributes {stable_mosaic.version = 14 : i64} {
  func.func @_deg_kernel(%arg0: i32, %arg1: i32, %arg2: memref<802816xi32, #tpu.memory_space<hbm>>, %arg3: memref<50176x16xf32, #tpu.memory_space<hbm>>, %arg4: memref<1568x16xf32, #tpu.memory_space<hbm>>, %arg5: memref<50176x16xf32, #tpu.memory_space<hbm>>, %arg6: memref<50176x16xf32, #tpu.memory_space<hbm>>, %arg7: memref<1568xi32, #tpu.memory_space<vmem>>, %arg8: memref<1568xi32, #tpu.memory_space<vmem>>, %arg9: memref<1568x16xf32, #tpu.memory_space<vmem>>, %arg10: memref<3136x16xf32, #tpu.memory_space<vmem>>, %arg11: memref<50176x16xf32, #tpu.memory_space<vmem_shared>>, %arg12: memref<!tpu.dma_semaphore, #tpu.memory_space<semaphore_mem>>, %arg13: memref<!tpu.dma_semaphore, #tpu.memory_space<semaphore_mem>>) attributes {dimension_semantics = [#tpu.dimension_semantics<core_parallel>, #tpu.dimension_semantics<subcore_parallel>], iteration_bounds = array<i64: 2, 16>, scalar_prefetch = 0 : i64, scratch_operands = 7 : i64, tpu.core_type = #tpu.core_type<sc_vector_subcore>, window_params = [{transform_indices = #map}, {transform_indices = #map1}, {transform_indices = #map1}, {transform_indices = #map1}, {transform_indices = #map1}]} {
    "tpu.region"() ({
      %run_scoped3A = tpu.sem_alloc : memref<!tpu.dma_semaphore, #tpu.memory_space<semaphore_mem>>
      tpu.enqueue_dma source(%arg4 : memref<1568x16xf32, #tpu.memory_space<hbm>>) target(%arg9 : memref<1568x16xf32, #tpu.memory_space<vmem>>) target_semaphore(%run_scoped3A : memref<!tpu.dma_semaphore, #tpu.memory_space<semaphore_mem>>)
      tpu.wait_dma2 semaphore(%run_scoped3A : memref<!tpu.dma_semaphore, #tpu.memory_space<semaphore_mem>>) src(%arg4 : memref<1568x16xf32, #tpu.memory_space<hbm>>) dst(%arg9 : memref<1568x16xf32, #tpu.memory_space<vmem>>)
      tpu.yield
    }) : () -> ()
    %mul3A = arith.constant 3136 : i32
    %mul3A_0 = arith.muli %arg1, %mul3A : i32
    %mul3A_1 = arith.constant 3136 : i32
    %mul3A_2 = arith.muli %arg1, %mul3A_1 : i32
    "tpu.region"() ({
      %run_scoped3A = tpu.sem_alloc : memref<!tpu.dma_semaphore, #tpu.memory_space<semaphore_mem>>
      %dma_start3A = arith.constant 0 : i32
      %dma_start3A_20 = tpu.memref_slice %arg11[%mul3A_2, %dma_start3A] : memref<50176x16xf32, #tpu.memory_space<vmem_shared>> -> memref<3136x16xf32, #tpu.memory_space<vmem_shared>>
      %dma_start3A_21 = arith.constant 0 : i32
      %dma_start3A_22 = tpu.memref_slice %arg3[%mul3A_0, %dma_start3A_21] : memref<50176x16xf32, #tpu.memory_space<hbm>> -> memref<3136x16xf32, #tpu.memory_space<hbm>>
      tpu.enqueue_dma source(%dma_start3A_22 : memref<3136x16xf32, #tpu.memory_space<hbm>>) target(%dma_start3A_20 : memref<3136x16xf32, #tpu.memory_space<vmem_shared>>) target_semaphore(%run_scoped3A : memref<!tpu.dma_semaphore, #tpu.memory_space<semaphore_mem>>)
      %dma_wait3A = arith.constant 0 : i32
      %dma_wait3A_23 = tpu.memref_slice %arg11[%mul3A_2, %dma_wait3A] : memref<50176x16xf32, #tpu.memory_space<vmem_shared>> -> memref<3136x16xf32, #tpu.memory_space<vmem_shared>>
      %dma_wait3A_24 = arith.constant 0 : i32
      %dma_wait3A_25 = tpu.memref_slice %arg3[%mul3A_0, %dma_wait3A_24] : memref<50176x16xf32, #tpu.memory_space<hbm>> -> memref<3136x16xf32, #tpu.memory_space<hbm>>
      tpu.wait_dma2 semaphore(%run_scoped3A : memref<!tpu.dma_semaphore, #tpu.memory_space<semaphore_mem>>) src(%dma_wait3A_25 : memref<3136x16xf32, #tpu.memory_space<hbm>>) dst(%dma_wait3A_23 : memref<3136x16xf32, #tpu.memory_space<vmem_shared>>)
      tpu.yield
    }) : () -> ()
    %barrier3A = arith.constant 0 : index
    tpu.barrier barrier_id(%barrier3A)
    %mul3A_3 = arith.constant 16 : i32
    %mul3A_4 = arith.muli %arg0, %mul3A_3 : i32
    %add3A = arith.addi %mul3A_4, %arg1 : i32
    %mul3A_5 = arith.constant 25088 : i32
    %mul3A_6 = arith.muli %add3A, %mul3A_5 : i32
    "tpu.region"() ({
      %run_scoped3A = tpu.sem_alloc : memref<!tpu.dma_semaphore, #tpu.memory_space<semaphore_mem>>
      %dma_start3A = tpu.memref_slice %arg2[%mul3A_6] : memref<802816xi32, #tpu.memory_space<hbm>> -> memref<1568xi32, #tpu.memory_space<hbm>>
      %dma_start3A_20 = tpu.memref_slice %arg2[%mul3A_6] : memref<802816xi32, #tpu.memory_space<hbm>> -> memref<1568xi32, #tpu.memory_space<hbm>>
      tpu.enqueue_dma source(%dma_start3A_20 : memref<1568xi32, #tpu.memory_space<hbm>>) target(%arg7 : memref<1568xi32, #tpu.memory_space<vmem>>) target_semaphore(%run_scoped3A : memref<!tpu.dma_semaphore, #tpu.memory_space<semaphore_mem>>)
      %dma_wait3A = tpu.memref_slice %arg2[%mul3A_6] : memref<802816xi32, #tpu.memory_space<hbm>> -> memref<1568xi32, #tpu.memory_space<hbm>>
      %dma_wait3A_21 = tpu.memref_slice %arg2[%mul3A_6] : memref<802816xi32, #tpu.memory_space<hbm>> -> memref<1568xi32, #tpu.memory_space<hbm>>
      tpu.wait_dma2 semaphore(%run_scoped3A : memref<!tpu.dma_semaphore, #tpu.memory_space<semaphore_mem>>) src(%dma_wait3A_21 : memref<1568xi32, #tpu.memory_space<hbm>>) dst(%arg7 : memref<1568xi32, #tpu.memory_space<vmem>>)
      tpu.yield
    }) : () -> ()
    %scan3A = arith.constant 0 : i32
    %scan3A_7 = arith.constant 0 : i32
    %scan3A_8 = arith.constant 8 : i32
    %scan3A_9 = arith.addi %scan3A_7, %scan3A_8 : i32
    %scan3A_10 = arith.constant 1 : i32
    scf.for %scan3A_20 = %scan3A_7 to %scan3A_9 step %scan3A_10  : i32 {
      %dma_start3A = arith.constant 0 : i32
      %dma_start3A_21 = arith.constant 0 : i32
      %dma_start3A_22 = tpu.memref_slice %arg11[%dma_start3A, %dma_start3A_21] : memref<50176x16xf32, #tpu.memory_space<vmem_shared>> -> memref<50176x16xf32, #tpu.memory_space<vmem_shared>>
      tpu.enqueue_indirect_dma source(%arg9 : memref<1568x16xf32, #tpu.memory_space<vmem>>) target(%dma_start3A_22 : memref<50176x16xf32, #tpu.memory_space<vmem_shared>>) offsets(%arg7 : memref<1568xi32, #tpu.memory_space<vmem>>) semaphore(%arg12 : memref<!tpu.dma_semaphore, #tpu.memory_space<semaphore_mem>>) {add = true}
      %mul3A_23 = arith.constant 2 : i32
      %mul3A_24 = arith.muli %mul3A_23, %scan3A_20 : i32
      %add3A_25 = arith.constant 1 : i32
      %add3A_26 = arith.addi %mul3A_24, %add3A_25 : i32
      %mul3A_27 = arith.constant 1568 : i32
      %mul3A_28 = arith.muli %add3A_26, %mul3A_27 : i32
      %add3A_29 = arith.addi %mul3A_6, %mul3A_28 : i32
      "tpu.region"() ({
        %run_scoped3A = tpu.sem_alloc : memref<!tpu.dma_semaphore, #tpu.memory_space<semaphore_mem>>
        %dma_start3A_53 = tpu.memref_slice %arg2[%add3A_29] : memref<802816xi32, #tpu.memory_space<hbm>> -> memref<1568xi32, #tpu.memory_space<hbm>>
        %dma_start3A_54 = tpu.memref_slice %arg2[%add3A_29] : memref<802816xi32, #tpu.memory_space<hbm>> -> memref<1568xi32, #tpu.memory_space<hbm>>
        tpu.enqueue_dma source(%dma_start3A_54 : memref<1568xi32, #tpu.memory_space<hbm>>) target(%arg8 : memref<1568xi32, #tpu.memory_space<vmem>>) target_semaphore(%run_scoped3A : memref<!tpu.dma_semaphore, #tpu.memory_space<semaphore_mem>>)
        %dma_wait3A_55 = tpu.memref_slice %arg2[%add3A_29] : memref<802816xi32, #tpu.memory_space<hbm>> -> memref<1568xi32, #tpu.memory_space<hbm>>
        %dma_wait3A_56 = tpu.memref_slice %arg2[%add3A_29] : memref<802816xi32, #tpu.memory_space<hbm>> -> memref<1568xi32, #tpu.memory_space<hbm>>
        tpu.wait_dma2 semaphore(%run_scoped3A : memref<!tpu.dma_semaphore, #tpu.memory_space<semaphore_mem>>) src(%dma_wait3A_56 : memref<1568xi32, #tpu.memory_space<hbm>>) dst(%arg8 : memref<1568xi32, #tpu.memory_space<vmem>>)
        tpu.yield
      }) : () -> ()
      %dma_wait3A = arith.constant 0 : i32
      %dma_wait3A_30 = arith.constant 0 : i32
      %dma_wait3A_31 = tpu.memref_slice %arg3[%dma_wait3A, %dma_wait3A_30] : memref<50176x16xf32, #tpu.memory_space<hbm>> -> memref<1568x16xf32, #tpu.memory_space<hbm>>
      %dma_wait3A_32 = arith.constant 0 : i32
      %dma_wait3A_33 = arith.constant 0 : i32
      %dma_wait3A_34 = tpu.memref_slice %arg3[%dma_wait3A_32, %dma_wait3A_33] : memref<50176x16xf32, #tpu.memory_space<hbm>> -> memref<1568x16xf32, #tpu.memory_space<hbm>>
      tpu.wait_dma2 semaphore(%arg12 : memref<!tpu.dma_semaphore, #tpu.memory_space<semaphore_mem>>) src(%dma_wait3A_34 : memref<1568x16xf32, #tpu.memory_space<hbm>>) dst(%arg9 : memref<1568x16xf32, #tpu.memory_space<vmem>>)
      %dma_start3A_35 = arith.constant 0 : i32
      %dma_start3A_36 = arith.constant 0 : i32
      %dma_start3A_37 = tpu.memref_slice %arg11[%dma_start3A_35, %dma_start3A_36] : memref<50176x16xf32, #tpu.memory_space<vmem_shared>> -> memref<50176x16xf32, #tpu.memory_space<vmem_shared>>
      tpu.enqueue_indirect_dma source(%arg9 : memref<1568x16xf32, #tpu.memory_space<vmem>>) target(%dma_start3A_37 : memref<50176x16xf32, #tpu.memory_space<vmem_shared>>) offsets(%arg8 : memref<1568xi32, #tpu.memory_space<vmem>>) semaphore(%arg13 : memref<!tpu.dma_semaphore, #tpu.memory_space<semaphore_mem>>) {add = true}
      %mul3A_38 = arith.constant 2 : i32
      %mul3A_39 = arith.muli %mul3A_38, %scan3A_20 : i32
      %add3A_40 = arith.constant 2 : i32
      %add3A_41 = arith.addi %mul3A_39, %add3A_40 : i32
      %mul3A_42 = arith.constant 1568 : i32
      %mul3A_43 = arith.muli %add3A_41, %mul3A_42 : i32
      %add3A_44 = arith.addi %mul3A_6, %mul3A_43 : i32
      %add3A_45 = arith.constant 23520 : i32
      %add3A_46 = arith.addi %mul3A_6, %add3A_45 : i32
      %min3A = arith.minsi %add3A_44, %add3A_46 : i32
      "tpu.region"() ({
        %run_scoped3A = tpu.sem_alloc : memref<!tpu.dma_semaphore, #tpu.memory_space<semaphore_mem>>
        %dma_start3A_53 = tpu.memref_slice %arg2[%min3A] : memref<802816xi32, #tpu.memory_space<hbm>> -> memref<1568xi32, #tpu.memory_space<hbm>>
        %dma_start3A_54 = tpu.memref_slice %arg2[%min3A] : memref<802816xi32, #tpu.memory_space<hbm>> -> memref<1568xi32, #tpu.memory_space<hbm>>
        tpu.enqueue_dma source(%dma_start3A_54 : memref<1568xi32, #tpu.memory_space<hbm>>) target(%arg7 : memref<1568xi32, #tpu.memory_space<vmem>>) target_semaphore(%run_scoped3A : memref<!tpu.dma_semaphore, #tpu.memory_space<semaphore_mem>>)
        %dma_wait3A_55 = tpu.memref_slice %arg2[%min3A] : memref<802816xi32, #tpu.memory_space<hbm>> -> memref<1568xi32, #tpu.memory_space<hbm>>
        %dma_wait3A_56 = tpu.memref_slice %arg2[%min3A] : memref<802816xi32, #tpu.memory_space<hbm>> -> memref<1568xi32, #tpu.memory_space<hbm>>
        tpu.wait_dma2 semaphore(%run_scoped3A : memref<!tpu.dma_semaphore, #tpu.memory_space<semaphore_mem>>) src(%dma_wait3A_56 : memref<1568xi32, #tpu.memory_space<hbm>>) dst(%arg7 : memref<1568xi32, #tpu.memory_space<vmem>>)
        tpu.yield
      }) : () -> ()
      %dma_wait3A_47 = arith.constant 0 : i32
      %dma_wait3A_48 = arith.constant 0 : i32
      %dma_wait3A_49 = tpu.memref_slice %arg3[%dma_wait3A_47, %dma_wait3A_48] : memref<50176x16xf32, #tpu.memory_space<hbm>> -> memref<1568x16xf32, #tpu.memory_space<hbm>>
      %dma_wait3A_50 = arith.constant 0 : i32
      %dma_wait3A_51 = arith.constant 0 : i32
      %dma_wait3A_52 = tpu.memref_slice %arg3[%dma_wait3A_50, %dma_wait3A_51] : memref<50176x16xf32, #tpu.memory_space<hbm>> -> memref<1568x16xf32, #tpu.memory_space<hbm>>
      tpu.wait_dma2 semaphore(%arg13 : memref<!tpu.dma_semaphore, #tpu.memory_space<semaphore_mem>>) src(%dma_wait3A_52 : memref<1568x16xf32, #tpu.memory_space<hbm>>) dst(%arg9 : memref<1568x16xf32, #tpu.memory_space<vmem>>)
    }
    %scan3A_11 = arith.constant 8 : i32
    %barrier3A_12 = arith.constant 0 : index
    tpu.barrier barrier_id(%barrier3A_12)
    %eq3A = arith.constant 0 : i32
    %eq3A_13 = arith.cmpi eq, %arg0, %eq3A : i32
    %convert_element_type3A = arith.extui %eq3A_13 : i1 to i32
    %cond3A = arith.constant 0 : i32
    %cond3A_14 = arith.cmpi ne, %convert_element_type3A, %cond3A : i32
    scf.if %cond3A_14 {
      %mul3A_20 = arith.constant 3136 : i32
      %mul3A_21 = arith.muli %arg1, %mul3A_20 : i32
      %mul3A_22 = arith.constant 3136 : i32
      %mul3A_23 = arith.muli %arg1, %mul3A_22 : i32
      "tpu.region"() ({
        %run_scoped3A = tpu.sem_alloc : memref<!tpu.dma_semaphore, #tpu.memory_space<semaphore_mem>>
        %dma_start3A = arith.constant 0 : i32
        %dma_start3A_24 = tpu.memref_slice %arg5[%mul3A_23, %dma_start3A] : memref<50176x16xf32, #tpu.memory_space<hbm>> -> memref<3136x16xf32, #tpu.memory_space<hbm>>
        %dma_start3A_25 = arith.constant 0 : i32
        %dma_start3A_26 = tpu.memref_slice %arg11[%mul3A_21, %dma_start3A_25] : memref<50176x16xf32, #tpu.memory_space<vmem_shared>> -> memref<3136x16xf32, #tpu.memory_space<vmem_shared>>
        tpu.enqueue_dma source(%dma_start3A_26 : memref<3136x16xf32, #tpu.memory_space<vmem_shared>>) target(%dma_start3A_24 : memref<3136x16xf32, #tpu.memory_space<hbm>>) target_semaphore(%run_scoped3A : memref<!tpu.dma_semaphore, #tpu.memory_space<semaphore_mem>>)
        %dma_wait3A = arith.constant 0 : i32
        %dma_wait3A_27 = tpu.memref_slice %arg5[%mul3A_23, %dma_wait3A] : memref<50176x16xf32, #tpu.memory_space<hbm>> -> memref<3136x16xf32, #tpu.memory_space<hbm>>
        %dma_wait3A_28 = arith.constant 0 : i32
        %dma_wait3A_29 = tpu.memref_slice %arg11[%mul3A_21, %dma_wait3A_28] : memref<50176x16xf32, #tpu.memory_space<vmem_shared>> -> memref<3136x16xf32, #tpu.memory_space<vmem_shared>>
        tpu.wait_dma2 semaphore(%run_scoped3A : memref<!tpu.dma_semaphore, #tpu.memory_space<semaphore_mem>>) src(%dma_wait3A_29 : memref<3136x16xf32, #tpu.memory_space<vmem_shared>>) dst(%dma_wait3A_27 : memref<3136x16xf32, #tpu.memory_space<hbm>>)
        tpu.yield
      }) : () -> ()
    } else {
    }
    %eq3A_15 = arith.constant 1 : i32
    %eq3A_16 = arith.cmpi eq, %arg0, %eq3A_15 : i32
    %convert_element_type3A_17 = arith.extui %eq3A_16 : i1 to i32
    %cond3A_18 = arith.constant 0 : i32
    %cond3A_19 = arith.cmpi ne, %convert_element_type3A_17, %cond3A_18 : i32
    scf.if %cond3A_19 {
      %mul3A_20 = arith.constant 3136 : i32
      %mul3A_21 = arith.muli %arg1, %mul3A_20 : i32
      %mul3A_22 = arith.constant 3136 : i32
      %mul3A_23 = arith.muli %arg1, %mul3A_22 : i32
      "tpu.region"() ({
        %run_scoped3A = tpu.sem_alloc : memref<!tpu.dma_semaphore, #tpu.memory_space<semaphore_mem>>
        %dma_start3A = arith.constant 0 : i32
        %dma_start3A_24 = tpu.memref_slice %arg6[%mul3A_23, %dma_start3A] : memref<50176x16xf32, #tpu.memory_space<hbm>> -> memref<3136x16xf32, #tpu.memory_space<hbm>>
        %dma_start3A_25 = arith.constant 0 : i32
        %dma_start3A_26 = tpu.memref_slice %arg11[%mul3A_21, %dma_start3A_25] : memref<50176x16xf32, #tpu.memory_space<vmem_shared>> -> memref<3136x16xf32, #tpu.memory_space<vmem_shared>>
        tpu.enqueue_dma source(%dma_start3A_26 : memref<3136x16xf32, #tpu.memory_space<vmem_shared>>) target(%dma_start3A_24 : memref<3136x16xf32, #tpu.memory_space<hbm>>) target_semaphore(%run_scoped3A : memref<!tpu.dma_semaphore, #tpu.memory_space<semaphore_mem>>)
        %dma_wait3A = arith.constant 0 : i32
        %dma_wait3A_27 = tpu.memref_slice %arg6[%mul3A_23, %dma_wait3A] : memref<50176x16xf32, #tpu.memory_space<hbm>> -> memref<3136x16xf32, #tpu.memory_space<hbm>>
        %dma_wait3A_28 = arith.constant 0 : i32
        %dma_wait3A_29 = tpu.memref_slice %arg11[%mul3A_21, %dma_wait3A_28] : memref<50176x16xf32, #tpu.memory_space<vmem_shared>> -> memref<3136x16xf32, #tpu.memory_space<vmem_shared>>
        tpu.wait_dma2 semaphore(%run_scoped3A : memref<!tpu.dma_semaphore, #tpu.memory_space<semaphore_mem>>) src(%dma_wait3A_29 : memref<3136x16xf32, #tpu.memory_space<vmem_shared>>) dst(%dma_wait3A_27 : memref<3136x16xf32, #tpu.memory_space<hbm>>)
        tpu.yield
      }) : () -> ()
    } else {
    }
    return
  }
}

#map = affine_map<(d0, d1) -> (0)>
#map1 = affine_map<(d0, d1) -> (0, 0)>
module attributes {stable_mosaic.version = 14 : i64} {
  func.func @_scatter_kernel(%arg0: i32, %arg1: i32, %arg2: memref<802816xi32, #tpu.memory_space<hbm>>, %arg3: memref<802816xi32, #tpu.memory_space<hbm>>, %arg4: memref<50176x16xf32, #tpu.memory_space<hbm>>, %arg5: memref<50176x16xf32, #tpu.memory_space<hbm>>, %arg6: memref<50176x16xf32, #tpu.memory_space<hbm>>, %arg7: memref<50176x16xf32, #tpu.memory_space<hbm>>, %arg8: memref<50176x16xf32, #tpu.memory_space<hbm>>, %arg9: memref<50176x16xf32, #tpu.memory_space<hbm>>, %arg10: memref<50176x16xf32, #tpu.memory_space<hbm>>, %arg11: memref<50176x16xf32, #tpu.memory_space<hbm>>, %arg12: memref<1568xi32, #tpu.memory_space<vmem>>, %arg13: memref<1568xi32, #tpu.memory_space<vmem>>, %arg14: memref<1568xi32, #tpu.memory_space<vmem>>, %arg15: memref<1568xi32, #tpu.memory_space<vmem>>, %arg16: memref<1568x16xf32, #tpu.memory_space<vmem>>, %arg17: memref<1568x16xf32, #tpu.memory_space<vmem>>, %arg18: memref<50176x16xf32, #tpu.memory_space<vmem_shared>>, %arg19: memref<!tpu.dma_semaphore, #tpu.memory_space<semaphore_mem>>, %arg20: memref<!tpu.dma_semaphore, #tpu.memory_space<semaphore_mem>>, %arg21: memref<!tpu.dma_semaphore, #tpu.memory_space<semaphore_mem>>, %arg22: memref<!tpu.dma_semaphore, #tpu.memory_space<semaphore_mem>>, %arg23: memref<!tpu.dma_semaphore, #tpu.memory_space<semaphore_mem>>) attributes {dimension_semantics = [#tpu.dimension_semantics<core_parallel>, #tpu.dimension_semantics<subcore_parallel>], iteration_bounds = array<i64: 2, 16>, scalar_prefetch = 0 : i64, scratch_operands = 12 : i64, tpu.core_type = #tpu.core_type<sc_vector_subcore>, window_params = [{transform_indices = #map}, {transform_indices = #map}, {transform_indices = #map1}, {transform_indices = #map1}, {transform_indices = #map1}, {transform_indices = #map1}, {transform_indices = #map1}, {transform_indices = #map1}, {transform_indices = #map1}, {transform_indices = #map1}]} {
    %eq3A = arith.constant 0 : i32
    %eq3A_0 = arith.cmpi eq, %arg0, %eq3A : i32
    %convert_element_type3A = arith.extui %eq3A_0 : i1 to i32
    %cond3A = arith.constant 0 : i32
    %cond3A_1 = arith.cmpi ne, %convert_element_type3A, %cond3A : i32
    scf.if %cond3A_1 {
      %mul3A = arith.constant 3136 : i32
      %mul3A_17 = arith.muli %arg1, %mul3A : i32
      %mul3A_18 = arith.constant 3136 : i32
      %mul3A_19 = arith.muli %arg1, %mul3A_18 : i32
      "tpu.region"() ({
        %run_scoped3A = tpu.sem_alloc : memref<!tpu.dma_semaphore, #tpu.memory_space<semaphore_mem>>
        %dma_start3A_41 = arith.constant 0 : i32
        %dma_start3A_42 = tpu.memref_slice %arg18[%mul3A_19, %dma_start3A_41] : memref<50176x16xf32, #tpu.memory_space<vmem_shared>> -> memref<3136x16xf32, #tpu.memory_space<vmem_shared>>
        %dma_start3A_43 = arith.constant 0 : i32
        %dma_start3A_44 = tpu.memref_slice %arg4[%mul3A_17, %dma_start3A_43] : memref<50176x16xf32, #tpu.memory_space<hbm>> -> memref<3136x16xf32, #tpu.memory_space<hbm>>
        tpu.enqueue_dma source(%dma_start3A_44 : memref<3136x16xf32, #tpu.memory_space<hbm>>) target(%dma_start3A_42 : memref<3136x16xf32, #tpu.memory_space<vmem_shared>>) target_semaphore(%run_scoped3A : memref<!tpu.dma_semaphore, #tpu.memory_space<semaphore_mem>>)
        %dma_wait3A = arith.constant 0 : i32
        %dma_wait3A_45 = tpu.memref_slice %arg18[%mul3A_19, %dma_wait3A] : memref<50176x16xf32, #tpu.memory_space<vmem_shared>> -> memref<3136x16xf32, #tpu.memory_space<vmem_shared>>
        %dma_wait3A_46 = arith.constant 0 : i32
        %dma_wait3A_47 = tpu.memref_slice %arg4[%mul3A_17, %dma_wait3A_46] : memref<50176x16xf32, #tpu.memory_space<hbm>> -> memref<3136x16xf32, #tpu.memory_space<hbm>>
        tpu.wait_dma2 semaphore(%run_scoped3A : memref<!tpu.dma_semaphore, #tpu.memory_space<semaphore_mem>>) src(%dma_wait3A_47 : memref<3136x16xf32, #tpu.memory_space<hbm>>) dst(%dma_wait3A_45 : memref<3136x16xf32, #tpu.memory_space<vmem_shared>>)
        tpu.yield
      }) : () -> ()
      %barrier3A = arith.constant 0 : index
      tpu.barrier barrier_id(%barrier3A)
      %mul3A_20 = arith.constant 50176 : i32
      %mul3A_21 = arith.muli %arg1, %mul3A_20 : i32
      %add3A = arith.constant 48608 : i32
      %add3A_22 = arith.addi %mul3A_21, %add3A : i32
      "tpu.region"() ({
        %run_scoped3A = tpu.sem_alloc : memref<!tpu.dma_semaphore, #tpu.memory_space<semaphore_mem>>
        %dma_start3A_41 = tpu.memref_slice %arg2[%mul3A_21] : memref<802816xi32, #tpu.memory_space<hbm>> -> memref<1568xi32, #tpu.memory_space<hbm>>
        %dma_start3A_42 = tpu.memref_slice %arg2[%mul3A_21] : memref<802816xi32, #tpu.memory_space<hbm>> -> memref<1568xi32, #tpu.memory_space<hbm>>
        tpu.enqueue_dma source(%dma_start3A_42 : memref<1568xi32, #tpu.memory_space<hbm>>) target(%arg12 : memref<1568xi32, #tpu.memory_space<vmem>>) target_semaphore(%run_scoped3A : memref<!tpu.dma_semaphore, #tpu.memory_space<semaphore_mem>>)
        %dma_wait3A = tpu.memref_slice %arg2[%mul3A_21] : memref<802816xi32, #tpu.memory_space<hbm>> -> memref<1568xi32, #tpu.memory_space<hbm>>
        %dma_wait3A_43 = tpu.memref_slice %arg2[%mul3A_21] : memref<802816xi32, #tpu.memory_space<hbm>> -> memref<1568xi32, #tpu.memory_space<hbm>>
        tpu.wait_dma2 semaphore(%run_scoped3A : memref<!tpu.dma_semaphore, #tpu.memory_space<semaphore_mem>>) src(%dma_wait3A_43 : memref<1568xi32, #tpu.memory_space<hbm>>) dst(%arg12 : memref<1568xi32, #tpu.memory_space<vmem>>)
        tpu.yield
      }) : () -> ()
      "tpu.region"() ({
        %run_scoped3A = tpu.sem_alloc : memref<!tpu.dma_semaphore, #tpu.memory_space<semaphore_mem>>
        %dma_start3A_41 = tpu.memref_slice %arg3[%mul3A_21] : memref<802816xi32, #tpu.memory_space<hbm>> -> memref<1568xi32, #tpu.memory_space<hbm>>
        %dma_start3A_42 = tpu.memref_slice %arg3[%mul3A_21] : memref<802816xi32, #tpu.memory_space<hbm>> -> memref<1568xi32, #tpu.memory_space<hbm>>
        tpu.enqueue_dma source(%dma_start3A_42 : memref<1568xi32, #tpu.memory_space<hbm>>) target(%arg14 : memref<1568xi32, #tpu.memory_space<vmem>>) target_semaphore(%run_scoped3A : memref<!tpu.dma_semaphore, #tpu.memory_space<semaphore_mem>>)
        %dma_wait3A = tpu.memref_slice %arg3[%mul3A_21] : memref<802816xi32, #tpu.memory_space<hbm>> -> memref<1568xi32, #tpu.memory_space<hbm>>
        %dma_wait3A_43 = tpu.memref_slice %arg3[%mul3A_21] : memref<802816xi32, #tpu.memory_space<hbm>> -> memref<1568xi32, #tpu.memory_space<hbm>>
        tpu.wait_dma2 semaphore(%run_scoped3A : memref<!tpu.dma_semaphore, #tpu.memory_space<semaphore_mem>>) src(%dma_wait3A_43 : memref<1568xi32, #tpu.memory_space<hbm>>) dst(%arg14 : memref<1568xi32, #tpu.memory_space<vmem>>)
        tpu.yield
      }) : () -> ()
      %dma_start3A = arith.constant 0 : i32
      %dma_start3A_23 = arith.constant 0 : i32
      %dma_start3A_24 = tpu.memref_slice %arg4[%dma_start3A, %dma_start3A_23] : memref<50176x16xf32, #tpu.memory_space<hbm>> -> memref<50176x16xf32, #tpu.memory_space<hbm>>
      tpu.enqueue_indirect_dma source(%dma_start3A_24 : memref<50176x16xf32, #tpu.memory_space<hbm>>) target(%arg16 : memref<1568x16xf32, #tpu.memory_space<vmem>>) offsets(%arg12 : memref<1568xi32, #tpu.memory_space<vmem>>) semaphore(%arg19 : memref<!tpu.dma_semaphore, #tpu.memory_space<semaphore_mem>>)
      %add3A_25 = arith.constant 1568 : i32
      %add3A_26 = arith.addi %mul3A_21, %add3A_25 : i32
      %dma_start3A_27 = tpu.memref_slice %arg2[%add3A_26] : memref<802816xi32, #tpu.memory_space<hbm>> -> memref<1568xi32, #tpu.memory_space<hbm>>
      %dma_start3A_28 = tpu.memref_slice %arg2[%add3A_26] : memref<802816xi32, #tpu.memory_space<hbm>> -> memref<1568xi32, #tpu.memory_space<hbm>>
      tpu.enqueue_dma source(%dma_start3A_28 : memref<1568xi32, #tpu.memory_space<hbm>>) target(%arg13 : memref<1568xi32, #tpu.memory_space<vmem>>) target_semaphore(%arg23 : memref<!tpu.dma_semaphore, #tpu.memory_space<semaphore_mem>>)
      %dma_start3A_29 = tpu.memref_slice %arg3[%add3A_26] : memref<802816xi32, #tpu.memory_space<hbm>> -> memref<1568xi32, #tpu.memory_space<hbm>>
      %dma_start3A_30 = tpu.memref_slice %arg3[%add3A_26] : memref<802816xi32, #tpu.memory_space<hbm>> -> memref<1568xi32, #tpu.memory_space<hbm>>
      tpu.enqueue_dma source(%dma_start3A_30 : memref<1568xi32, #tpu.memory_space<hbm>>) target(%arg15 : memref<1568xi32, #tpu.memory_space<vmem>>) target_semaphore(%arg23 : memref<!tpu.dma_semaphore, #tpu.memory_space<semaphore_mem>>)
      %scan3A = arith.constant 0 : i32
      %scan3A_31 = arith.constant 0 : i32
      %scan3A_32 = arith.constant 16 : i32
      %scan3A_33 = arith.addi %scan3A_31, %scan3A_32 : i32
      %scan3A_34 = arith.constant 1 : i32
      scf.for %scan3A_41 = %scan3A_31 to %scan3A_33 step %scan3A_34  : i32 {
        %dma_wait3A = arith.constant 0 : i32
        %dma_wait3A_42 = arith.constant 0 : i32
        %dma_wait3A_43 = tpu.memref_slice %arg4[%dma_wait3A, %dma_wait3A_42] : memref<50176x16xf32, #tpu.memory_space<hbm>> -> memref<1568x16xf32, #tpu.memory_space<hbm>>
        %dma_wait3A_44 = arith.constant 0 : i32
        %dma_wait3A_45 = arith.constant 0 : i32
        %dma_wait3A_46 = tpu.memref_slice %arg4[%dma_wait3A_44, %dma_wait3A_45] : memref<50176x16xf32, #tpu.memory_space<hbm>> -> memref<1568x16xf32, #tpu.memory_space<hbm>>
        tpu.wait_dma2 semaphore(%arg19 : memref<!tpu.dma_semaphore, #tpu.memory_space<semaphore_mem>>) src(%dma_wait3A_46 : memref<1568x16xf32, #tpu.memory_space<hbm>>) dst(%arg16 : memref<1568x16xf32, #tpu.memory_space<vmem>>)
        %dma_start3A_47 = arith.constant 0 : i32
        %dma_start3A_48 = arith.constant 0 : i32
        %dma_start3A_49 = tpu.memref_slice %arg18[%dma_start3A_47, %dma_start3A_48] : memref<50176x16xf32, #tpu.memory_space<vmem_shared>> -> memref<50176x16xf32, #tpu.memory_space<vmem_shared>>
        tpu.enqueue_indirect_dma source(%arg16 : memref<1568x16xf32, #tpu.memory_space<vmem>>) target(%dma_start3A_49 : memref<50176x16xf32, #tpu.memory_space<vmem_shared>>) offsets(%arg14 : memref<1568xi32, #tpu.memory_space<vmem>>) semaphore(%arg21 : memref<!tpu.dma_semaphore, #tpu.memory_space<semaphore_mem>>) {add = true}
        %dma_wait3A_50 = arith.constant 0 : i32
        %dma_wait3A_51 = tpu.memref_slice %arg2[%dma_wait3A_50] : memref<802816xi32, #tpu.memory_space<hbm>> -> memref<1568xi32, #tpu.memory_space<hbm>>
        %dma_wait3A_52 = arith.constant 0 : i32
        %dma_wait3A_53 = tpu.memref_slice %arg2[%dma_wait3A_52] : memref<802816xi32, #tpu.memory_space<hbm>> -> memref<1568xi32, #tpu.memory_space<hbm>>
        tpu.wait_dma2 semaphore(%arg23 : memref<!tpu.dma_semaphore, #tpu.memory_space<semaphore_mem>>) src(%dma_wait3A_53 : memref<1568xi32, #tpu.memory_space<hbm>>) dst(%arg12 : memref<1568xi32, #tpu.memory_space<vmem>>)
        %dma_wait3A_54 = arith.constant 0 : i32
        %dma_wait3A_55 = tpu.memref_slice %arg2[%dma_wait3A_54] : memref<802816xi32, #tpu.memory_space<hbm>> -> memref<1568xi32, #tpu.memory_space<hbm>>
        %dma_wait3A_56 = arith.constant 0 : i32
        %dma_wait3A_57 = tpu.memref_slice %arg2[%dma_wait3A_56] : memref<802816xi32, #tpu.memory_space<hbm>> -> memref<1568xi32, #tpu.memory_space<hbm>>
        tpu.wait_dma2 semaphore(%arg23 : memref<!tpu.dma_semaphore, #tpu.memory_space<semaphore_mem>>) src(%dma_wait3A_57 : memref<1568xi32, #tpu.memory_space<hbm>>) dst(%arg14 : memref<1568xi32, #tpu.memory_space<vmem>>)
        %dma_start3A_58 = arith.constant 0 : i32
        %dma_start3A_59 = arith.constant 0 : i32
        %dma_start3A_60 = tpu.memref_slice %arg4[%dma_start3A_58, %dma_start3A_59] : memref<50176x16xf32, #tpu.memory_space<hbm>> -> memref<50176x16xf32, #tpu.memory_space<hbm>>
        tpu.enqueue_indirect_dma source(%dma_start3A_60 : memref<50176x16xf32, #tpu.memory_space<hbm>>) target(%arg17 : memref<1568x16xf32, #tpu.memory_space<vmem>>) offsets(%arg13 : memref<1568xi32, #tpu.memory_space<vmem>>) semaphore(%arg20 : memref<!tpu.dma_semaphore, #tpu.memory_space<semaphore_mem>>)
        %dma_wait3A_61 = arith.constant 0 : i32
        %dma_wait3A_62 = arith.constant 0 : i32
        %dma_wait3A_63 = tpu.memref_slice %arg4[%dma_wait3A_61, %dma_wait3A_62] : memref<50176x16xf32, #tpu.memory_space<hbm>> -> memref<1568x16xf32, #tpu.memory_space<hbm>>
        %dma_wait3A_64 = arith.constant 0 : i32
        %dma_wait3A_65 = arith.constant 0 : i32
        %dma_wait3A_66 = tpu.memref_slice %arg4[%dma_wait3A_64, %dma_wait3A_65] : memref<50176x16xf32, #tpu.memory_space<hbm>> -> memref<1568x16xf32, #tpu.memory_space<hbm>>
        tpu.wait_dma2 semaphore(%arg21 : memref<!tpu.dma_semaphore, #tpu.memory_space<semaphore_mem>>) src(%dma_wait3A_66 : memref<1568x16xf32, #tpu.memory_space<hbm>>) dst(%arg16 : memref<1568x16xf32, #tpu.memory_space<vmem>>)
        %mul3A_67 = arith.constant 2 : i32
        %mul3A_68 = arith.muli %mul3A_67, %scan3A_41 : i32
        %add3A_69 = arith.constant 2 : i32
        %add3A_70 = arith.addi %mul3A_68, %add3A_69 : i32
        %mul3A_71 = arith.constant 1568 : i32
        %mul3A_72 = arith.muli %add3A_70, %mul3A_71 : i32
        %add3A_73 = arith.addi %mul3A_21, %mul3A_72 : i32
        %min3A = arith.minsi %add3A_73, %add3A_22 : i32
        %dma_start3A_74 = tpu.memref_slice %arg2[%min3A] : memref<802816xi32, #tpu.memory_space<hbm>> -> memref<1568xi32, #tpu.memory_space<hbm>>
        %dma_start3A_75 = tpu.memref_slice %arg2[%min3A] : memref<802816xi32, #tpu.memory_space<hbm>> -> memref<1568xi32, #tpu.memory_space<hbm>>
        tpu.enqueue_dma source(%dma_start3A_75 : memref<1568xi32, #tpu.memory_space<hbm>>) target(%arg12 : memref<1568xi32, #tpu.memory_space<vmem>>) target_semaphore(%arg23 : memref<!tpu.dma_semaphore, #tpu.memory_space<semaphore_mem>>)
        %dma_start3A_76 = tpu.memref_slice %arg3[%min3A] : memref<802816xi32, #tpu.memory_space<hbm>> -> memref<1568xi32, #tpu.memory_space<hbm>>
        %dma_start3A_77 = tpu.memref_slice %arg3[%min3A] : memref<802816xi32, #tpu.memory_space<hbm>> -> memref<1568xi32, #tpu.memory_space<hbm>>
        tpu.enqueue_dma source(%dma_start3A_77 : memref<1568xi32, #tpu.memory_space<hbm>>) target(%arg14 : memref<1568xi32, #tpu.memory_space<vmem>>) target_semaphore(%arg23 : memref<!tpu.dma_semaphore, #tpu.memory_space<semaphore_mem>>)
        %dma_wait3A_78 = arith.constant 0 : i32
        %dma_wait3A_79 = arith.constant 0 : i32
        %dma_wait3A_80 = tpu.memref_slice %arg4[%dma_wait3A_78, %dma_wait3A_79] : memref<50176x16xf32, #tpu.memory_space<hbm>> -> memref<1568x16xf32, #tpu.memory_space<hbm>>
        %dma_wait3A_81 = arith.constant 0 : i32
        %dma_wait3A_82 = arith.constant 0 : i32
        %dma_wait3A_83 = tpu.memref_slice %arg4[%dma_wait3A_81, %dma_wait3A_82] : memref<50176x16xf32, #tpu.memory_space<hbm>> -> memref<1568x16xf32, #tpu.memory_space<hbm>>
        tpu.wait_dma2 semaphore(%arg20 : memref<!tpu.dma_semaphore, #tpu.memory_space<semaphore_mem>>) src(%dma_wait3A_83 : memref<1568x16xf32, #tpu.memory_space<hbm>>) dst(%arg16 : memref<1568x16xf32, #tpu.memory_space<vmem>>)
        %dma_start3A_84 = arith.constant 0 : i32
        %dma_start3A_85 = arith.constant 0 : i32
        %dma_start3A_86 = tpu.memref_slice %arg18[%dma_start3A_84, %dma_start3A_85] : memref<50176x16xf32, #tpu.memory_space<vmem_shared>> -> memref<50176x16xf32, #tpu.memory_space<vmem_shared>>
        tpu.enqueue_indirect_dma source(%arg17 : memref<1568x16xf32, #tpu.memory_space<vmem>>) target(%dma_start3A_86 : memref<50176x16xf32, #tpu.memory_space<vmem_shared>>) offsets(%arg15 : memref<1568xi32, #tpu.memory_space<vmem>>) semaphore(%arg22 : memref<!tpu.dma_semaphore, #tpu.memory_space<semaphore_mem>>) {add = true}
        %dma_wait3A_87 = arith.constant 0 : i32
        %dma_wait3A_88 = tpu.memref_slice %arg2[%dma_wait3A_87] : memref<802816xi32, #tpu.memory_space<hbm>> -> memref<1568xi32, #tpu.memory_space<hbm>>
        %dma_wait3A_89 = arith.constant 0 : i32
        %dma_wait3A_90 = tpu.memref_slice %arg2[%dma_wait3A_89] : memref<802816xi32, #tpu.memory_space<hbm>> -> memref<1568xi32, #tpu.memory_space<hbm>>
        tpu.wait_dma2 semaphore(%arg23 : memref<!tpu.dma_semaphore, #tpu.memory_space<semaphore_mem>>) src(%dma_wait3A_90 : memref<1568xi32, #tpu.memory_space<hbm>>) dst(%arg12 : memref<1568xi32, #tpu.memory_space<vmem>>)
        %dma_wait3A_91 = arith.constant 0 : i32
        %dma_wait3A_92 = tpu.memref_slice %arg2[%dma_wait3A_91] : memref<802816xi32, #tpu.memory_space<hbm>> -> memref<1568xi32, #tpu.memory_space<hbm>>
        %dma_wait3A_93 = arith.constant 0 : i32
        %dma_wait3A_94 = tpu.memref_slice %arg2[%dma_wait3A_93] : memref<802816xi32, #tpu.memory_space<hbm>> -> memref<1568xi32, #tpu.memory_space<hbm>>
        tpu.wait_dma2 semaphore(%arg23 : memref<!tpu.dma_semaphore, #tpu.memory_space<semaphore_mem>>) src(%dma_wait3A_94 : memref<1568xi32, #tpu.memory_space<hbm>>) dst(%arg14 : memref<1568xi32, #tpu.memory_space<vmem>>)
        %lt3A = arith.constant 15 : i32
        %lt3A_95 = arith.cmpi slt, %scan3A_41, %lt3A : i32
        %convert_element_type3A_96 = arith.extui %lt3A_95 : i1 to i32
        %cond3A_97 = arith.constant 0 : i32
        %cond3A_98 = arith.cmpi ne, %convert_element_type3A_96, %cond3A_97 : i32
        scf.if %cond3A_98 {
          %dma_start3A_110 = arith.constant 0 : i32
          %dma_start3A_111 = arith.constant 0 : i32
          %dma_start3A_112 = tpu.memref_slice %arg4[%dma_start3A_110, %dma_start3A_111] : memref<50176x16xf32, #tpu.memory_space<hbm>> -> memref<50176x16xf32, #tpu.memory_space<hbm>>
          tpu.enqueue_indirect_dma source(%dma_start3A_112 : memref<50176x16xf32, #tpu.memory_space<hbm>>) target(%arg16 : memref<1568x16xf32, #tpu.memory_space<vmem>>) offsets(%arg12 : memref<1568xi32, #tpu.memory_space<vmem>>) semaphore(%arg19 : memref<!tpu.dma_semaphore, #tpu.memory_space<semaphore_mem>>)
        } else {
        }
        %dma_wait3A_99 = arith.constant 0 : i32
        %dma_wait3A_100 = arith.constant 0 : i32
        %dma_wait3A_101 = tpu.memref_slice %arg4[%dma_wait3A_99, %dma_wait3A_100] : memref<50176x16xf32, #tpu.memory_space<hbm>> -> memref<1568x16xf32, #tpu.memory_space<hbm>>
        %dma_wait3A_102 = arith.constant 0 : i32
        %dma_wait3A_103 = arith.constant 0 : i32
        %dma_wait3A_104 = tpu.memref_slice %arg4[%dma_wait3A_102, %dma_wait3A_103] : memref<50176x16xf32, #tpu.memory_space<hbm>> -> memref<1568x16xf32, #tpu.memory_space<hbm>>
        tpu.wait_dma2 semaphore(%arg22 : memref<!tpu.dma_semaphore, #tpu.memory_space<semaphore_mem>>) src(%dma_wait3A_104 : memref<1568x16xf32, #tpu.memory_space<hbm>>) dst(%arg16 : memref<1568x16xf32, #tpu.memory_space<vmem>>)
        %lt3A_105 = arith.constant 15 : i32
        %lt3A_106 = arith.cmpi slt, %scan3A_41, %lt3A_105 : i32
        %convert_element_type3A_107 = arith.extui %lt3A_106 : i1 to i32
        %cond3A_108 = arith.constant 0 : i32
        %cond3A_109 = arith.cmpi ne, %convert_element_type3A_107, %cond3A_108 : i32
        scf.if %cond3A_109 {
          %mul3A_110 = arith.constant 2 : i32
          %mul3A_111 = arith.muli %mul3A_110, %scan3A_41 : i32
          %add3A_112 = arith.constant 3 : i32
          %add3A_113 = arith.addi %mul3A_111, %add3A_112 : i32
          %mul3A_114 = arith.constant 1568 : i32
          %mul3A_115 = arith.muli %add3A_113, %mul3A_114 : i32
          %add3A_116 = arith.addi %mul3A_21, %mul3A_115 : i32
          %min3A_117 = arith.minsi %add3A_116, %add3A_22 : i32
          %dma_start3A_118 = tpu.memref_slice %arg2[%min3A_117] : memref<802816xi32, #tpu.memory_space<hbm>> -> memref<1568xi32, #tpu.memory_space<hbm>>
          %dma_start3A_119 = tpu.memref_slice %arg2[%min3A_117] : memref<802816xi32, #tpu.memory_space<hbm>> -> memref<1568xi32, #tpu.memory_space<hbm>>
          tpu.enqueue_dma source(%dma_start3A_119 : memref<1568xi32, #tpu.memory_space<hbm>>) target(%arg13 : memref<1568xi32, #tpu.memory_space<vmem>>) target_semaphore(%arg23 : memref<!tpu.dma_semaphore, #tpu.memory_space<semaphore_mem>>)
          %dma_start3A_120 = tpu.memref_slice %arg3[%min3A_117] : memref<802816xi32, #tpu.memory_space<hbm>> -> memref<1568xi32, #tpu.memory_space<hbm>>
          %dma_start3A_121 = tpu.memref_slice %arg3[%min3A_117] : memref<802816xi32, #tpu.memory_space<hbm>> -> memref<1568xi32, #tpu.memory_space<hbm>>
          tpu.enqueue_dma source(%dma_start3A_121 : memref<1568xi32, #tpu.memory_space<hbm>>) target(%arg15 : memref<1568xi32, #tpu.memory_space<vmem>>) target_semaphore(%arg23 : memref<!tpu.dma_semaphore, #tpu.memory_space<semaphore_mem>>)
        } else {
        }
      }
      %scan3A_35 = arith.constant 16 : i32
      %barrier3A_36 = arith.constant 0 : index
      tpu.barrier barrier_id(%barrier3A_36)
      %mul3A_37 = arith.constant 3136 : i32
      %mul3A_38 = arith.muli %arg1, %mul3A_37 : i32
      %mul3A_39 = arith.constant 3136 : i32
      %mul3A_40 = arith.muli %arg1, %mul3A_39 : i32
      "tpu.region"() ({
        %run_scoped3A = tpu.sem_alloc : memref<!tpu.dma_semaphore, #tpu.memory_space<semaphore_mem>>
        %dma_start3A_41 = arith.constant 0 : i32
        %dma_start3A_42 = tpu.memref_slice %arg8[%mul3A_40, %dma_start3A_41] : memref<50176x16xf32, #tpu.memory_space<hbm>> -> memref<3136x16xf32, #tpu.memory_space<hbm>>
        %dma_start3A_43 = arith.constant 0 : i32
        %dma_start3A_44 = tpu.memref_slice %arg18[%mul3A_38, %dma_start3A_43] : memref<50176x16xf32, #tpu.memory_space<vmem_shared>> -> memref<3136x16xf32, #tpu.memory_space<vmem_shared>>
        tpu.enqueue_dma source(%dma_start3A_44 : memref<3136x16xf32, #tpu.memory_space<vmem_shared>>) target(%dma_start3A_42 : memref<3136x16xf32, #tpu.memory_space<hbm>>) target_semaphore(%run_scoped3A : memref<!tpu.dma_semaphore, #tpu.memory_space<semaphore_mem>>)
        %dma_wait3A = arith.constant 0 : i32
        %dma_wait3A_45 = tpu.memref_slice %arg8[%mul3A_40, %dma_wait3A] : memref<50176x16xf32, #tpu.memory_space<hbm>> -> memref<3136x16xf32, #tpu.memory_space<hbm>>
        %dma_wait3A_46 = arith.constant 0 : i32
        %dma_wait3A_47 = tpu.memref_slice %arg18[%mul3A_38, %dma_wait3A_46] : memref<50176x16xf32, #tpu.memory_space<vmem_shared>> -> memref<3136x16xf32, #tpu.memory_space<vmem_shared>>
        tpu.wait_dma2 semaphore(%run_scoped3A : memref<!tpu.dma_semaphore, #tpu.memory_space<semaphore_mem>>) src(%dma_wait3A_47 : memref<3136x16xf32, #tpu.memory_space<vmem_shared>>) dst(%dma_wait3A_45 : memref<3136x16xf32, #tpu.memory_space<hbm>>)
        tpu.yield
      }) : () -> ()
    } else {
    }
    %eq3A_2 = arith.constant 0 : i32
    %eq3A_3 = arith.cmpi eq, %arg0, %eq3A_2 : i32
    %convert_element_type3A_4 = arith.extui %eq3A_3 : i1 to i32
    %cond3A_5 = arith.constant 0 : i32
    %cond3A_6 = arith.cmpi ne, %convert_element_type3A_4, %cond3A_5 : i32
    scf.if %cond3A_6 {
      %mul3A = arith.constant 3136 : i32
      %mul3A_17 = arith.muli %arg1, %mul3A : i32
      %mul3A_18 = arith.constant 3136 : i32
      %mul3A_19 = arith.muli %arg1, %mul3A_18 : i32
      "tpu.region"() ({
        %run_scoped3A = tpu.sem_alloc : memref<!tpu.dma_semaphore, #tpu.memory_space<semaphore_mem>>
        %dma_start3A_41 = arith.constant 0 : i32
        %dma_start3A_42 = tpu.memref_slice %arg18[%mul3A_19, %dma_start3A_41] : memref<50176x16xf32, #tpu.memory_space<vmem_shared>> -> memref<3136x16xf32, #tpu.memory_space<vmem_shared>>
        %dma_start3A_43 = arith.constant 0 : i32
        %dma_start3A_44 = tpu.memref_slice %arg5[%mul3A_17, %dma_start3A_43] : memref<50176x16xf32, #tpu.memory_space<hbm>> -> memref<3136x16xf32, #tpu.memory_space<hbm>>
        tpu.enqueue_dma source(%dma_start3A_44 : memref<3136x16xf32, #tpu.memory_space<hbm>>) target(%dma_start3A_42 : memref<3136x16xf32, #tpu.memory_space<vmem_shared>>) target_semaphore(%run_scoped3A : memref<!tpu.dma_semaphore, #tpu.memory_space<semaphore_mem>>)
        %dma_wait3A = arith.constant 0 : i32
        %dma_wait3A_45 = tpu.memref_slice %arg18[%mul3A_19, %dma_wait3A] : memref<50176x16xf32, #tpu.memory_space<vmem_shared>> -> memref<3136x16xf32, #tpu.memory_space<vmem_shared>>
        %dma_wait3A_46 = arith.constant 0 : i32
        %dma_wait3A_47 = tpu.memref_slice %arg5[%mul3A_17, %dma_wait3A_46] : memref<50176x16xf32, #tpu.memory_space<hbm>> -> memref<3136x16xf32, #tpu.memory_space<hbm>>
        tpu.wait_dma2 semaphore(%run_scoped3A : memref<!tpu.dma_semaphore, #tpu.memory_space<semaphore_mem>>) src(%dma_wait3A_47 : memref<3136x16xf32, #tpu.memory_space<hbm>>) dst(%dma_wait3A_45 : memref<3136x16xf32, #tpu.memory_space<vmem_shared>>)
        tpu.yield
      }) : () -> ()
      %barrier3A = arith.constant 0 : index
      tpu.barrier barrier_id(%barrier3A)
      %mul3A_20 = arith.constant 50176 : i32
      %mul3A_21 = arith.muli %arg1, %mul3A_20 : i32
      %add3A = arith.constant 48608 : i32
      %add3A_22 = arith.addi %mul3A_21, %add3A : i32
      "tpu.region"() ({
        %run_scoped3A = tpu.sem_alloc : memref<!tpu.dma_semaphore, #tpu.memory_space<semaphore_mem>>
        %dma_start3A_41 = tpu.memref_slice %arg2[%mul3A_21] : memref<802816xi32, #tpu.memory_space<hbm>> -> memref<1568xi32, #tpu.memory_space<hbm>>
        %dma_start3A_42 = tpu.memref_slice %arg2[%mul3A_21] : memref<802816xi32, #tpu.memory_space<hbm>> -> memref<1568xi32, #tpu.memory_space<hbm>>
        tpu.enqueue_dma source(%dma_start3A_42 : memref<1568xi32, #tpu.memory_space<hbm>>) target(%arg12 : memref<1568xi32, #tpu.memory_space<vmem>>) target_semaphore(%run_scoped3A : memref<!tpu.dma_semaphore, #tpu.memory_space<semaphore_mem>>)
        %dma_wait3A = tpu.memref_slice %arg2[%mul3A_21] : memref<802816xi32, #tpu.memory_space<hbm>> -> memref<1568xi32, #tpu.memory_space<hbm>>
        %dma_wait3A_43 = tpu.memref_slice %arg2[%mul3A_21] : memref<802816xi32, #tpu.memory_space<hbm>> -> memref<1568xi32, #tpu.memory_space<hbm>>
        tpu.wait_dma2 semaphore(%run_scoped3A : memref<!tpu.dma_semaphore, #tpu.memory_space<semaphore_mem>>) src(%dma_wait3A_43 : memref<1568xi32, #tpu.memory_space<hbm>>) dst(%arg12 : memref<1568xi32, #tpu.memory_space<vmem>>)
        tpu.yield
      }) : () -> ()
      "tpu.region"() ({
        %run_scoped3A = tpu.sem_alloc : memref<!tpu.dma_semaphore, #tpu.memory_space<semaphore_mem>>
        %dma_start3A_41 = tpu.memref_slice %arg3[%mul3A_21] : memref<802816xi32, #tpu.memory_space<hbm>> -> memref<1568xi32, #tpu.memory_space<hbm>>
        %dma_start3A_42 = tpu.memref_slice %arg3[%mul3A_21] : memref<802816xi32, #tpu.memory_space<hbm>> -> memref<1568xi32, #tpu.memory_space<hbm>>
        tpu.enqueue_dma source(%dma_start3A_42 : memref<1568xi32, #tpu.memory_space<hbm>>) target(%arg14 : memref<1568xi32, #tpu.memory_space<vmem>>) target_semaphore(%run_scoped3A : memref<!tpu.dma_semaphore, #tpu.memory_space<semaphore_mem>>)
        %dma_wait3A = tpu.memref_slice %arg3[%mul3A_21] : memref<802816xi32, #tpu.memory_space<hbm>> -> memref<1568xi32, #tpu.memory_space<hbm>>
        %dma_wait3A_43 = tpu.memref_slice %arg3[%mul3A_21] : memref<802816xi32, #tpu.memory_space<hbm>> -> memref<1568xi32, #tpu.memory_space<hbm>>
        tpu.wait_dma2 semaphore(%run_scoped3A : memref<!tpu.dma_semaphore, #tpu.memory_space<semaphore_mem>>) src(%dma_wait3A_43 : memref<1568xi32, #tpu.memory_space<hbm>>) dst(%arg14 : memref<1568xi32, #tpu.memory_space<vmem>>)
        tpu.yield
      }) : () -> ()
      %dma_start3A = arith.constant 0 : i32
      %dma_start3A_23 = arith.constant 0 : i32
      %dma_start3A_24 = tpu.memref_slice %arg5[%dma_start3A, %dma_start3A_23] : memref<50176x16xf32, #tpu.memory_space<hbm>> -> memref<50176x16xf32, #tpu.memory_space<hbm>>
      tpu.enqueue_indirect_dma source(%dma_start3A_24 : memref<50176x16xf32, #tpu.memory_space<hbm>>) target(%arg16 : memref<1568x16xf32, #tpu.memory_space<vmem>>) offsets(%arg12 : memref<1568xi32, #tpu.memory_space<vmem>>) semaphore(%arg19 : memref<!tpu.dma_semaphore, #tpu.memory_space<semaphore_mem>>)
      %add3A_25 = arith.constant 1568 : i32
      %add3A_26 = arith.addi %mul3A_21, %add3A_25 : i32
      %dma_start3A_27 = tpu.memref_slice %arg2[%add3A_26] : memref<802816xi32, #tpu.memory_space<hbm>> -> memref<1568xi32, #tpu.memory_space<hbm>>
      %dma_start3A_28 = tpu.memref_slice %arg2[%add3A_26] : memref<802816xi32, #tpu.memory_space<hbm>> -> memref<1568xi32, #tpu.memory_space<hbm>>
      tpu.enqueue_dma source(%dma_start3A_28 : memref<1568xi32, #tpu.memory_space<hbm>>) target(%arg13 : memref<1568xi32, #tpu.memory_space<vmem>>) target_semaphore(%arg23 : memref<!tpu.dma_semaphore, #tpu.memory_space<semaphore_mem>>)
      %dma_start3A_29 = tpu.memref_slice %arg3[%add3A_26] : memref<802816xi32, #tpu.memory_space<hbm>> -> memref<1568xi32, #tpu.memory_space<hbm>>
      %dma_start3A_30 = tpu.memref_slice %arg3[%add3A_26] : memref<802816xi32, #tpu.memory_space<hbm>> -> memref<1568xi32, #tpu.memory_space<hbm>>
      tpu.enqueue_dma source(%dma_start3A_30 : memref<1568xi32, #tpu.memory_space<hbm>>) target(%arg15 : memref<1568xi32, #tpu.memory_space<vmem>>) target_semaphore(%arg23 : memref<!tpu.dma_semaphore, #tpu.memory_space<semaphore_mem>>)
      %scan3A = arith.constant 0 : i32
      %scan3A_31 = arith.constant 0 : i32
      %scan3A_32 = arith.constant 16 : i32
      %scan3A_33 = arith.addi %scan3A_31, %scan3A_32 : i32
      %scan3A_34 = arith.constant 1 : i32
      scf.for %scan3A_41 = %scan3A_31 to %scan3A_33 step %scan3A_34  : i32 {
        %dma_wait3A = arith.constant 0 : i32
        %dma_wait3A_42 = arith.constant 0 : i32
        %dma_wait3A_43 = tpu.memref_slice %arg5[%dma_wait3A, %dma_wait3A_42] : memref<50176x16xf32, #tpu.memory_space<hbm>> -> memref<1568x16xf32, #tpu.memory_space<hbm>>
        %dma_wait3A_44 = arith.constant 0 : i32
        %dma_wait3A_45 = arith.constant 0 : i32
        %dma_wait3A_46 = tpu.memref_slice %arg5[%dma_wait3A_44, %dma_wait3A_45] : memref<50176x16xf32, #tpu.memory_space<hbm>> -> memref<1568x16xf32, #tpu.memory_space<hbm>>
        tpu.wait_dma2 semaphore(%arg19 : memref<!tpu.dma_semaphore, #tpu.memory_space<semaphore_mem>>) src(%dma_wait3A_46 : memref<1568x16xf32, #tpu.memory_space<hbm>>) dst(%arg16 : memref<1568x16xf32, #tpu.memory_space<vmem>>)
        %dma_start3A_47 = arith.constant 0 : i32
        %dma_start3A_48 = arith.constant 0 : i32
        %dma_start3A_49 = tpu.memref_slice %arg18[%dma_start3A_47, %dma_start3A_48] : memref<50176x16xf32, #tpu.memory_space<vmem_shared>> -> memref<50176x16xf32, #tpu.memory_space<vmem_shared>>
        tpu.enqueue_indirect_dma source(%arg16 : memref<1568x16xf32, #tpu.memory_space<vmem>>) target(%dma_start3A_49 : memref<50176x16xf32, #tpu.memory_space<vmem_shared>>) offsets(%arg14 : memref<1568xi32, #tpu.memory_space<vmem>>) semaphore(%arg21 : memref<!tpu.dma_semaphore, #tpu.memory_space<semaphore_mem>>) {add = true}
        %dma_wait3A_50 = arith.constant 0 : i32
        %dma_wait3A_51 = tpu.memref_slice %arg2[%dma_wait3A_50] : memref<802816xi32, #tpu.memory_space<hbm>> -> memref<1568xi32, #tpu.memory_space<hbm>>
        %dma_wait3A_52 = arith.constant 0 : i32
        %dma_wait3A_53 = tpu.memref_slice %arg2[%dma_wait3A_52] : memref<802816xi32, #tpu.memory_space<hbm>> -> memref<1568xi32, #tpu.memory_space<hbm>>
        tpu.wait_dma2 semaphore(%arg23 : memref<!tpu.dma_semaphore, #tpu.memory_space<semaphore_mem>>) src(%dma_wait3A_53 : memref<1568xi32, #tpu.memory_space<hbm>>) dst(%arg12 : memref<1568xi32, #tpu.memory_space<vmem>>)
        %dma_wait3A_54 = arith.constant 0 : i32
        %dma_wait3A_55 = tpu.memref_slice %arg2[%dma_wait3A_54] : memref<802816xi32, #tpu.memory_space<hbm>> -> memref<1568xi32, #tpu.memory_space<hbm>>
        %dma_wait3A_56 = arith.constant 0 : i32
        %dma_wait3A_57 = tpu.memref_slice %arg2[%dma_wait3A_56] : memref<802816xi32, #tpu.memory_space<hbm>> -> memref<1568xi32, #tpu.memory_space<hbm>>
        tpu.wait_dma2 semaphore(%arg23 : memref<!tpu.dma_semaphore, #tpu.memory_space<semaphore_mem>>) src(%dma_wait3A_57 : memref<1568xi32, #tpu.memory_space<hbm>>) dst(%arg14 : memref<1568xi32, #tpu.memory_space<vmem>>)
        %dma_start3A_58 = arith.constant 0 : i32
        %dma_start3A_59 = arith.constant 0 : i32
        %dma_start3A_60 = tpu.memref_slice %arg5[%dma_start3A_58, %dma_start3A_59] : memref<50176x16xf32, #tpu.memory_space<hbm>> -> memref<50176x16xf32, #tpu.memory_space<hbm>>
        tpu.enqueue_indirect_dma source(%dma_start3A_60 : memref<50176x16xf32, #tpu.memory_space<hbm>>) target(%arg17 : memref<1568x16xf32, #tpu.memory_space<vmem>>) offsets(%arg13 : memref<1568xi32, #tpu.memory_space<vmem>>) semaphore(%arg20 : memref<!tpu.dma_semaphore, #tpu.memory_space<semaphore_mem>>)
        %dma_wait3A_61 = arith.constant 0 : i32
        %dma_wait3A_62 = arith.constant 0 : i32
        %dma_wait3A_63 = tpu.memref_slice %arg5[%dma_wait3A_61, %dma_wait3A_62] : memref<50176x16xf32, #tpu.memory_space<hbm>> -> memref<1568x16xf32, #tpu.memory_space<hbm>>
        %dma_wait3A_64 = arith.constant 0 : i32
        %dma_wait3A_65 = arith.constant 0 : i32
        %dma_wait3A_66 = tpu.memref_slice %arg5[%dma_wait3A_64, %dma_wait3A_65] : memref<50176x16xf32, #tpu.memory_space<hbm>> -> memref<1568x16xf32, #tpu.memory_space<hbm>>
        tpu.wait_dma2 semaphore(%arg21 : memref<!tpu.dma_semaphore, #tpu.memory_space<semaphore_mem>>) src(%dma_wait3A_66 : memref<1568x16xf32, #tpu.memory_space<hbm>>) dst(%arg16 : memref<1568x16xf32, #tpu.memory_space<vmem>>)
        %mul3A_67 = arith.constant 2 : i32
        %mul3A_68 = arith.muli %mul3A_67, %scan3A_41 : i32
        %add3A_69 = arith.constant 2 : i32
        %add3A_70 = arith.addi %mul3A_68, %add3A_69 : i32
        %mul3A_71 = arith.constant 1568 : i32
        %mul3A_72 = arith.muli %add3A_70, %mul3A_71 : i32
        %add3A_73 = arith.addi %mul3A_21, %mul3A_72 : i32
        %min3A = arith.minsi %add3A_73, %add3A_22 : i32
        %dma_start3A_74 = tpu.memref_slice %arg2[%min3A] : memref<802816xi32, #tpu.memory_space<hbm>> -> memref<1568xi32, #tpu.memory_space<hbm>>
        %dma_start3A_75 = tpu.memref_slice %arg2[%min3A] : memref<802816xi32, #tpu.memory_space<hbm>> -> memref<1568xi32, #tpu.memory_space<hbm>>
        tpu.enqueue_dma source(%dma_start3A_75 : memref<1568xi32, #tpu.memory_space<hbm>>) target(%arg12 : memref<1568xi32, #tpu.memory_space<vmem>>) target_semaphore(%arg23 : memref<!tpu.dma_semaphore, #tpu.memory_space<semaphore_mem>>)
        %dma_start3A_76 = tpu.memref_slice %arg3[%min3A] : memref<802816xi32, #tpu.memory_space<hbm>> -> memref<1568xi32, #tpu.memory_space<hbm>>
        %dma_start3A_77 = tpu.memref_slice %arg3[%min3A] : memref<802816xi32, #tpu.memory_space<hbm>> -> memref<1568xi32, #tpu.memory_space<hbm>>
        tpu.enqueue_dma source(%dma_start3A_77 : memref<1568xi32, #tpu.memory_space<hbm>>) target(%arg14 : memref<1568xi32, #tpu.memory_space<vmem>>) target_semaphore(%arg23 : memref<!tpu.dma_semaphore, #tpu.memory_space<semaphore_mem>>)
        %dma_wait3A_78 = arith.constant 0 : i32
        %dma_wait3A_79 = arith.constant 0 : i32
        %dma_wait3A_80 = tpu.memref_slice %arg5[%dma_wait3A_78, %dma_wait3A_79] : memref<50176x16xf32, #tpu.memory_space<hbm>> -> memref<1568x16xf32, #tpu.memory_space<hbm>>
        %dma_wait3A_81 = arith.constant 0 : i32
        %dma_wait3A_82 = arith.constant 0 : i32
        %dma_wait3A_83 = tpu.memref_slice %arg5[%dma_wait3A_81, %dma_wait3A_82] : memref<50176x16xf32, #tpu.memory_space<hbm>> -> memref<1568x16xf32, #tpu.memory_space<hbm>>
        tpu.wait_dma2 semaphore(%arg20 : memref<!tpu.dma_semaphore, #tpu.memory_space<semaphore_mem>>) src(%dma_wait3A_83 : memref<1568x16xf32, #tpu.memory_space<hbm>>) dst(%arg16 : memref<1568x16xf32, #tpu.memory_space<vmem>>)
        %dma_start3A_84 = arith.constant 0 : i32
        %dma_start3A_85 = arith.constant 0 : i32
        %dma_start3A_86 = tpu.memref_slice %arg18[%dma_start3A_84, %dma_start3A_85] : memref<50176x16xf32, #tpu.memory_space<vmem_shared>> -> memref<50176x16xf32, #tpu.memory_space<vmem_shared>>
        tpu.enqueue_indirect_dma source(%arg17 : memref<1568x16xf32, #tpu.memory_space<vmem>>) target(%dma_start3A_86 : memref<50176x16xf32, #tpu.memory_space<vmem_shared>>) offsets(%arg15 : memref<1568xi32, #tpu.memory_space<vmem>>) semaphore(%arg22 : memref<!tpu.dma_semaphore, #tpu.memory_space<semaphore_mem>>) {add = true}
        %dma_wait3A_87 = arith.constant 0 : i32
        %dma_wait3A_88 = tpu.memref_slice %arg2[%dma_wait3A_87] : memref<802816xi32, #tpu.memory_space<hbm>> -> memref<1568xi32, #tpu.memory_space<hbm>>
        %dma_wait3A_89 = arith.constant 0 : i32
        %dma_wait3A_90 = tpu.memref_slice %arg2[%dma_wait3A_89] : memref<802816xi32, #tpu.memory_space<hbm>> -> memref<1568xi32, #tpu.memory_space<hbm>>
        tpu.wait_dma2 semaphore(%arg23 : memref<!tpu.dma_semaphore, #tpu.memory_space<semaphore_mem>>) src(%dma_wait3A_90 : memref<1568xi32, #tpu.memory_space<hbm>>) dst(%arg12 : memref<1568xi32, #tpu.memory_space<vmem>>)
        %dma_wait3A_91 = arith.constant 0 : i32
        %dma_wait3A_92 = tpu.memref_slice %arg2[%dma_wait3A_91] : memref<802816xi32, #tpu.memory_space<hbm>> -> memref<1568xi32, #tpu.memory_space<hbm>>
        %dma_wait3A_93 = arith.constant 0 : i32
        %dma_wait3A_94 = tpu.memref_slice %arg2[%dma_wait3A_93] : memref<802816xi32, #tpu.memory_space<hbm>> -> memref<1568xi32, #tpu.memory_space<hbm>>
        tpu.wait_dma2 semaphore(%arg23 : memref<!tpu.dma_semaphore, #tpu.memory_space<semaphore_mem>>) src(%dma_wait3A_94 : memref<1568xi32, #tpu.memory_space<hbm>>) dst(%arg14 : memref<1568xi32, #tpu.memory_space<vmem>>)
        %lt3A = arith.constant 15 : i32
        %lt3A_95 = arith.cmpi slt, %scan3A_41, %lt3A : i32
        %convert_element_type3A_96 = arith.extui %lt3A_95 : i1 to i32
        %cond3A_97 = arith.constant 0 : i32
        %cond3A_98 = arith.cmpi ne, %convert_element_type3A_96, %cond3A_97 : i32
        scf.if %cond3A_98 {
          %dma_start3A_110 = arith.constant 0 : i32
          %dma_start3A_111 = arith.constant 0 : i32
          %dma_start3A_112 = tpu.memref_slice %arg5[%dma_start3A_110, %dma_start3A_111] : memref<50176x16xf32, #tpu.memory_space<hbm>> -> memref<50176x16xf32, #tpu.memory_space<hbm>>
          tpu.enqueue_indirect_dma source(%dma_start3A_112 : memref<50176x16xf32, #tpu.memory_space<hbm>>) target(%arg16 : memref<1568x16xf32, #tpu.memory_space<vmem>>) offsets(%arg12 : memref<1568xi32, #tpu.memory_space<vmem>>) semaphore(%arg19 : memref<!tpu.dma_semaphore, #tpu.memory_space<semaphore_mem>>)
        } else {
        }
        %dma_wait3A_99 = arith.constant 0 : i32
        %dma_wait3A_100 = arith.constant 0 : i32
        %dma_wait3A_101 = tpu.memref_slice %arg5[%dma_wait3A_99, %dma_wait3A_100] : memref<50176x16xf32, #tpu.memory_space<hbm>> -> memref<1568x16xf32, #tpu.memory_space<hbm>>
        %dma_wait3A_102 = arith.constant 0 : i32
        %dma_wait3A_103 = arith.constant 0 : i32
        %dma_wait3A_104 = tpu.memref_slice %arg5[%dma_wait3A_102, %dma_wait3A_103] : memref<50176x16xf32, #tpu.memory_space<hbm>> -> memref<1568x16xf32, #tpu.memory_space<hbm>>
        tpu.wait_dma2 semaphore(%arg22 : memref<!tpu.dma_semaphore, #tpu.memory_space<semaphore_mem>>) src(%dma_wait3A_104 : memref<1568x16xf32, #tpu.memory_space<hbm>>) dst(%arg16 : memref<1568x16xf32, #tpu.memory_space<vmem>>)
        %lt3A_105 = arith.constant 15 : i32
        %lt3A_106 = arith.cmpi slt, %scan3A_41, %lt3A_105 : i32
        %convert_element_type3A_107 = arith.extui %lt3A_106 : i1 to i32
        %cond3A_108 = arith.constant 0 : i32
        %cond3A_109 = arith.cmpi ne, %convert_element_type3A_107, %cond3A_108 : i32
        scf.if %cond3A_109 {
          %mul3A_110 = arith.constant 2 : i32
          %mul3A_111 = arith.muli %mul3A_110, %scan3A_41 : i32
          %add3A_112 = arith.constant 3 : i32
          %add3A_113 = arith.addi %mul3A_111, %add3A_112 : i32
          %mul3A_114 = arith.constant 1568 : i32
          %mul3A_115 = arith.muli %add3A_113, %mul3A_114 : i32
          %add3A_116 = arith.addi %mul3A_21, %mul3A_115 : i32
          %min3A_117 = arith.minsi %add3A_116, %add3A_22 : i32
          %dma_start3A_118 = tpu.memref_slice %arg2[%min3A_117] : memref<802816xi32, #tpu.memory_space<hbm>> -> memref<1568xi32, #tpu.memory_space<hbm>>
          %dma_start3A_119 = tpu.memref_slice %arg2[%min3A_117] : memref<802816xi32, #tpu.memory_space<hbm>> -> memref<1568xi32, #tpu.memory_space<hbm>>
          tpu.enqueue_dma source(%dma_start3A_119 : memref<1568xi32, #tpu.memory_space<hbm>>) target(%arg13 : memref<1568xi32, #tpu.memory_space<vmem>>) target_semaphore(%arg23 : memref<!tpu.dma_semaphore, #tpu.memory_space<semaphore_mem>>)
          %dma_start3A_120 = tpu.memref_slice %arg3[%min3A_117] : memref<802816xi32, #tpu.memory_space<hbm>> -> memref<1568xi32, #tpu.memory_space<hbm>>
          %dma_start3A_121 = tpu.memref_slice %arg3[%min3A_117] : memref<802816xi32, #tpu.memory_space<hbm>> -> memref<1568xi32, #tpu.memory_space<hbm>>
          tpu.enqueue_dma source(%dma_start3A_121 : memref<1568xi32, #tpu.memory_space<hbm>>) target(%arg15 : memref<1568xi32, #tpu.memory_space<vmem>>) target_semaphore(%arg23 : memref<!tpu.dma_semaphore, #tpu.memory_space<semaphore_mem>>)
        } else {
        }
      }
      %scan3A_35 = arith.constant 16 : i32
      %barrier3A_36 = arith.constant 0 : index
      tpu.barrier barrier_id(%barrier3A_36)
      %mul3A_37 = arith.constant 3136 : i32
      %mul3A_38 = arith.muli %arg1, %mul3A_37 : i32
      %mul3A_39 = arith.constant 3136 : i32
      %mul3A_40 = arith.muli %arg1, %mul3A_39 : i32
      "tpu.region"() ({
        %run_scoped3A = tpu.sem_alloc : memref<!tpu.dma_semaphore, #tpu.memory_space<semaphore_mem>>
        %dma_start3A_41 = arith.constant 0 : i32
        %dma_start3A_42 = tpu.memref_slice %arg9[%mul3A_40, %dma_start3A_41] : memref<50176x16xf32, #tpu.memory_space<hbm>> -> memref<3136x16xf32, #tpu.memory_space<hbm>>
        %dma_start3A_43 = arith.constant 0 : i32
        %dma_start3A_44 = tpu.memref_slice %arg18[%mul3A_38, %dma_start3A_43] : memref<50176x16xf32, #tpu.memory_space<vmem_shared>> -> memref<3136x16xf32, #tpu.memory_space<vmem_shared>>
        tpu.enqueue_dma source(%dma_start3A_44 : memref<3136x16xf32, #tpu.memory_space<vmem_shared>>) target(%dma_start3A_42 : memref<3136x16xf32, #tpu.memory_space<hbm>>) target_semaphore(%run_scoped3A : memref<!tpu.dma_semaphore, #tpu.memory_space<semaphore_mem>>)
        %dma_wait3A = arith.constant 0 : i32
        %dma_wait3A_45 = tpu.memref_slice %arg9[%mul3A_40, %dma_wait3A] : memref<50176x16xf32, #tpu.memory_space<hbm>> -> memref<3136x16xf32, #tpu.memory_space<hbm>>
        %dma_wait3A_46 = arith.constant 0 : i32
        %dma_wait3A_47 = tpu.memref_slice %arg18[%mul3A_38, %dma_wait3A_46] : memref<50176x16xf32, #tpu.memory_space<vmem_shared>> -> memref<3136x16xf32, #tpu.memory_space<vmem_shared>>
        tpu.wait_dma2 semaphore(%run_scoped3A : memref<!tpu.dma_semaphore, #tpu.memory_space<semaphore_mem>>) src(%dma_wait3A_47 : memref<3136x16xf32, #tpu.memory_space<vmem_shared>>) dst(%dma_wait3A_45 : memref<3136x16xf32, #tpu.memory_space<hbm>>)
        tpu.yield
      }) : () -> ()
    } else {
    }
    %eq3A_7 = arith.constant 1 : i32
    %eq3A_8 = arith.cmpi eq, %arg0, %eq3A_7 : i32
    %convert_element_type3A_9 = arith.extui %eq3A_8 : i1 to i32
    %cond3A_10 = arith.constant 0 : i32
    %cond3A_11 = arith.cmpi ne, %convert_element_type3A_9, %cond3A_10 : i32
    scf.if %cond3A_11 {
      %mul3A = arith.constant 3136 : i32
      %mul3A_17 = arith.muli %arg1, %mul3A : i32
      %mul3A_18 = arith.constant 3136 : i32
      %mul3A_19 = arith.muli %arg1, %mul3A_18 : i32
      "tpu.region"() ({
        %run_scoped3A = tpu.sem_alloc : memref<!tpu.dma_semaphore, #tpu.memory_space<semaphore_mem>>
        %dma_start3A_41 = arith.constant 0 : i32
        %dma_start3A_42 = tpu.memref_slice %arg18[%mul3A_19, %dma_start3A_41] : memref<50176x16xf32, #tpu.memory_space<vmem_shared>> -> memref<3136x16xf32, #tpu.memory_space<vmem_shared>>
        %dma_start3A_43 = arith.constant 0 : i32
        %dma_start3A_44 = tpu.memref_slice %arg6[%mul3A_17, %dma_start3A_43] : memref<50176x16xf32, #tpu.memory_space<hbm>> -> memref<3136x16xf32, #tpu.memory_space<hbm>>
        tpu.enqueue_dma source(%dma_start3A_44 : memref<3136x16xf32, #tpu.memory_space<hbm>>) target(%dma_start3A_42 : memref<3136x16xf32, #tpu.memory_space<vmem_shared>>) target_semaphore(%run_scoped3A : memref<!tpu.dma_semaphore, #tpu.memory_space<semaphore_mem>>)
        %dma_wait3A = arith.constant 0 : i32
        %dma_wait3A_45 = tpu.memref_slice %arg18[%mul3A_19, %dma_wait3A] : memref<50176x16xf32, #tpu.memory_space<vmem_shared>> -> memref<3136x16xf32, #tpu.memory_space<vmem_shared>>
        %dma_wait3A_46 = arith.constant 0 : i32
        %dma_wait3A_47 = tpu.memref_slice %arg6[%mul3A_17, %dma_wait3A_46] : memref<50176x16xf32, #tpu.memory_space<hbm>> -> memref<3136x16xf32, #tpu.memory_space<hbm>>
        tpu.wait_dma2 semaphore(%run_scoped3A : memref<!tpu.dma_semaphore, #tpu.memory_space<semaphore_mem>>) src(%dma_wait3A_47 : memref<3136x16xf32, #tpu.memory_space<hbm>>) dst(%dma_wait3A_45 : memref<3136x16xf32, #tpu.memory_space<vmem_shared>>)
        tpu.yield
      }) : () -> ()
      %barrier3A = arith.constant 0 : index
      tpu.barrier barrier_id(%barrier3A)
      %mul3A_20 = arith.constant 50176 : i32
      %mul3A_21 = arith.muli %arg1, %mul3A_20 : i32
      %add3A = arith.constant 48608 : i32
      %add3A_22 = arith.addi %mul3A_21, %add3A : i32
      "tpu.region"() ({
        %run_scoped3A = tpu.sem_alloc : memref<!tpu.dma_semaphore, #tpu.memory_space<semaphore_mem>>
        %dma_start3A_41 = tpu.memref_slice %arg2[%mul3A_21] : memref<802816xi32, #tpu.memory_space<hbm>> -> memref<1568xi32, #tpu.memory_space<hbm>>
        %dma_start3A_42 = tpu.memref_slice %arg2[%mul3A_21] : memref<802816xi32, #tpu.memory_space<hbm>> -> memref<1568xi32, #tpu.memory_space<hbm>>
        tpu.enqueue_dma source(%dma_start3A_42 : memref<1568xi32, #tpu.memory_space<hbm>>) target(%arg12 : memref<1568xi32, #tpu.memory_space<vmem>>) target_semaphore(%run_scoped3A : memref<!tpu.dma_semaphore, #tpu.memory_space<semaphore_mem>>)
        %dma_wait3A = tpu.memref_slice %arg2[%mul3A_21] : memref<802816xi32, #tpu.memory_space<hbm>> -> memref<1568xi32, #tpu.memory_space<hbm>>
        %dma_wait3A_43 = tpu.memref_slice %arg2[%mul3A_21] : memref<802816xi32, #tpu.memory_space<hbm>> -> memref<1568xi32, #tpu.memory_space<hbm>>
        tpu.wait_dma2 semaphore(%run_scoped3A : memref<!tpu.dma_semaphore, #tpu.memory_space<semaphore_mem>>) src(%dma_wait3A_43 : memref<1568xi32, #tpu.memory_space<hbm>>) dst(%arg12 : memref<1568xi32, #tpu.memory_space<vmem>>)
        tpu.yield
      }) : () -> ()
      "tpu.region"() ({
        %run_scoped3A = tpu.sem_alloc : memref<!tpu.dma_semaphore, #tpu.memory_space<semaphore_mem>>
        %dma_start3A_41 = tpu.memref_slice %arg3[%mul3A_21] : memref<802816xi32, #tpu.memory_space<hbm>> -> memref<1568xi32, #tpu.memory_space<hbm>>
        %dma_start3A_42 = tpu.memref_slice %arg3[%mul3A_21] : memref<802816xi32, #tpu.memory_space<hbm>> -> memref<1568xi32, #tpu.memory_space<hbm>>
        tpu.enqueue_dma source(%dma_start3A_42 : memref<1568xi32, #tpu.memory_space<hbm>>) target(%arg14 : memref<1568xi32, #tpu.memory_space<vmem>>) target_semaphore(%run_scoped3A : memref<!tpu.dma_semaphore, #tpu.memory_space<semaphore_mem>>)
        %dma_wait3A = tpu.memref_slice %arg3[%mul3A_21] : memref<802816xi32, #tpu.memory_space<hbm>> -> memref<1568xi32, #tpu.memory_space<hbm>>
        %dma_wait3A_43 = tpu.memref_slice %arg3[%mul3A_21] : memref<802816xi32, #tpu.memory_space<hbm>> -> memref<1568xi32, #tpu.memory_space<hbm>>
        tpu.wait_dma2 semaphore(%run_scoped3A : memref<!tpu.dma_semaphore, #tpu.memory_space<semaphore_mem>>) src(%dma_wait3A_43 : memref<1568xi32, #tpu.memory_space<hbm>>) dst(%arg14 : memref<1568xi32, #tpu.memory_space<vmem>>)
        tpu.yield
      }) : () -> ()
      %dma_start3A = arith.constant 0 : i32
      %dma_start3A_23 = arith.constant 0 : i32
      %dma_start3A_24 = tpu.memref_slice %arg6[%dma_start3A, %dma_start3A_23] : memref<50176x16xf32, #tpu.memory_space<hbm>> -> memref<50176x16xf32, #tpu.memory_space<hbm>>
      tpu.enqueue_indirect_dma source(%dma_start3A_24 : memref<50176x16xf32, #tpu.memory_space<hbm>>) target(%arg16 : memref<1568x16xf32, #tpu.memory_space<vmem>>) offsets(%arg12 : memref<1568xi32, #tpu.memory_space<vmem>>) semaphore(%arg19 : memref<!tpu.dma_semaphore, #tpu.memory_space<semaphore_mem>>)
      %add3A_25 = arith.constant 1568 : i32
      %add3A_26 = arith.addi %mul3A_21, %add3A_25 : i32
      %dma_start3A_27 = tpu.memref_slice %arg2[%add3A_26] : memref<802816xi32, #tpu.memory_space<hbm>> -> memref<1568xi32, #tpu.memory_space<hbm>>
      %dma_start3A_28 = tpu.memref_slice %arg2[%add3A_26] : memref<802816xi32, #tpu.memory_space<hbm>> -> memref<1568xi32, #tpu.memory_space<hbm>>
      tpu.enqueue_dma source(%dma_start3A_28 : memref<1568xi32, #tpu.memory_space<hbm>>) target(%arg13 : memref<1568xi32, #tpu.memory_space<vmem>>) target_semaphore(%arg23 : memref<!tpu.dma_semaphore, #tpu.memory_space<semaphore_mem>>)
      %dma_start3A_29 = tpu.memref_slice %arg3[%add3A_26] : memref<802816xi32, #tpu.memory_space<hbm>> -> memref<1568xi32, #tpu.memory_space<hbm>>
      %dma_start3A_30 = tpu.memref_slice %arg3[%add3A_26] : memref<802816xi32, #tpu.memory_space<hbm>> -> memref<1568xi32, #tpu.memory_space<hbm>>
      tpu.enqueue_dma source(%dma_start3A_30 : memref<1568xi32, #tpu.memory_space<hbm>>) target(%arg15 : memref<1568xi32, #tpu.memory_space<vmem>>) target_semaphore(%arg23 : memref<!tpu.dma_semaphore, #tpu.memory_space<semaphore_mem>>)
      %scan3A = arith.constant 0 : i32
      %scan3A_31 = arith.constant 0 : i32
      %scan3A_32 = arith.constant 16 : i32
      %scan3A_33 = arith.addi %scan3A_31, %scan3A_32 : i32
      %scan3A_34 = arith.constant 1 : i32
      scf.for %scan3A_41 = %scan3A_31 to %scan3A_33 step %scan3A_34  : i32 {
        %dma_wait3A = arith.constant 0 : i32
        %dma_wait3A_42 = arith.constant 0 : i32
        %dma_wait3A_43 = tpu.memref_slice %arg6[%dma_wait3A, %dma_wait3A_42] : memref<50176x16xf32, #tpu.memory_space<hbm>> -> memref<1568x16xf32, #tpu.memory_space<hbm>>
        %dma_wait3A_44 = arith.constant 0 : i32
        %dma_wait3A_45 = arith.constant 0 : i32
        %dma_wait3A_46 = tpu.memref_slice %arg6[%dma_wait3A_44, %dma_wait3A_45] : memref<50176x16xf32, #tpu.memory_space<hbm>> -> memref<1568x16xf32, #tpu.memory_space<hbm>>
        tpu.wait_dma2 semaphore(%arg19 : memref<!tpu.dma_semaphore, #tpu.memory_space<semaphore_mem>>) src(%dma_wait3A_46 : memref<1568x16xf32, #tpu.memory_space<hbm>>) dst(%arg16 : memref<1568x16xf32, #tpu.memory_space<vmem>>)
        %dma_start3A_47 = arith.constant 0 : i32
        %dma_start3A_48 = arith.constant 0 : i32
        %dma_start3A_49 = tpu.memref_slice %arg18[%dma_start3A_47, %dma_start3A_48] : memref<50176x16xf32, #tpu.memory_space<vmem_shared>> -> memref<50176x16xf32, #tpu.memory_space<vmem_shared>>
        tpu.enqueue_indirect_dma source(%arg16 : memref<1568x16xf32, #tpu.memory_space<vmem>>) target(%dma_start3A_49 : memref<50176x16xf32, #tpu.memory_space<vmem_shared>>) offsets(%arg14 : memref<1568xi32, #tpu.memory_space<vmem>>) semaphore(%arg21 : memref<!tpu.dma_semaphore, #tpu.memory_space<semaphore_mem>>) {add = true}
        %dma_wait3A_50 = arith.constant 0 : i32
        %dma_wait3A_51 = tpu.memref_slice %arg2[%dma_wait3A_50] : memref<802816xi32, #tpu.memory_space<hbm>> -> memref<1568xi32, #tpu.memory_space<hbm>>
        %dma_wait3A_52 = arith.constant 0 : i32
        %dma_wait3A_53 = tpu.memref_slice %arg2[%dma_wait3A_52] : memref<802816xi32, #tpu.memory_space<hbm>> -> memref<1568xi32, #tpu.memory_space<hbm>>
        tpu.wait_dma2 semaphore(%arg23 : memref<!tpu.dma_semaphore, #tpu.memory_space<semaphore_mem>>) src(%dma_wait3A_53 : memref<1568xi32, #tpu.memory_space<hbm>>) dst(%arg12 : memref<1568xi32, #tpu.memory_space<vmem>>)
        %dma_wait3A_54 = arith.constant 0 : i32
        %dma_wait3A_55 = tpu.memref_slice %arg2[%dma_wait3A_54] : memref<802816xi32, #tpu.memory_space<hbm>> -> memref<1568xi32, #tpu.memory_space<hbm>>
        %dma_wait3A_56 = arith.constant 0 : i32
        %dma_wait3A_57 = tpu.memref_slice %arg2[%dma_wait3A_56] : memref<802816xi32, #tpu.memory_space<hbm>> -> memref<1568xi32, #tpu.memory_space<hbm>>
        tpu.wait_dma2 semaphore(%arg23 : memref<!tpu.dma_semaphore, #tpu.memory_space<semaphore_mem>>) src(%dma_wait3A_57 : memref<1568xi32, #tpu.memory_space<hbm>>) dst(%arg14 : memref<1568xi32, #tpu.memory_space<vmem>>)
        %dma_start3A_58 = arith.constant 0 : i32
        %dma_start3A_59 = arith.constant 0 : i32
        %dma_start3A_60 = tpu.memref_slice %arg6[%dma_start3A_58, %dma_start3A_59] : memref<50176x16xf32, #tpu.memory_space<hbm>> -> memref<50176x16xf32, #tpu.memory_space<hbm>>
        tpu.enqueue_indirect_dma source(%dma_start3A_60 : memref<50176x16xf32, #tpu.memory_space<hbm>>) target(%arg17 : memref<1568x16xf32, #tpu.memory_space<vmem>>) offsets(%arg13 : memref<1568xi32, #tpu.memory_space<vmem>>) semaphore(%arg20 : memref<!tpu.dma_semaphore, #tpu.memory_space<semaphore_mem>>)
        %dma_wait3A_61 = arith.constant 0 : i32
        %dma_wait3A_62 = arith.constant 0 : i32
        %dma_wait3A_63 = tpu.memref_slice %arg6[%dma_wait3A_61, %dma_wait3A_62] : memref<50176x16xf32, #tpu.memory_space<hbm>> -> memref<1568x16xf32, #tpu.memory_space<hbm>>
        %dma_wait3A_64 = arith.constant 0 : i32
        %dma_wait3A_65 = arith.constant 0 : i32
        %dma_wait3A_66 = tpu.memref_slice %arg6[%dma_wait3A_64, %dma_wait3A_65] : memref<50176x16xf32, #tpu.memory_space<hbm>> -> memref<1568x16xf32, #tpu.memory_space<hbm>>
        tpu.wait_dma2 semaphore(%arg21 : memref<!tpu.dma_semaphore, #tpu.memory_space<semaphore_mem>>) src(%dma_wait3A_66 : memref<1568x16xf32, #tpu.memory_space<hbm>>) dst(%arg16 : memref<1568x16xf32, #tpu.memory_space<vmem>>)
        %mul3A_67 = arith.constant 2 : i32
        %mul3A_68 = arith.muli %mul3A_67, %scan3A_41 : i32
        %add3A_69 = arith.constant 2 : i32
        %add3A_70 = arith.addi %mul3A_68, %add3A_69 : i32
        %mul3A_71 = arith.constant 1568 : i32
        %mul3A_72 = arith.muli %add3A_70, %mul3A_71 : i32
        %add3A_73 = arith.addi %mul3A_21, %mul3A_72 : i32
        %min3A = arith.minsi %add3A_73, %add3A_22 : i32
        %dma_start3A_74 = tpu.memref_slice %arg2[%min3A] : memref<802816xi32, #tpu.memory_space<hbm>> -> memref<1568xi32, #tpu.memory_space<hbm>>
        %dma_start3A_75 = tpu.memref_slice %arg2[%min3A] : memref<802816xi32, #tpu.memory_space<hbm>> -> memref<1568xi32, #tpu.memory_space<hbm>>
        tpu.enqueue_dma source(%dma_start3A_75 : memref<1568xi32, #tpu.memory_space<hbm>>) target(%arg12 : memref<1568xi32, #tpu.memory_space<vmem>>) target_semaphore(%arg23 : memref<!tpu.dma_semaphore, #tpu.memory_space<semaphore_mem>>)
        %dma_start3A_76 = tpu.memref_slice %arg3[%min3A] : memref<802816xi32, #tpu.memory_space<hbm>> -> memref<1568xi32, #tpu.memory_space<hbm>>
        %dma_start3A_77 = tpu.memref_slice %arg3[%min3A] : memref<802816xi32, #tpu.memory_space<hbm>> -> memref<1568xi32, #tpu.memory_space<hbm>>
        tpu.enqueue_dma source(%dma_start3A_77 : memref<1568xi32, #tpu.memory_space<hbm>>) target(%arg14 : memref<1568xi32, #tpu.memory_space<vmem>>) target_semaphore(%arg23 : memref<!tpu.dma_semaphore, #tpu.memory_space<semaphore_mem>>)
        %dma_wait3A_78 = arith.constant 0 : i32
        %dma_wait3A_79 = arith.constant 0 : i32
        %dma_wait3A_80 = tpu.memref_slice %arg6[%dma_wait3A_78, %dma_wait3A_79] : memref<50176x16xf32, #tpu.memory_space<hbm>> -> memref<1568x16xf32, #tpu.memory_space<hbm>>
        %dma_wait3A_81 = arith.constant 0 : i32
        %dma_wait3A_82 = arith.constant 0 : i32
        %dma_wait3A_83 = tpu.memref_slice %arg6[%dma_wait3A_81, %dma_wait3A_82] : memref<50176x16xf32, #tpu.memory_space<hbm>> -> memref<1568x16xf32, #tpu.memory_space<hbm>>
        tpu.wait_dma2 semaphore(%arg20 : memref<!tpu.dma_semaphore, #tpu.memory_space<semaphore_mem>>) src(%dma_wait3A_83 : memref<1568x16xf32, #tpu.memory_space<hbm>>) dst(%arg16 : memref<1568x16xf32, #tpu.memory_space<vmem>>)
        %dma_start3A_84 = arith.constant 0 : i32
        %dma_start3A_85 = arith.constant 0 : i32
        %dma_start3A_86 = tpu.memref_slice %arg18[%dma_start3A_84, %dma_start3A_85] : memref<50176x16xf32, #tpu.memory_space<vmem_shared>> -> memref<50176x16xf32, #tpu.memory_space<vmem_shared>>
        tpu.enqueue_indirect_dma source(%arg17 : memref<1568x16xf32, #tpu.memory_space<vmem>>) target(%dma_start3A_86 : memref<50176x16xf32, #tpu.memory_space<vmem_shared>>) offsets(%arg15 : memref<1568xi32, #tpu.memory_space<vmem>>) semaphore(%arg22 : memref<!tpu.dma_semaphore, #tpu.memory_space<semaphore_mem>>) {add = true}
        %dma_wait3A_87 = arith.constant 0 : i32
        %dma_wait3A_88 = tpu.memref_slice %arg2[%dma_wait3A_87] : memref<802816xi32, #tpu.memory_space<hbm>> -> memref<1568xi32, #tpu.memory_space<hbm>>
        %dma_wait3A_89 = arith.constant 0 : i32
        %dma_wait3A_90 = tpu.memref_slice %arg2[%dma_wait3A_89] : memref<802816xi32, #tpu.memory_space<hbm>> -> memref<1568xi32, #tpu.memory_space<hbm>>
        tpu.wait_dma2 semaphore(%arg23 : memref<!tpu.dma_semaphore, #tpu.memory_space<semaphore_mem>>) src(%dma_wait3A_90 : memref<1568xi32, #tpu.memory_space<hbm>>) dst(%arg12 : memref<1568xi32, #tpu.memory_space<vmem>>)
        %dma_wait3A_91 = arith.constant 0 : i32
        %dma_wait3A_92 = tpu.memref_slice %arg2[%dma_wait3A_91] : memref<802816xi32, #tpu.memory_space<hbm>> -> memref<1568xi32, #tpu.memory_space<hbm>>
        %dma_wait3A_93 = arith.constant 0 : i32
        %dma_wait3A_94 = tpu.memref_slice %arg2[%dma_wait3A_93] : memref<802816xi32, #tpu.memory_space<hbm>> -> memref<1568xi32, #tpu.memory_space<hbm>>
        tpu.wait_dma2 semaphore(%arg23 : memref<!tpu.dma_semaphore, #tpu.memory_space<semaphore_mem>>) src(%dma_wait3A_94 : memref<1568xi32, #tpu.memory_space<hbm>>) dst(%arg14 : memref<1568xi32, #tpu.memory_space<vmem>>)
        %lt3A = arith.constant 15 : i32
        %lt3A_95 = arith.cmpi slt, %scan3A_41, %lt3A : i32
        %convert_element_type3A_96 = arith.extui %lt3A_95 : i1 to i32
        %cond3A_97 = arith.constant 0 : i32
        %cond3A_98 = arith.cmpi ne, %convert_element_type3A_96, %cond3A_97 : i32
        scf.if %cond3A_98 {
          %dma_start3A_110 = arith.constant 0 : i32
          %dma_start3A_111 = arith.constant 0 : i32
          %dma_start3A_112 = tpu.memref_slice %arg6[%dma_start3A_110, %dma_start3A_111] : memref<50176x16xf32, #tpu.memory_space<hbm>> -> memref<50176x16xf32, #tpu.memory_space<hbm>>
          tpu.enqueue_indirect_dma source(%dma_start3A_112 : memref<50176x16xf32, #tpu.memory_space<hbm>>) target(%arg16 : memref<1568x16xf32, #tpu.memory_space<vmem>>) offsets(%arg12 : memref<1568xi32, #tpu.memory_space<vmem>>) semaphore(%arg19 : memref<!tpu.dma_semaphore, #tpu.memory_space<semaphore_mem>>)
        } else {
        }
        %dma_wait3A_99 = arith.constant 0 : i32
        %dma_wait3A_100 = arith.constant 0 : i32
        %dma_wait3A_101 = tpu.memref_slice %arg6[%dma_wait3A_99, %dma_wait3A_100] : memref<50176x16xf32, #tpu.memory_space<hbm>> -> memref<1568x16xf32, #tpu.memory_space<hbm>>
        %dma_wait3A_102 = arith.constant 0 : i32
        %dma_wait3A_103 = arith.constant 0 : i32
        %dma_wait3A_104 = tpu.memref_slice %arg6[%dma_wait3A_102, %dma_wait3A_103] : memref<50176x16xf32, #tpu.memory_space<hbm>> -> memref<1568x16xf32, #tpu.memory_space<hbm>>
        tpu.wait_dma2 semaphore(%arg22 : memref<!tpu.dma_semaphore, #tpu.memory_space<semaphore_mem>>) src(%dma_wait3A_104 : memref<1568x16xf32, #tpu.memory_space<hbm>>) dst(%arg16 : memref<1568x16xf32, #tpu.memory_space<vmem>>)
        %lt3A_105 = arith.constant 15 : i32
        %lt3A_106 = arith.cmpi slt, %scan3A_41, %lt3A_105 : i32
        %convert_element_type3A_107 = arith.extui %lt3A_106 : i1 to i32
        %cond3A_108 = arith.constant 0 : i32
        %cond3A_109 = arith.cmpi ne, %convert_element_type3A_107, %cond3A_108 : i32
        scf.if %cond3A_109 {
          %mul3A_110 = arith.constant 2 : i32
          %mul3A_111 = arith.muli %mul3A_110, %scan3A_41 : i32
          %add3A_112 = arith.constant 3 : i32
          %add3A_113 = arith.addi %mul3A_111, %add3A_112 : i32
          %mul3A_114 = arith.constant 1568 : i32
          %mul3A_115 = arith.muli %add3A_113, %mul3A_114 : i32
          %add3A_116 = arith.addi %mul3A_21, %mul3A_115 : i32
          %min3A_117 = arith.minsi %add3A_116, %add3A_22 : i32
          %dma_start3A_118 = tpu.memref_slice %arg2[%min3A_117] : memref<802816xi32, #tpu.memory_space<hbm>> -> memref<1568xi32, #tpu.memory_space<hbm>>
          %dma_start3A_119 = tpu.memref_slice %arg2[%min3A_117] : memref<802816xi32, #tpu.memory_space<hbm>> -> memref<1568xi32, #tpu.memory_space<hbm>>
          tpu.enqueue_dma source(%dma_start3A_119 : memref<1568xi32, #tpu.memory_space<hbm>>) target(%arg13 : memref<1568xi32, #tpu.memory_space<vmem>>) target_semaphore(%arg23 : memref<!tpu.dma_semaphore, #tpu.memory_space<semaphore_mem>>)
          %dma_start3A_120 = tpu.memref_slice %arg3[%min3A_117] : memref<802816xi32, #tpu.memory_space<hbm>> -> memref<1568xi32, #tpu.memory_space<hbm>>
          %dma_start3A_121 = tpu.memref_slice %arg3[%min3A_117] : memref<802816xi32, #tpu.memory_space<hbm>> -> memref<1568xi32, #tpu.memory_space<hbm>>
          tpu.enqueue_dma source(%dma_start3A_121 : memref<1568xi32, #tpu.memory_space<hbm>>) target(%arg15 : memref<1568xi32, #tpu.memory_space<vmem>>) target_semaphore(%arg23 : memref<!tpu.dma_semaphore, #tpu.memory_space<semaphore_mem>>)
        } else {
        }
      }
      %scan3A_35 = arith.constant 16 : i32
      %barrier3A_36 = arith.constant 0 : index
      tpu.barrier barrier_id(%barrier3A_36)
      %mul3A_37 = arith.constant 3136 : i32
      %mul3A_38 = arith.muli %arg1, %mul3A_37 : i32
      %mul3A_39 = arith.constant 3136 : i32
      %mul3A_40 = arith.muli %arg1, %mul3A_39 : i32
      "tpu.region"() ({
        %run_scoped3A = tpu.sem_alloc : memref<!tpu.dma_semaphore, #tpu.memory_space<semaphore_mem>>
        %dma_start3A_41 = arith.constant 0 : i32
        %dma_start3A_42 = tpu.memref_slice %arg10[%mul3A_40, %dma_start3A_41] : memref<50176x16xf32, #tpu.memory_space<hbm>> -> memref<3136x16xf32, #tpu.memory_space<hbm>>
        %dma_start3A_43 = arith.constant 0 : i32
        %dma_start3A_44 = tpu.memref_slice %arg18[%mul3A_38, %dma_start3A_43] : memref<50176x16xf32, #tpu.memory_space<vmem_shared>> -> memref<3136x16xf32, #tpu.memory_space<vmem_shared>>
        tpu.enqueue_dma source(%dma_start3A_44 : memref<3136x16xf32, #tpu.memory_space<vmem_shared>>) target(%dma_start3A_42 : memref<3136x16xf32, #tpu.memory_space<hbm>>) target_semaphore(%run_scoped3A : memref<!tpu.dma_semaphore, #tpu.memory_space<semaphore_mem>>)
        %dma_wait3A = arith.constant 0 : i32
        %dma_wait3A_45 = tpu.memref_slice %arg10[%mul3A_40, %dma_wait3A] : memref<50176x16xf32, #tpu.memory_space<hbm>> -> memref<3136x16xf32, #tpu.memory_space<hbm>>
        %dma_wait3A_46 = arith.constant 0 : i32
        %dma_wait3A_47 = tpu.memref_slice %arg18[%mul3A_38, %dma_wait3A_46] : memref<50176x16xf32, #tpu.memory_space<vmem_shared>> -> memref<3136x16xf32, #tpu.memory_space<vmem_shared>>
        tpu.wait_dma2 semaphore(%run_scoped3A : memref<!tpu.dma_semaphore, #tpu.memory_space<semaphore_mem>>) src(%dma_wait3A_47 : memref<3136x16xf32, #tpu.memory_space<vmem_shared>>) dst(%dma_wait3A_45 : memref<3136x16xf32, #tpu.memory_space<hbm>>)
        tpu.yield
      }) : () -> ()
    } else {
    }
    %eq3A_12 = arith.constant 1 : i32
    %eq3A_13 = arith.cmpi eq, %arg0, %eq3A_12 : i32
    %convert_element_type3A_14 = arith.extui %eq3A_13 : i1 to i32
    %cond3A_15 = arith.constant 0 : i32
    %cond3A_16 = arith.cmpi ne, %convert_element_type3A_14, %cond3A_15 : i32
    scf.if %cond3A_16 {
      %mul3A = arith.constant 3136 : i32
      %mul3A_17 = arith.muli %arg1, %mul3A : i32
      %mul3A_18 = arith.constant 3136 : i32
      %mul3A_19 = arith.muli %arg1, %mul3A_18 : i32
      "tpu.region"() ({
        %run_scoped3A = tpu.sem_alloc : memref<!tpu.dma_semaphore, #tpu.memory_space<semaphore_mem>>
        %dma_start3A_41 = arith.constant 0 : i32
        %dma_start3A_42 = tpu.memref_slice %arg18[%mul3A_19, %dma_start3A_41] : memref<50176x16xf32, #tpu.memory_space<vmem_shared>> -> memref<3136x16xf32, #tpu.memory_space<vmem_shared>>
        %dma_start3A_43 = arith.constant 0 : i32
        %dma_start3A_44 = tpu.memref_slice %arg7[%mul3A_17, %dma_start3A_43] : memref<50176x16xf32, #tpu.memory_space<hbm>> -> memref<3136x16xf32, #tpu.memory_space<hbm>>
        tpu.enqueue_dma source(%dma_start3A_44 : memref<3136x16xf32, #tpu.memory_space<hbm>>) target(%dma_start3A_42 : memref<3136x16xf32, #tpu.memory_space<vmem_shared>>) target_semaphore(%run_scoped3A : memref<!tpu.dma_semaphore, #tpu.memory_space<semaphore_mem>>)
        %dma_wait3A = arith.constant 0 : i32
        %dma_wait3A_45 = tpu.memref_slice %arg18[%mul3A_19, %dma_wait3A] : memref<50176x16xf32, #tpu.memory_space<vmem_shared>> -> memref<3136x16xf32, #tpu.memory_space<vmem_shared>>
        %dma_wait3A_46 = arith.constant 0 : i32
        %dma_wait3A_47 = tpu.memref_slice %arg7[%mul3A_17, %dma_wait3A_46] : memref<50176x16xf32, #tpu.memory_space<hbm>> -> memref<3136x16xf32, #tpu.memory_space<hbm>>
        tpu.wait_dma2 semaphore(%run_scoped3A : memref<!tpu.dma_semaphore, #tpu.memory_space<semaphore_mem>>) src(%dma_wait3A_47 : memref<3136x16xf32, #tpu.memory_space<hbm>>) dst(%dma_wait3A_45 : memref<3136x16xf32, #tpu.memory_space<vmem_shared>>)
        tpu.yield
      }) : () -> ()
      %barrier3A = arith.constant 0 : index
      tpu.barrier barrier_id(%barrier3A)
      %mul3A_20 = arith.constant 50176 : i32
      %mul3A_21 = arith.muli %arg1, %mul3A_20 : i32
      %add3A = arith.constant 48608 : i32
      %add3A_22 = arith.addi %mul3A_21, %add3A : i32
      "tpu.region"() ({
        %run_scoped3A = tpu.sem_alloc : memref<!tpu.dma_semaphore, #tpu.memory_space<semaphore_mem>>
        %dma_start3A_41 = tpu.memref_slice %arg2[%mul3A_21] : memref<802816xi32, #tpu.memory_space<hbm>> -> memref<1568xi32, #tpu.memory_space<hbm>>
        %dma_start3A_42 = tpu.memref_slice %arg2[%mul3A_21] : memref<802816xi32, #tpu.memory_space<hbm>> -> memref<1568xi32, #tpu.memory_space<hbm>>
        tpu.enqueue_dma source(%dma_start3A_42 : memref<1568xi32, #tpu.memory_space<hbm>>) target(%arg12 : memref<1568xi32, #tpu.memory_space<vmem>>) target_semaphore(%run_scoped3A : memref<!tpu.dma_semaphore, #tpu.memory_space<semaphore_mem>>)
        %dma_wait3A = tpu.memref_slice %arg2[%mul3A_21] : memref<802816xi32, #tpu.memory_space<hbm>> -> memref<1568xi32, #tpu.memory_space<hbm>>
        %dma_wait3A_43 = tpu.memref_slice %arg2[%mul3A_21] : memref<802816xi32, #tpu.memory_space<hbm>> -> memref<1568xi32, #tpu.memory_space<hbm>>
        tpu.wait_dma2 semaphore(%run_scoped3A : memref<!tpu.dma_semaphore, #tpu.memory_space<semaphore_mem>>) src(%dma_wait3A_43 : memref<1568xi32, #tpu.memory_space<hbm>>) dst(%arg12 : memref<1568xi32, #tpu.memory_space<vmem>>)
        tpu.yield
      }) : () -> ()
      "tpu.region"() ({
        %run_scoped3A = tpu.sem_alloc : memref<!tpu.dma_semaphore, #tpu.memory_space<semaphore_mem>>
        %dma_start3A_41 = tpu.memref_slice %arg3[%mul3A_21] : memref<802816xi32, #tpu.memory_space<hbm>> -> memref<1568xi32, #tpu.memory_space<hbm>>
        %dma_start3A_42 = tpu.memref_slice %arg3[%mul3A_21] : memref<802816xi32, #tpu.memory_space<hbm>> -> memref<1568xi32, #tpu.memory_space<hbm>>
        tpu.enqueue_dma source(%dma_start3A_42 : memref<1568xi32, #tpu.memory_space<hbm>>) target(%arg14 : memref<1568xi32, #tpu.memory_space<vmem>>) target_semaphore(%run_scoped3A : memref<!tpu.dma_semaphore, #tpu.memory_space<semaphore_mem>>)
        %dma_wait3A = tpu.memref_slice %arg3[%mul3A_21] : memref<802816xi32, #tpu.memory_space<hbm>> -> memref<1568xi32, #tpu.memory_space<hbm>>
        %dma_wait3A_43 = tpu.memref_slice %arg3[%mul3A_21] : memref<802816xi32, #tpu.memory_space<hbm>> -> memref<1568xi32, #tpu.memory_space<hbm>>
        tpu.wait_dma2 semaphore(%run_scoped3A : memref<!tpu.dma_semaphore, #tpu.memory_space<semaphore_mem>>) src(%dma_wait3A_43 : memref<1568xi32, #tpu.memory_space<hbm>>) dst(%arg14 : memref<1568xi32, #tpu.memory_space<vmem>>)
        tpu.yield
      }) : () -> ()
      %dma_start3A = arith.constant 0 : i32
      %dma_start3A_23 = arith.constant 0 : i32
      %dma_start3A_24 = tpu.memref_slice %arg7[%dma_start3A, %dma_start3A_23] : memref<50176x16xf32, #tpu.memory_space<hbm>> -> memref<50176x16xf32, #tpu.memory_space<hbm>>
      tpu.enqueue_indirect_dma source(%dma_start3A_24 : memref<50176x16xf32, #tpu.memory_space<hbm>>) target(%arg16 : memref<1568x16xf32, #tpu.memory_space<vmem>>) offsets(%arg12 : memref<1568xi32, #tpu.memory_space<vmem>>) semaphore(%arg19 : memref<!tpu.dma_semaphore, #tpu.memory_space<semaphore_mem>>)
      %add3A_25 = arith.constant 1568 : i32
      %add3A_26 = arith.addi %mul3A_21, %add3A_25 : i32
      %dma_start3A_27 = tpu.memref_slice %arg2[%add3A_26] : memref<802816xi32, #tpu.memory_space<hbm>> -> memref<1568xi32, #tpu.memory_space<hbm>>
      %dma_start3A_28 = tpu.memref_slice %arg2[%add3A_26] : memref<802816xi32, #tpu.memory_space<hbm>> -> memref<1568xi32, #tpu.memory_space<hbm>>
      tpu.enqueue_dma source(%dma_start3A_28 : memref<1568xi32, #tpu.memory_space<hbm>>) target(%arg13 : memref<1568xi32, #tpu.memory_space<vmem>>) target_semaphore(%arg23 : memref<!tpu.dma_semaphore, #tpu.memory_space<semaphore_mem>>)
      %dma_start3A_29 = tpu.memref_slice %arg3[%add3A_26] : memref<802816xi32, #tpu.memory_space<hbm>> -> memref<1568xi32, #tpu.memory_space<hbm>>
      %dma_start3A_30 = tpu.memref_slice %arg3[%add3A_26] : memref<802816xi32, #tpu.memory_space<hbm>> -> memref<1568xi32, #tpu.memory_space<hbm>>
      tpu.enqueue_dma source(%dma_start3A_30 : memref<1568xi32, #tpu.memory_space<hbm>>) target(%arg15 : memref<1568xi32, #tpu.memory_space<vmem>>) target_semaphore(%arg23 : memref<!tpu.dma_semaphore, #tpu.memory_space<semaphore_mem>>)
      %scan3A = arith.constant 0 : i32
      %scan3A_31 = arith.constant 0 : i32
      %scan3A_32 = arith.constant 16 : i32
      %scan3A_33 = arith.addi %scan3A_31, %scan3A_32 : i32
      %scan3A_34 = arith.constant 1 : i32
      scf.for %scan3A_41 = %scan3A_31 to %scan3A_33 step %scan3A_34  : i32 {
        %dma_wait3A = arith.constant 0 : i32
        %dma_wait3A_42 = arith.constant 0 : i32
        %dma_wait3A_43 = tpu.memref_slice %arg7[%dma_wait3A, %dma_wait3A_42] : memref<50176x16xf32, #tpu.memory_space<hbm>> -> memref<1568x16xf32, #tpu.memory_space<hbm>>
        %dma_wait3A_44 = arith.constant 0 : i32
        %dma_wait3A_45 = arith.constant 0 : i32
        %dma_wait3A_46 = tpu.memref_slice %arg7[%dma_wait3A_44, %dma_wait3A_45] : memref<50176x16xf32, #tpu.memory_space<hbm>> -> memref<1568x16xf32, #tpu.memory_space<hbm>>
        tpu.wait_dma2 semaphore(%arg19 : memref<!tpu.dma_semaphore, #tpu.memory_space<semaphore_mem>>) src(%dma_wait3A_46 : memref<1568x16xf32, #tpu.memory_space<hbm>>) dst(%arg16 : memref<1568x16xf32, #tpu.memory_space<vmem>>)
        %dma_start3A_47 = arith.constant 0 : i32
        %dma_start3A_48 = arith.constant 0 : i32
        %dma_start3A_49 = tpu.memref_slice %arg18[%dma_start3A_47, %dma_start3A_48] : memref<50176x16xf32, #tpu.memory_space<vmem_shared>> -> memref<50176x16xf32, #tpu.memory_space<vmem_shared>>
        tpu.enqueue_indirect_dma source(%arg16 : memref<1568x16xf32, #tpu.memory_space<vmem>>) target(%dma_start3A_49 : memref<50176x16xf32, #tpu.memory_space<vmem_shared>>) offsets(%arg14 : memref<1568xi32, #tpu.memory_space<vmem>>) semaphore(%arg21 : memref<!tpu.dma_semaphore, #tpu.memory_space<semaphore_mem>>) {add = true}
        %dma_wait3A_50 = arith.constant 0 : i32
        %dma_wait3A_51 = tpu.memref_slice %arg2[%dma_wait3A_50] : memref<802816xi32, #tpu.memory_space<hbm>> -> memref<1568xi32, #tpu.memory_space<hbm>>
        %dma_wait3A_52 = arith.constant 0 : i32
        %dma_wait3A_53 = tpu.memref_slice %arg2[%dma_wait3A_52] : memref<802816xi32, #tpu.memory_space<hbm>> -> memref<1568xi32, #tpu.memory_space<hbm>>
        tpu.wait_dma2 semaphore(%arg23 : memref<!tpu.dma_semaphore, #tpu.memory_space<semaphore_mem>>) src(%dma_wait3A_53 : memref<1568xi32, #tpu.memory_space<hbm>>) dst(%arg12 : memref<1568xi32, #tpu.memory_space<vmem>>)
        %dma_wait3A_54 = arith.constant 0 : i32
        %dma_wait3A_55 = tpu.memref_slice %arg2[%dma_wait3A_54] : memref<802816xi32, #tpu.memory_space<hbm>> -> memref<1568xi32, #tpu.memory_space<hbm>>
        %dma_wait3A_56 = arith.constant 0 : i32
        %dma_wait3A_57 = tpu.memref_slice %arg2[%dma_wait3A_56] : memref<802816xi32, #tpu.memory_space<hbm>> -> memref<1568xi32, #tpu.memory_space<hbm>>
        tpu.wait_dma2 semaphore(%arg23 : memref<!tpu.dma_semaphore, #tpu.memory_space<semaphore_mem>>) src(%dma_wait3A_57 : memref<1568xi32, #tpu.memory_space<hbm>>) dst(%arg14 : memref<1568xi32, #tpu.memory_space<vmem>>)
        %dma_start3A_58 = arith.constant 0 : i32
        %dma_start3A_59 = arith.constant 0 : i32
        %dma_start3A_60 = tpu.memref_slice %arg7[%dma_start3A_58, %dma_start3A_59] : memref<50176x16xf32, #tpu.memory_space<hbm>> -> memref<50176x16xf32, #tpu.memory_space<hbm>>
        tpu.enqueue_indirect_dma source(%dma_start3A_60 : memref<50176x16xf32, #tpu.memory_space<hbm>>) target(%arg17 : memref<1568x16xf32, #tpu.memory_space<vmem>>) offsets(%arg13 : memref<1568xi32, #tpu.memory_space<vmem>>) semaphore(%arg20 : memref<!tpu.dma_semaphore, #tpu.memory_space<semaphore_mem>>)
        %dma_wait3A_61 = arith.constant 0 : i32
        %dma_wait3A_62 = arith.constant 0 : i32
        %dma_wait3A_63 = tpu.memref_slice %arg7[%dma_wait3A_61, %dma_wait3A_62] : memref<50176x16xf32, #tpu.memory_space<hbm>> -> memref<1568x16xf32, #tpu.memory_space<hbm>>
        %dma_wait3A_64 = arith.constant 0 : i32
        %dma_wait3A_65 = arith.constant 0 : i32
        %dma_wait3A_66 = tpu.memref_slice %arg7[%dma_wait3A_64, %dma_wait3A_65] : memref<50176x16xf32, #tpu.memory_space<hbm>> -> memref<1568x16xf32, #tpu.memory_space<hbm>>
        tpu.wait_dma2 semaphore(%arg21 : memref<!tpu.dma_semaphore, #tpu.memory_space<semaphore_mem>>) src(%dma_wait3A_66 : memref<1568x16xf32, #tpu.memory_space<hbm>>) dst(%arg16 : memref<1568x16xf32, #tpu.memory_space<vmem>>)
        %mul3A_67 = arith.constant 2 : i32
        %mul3A_68 = arith.muli %mul3A_67, %scan3A_41 : i32
        %add3A_69 = arith.constant 2 : i32
        %add3A_70 = arith.addi %mul3A_68, %add3A_69 : i32
        %mul3A_71 = arith.constant 1568 : i32
        %mul3A_72 = arith.muli %add3A_70, %mul3A_71 : i32
        %add3A_73 = arith.addi %mul3A_21, %mul3A_72 : i32
        %min3A = arith.minsi %add3A_73, %add3A_22 : i32
        %dma_start3A_74 = tpu.memref_slice %arg2[%min3A] : memref<802816xi32, #tpu.memory_space<hbm>> -> memref<1568xi32, #tpu.memory_space<hbm>>
        %dma_start3A_75 = tpu.memref_slice %arg2[%min3A] : memref<802816xi32, #tpu.memory_space<hbm>> -> memref<1568xi32, #tpu.memory_space<hbm>>
        tpu.enqueue_dma source(%dma_start3A_75 : memref<1568xi32, #tpu.memory_space<hbm>>) target(%arg12 : memref<1568xi32, #tpu.memory_space<vmem>>) target_semaphore(%arg23 : memref<!tpu.dma_semaphore, #tpu.memory_space<semaphore_mem>>)
        %dma_start3A_76 = tpu.memref_slice %arg3[%min3A] : memref<802816xi32, #tpu.memory_space<hbm>> -> memref<1568xi32, #tpu.memory_space<hbm>>
        %dma_start3A_77 = tpu.memref_slice %arg3[%min3A] : memref<802816xi32, #tpu.memory_space<hbm>> -> memref<1568xi32, #tpu.memory_space<hbm>>
        tpu.enqueue_dma source(%dma_start3A_77 : memref<1568xi32, #tpu.memory_space<hbm>>) target(%arg14 : memref<1568xi32, #tpu.memory_space<vmem>>) target_semaphore(%arg23 : memref<!tpu.dma_semaphore, #tpu.memory_space<semaphore_mem>>)
        %dma_wait3A_78 = arith.constant 0 : i32
        %dma_wait3A_79 = arith.constant 0 : i32
        %dma_wait3A_80 = tpu.memref_slice %arg7[%dma_wait3A_78, %dma_wait3A_79] : memref<50176x16xf32, #tpu.memory_space<hbm>> -> memref<1568x16xf32, #tpu.memory_space<hbm>>
        %dma_wait3A_81 = arith.constant 0 : i32
        %dma_wait3A_82 = arith.constant 0 : i32
        %dma_wait3A_83 = tpu.memref_slice %arg7[%dma_wait3A_81, %dma_wait3A_82] : memref<50176x16xf32, #tpu.memory_space<hbm>> -> memref<1568x16xf32, #tpu.memory_space<hbm>>
        tpu.wait_dma2 semaphore(%arg20 : memref<!tpu.dma_semaphore, #tpu.memory_space<semaphore_mem>>) src(%dma_wait3A_83 : memref<1568x16xf32, #tpu.memory_space<hbm>>) dst(%arg16 : memref<1568x16xf32, #tpu.memory_space<vmem>>)
        %dma_start3A_84 = arith.constant 0 : i32
        %dma_start3A_85 = arith.constant 0 : i32
        %dma_start3A_86 = tpu.memref_slice %arg18[%dma_start3A_84, %dma_start3A_85] : memref<50176x16xf32, #tpu.memory_space<vmem_shared>> -> memref<50176x16xf32, #tpu.memory_space<vmem_shared>>
        tpu.enqueue_indirect_dma source(%arg17 : memref<1568x16xf32, #tpu.memory_space<vmem>>) target(%dma_start3A_86 : memref<50176x16xf32, #tpu.memory_space<vmem_shared>>) offsets(%arg15 : memref<1568xi32, #tpu.memory_space<vmem>>) semaphore(%arg22 : memref<!tpu.dma_semaphore, #tpu.memory_space<semaphore_mem>>) {add = true}
        %dma_wait3A_87 = arith.constant 0 : i32
        %dma_wait3A_88 = tpu.memref_slice %arg2[%dma_wait3A_87] : memref<802816xi32, #tpu.memory_space<hbm>> -> memref<1568xi32, #tpu.memory_space<hbm>>
        %dma_wait3A_89 = arith.constant 0 : i32
        %dma_wait3A_90 = tpu.memref_slice %arg2[%dma_wait3A_89] : memref<802816xi32, #tpu.memory_space<hbm>> -> memref<1568xi32, #tpu.memory_space<hbm>>
        tpu.wait_dma2 semaphore(%arg23 : memref<!tpu.dma_semaphore, #tpu.memory_space<semaphore_mem>>) src(%dma_wait3A_90 : memref<1568xi32, #tpu.memory_space<hbm>>) dst(%arg12 : memref<1568xi32, #tpu.memory_space<vmem>>)
        %dma_wait3A_91 = arith.constant 0 : i32
        %dma_wait3A_92 = tpu.memref_slice %arg2[%dma_wait3A_91] : memref<802816xi32, #tpu.memory_space<hbm>> -> memref<1568xi32, #tpu.memory_space<hbm>>
        %dma_wait3A_93 = arith.constant 0 : i32
        %dma_wait3A_94 = tpu.memref_slice %arg2[%dma_wait3A_93] : memref<802816xi32, #tpu.memory_space<hbm>> -> memref<1568xi32, #tpu.memory_space<hbm>>
        tpu.wait_dma2 semaphore(%arg23 : memref<!tpu.dma_semaphore, #tpu.memory_space<semaphore_mem>>) src(%dma_wait3A_94 : memref<1568xi32, #tpu.memory_space<hbm>>) dst(%arg14 : memref<1568xi32, #tpu.memory_space<vmem>>)
        %lt3A = arith.constant 15 : i32
        %lt3A_95 = arith.cmpi slt, %scan3A_41, %lt3A : i32
        %convert_element_type3A_96 = arith.extui %lt3A_95 : i1 to i32
        %cond3A_97 = arith.constant 0 : i32
        %cond3A_98 = arith.cmpi ne, %convert_element_type3A_96, %cond3A_97 : i32
        scf.if %cond3A_98 {
          %dma_start3A_110 = arith.constant 0 : i32
          %dma_start3A_111 = arith.constant 0 : i32
          %dma_start3A_112 = tpu.memref_slice %arg7[%dma_start3A_110, %dma_start3A_111] : memref<50176x16xf32, #tpu.memory_space<hbm>> -> memref<50176x16xf32, #tpu.memory_space<hbm>>
          tpu.enqueue_indirect_dma source(%dma_start3A_112 : memref<50176x16xf32, #tpu.memory_space<hbm>>) target(%arg16 : memref<1568x16xf32, #tpu.memory_space<vmem>>) offsets(%arg12 : memref<1568xi32, #tpu.memory_space<vmem>>) semaphore(%arg19 : memref<!tpu.dma_semaphore, #tpu.memory_space<semaphore_mem>>)
        } else {
        }
        %dma_wait3A_99 = arith.constant 0 : i32
        %dma_wait3A_100 = arith.constant 0 : i32
        %dma_wait3A_101 = tpu.memref_slice %arg7[%dma_wait3A_99, %dma_wait3A_100] : memref<50176x16xf32, #tpu.memory_space<hbm>> -> memref<1568x16xf32, #tpu.memory_space<hbm>>
        %dma_wait3A_102 = arith.constant 0 : i32
        %dma_wait3A_103 = arith.constant 0 : i32
        %dma_wait3A_104 = tpu.memref_slice %arg7[%dma_wait3A_102, %dma_wait3A_103] : memref<50176x16xf32, #tpu.memory_space<hbm>> -> memref<1568x16xf32, #tpu.memory_space<hbm>>
        tpu.wait_dma2 semaphore(%arg22 : memref<!tpu.dma_semaphore, #tpu.memory_space<semaphore_mem>>) src(%dma_wait3A_104 : memref<1568x16xf32, #tpu.memory_space<hbm>>) dst(%arg16 : memref<1568x16xf32, #tpu.memory_space<vmem>>)
        %lt3A_105 = arith.constant 15 : i32
        %lt3A_106 = arith.cmpi slt, %scan3A_41, %lt3A_105 : i32
        %convert_element_type3A_107 = arith.extui %lt3A_106 : i1 to i32
        %cond3A_108 = arith.constant 0 : i32
        %cond3A_109 = arith.cmpi ne, %convert_element_type3A_107, %cond3A_108 : i32
        scf.if %cond3A_109 {
          %mul3A_110 = arith.constant 2 : i32
          %mul3A_111 = arith.muli %mul3A_110, %scan3A_41 : i32
          %add3A_112 = arith.constant 3 : i32
          %add3A_113 = arith.addi %mul3A_111, %add3A_112 : i32
          %mul3A_114 = arith.constant 1568 : i32
          %mul3A_115 = arith.muli %add3A_113, %mul3A_114 : i32
          %add3A_116 = arith.addi %mul3A_21, %mul3A_115 : i32
          %min3A_117 = arith.minsi %add3A_116, %add3A_22 : i32
          %dma_start3A_118 = tpu.memref_slice %arg2[%min3A_117] : memref<802816xi32, #tpu.memory_space<hbm>> -> memref<1568xi32, #tpu.memory_space<hbm>>
          %dma_start3A_119 = tpu.memref_slice %arg2[%min3A_117] : memref<802816xi32, #tpu.memory_space<hbm>> -> memref<1568xi32, #tpu.memory_space<hbm>>
          tpu.enqueue_dma source(%dma_start3A_119 : memref<1568xi32, #tpu.memory_space<hbm>>) target(%arg13 : memref<1568xi32, #tpu.memory_space<vmem>>) target_semaphore(%arg23 : memref<!tpu.dma_semaphore, #tpu.memory_space<semaphore_mem>>)
          %dma_start3A_120 = tpu.memref_slice %arg3[%min3A_117] : memref<802816xi32, #tpu.memory_space<hbm>> -> memref<1568xi32, #tpu.memory_space<hbm>>
          %dma_start3A_121 = tpu.memref_slice %arg3[%min3A_117] : memref<802816xi32, #tpu.memory_space<hbm>> -> memref<1568xi32, #tpu.memory_space<hbm>>
          tpu.enqueue_dma source(%dma_start3A_121 : memref<1568xi32, #tpu.memory_space<hbm>>) target(%arg15 : memref<1568xi32, #tpu.memory_space<vmem>>) target_semaphore(%arg23 : memref<!tpu.dma_semaphore, #tpu.memory_space<semaphore_mem>>)
        } else {
        }
      }
      %scan3A_35 = arith.constant 16 : i32
      %barrier3A_36 = arith.constant 0 : index
      tpu.barrier barrier_id(%barrier3A_36)
      %mul3A_37 = arith.constant 3136 : i32
      %mul3A_38 = arith.muli %arg1, %mul3A_37 : i32
      %mul3A_39 = arith.constant 3136 : i32
      %mul3A_40 = arith.muli %arg1, %mul3A_39 : i32
      "tpu.region"() ({
        %run_scoped3A = tpu.sem_alloc : memref<!tpu.dma_semaphore, #tpu.memory_space<semaphore_mem>>
        %dma_start3A_41 = arith.constant 0 : i32
        %dma_start3A_42 = tpu.memref_slice %arg11[%mul3A_40, %dma_start3A_41] : memref<50176x16xf32, #tpu.memory_space<hbm>> -> memref<3136x16xf32, #tpu.memory_space<hbm>>
        %dma_start3A_43 = arith.constant 0 : i32
        %dma_start3A_44 = tpu.memref_slice %arg18[%mul3A_38, %dma_start3A_43] : memref<50176x16xf32, #tpu.memory_space<vmem_shared>> -> memref<3136x16xf32, #tpu.memory_space<vmem_shared>>
        tpu.enqueue_dma source(%dma_start3A_44 : memref<3136x16xf32, #tpu.memory_space<vmem_shared>>) target(%dma_start3A_42 : memref<3136x16xf32, #tpu.memory_space<hbm>>) target_semaphore(%run_scoped3A : memref<!tpu.dma_semaphore, #tpu.memory_space<semaphore_mem>>)
        %dma_wait3A = arith.constant 0 : i32
        %dma_wait3A_45 = tpu.memref_slice %arg11[%mul3A_40, %dma_wait3A] : memref<50176x16xf32, #tpu.memory_space<hbm>> -> memref<3136x16xf32, #tpu.memory_space<hbm>>
        %dma_wait3A_46 = arith.constant 0 : i32
        %dma_wait3A_47 = tpu.memref_slice %arg18[%mul3A_38, %dma_wait3A_46] : memref<50176x16xf32, #tpu.memory_space<vmem_shared>> -> memref<3136x16xf32, #tpu.memory_space<vmem_shared>>
        tpu.wait_dma2 semaphore(%run_scoped3A : memref<!tpu.dma_semaphore, #tpu.memory_space<semaphore_mem>>) src(%dma_wait3A_47 : memref<3136x16xf32, #tpu.memory_space<vmem_shared>>) dst(%dma_wait3A_45 : memref<3136x16xf32, #tpu.memory_space<hbm>>)
        tpu.yield
      }) : () -> ()
    } else {
    }
    return
  }
}

module attributes {stable_mosaic.version = 14 : i64} {
  func.func @_dense1_body(%arg0: i32, %arg1: memref<128x128xf32, #tpu.memory_space<vmem>>, %arg2: memref<128x128xf32, #tpu.memory_space<vmem>>, %arg3: memref<128x1024xf32, #tpu.memory_space<vmem>>, %arg4: memref<128x64xf32, #tpu.memory_space<vmem>>, %arg5: memref<128x128xf32, #tpu.memory_space<vmem>>, %arg6: memref<128x128xf32, #tpu.memory_space<vmem>>, %arg7: memref<128x128xf32, #tpu.memory_space<vmem>>, %arg8: memref<128x128xf32, #tpu.memory_space<vmem>>, %arg9: memref<128x128xf32, #tpu.memory_space<vmem>>) attributes {dimension_semantics = [#tpu.dimension_semantics<arbitrary>], iteration_bounds = array<i64: 49>, scalar_prefetch = 0 : i64, scratch_operands = 0 : i64, tpu.core_type = #tpu.core_type<tc>, window_params = [{transform_indices = @transform_0, window_bounds = array<i64: 128, 128>}, {transform_indices = @transform_1, window_bounds = array<i64: 128, 128>}, {transform_indices = @transform_2, window_bounds = array<i64: 128, 1024>}, {pipeline_mode = #tpu.pipeline_mode<synchronous>, transform_indices = @transform_3, window_bounds = array<i64: 128, 64>}, {transform_indices = @transform_4, window_bounds = array<i64: 128, 128>}, {transform_indices = @transform_5, window_bounds = array<i64: 128, 128>}, {transform_indices = @transform_6, window_bounds = array<i64: 128, 128>}, {transform_indices = @transform_7, window_bounds = array<i64: 128, 128>}, {transform_indices = @transform_8, window_bounds = array<i64: 128, 128>}]} {
    %get3A = arith.constant 0 : index
    %get3A_0 = arith.constant 0 : index
    %get3A_1 = vector.load %arg1[%get3A, %get3A_0] : memref<128x128xf32, #tpu.memory_space<vmem>>, vector<128x128xf32>
    %get3A_2 = arith.constant 0 : index
    %get3A_3 = arith.constant 0 : index
    %get3A_4 = vector.load %arg2[%get3A_2, %get3A_3] : memref<128x128xf32, #tpu.memory_space<vmem>>, vector<128x128xf32>
    %add3A = arith.addf %get3A_1, %get3A_4 : vector<128x128xf32>
    %add3A_5 = arith.constant 1.000000e+00 : f32
    %add3A_6 = vector.broadcast %add3A_5 : f32 to vector<128x128xf32>
    %add3A_7 = arith.addf %add3A, %add3A_6 : vector<128x128xf32>
    %rsqrt3A = math.rsqrt %add3A_7 : vector<128x128xf32>
    %slice3A = vector.extract_strided_slice %rsqrt3A {offsets = [0, 0], sizes = [128, 1], strides = [1, 1]} : vector<128x128xf32> to vector<128x1xf32>
    %broadcast_in_dim3A = vector.shape_cast %slice3A : vector<128x1xf32> to vector<128x1xf32>
    %broadcast_in_dim3A_8 = vector.broadcast %broadcast_in_dim3A : vector<128x1xf32> to vector<128x64xf32>
    %slice3A_9 = vector.extract_strided_slice %rsqrt3A {offsets = [0, 16], sizes = [128, 1], strides = [1, 1]} : vector<128x128xf32> to vector<128x1xf32>
    %broadcast_in_dim3A_10 = vector.shape_cast %slice3A_9 : vector<128x1xf32> to vector<128x1xf32>
    %broadcast_in_dim3A_11 = vector.broadcast %broadcast_in_dim3A_10 : vector<128x1xf32> to vector<128x64xf32>
    %slice3A_12 = vector.extract_strided_slice %rsqrt3A {offsets = [0, 32], sizes = [128, 1], strides = [1, 1]} : vector<128x128xf32> to vector<128x1xf32>
    %broadcast_in_dim3A_13 = vector.shape_cast %slice3A_12 : vector<128x1xf32> to vector<128x1xf32>
    %broadcast_in_dim3A_14 = vector.broadcast %broadcast_in_dim3A_13 : vector<128x1xf32> to vector<128x64xf32>
    %slice3A_15 = vector.extract_strided_slice %rsqrt3A {offsets = [0, 48], sizes = [128, 1], strides = [1, 1]} : vector<128x128xf32> to vector<128x1xf32>
    %broadcast_in_dim3A_16 = vector.shape_cast %slice3A_15 : vector<128x1xf32> to vector<128x1xf32>
    %broadcast_in_dim3A_17 = vector.broadcast %broadcast_in_dim3A_16 : vector<128x1xf32> to vector<128x64xf32>
    %slice3A_18 = vector.extract_strided_slice %rsqrt3A {offsets = [0, 64], sizes = [128, 1], strides = [1, 1]} : vector<128x128xf32> to vector<128x1xf32>
    %broadcast_in_dim3A_19 = vector.shape_cast %slice3A_18 : vector<128x1xf32> to vector<128x1xf32>
    %broadcast_in_dim3A_20 = vector.broadcast %broadcast_in_dim3A_19 : vector<128x1xf32> to vector<128x64xf32>
    %slice3A_21 = vector.extract_strided_slice %rsqrt3A {offsets = [0, 80], sizes = [128, 1], strides = [1, 1]} : vector<128x128xf32> to vector<128x1xf32>
    %broadcast_in_dim3A_22 = vector.shape_cast %slice3A_21 : vector<128x1xf32> to vector<128x1xf32>
    %broadcast_in_dim3A_23 = vector.broadcast %broadcast_in_dim3A_22 : vector<128x1xf32> to vector<128x64xf32>
    %slice3A_24 = vector.extract_strided_slice %rsqrt3A {offsets = [0, 96], sizes = [128, 1], strides = [1, 1]} : vector<128x128xf32> to vector<128x1xf32>
    %broadcast_in_dim3A_25 = vector.shape_cast %slice3A_24 : vector<128x1xf32> to vector<128x1xf32>
    %broadcast_in_dim3A_26 = vector.broadcast %broadcast_in_dim3A_25 : vector<128x1xf32> to vector<128x64xf32>
    %slice3A_27 = vector.extract_strided_slice %rsqrt3A {offsets = [0, 112], sizes = [128, 1], strides = [1, 1]} : vector<128x128xf32> to vector<128x1xf32>
    %broadcast_in_dim3A_28 = vector.shape_cast %slice3A_27 : vector<128x1xf32> to vector<128x1xf32>
    %broadcast_in_dim3A_29 = vector.broadcast %broadcast_in_dim3A_28 : vector<128x1xf32> to vector<128x64xf32>
    %concatenate3A = tpu.concatenate %broadcast_in_dim3A_8, %broadcast_in_dim3A_11, %broadcast_in_dim3A_14, %broadcast_in_dim3A_17, %broadcast_in_dim3A_20, %broadcast_in_dim3A_23, %broadcast_in_dim3A_26, %broadcast_in_dim3A_29 in 1 : vector<128x64xf32>, vector<128x64xf32>, vector<128x64xf32>, vector<128x64xf32>, vector<128x64xf32>, vector<128x64xf32>, vector<128x64xf32>, vector<128x64xf32> -> vector<128x512xf32>
    %get3A_30 = arith.constant 0 : index
    %get3A_31 = arith.constant 0 : index
    %get3A_32 = vector.load %arg3[%get3A_30, %get3A_31] : memref<128x1024xf32, #tpu.memory_space<vmem>>, vector<128x1024xf32>
    %slice3A_33 = vector.extract_strided_slice %get3A_32 {offsets = [0, 0], sizes = [128, 128], strides = [1, 1]} : vector<128x1024xf32> to vector<128x128xf32>
    %get3A_34 = arith.constant 0 : index
    %get3A_35 = arith.constant 0 : index
    %get3A_36 = vector.load %arg4[%get3A_34, %get3A_35] : memref<128x64xf32, #tpu.memory_space<vmem>>, vector<128x64xf32>
    %dot_general3A = arith.constant dense<0.000000e+00> : vector<128x64xf32>
    %dot_general3A_37 = tpu.matmul %slice3A_33, %get3A_36, %dot_general3A {dimension_numbers = #tpu.dot_dimension_numbers<[1], [0], [0], [1], [0, 0, 1, 1], [], []>, transpose_lhs_hint = false} : vector<128x128xf32>, vector<128x64xf32>, vector<128x64xf32> -> vector<128x64xf32>
    %slice3A_38 = vector.extract_strided_slice %get3A_32 {offsets = [0, 128], sizes = [128, 128], strides = [1, 1]} : vector<128x1024xf32> to vector<128x128xf32>
    %get3A_39 = arith.constant 0 : index
    %get3A_40 = arith.constant 0 : index
    %get3A_41 = vector.load %arg4[%get3A_39, %get3A_40] : memref<128x64xf32, #tpu.memory_space<vmem>>, vector<128x64xf32>
    %dot_general3A_42 = arith.constant dense<0.000000e+00> : vector<128x64xf32>
    %dot_general3A_43 = tpu.matmul %slice3A_38, %get3A_41, %dot_general3A_42 {dimension_numbers = #tpu.dot_dimension_numbers<[1], [0], [0], [1], [0, 0, 1, 1], [], []>, transpose_lhs_hint = false} : vector<128x128xf32>, vector<128x64xf32>, vector<128x64xf32> -> vector<128x64xf32>
    %slice3A_44 = vector.extract_strided_slice %get3A_32 {offsets = [0, 256], sizes = [128, 128], strides = [1, 1]} : vector<128x1024xf32> to vector<128x128xf32>
    %get3A_45 = arith.constant 0 : index
    %get3A_46 = arith.constant 0 : index
    %get3A_47 = vector.load %arg4[%get3A_45, %get3A_46] : memref<128x64xf32, #tpu.memory_space<vmem>>, vector<128x64xf32>
    %dot_general3A_48 = arith.constant dense<0.000000e+00> : vector<128x64xf32>
    %dot_general3A_49 = tpu.matmul %slice3A_44, %get3A_47, %dot_general3A_48 {dimension_numbers = #tpu.dot_dimension_numbers<[1], [0], [0], [1], [0, 0, 1, 1], [], []>, transpose_lhs_hint = false} : vector<128x128xf32>, vector<128x64xf32>, vector<128x64xf32> -> vector<128x64xf32>
    %slice3A_50 = vector.extract_strided_slice %get3A_32 {offsets = [0, 384], sizes = [128, 128], strides = [1, 1]} : vector<128x1024xf32> to vector<128x128xf32>
    %get3A_51 = arith.constant 0 : index
    %get3A_52 = arith.constant 0 : index
    %get3A_53 = vector.load %arg4[%get3A_51, %get3A_52] : memref<128x64xf32, #tpu.memory_space<vmem>>, vector<128x64xf32>
    %dot_general3A_54 = arith.constant dense<0.000000e+00> : vector<128x64xf32>
    %dot_general3A_55 = tpu.matmul %slice3A_50, %get3A_53, %dot_general3A_54 {dimension_numbers = #tpu.dot_dimension_numbers<[1], [0], [0], [1], [0, 0, 1, 1], [], []>, transpose_lhs_hint = false} : vector<128x128xf32>, vector<128x64xf32>, vector<128x64xf32> -> vector<128x64xf32>
    %slice3A_56 = vector.extract_strided_slice %get3A_32 {offsets = [0, 512], sizes = [128, 128], strides = [1, 1]} : vector<128x1024xf32> to vector<128x128xf32>
    %get3A_57 = arith.constant 0 : index
    %get3A_58 = arith.constant 0 : index
    %get3A_59 = vector.load %arg4[%get3A_57, %get3A_58] : memref<128x64xf32, #tpu.memory_space<vmem>>, vector<128x64xf32>
    %dot_general3A_60 = arith.constant dense<0.000000e+00> : vector<128x64xf32>
    %dot_general3A_61 = tpu.matmul %slice3A_56, %get3A_59, %dot_general3A_60 {dimension_numbers = #tpu.dot_dimension_numbers<[1], [0], [0], [1], [0, 0, 1, 1], [], []>, transpose_lhs_hint = false} : vector<128x128xf32>, vector<128x64xf32>, vector<128x64xf32> -> vector<128x64xf32>
    %slice3A_62 = vector.extract_strided_slice %get3A_32 {offsets = [0, 640], sizes = [128, 128], strides = [1, 1]} : vector<128x1024xf32> to vector<128x128xf32>
    %get3A_63 = arith.constant 0 : index
    %get3A_64 = arith.constant 0 : index
    %get3A_65 = vector.load %arg4[%get3A_63, %get3A_64] : memref<128x64xf32, #tpu.memory_space<vmem>>, vector<128x64xf32>
    %dot_general3A_66 = arith.constant dense<0.000000e+00> : vector<128x64xf32>
    %dot_general3A_67 = tpu.matmul %slice3A_62, %get3A_65, %dot_general3A_66 {dimension_numbers = #tpu.dot_dimension_numbers<[1], [0], [0], [1], [0, 0, 1, 1], [], []>, transpose_lhs_hint = false} : vector<128x128xf32>, vector<128x64xf32>, vector<128x64xf32> -> vector<128x64xf32>
    %slice3A_68 = vector.extract_strided_slice %get3A_32 {offsets = [0, 768], sizes = [128, 128], strides = [1, 1]} : vector<128x1024xf32> to vector<128x128xf32>
    %get3A_69 = arith.constant 0 : index
    %get3A_70 = arith.constant 0 : index
    %get3A_71 = vector.load %arg4[%get3A_69, %get3A_70] : memref<128x64xf32, #tpu.memory_space<vmem>>, vector<128x64xf32>
    %dot_general3A_72 = arith.constant dense<0.000000e+00> : vector<128x64xf32>
    %dot_general3A_73 = tpu.matmul %slice3A_68, %get3A_71, %dot_general3A_72 {dimension_numbers = #tpu.dot_dimension_numbers<[1], [0], [0], [1], [0, 0, 1, 1], [], []>, transpose_lhs_hint = false} : vector<128x128xf32>, vector<128x64xf32>, vector<128x64xf32> -> vector<128x64xf32>
    %slice3A_74 = vector.extract_strided_slice %get3A_32 {offsets = [0, 896], sizes = [128, 128], strides = [1, 1]} : vector<128x1024xf32> to vector<128x128xf32>
    %get3A_75 = arith.constant 0 : index
    %get3A_76 = arith.constant 0 : index
    %get3A_77 = vector.load %arg4[%get3A_75, %get3A_76] : memref<128x64xf32, #tpu.memory_space<vmem>>, vector<128x64xf32>
    %dot_general3A_78 = arith.constant dense<0.000000e+00> : vector<128x64xf32>
    %dot_general3A_79 = tpu.matmul %slice3A_74, %get3A_77, %dot_general3A_78 {dimension_numbers = #tpu.dot_dimension_numbers<[1], [0], [0], [1], [0, 0, 1, 1], [], []>, transpose_lhs_hint = false} : vector<128x128xf32>, vector<128x64xf32>, vector<128x64xf32> -> vector<128x64xf32>
    %concatenate3A_80 = tpu.concatenate %dot_general3A_37, %dot_general3A_43, %dot_general3A_49, %dot_general3A_55, %dot_general3A_61, %dot_general3A_67, %dot_general3A_73, %dot_general3A_79 in 1 : vector<128x64xf32>, vector<128x64xf32>, vector<128x64xf32>, vector<128x64xf32>, vector<128x64xf32>, vector<128x64xf32>, vector<128x64xf32>, vector<128x64xf32> -> vector<128x512xf32>
    %mul3A = arith.mulf %concatenate3A_80, %concatenate3A : vector<128x512xf32>
    %slice3A_81 = vector.extract_strided_slice %mul3A {offsets = [0, 0], sizes = [128, 16], strides = [1, 1]} : vector<128x512xf32> to vector<128x16xf32>
    %slice3A_82 = vector.extract_strided_slice %mul3A {offsets = [0, 64], sizes = [128, 16], strides = [1, 1]} : vector<128x512xf32> to vector<128x16xf32>
    %slice3A_83 = vector.extract_strided_slice %mul3A {offsets = [0, 128], sizes = [128, 16], strides = [1, 1]} : vector<128x512xf32> to vector<128x16xf32>
    %slice3A_84 = vector.extract_strided_slice %mul3A {offsets = [0, 192], sizes = [128, 16], strides = [1, 1]} : vector<128x512xf32> to vector<128x16xf32>
    %slice3A_85 = vector.extract_strided_slice %mul3A {offsets = [0, 256], sizes = [128, 16], strides = [1, 1]} : vector<128x512xf32> to vector<128x16xf32>
    %slice3A_86 = vector.extract_strided_slice %mul3A {offsets = [0, 320], sizes = [128, 16], strides = [1, 1]} : vector<128x512xf32> to vector<128x16xf32>
    %slice3A_87 = vector.extract_strided_slice %mul3A {offsets = [0, 384], sizes = [128, 16], strides = [1, 1]} : vector<128x512xf32> to vector<128x16xf32>
    %slice3A_88 = vector.extract_strided_slice %mul3A {offsets = [0, 448], sizes = [128, 16], strides = [1, 1]} : vector<128x512xf32> to vector<128x16xf32>
    %concatenate3A_89 = tpu.concatenate %slice3A_81, %slice3A_82, %slice3A_83, %slice3A_84, %slice3A_85, %slice3A_86, %slice3A_87, %slice3A_88 in 1 : vector<128x16xf32>, vector<128x16xf32>, vector<128x16xf32>, vector<128x16xf32>, vector<128x16xf32>, vector<128x16xf32>, vector<128x16xf32>, vector<128x16xf32> -> vector<128x128xf32>
    %swap3A = arith.constant 0 : index
    %swap3A_90 = arith.constant 0 : index
    %swap3A_91 = vector.load %arg5[%swap3A, %swap3A_90] : memref<128x128xf32, #tpu.memory_space<vmem>>, vector<128x128xf32>
    tpu.vector_store %arg5[%swap3A, %swap3A_90], %concatenate3A_89 {strides = array<i32>} : memref<128x128xf32, #tpu.memory_space<vmem>>, vector<128x128xf32>,
    %slice3A_92 = vector.extract_strided_slice %mul3A {offsets = [0, 16], sizes = [128, 16], strides = [1, 1]} : vector<128x512xf32> to vector<128x16xf32>
    %slice3A_93 = vector.extract_strided_slice %mul3A {offsets = [0, 80], sizes = [128, 16], strides = [1, 1]} : vector<128x512xf32> to vector<128x16xf32>
    %slice3A_94 = vector.extract_strided_slice %mul3A {offsets = [0, 144], sizes = [128, 16], strides = [1, 1]} : vector<128x512xf32> to vector<128x16xf32>
    %slice3A_95 = vector.extract_strided_slice %mul3A {offsets = [0, 208], sizes = [128, 16], strides = [1, 1]} : vector<128x512xf32> to vector<128x16xf32>
    %slice3A_96 = vector.extract_strided_slice %mul3A {offsets = [0, 272], sizes = [128, 16], strides = [1, 1]} : vector<128x512xf32> to vector<128x16xf32>
    %slice3A_97 = vector.extract_strided_slice %mul3A {offsets = [0, 336], sizes = [128, 16], strides = [1, 1]} : vector<128x512xf32> to vector<128x16xf32>
    %slice3A_98 = vector.extract_strided_slice %mul3A {offsets = [0, 400], sizes = [128, 16], strides = [1, 1]} : vector<128x512xf32> to vector<128x16xf32>
    %slice3A_99 = vector.extract_strided_slice %mul3A {offsets = [0, 464], sizes = [128, 16], strides = [1, 1]} : vector<128x512xf32> to vector<128x16xf32>
    %concatenate3A_100 = tpu.concatenate %slice3A_92, %slice3A_93, %slice3A_94, %slice3A_95, %slice3A_96, %slice3A_97, %slice3A_98, %slice3A_99 in 1 : vector<128x16xf32>, vector<128x16xf32>, vector<128x16xf32>, vector<128x16xf32>, vector<128x16xf32>, vector<128x16xf32>, vector<128x16xf32>, vector<128x16xf32> -> vector<128x128xf32>
    %swap3A_101 = arith.constant 0 : index
    %swap3A_102 = arith.constant 0 : index
    %swap3A_103 = vector.load %arg6[%swap3A_101, %swap3A_102] : memref<128x128xf32, #tpu.memory_space<vmem>>, vector<128x128xf32>
    tpu.vector_store %arg6[%swap3A_101, %swap3A_102], %concatenate3A_100 {strides = array<i32>} : memref<128x128xf32, #tpu.memory_space<vmem>>, vector<128x128xf32>,
    %slice3A_104 = vector.extract_strided_slice %mul3A {offsets = [0, 32], sizes = [128, 16], strides = [1, 1]} : vector<128x512xf32> to vector<128x16xf32>
    %slice3A_105 = vector.extract_strided_slice %mul3A {offsets = [0, 96], sizes = [128, 16], strides = [1, 1]} : vector<128x512xf32> to vector<128x16xf32>
    %slice3A_106 = vector.extract_strided_slice %mul3A {offsets = [0, 160], sizes = [128, 16], strides = [1, 1]} : vector<128x512xf32> to vector<128x16xf32>
    %slice3A_107 = vector.extract_strided_slice %mul3A {offsets = [0, 224], sizes = [128, 16], strides = [1, 1]} : vector<128x512xf32> to vector<128x16xf32>
    %slice3A_108 = vector.extract_strided_slice %mul3A {offsets = [0, 288], sizes = [128, 16], strides = [1, 1]} : vector<128x512xf32> to vector<128x16xf32>
    %slice3A_109 = vector.extract_strided_slice %mul3A {offsets = [0, 352], sizes = [128, 16], strides = [1, 1]} : vector<128x512xf32> to vector<128x16xf32>
    %slice3A_110 = vector.extract_strided_slice %mul3A {offsets = [0, 416], sizes = [128, 16], strides = [1, 1]} : vector<128x512xf32> to vector<128x16xf32>
    %slice3A_111 = vector.extract_strided_slice %mul3A {offsets = [0, 480], sizes = [128, 16], strides = [1, 1]} : vector<128x512xf32> to vector<128x16xf32>
    %concatenate3A_112 = tpu.concatenate %slice3A_104, %slice3A_105, %slice3A_106, %slice3A_107, %slice3A_108, %slice3A_109, %slice3A_110, %slice3A_111 in 1 : vector<128x16xf32>, vector<128x16xf32>, vector<128x16xf32>, vector<128x16xf32>, vector<128x16xf32>, vector<128x16xf32>, vector<128x16xf32>, vector<128x16xf32> -> vector<128x128xf32>
    %swap3A_113 = arith.constant 0 : index
    %swap3A_114 = arith.constant 0 : index
    %swap3A_115 = vector.load %arg7[%swap3A_113, %swap3A_114] : memref<128x128xf32, #tpu.memory_space<vmem>>, vector<128x128xf32>
    tpu.vector_store %arg7[%swap3A_113, %swap3A_114], %concatenate3A_112 {strides = array<i32>} : memref<128x128xf32, #tpu.memory_space<vmem>>, vector<128x128xf32>,
    %slice3A_116 = vector.extract_strided_slice %mul3A {offsets = [0, 48], sizes = [128, 16], strides = [1, 1]} : vector<128x512xf32> to vector<128x16xf32>
    %slice3A_117 = vector.extract_strided_slice %mul3A {offsets = [0, 112], sizes = [128, 16], strides = [1, 1]} : vector<128x512xf32> to vector<128x16xf32>
    %slice3A_118 = vector.extract_strided_slice %mul3A {offsets = [0, 176], sizes = [128, 16], strides = [1, 1]} : vector<128x512xf32> to vector<128x16xf32>
    %slice3A_119 = vector.extract_strided_slice %mul3A {offsets = [0, 240], sizes = [128, 16], strides = [1, 1]} : vector<128x512xf32> to vector<128x16xf32>
    %slice3A_120 = vector.extract_strided_slice %mul3A {offsets = [0, 304], sizes = [128, 16], strides = [1, 1]} : vector<128x512xf32> to vector<128x16xf32>
    %slice3A_121 = vector.extract_strided_slice %mul3A {offsets = [0, 368], sizes = [128, 16], strides = [1, 1]} : vector<128x512xf32> to vector<128x16xf32>
    %slice3A_122 = vector.extract_strided_slice %mul3A {offsets = [0, 432], sizes = [128, 16], strides = [1, 1]} : vector<128x512xf32> to vector<128x16xf32>
    %slice3A_123 = vector.extract_strided_slice %mul3A {offsets = [0, 496], sizes = [128, 16], strides = [1, 1]} : vector<128x512xf32> to vector<128x16xf32>
    %concatenate3A_124 = tpu.concatenate %slice3A_116, %slice3A_117, %slice3A_118, %slice3A_119, %slice3A_120, %slice3A_121, %slice3A_122, %slice3A_123 in 1 : vector<128x16xf32>, vector<128x16xf32>, vector<128x16xf32>, vector<128x16xf32>, vector<128x16xf32>, vector<128x16xf32>, vector<128x16xf32>, vector<128x16xf32> -> vector<128x128xf32>
    %swap3A_125 = arith.constant 0 : index
    %swap3A_126 = arith.constant 0 : index
    %swap3A_127 = vector.load %arg8[%swap3A_125, %swap3A_126] : memref<128x128xf32, #tpu.memory_space<vmem>>, vector<128x128xf32>
    tpu.vector_store %arg8[%swap3A_125, %swap3A_126], %concatenate3A_124 {strides = array<i32>} : memref<128x128xf32, #tpu.memory_space<vmem>>, vector<128x128xf32>,
    %get3A_128 = arith.constant 0 : index
    %get3A_129 = arith.constant 0 : index
    %get3A_130 = vector.load %arg1[%get3A_128, %get3A_129] : memref<128x128xf32, #tpu.memory_space<vmem>>, vector<128x128xf32>
    %get3A_131 = arith.constant 0 : index
    %get3A_132 = arith.constant 0 : index
    %get3A_133 = vector.load %arg2[%get3A_131, %get3A_132] : memref<128x128xf32, #tpu.memory_space<vmem>>, vector<128x128xf32>
    %add3A_134 = arith.addf %get3A_130, %get3A_133 : vector<128x128xf32>
    %add3A_135 = arith.constant 1.000000e+00 : f32
    %add3A_136 = vector.broadcast %add3A_135 : f32 to vector<128x128xf32>
    %add3A_137 = arith.addf %add3A_134, %add3A_136 : vector<128x128xf32>
    %rsqrt3A_138 = math.rsqrt %add3A_137 : vector<128x128xf32>
    %swap3A_139 = arith.constant 0 : index
    %swap3A_140 = arith.constant 0 : index
    %swap3A_141 = vector.load %arg9[%swap3A_139, %swap3A_140] : memref<128x128xf32, #tpu.memory_space<vmem>>, vector<128x128xf32>
    tpu.vector_store %arg9[%swap3A_139, %swap3A_140], %rsqrt3A_138 {strides = array<i32>} : memref<128x128xf32, #tpu.memory_space<vmem>>, vector<128x128xf32>,
    return
  }
  func.func @transform_0(%arg0: i32) -> (i32, i32) {
    %c0_i32 = arith.constant 0 : i32
    %c0_i32_0 = arith.constant 0 : i32
    return %arg0, %c0_i32 : i32, i32
  }
  func.func @transform_1(%arg0: i32) -> (i32, i32) {
    %c0_i32 = arith.constant 0 : i32
    %c0_i32_0 = arith.constant 0 : i32
    return %arg0, %c0_i32 : i32, i32
  }
  func.func @transform_2(%arg0: i32) -> (i32, i32) {
    %c0_i32 = arith.constant 0 : i32
    %c0_i32_0 = arith.constant 0 : i32
    return %arg0, %c0_i32 : i32, i32
  }
  func.func @transform_3(%arg0: i32) -> (i32, i32) {
    %c0_i32 = arith.constant 0 : i32
    %c0_i32_0 = arith.constant 0 : i32
    %c0_i32_1 = arith.constant 0 : i32
    return %c0_i32, %c0_i32_0 : i32, i32
  }
  func.func @transform_4(%arg0: i32) -> (i32, i32) {
    %c0_i32 = arith.constant 0 : i32
    %c0_i32_0 = arith.constant 0 : i32
    return %arg0, %c0_i32 : i32, i32
  }
  func.func @transform_5(%arg0: i32) -> (i32, i32) {
    %c0_i32 = arith.constant 0 : i32
    %c0_i32_0 = arith.constant 0 : i32
    return %arg0, %c0_i32 : i32, i32
  }
  func.func @transform_6(%arg0: i32) -> (i32, i32) {
    %c0_i32 = arith.constant 0 : i32
    %c0_i32_0 = arith.constant 0 : i32
    return %arg0, %c0_i32 : i32, i32
  }
  func.func @transform_7(%arg0: i32) -> (i32, i32) {
    %c0_i32 = arith.constant 0 : i32
    %c0_i32_0 = arith.constant 0 : i32
    return %arg0, %c0_i32 : i32, i32
  }
  func.func @transform_8(%arg0: i32) -> (i32, i32) {
    %c0_i32 = arith.constant 0 : i32
    %c0_i32_0 = arith.constant 0 : i32
    return %arg0, %c0_i32 : i32, i32
  }
}

module attributes {stable_mosaic.version = 14 : i64} {
  func.func @_dense2_body(%arg0: i32, %arg1: memref<128x128xf32, #tpu.memory_space<vmem>>, %arg2: memref<128x128xf32, #tpu.memory_space<vmem>>, %arg3: memref<128x128xf32, #tpu.memory_space<vmem>>, %arg4: memref<128x128xf32, #tpu.memory_space<vmem>>, %arg5: memref<128x128xf32, #tpu.memory_space<vmem>>, %arg6: memref<64x64xf32, #tpu.memory_space<vmem>>, %arg7: memref<1x512xf32, #tpu.memory_space<vmem>>, %arg8: memref<128x128xf32, #tpu.memory_space<vmem>>, %arg9: memref<128x128xf32, #tpu.memory_space<vmem>>, %arg10: memref<128x128xf32, #tpu.memory_space<vmem>>, %arg11: memref<128x128xf32, #tpu.memory_space<vmem>>) attributes {dimension_semantics = [#tpu.dimension_semantics<arbitrary>], iteration_bounds = array<i64: 49>, scalar_prefetch = 0 : i64, scratch_operands = 0 : i64, tpu.core_type = #tpu.core_type<tc>, window_params = [{transform_indices = @transform_0, window_bounds = array<i64: 128, 128>}, {transform_indices = @transform_1, window_bounds = array<i64: 128, 128>}, {transform_indices = @transform_2, window_bounds = array<i64: 128, 128>}, {transform_indices = @transform_3, window_bounds = array<i64: 128, 128>}, {transform_indices = @transform_4, window_bounds = array<i64: 128, 128>}, {pipeline_mode = #tpu.pipeline_mode<synchronous>, transform_indices = @transform_5, window_bounds = array<i64: 64, 64>}, {pipeline_mode = #tpu.pipeline_mode<synchronous>, transform_indices = @transform_6, window_bounds = array<i64: 1, 512>}, {transform_indices = @transform_7, window_bounds = array<i64: 128, 128>}, {transform_indices = @transform_8, window_bounds = array<i64: 128, 128>}, {transform_indices = @transform_9, window_bounds = array<i64: 128, 128>}, {transform_indices = @transform_10, window_bounds = array<i64: 128, 128>}]} {
    %get3A = arith.constant 0 : index
    %get3A_0 = arith.constant 0 : index
    %get3A_1 = vector.load %arg5[%get3A, %get3A_0] : memref<128x128xf32, #tpu.memory_space<vmem>>, vector<128x128xf32>
    %slice3A = vector.extract_strided_slice %get3A_1 {offsets = [0, 0], sizes = [128, 1], strides = [1, 1]} : vector<128x128xf32> to vector<128x1xf32>
    %broadcast_in_dim3A = vector.shape_cast %slice3A : vector<128x1xf32> to vector<128x1xf32>
    %broadcast_in_dim3A_2 = vector.broadcast %broadcast_in_dim3A : vector<128x1xf32> to vector<128x64xf32>
    %slice3A_3 = vector.extract_strided_slice %get3A_1 {offsets = [0, 16], sizes = [128, 1], strides = [1, 1]} : vector<128x128xf32> to vector<128x1xf32>
    %broadcast_in_dim3A_4 = vector.shape_cast %slice3A_3 : vector<128x1xf32> to vector<128x1xf32>
    %broadcast_in_dim3A_5 = vector.broadcast %broadcast_in_dim3A_4 : vector<128x1xf32> to vector<128x64xf32>
    %slice3A_6 = vector.extract_strided_slice %get3A_1 {offsets = [0, 32], sizes = [128, 1], strides = [1, 1]} : vector<128x128xf32> to vector<128x1xf32>
    %broadcast_in_dim3A_7 = vector.shape_cast %slice3A_6 : vector<128x1xf32> to vector<128x1xf32>
    %broadcast_in_dim3A_8 = vector.broadcast %broadcast_in_dim3A_7 : vector<128x1xf32> to vector<128x64xf32>
    %slice3A_9 = vector.extract_strided_slice %get3A_1 {offsets = [0, 48], sizes = [128, 1], strides = [1, 1]} : vector<128x128xf32> to vector<128x1xf32>
    %broadcast_in_dim3A_10 = vector.shape_cast %slice3A_9 : vector<128x1xf32> to vector<128x1xf32>
    %broadcast_in_dim3A_11 = vector.broadcast %broadcast_in_dim3A_10 : vector<128x1xf32> to vector<128x64xf32>
    %slice3A_12 = vector.extract_strided_slice %get3A_1 {offsets = [0, 64], sizes = [128, 1], strides = [1, 1]} : vector<128x128xf32> to vector<128x1xf32>
    %broadcast_in_dim3A_13 = vector.shape_cast %slice3A_12 : vector<128x1xf32> to vector<128x1xf32>
    %broadcast_in_dim3A_14 = vector.broadcast %broadcast_in_dim3A_13 : vector<128x1xf32> to vector<128x64xf32>
    %slice3A_15 = vector.extract_strided_slice %get3A_1 {offsets = [0, 80], sizes = [128, 1], strides = [1, 1]} : vector<128x128xf32> to vector<128x1xf32>
    %broadcast_in_dim3A_16 = vector.shape_cast %slice3A_15 : vector<128x1xf32> to vector<128x1xf32>
    %broadcast_in_dim3A_17 = vector.broadcast %broadcast_in_dim3A_16 : vector<128x1xf32> to vector<128x64xf32>
    %slice3A_18 = vector.extract_strided_slice %get3A_1 {offsets = [0, 96], sizes = [128, 1], strides = [1, 1]} : vector<128x128xf32> to vector<128x1xf32>
    %broadcast_in_dim3A_19 = vector.shape_cast %slice3A_18 : vector<128x1xf32> to vector<128x1xf32>
    %broadcast_in_dim3A_20 = vector.broadcast %broadcast_in_dim3A_19 : vector<128x1xf32> to vector<128x64xf32>
    %slice3A_21 = vector.extract_strided_slice %get3A_1 {offsets = [0, 112], sizes = [128, 1], strides = [1, 1]} : vector<128x128xf32> to vector<128x1xf32>
    %broadcast_in_dim3A_22 = vector.shape_cast %slice3A_21 : vector<128x1xf32> to vector<128x1xf32>
    %broadcast_in_dim3A_23 = vector.broadcast %broadcast_in_dim3A_22 : vector<128x1xf32> to vector<128x64xf32>
    %concatenate3A = tpu.concatenate %broadcast_in_dim3A_2, %broadcast_in_dim3A_5, %broadcast_in_dim3A_8, %broadcast_in_dim3A_11, %broadcast_in_dim3A_14, %broadcast_in_dim3A_17, %broadcast_in_dim3A_20, %broadcast_in_dim3A_23 in 1 : vector<128x64xf32>, vector<128x64xf32>, vector<128x64xf32>, vector<128x64xf32>, vector<128x64xf32>, vector<128x64xf32>, vector<128x64xf32>, vector<128x64xf32> -> vector<128x512xf32>
    %get3A_24 = arith.constant 0 : index
    %get3A_25 = arith.constant 0 : index
    %get3A_26 = vector.load %arg1[%get3A_24, %get3A_25] : memref<128x128xf32, #tpu.memory_space<vmem>>, vector<128x128xf32>
    %get3A_27 = arith.constant 0 : index
    %get3A_28 = arith.constant 0 : index
    %get3A_29 = vector.load %arg2[%get3A_27, %get3A_28] : memref<128x128xf32, #tpu.memory_space<vmem>>, vector<128x128xf32>
    %get3A_30 = arith.constant 0 : index
    %get3A_31 = arith.constant 0 : index
    %get3A_32 = vector.load %arg3[%get3A_30, %get3A_31] : memref<128x128xf32, #tpu.memory_space<vmem>>, vector<128x128xf32>
    %get3A_33 = arith.constant 0 : index
    %get3A_34 = arith.constant 0 : index
    %get3A_35 = vector.load %arg4[%get3A_33, %get3A_34] : memref<128x128xf32, #tpu.memory_space<vmem>>, vector<128x128xf32>
    %slice3A_36 = vector.extract_strided_slice %get3A_26 {offsets = [0, 0], sizes = [128, 16], strides = [1, 1]} : vector<128x128xf32> to vector<128x16xf32>
    %slice3A_37 = vector.extract_strided_slice %get3A_29 {offsets = [0, 0], sizes = [128, 16], strides = [1, 1]} : vector<128x128xf32> to vector<128x16xf32>
    %slice3A_38 = vector.extract_strided_slice %get3A_32 {offsets = [0, 0], sizes = [128, 16], strides = [1, 1]} : vector<128x128xf32> to vector<128x16xf32>
    %slice3A_39 = vector.extract_strided_slice %get3A_35 {offsets = [0, 0], sizes = [128, 16], strides = [1, 1]} : vector<128x128xf32> to vector<128x16xf32>
    %slice3A_40 = vector.extract_strided_slice %get3A_26 {offsets = [0, 16], sizes = [128, 16], strides = [1, 1]} : vector<128x128xf32> to vector<128x16xf32>
    %slice3A_41 = vector.extract_strided_slice %get3A_29 {offsets = [0, 16], sizes = [128, 16], strides = [1, 1]} : vector<128x128xf32> to vector<128x16xf32>
    %slice3A_42 = vector.extract_strided_slice %get3A_32 {offsets = [0, 16], sizes = [128, 16], strides = [1, 1]} : vector<128x128xf32> to vector<128x16xf32>
    %slice3A_43 = vector.extract_strided_slice %get3A_35 {offsets = [0, 16], sizes = [128, 16], strides = [1, 1]} : vector<128x128xf32> to vector<128x16xf32>
    %slice3A_44 = vector.extract_strided_slice %get3A_26 {offsets = [0, 32], sizes = [128, 16], strides = [1, 1]} : vector<128x128xf32> to vector<128x16xf32>
    %slice3A_45 = vector.extract_strided_slice %get3A_29 {offsets = [0, 32], sizes = [128, 16], strides = [1, 1]} : vector<128x128xf32> to vector<128x16xf32>
    %slice3A_46 = vector.extract_strided_slice %get3A_32 {offsets = [0, 32], sizes = [128, 16], strides = [1, 1]} : vector<128x128xf32> to vector<128x16xf32>
    %slice3A_47 = vector.extract_strided_slice %get3A_35 {offsets = [0, 32], sizes = [128, 16], strides = [1, 1]} : vector<128x128xf32> to vector<128x16xf32>
    %slice3A_48 = vector.extract_strided_slice %get3A_26 {offsets = [0, 48], sizes = [128, 16], strides = [1, 1]} : vector<128x128xf32> to vector<128x16xf32>
    %slice3A_49 = vector.extract_strided_slice %get3A_29 {offsets = [0, 48], sizes = [128, 16], strides = [1, 1]} : vector<128x128xf32> to vector<128x16xf32>
    %slice3A_50 = vector.extract_strided_slice %get3A_32 {offsets = [0, 48], sizes = [128, 16], strides = [1, 1]} : vector<128x128xf32> to vector<128x16xf32>
    %slice3A_51 = vector.extract_strided_slice %get3A_35 {offsets = [0, 48], sizes = [128, 16], strides = [1, 1]} : vector<128x128xf32> to vector<128x16xf32>
    %slice3A_52 = vector.extract_strided_slice %get3A_26 {offsets = [0, 64], sizes = [128, 16], strides = [1, 1]} : vector<128x128xf32> to vector<128x16xf32>
    %slice3A_53 = vector.extract_strided_slice %get3A_29 {offsets = [0, 64], sizes = [128, 16], strides = [1, 1]} : vector<128x128xf32> to vector<128x16xf32>
    %slice3A_54 = vector.extract_strided_slice %get3A_32 {offsets = [0, 64], sizes = [128, 16], strides = [1, 1]} : vector<128x128xf32> to vector<128x16xf32>
    %slice3A_55 = vector.extract_strided_slice %get3A_35 {offsets = [0, 64], sizes = [128, 16], strides = [1, 1]} : vector<128x128xf32> to vector<128x16xf32>
    %slice3A_56 = vector.extract_strided_slice %get3A_26 {offsets = [0, 80], sizes = [128, 16], strides = [1, 1]} : vector<128x128xf32> to vector<128x16xf32>
    %slice3A_57 = vector.extract_strided_slice %get3A_29 {offsets = [0, 80], sizes = [128, 16], strides = [1, 1]} : vector<128x128xf32> to vector<128x16xf32>
    %slice3A_58 = vector.extract_strided_slice %get3A_32 {offsets = [0, 80], sizes = [128, 16], strides = [1, 1]} : vector<128x128xf32> to vector<128x16xf32>
    %slice3A_59 = vector.extract_strided_slice %get3A_35 {offsets = [0, 80], sizes = [128, 16], strides = [1, 1]} : vector<128x128xf32> to vector<128x16xf32>
    %slice3A_60 = vector.extract_strided_slice %get3A_26 {offsets = [0, 96], sizes = [128, 16], strides = [1, 1]} : vector<128x128xf32> to vector<128x16xf32>
    %slice3A_61 = vector.extract_strided_slice %get3A_29 {offsets = [0, 96], sizes = [128, 16], strides = [1, 1]} : vector<128x128xf32> to vector<128x16xf32>
    %slice3A_62 = vector.extract_strided_slice %get3A_32 {offsets = [0, 96], sizes = [128, 16], strides = [1, 1]} : vector<128x128xf32> to vector<128x16xf32>
    %slice3A_63 = vector.extract_strided_slice %get3A_35 {offsets = [0, 96], sizes = [128, 16], strides = [1, 1]} : vector<128x128xf32> to vector<128x16xf32>
    %slice3A_64 = vector.extract_strided_slice %get3A_26 {offsets = [0, 112], sizes = [128, 16], strides = [1, 1]} : vector<128x128xf32> to vector<128x16xf32>
    %slice3A_65 = vector.extract_strided_slice %get3A_29 {offsets = [0, 112], sizes = [128, 16], strides = [1, 1]} : vector<128x128xf32> to vector<128x16xf32>
    %slice3A_66 = vector.extract_strided_slice %get3A_32 {offsets = [0, 112], sizes = [128, 16], strides = [1, 1]} : vector<128x128xf32> to vector<128x16xf32>
    %slice3A_67 = vector.extract_strided_slice %get3A_35 {offsets = [0, 112], sizes = [128, 16], strides = [1, 1]} : vector<128x128xf32> to vector<128x16xf32>
    %concatenate3A_68 = tpu.concatenate %slice3A_36, %slice3A_37, %slice3A_38, %slice3A_39, %slice3A_40, %slice3A_41, %slice3A_42, %slice3A_43, %slice3A_44, %slice3A_45, %slice3A_46, %slice3A_47, %slice3A_48, %slice3A_49, %slice3A_50, %slice3A_51, %slice3A_52, %slice3A_53, %slice3A_54, %slice3A_55, %slice3A_56, %slice3A_57, %slice3A_58, %slice3A_59, %slice3A_60, %slice3A_61, %slice3A_62, %slice3A_63, %slice3A_64, %slice3A_65, %slice3A_66, %slice3A_67 in 1 : vector<128x16xf32>, vector<128x16xf32>, vector<128x16xf32>, vector<128x16xf32>, vector<128x16xf32>, vector<128x16xf32>, vector<128x16xf32>, vector<128x16xf32>, vector<128x16xf32>, vector<128x16xf32>, vector<128x16xf32>, vector<128x16xf32>, vector<128x16xf32>, vector<128x16xf32>, vector<128x16xf32>, vector<128x16xf32>, vector<128x16xf32>, vector<128x16xf32>, vector<128x16xf32>, vector<128x16xf32>, vector<128x16xf32>, vector<128x16xf32>, vector<128x16xf32>, vector<128x16xf32>, vector<128x16xf32>, vector<128x16xf32>, vector<128x16xf32>, vector<128x16xf32>, vector<128x16xf32>, vector<128x16xf32>, vector<128x16xf32>, vector<128x16xf32> -> vector<128x512xf32>
    %mul3A = arith.mulf %concatenate3A_68, %concatenate3A : vector<128x512xf32>
    %get3A_69 = arith.constant 0 : index
    %get3A_70 = arith.constant 0 : index
    %get3A_71 = vector.load %arg7[%get3A_69, %get3A_70] : memref<1x512xf32, #tpu.memory_space<vmem>>, vector<1x512xf32>
    %add3A = vector.broadcast %get3A_71 : vector<1x512xf32> to vector<128x512xf32>
    %add3A_72 = arith.addf %mul3A, %add3A : vector<128x512xf32>
    %max3A = arith.constant 0.000000e+00 : f32
    %max3A_73 = vector.broadcast %max3A : f32 to vector<128x512xf32>
    %max3A_74 = arith.maximumf %add3A_72, %max3A_73 : vector<128x512xf32>
    %slice3A_75 = vector.extract_strided_slice %max3A_74 {offsets = [0, 0], sizes = [128, 64], strides = [1, 1]} : vector<128x512xf32> to vector<128x64xf32>
    %get3A_76 = arith.constant 0 : index
    %get3A_77 = arith.constant 0 : index
    %get3A_78 = vector.load %arg6[%get3A_76, %get3A_77] : memref<64x64xf32, #tpu.memory_space<vmem>>, vector<64x64xf32>
    %dot_general3A = arith.constant dense<0.000000e+00> : vector<128x64xf32>
    %dot_general3A_79 = tpu.matmul %slice3A_75, %get3A_78, %dot_general3A {dimension_numbers = #tpu.dot_dimension_numbers<[1], [0], [0], [1], [0, 0, 1, 1], [], []>, transpose_lhs_hint = false} : vector<128x64xf32>, vector<64x64xf32>, vector<128x64xf32> -> vector<128x64xf32>
    %slice3A_80 = vector.extract_strided_slice %max3A_74 {offsets = [0, 64], sizes = [128, 64], strides = [1, 1]} : vector<128x512xf32> to vector<128x64xf32>
    %get3A_81 = arith.constant 0 : index
    %get3A_82 = arith.constant 0 : index
    %get3A_83 = vector.load %arg6[%get3A_81, %get3A_82] : memref<64x64xf32, #tpu.memory_space<vmem>>, vector<64x64xf32>
    %dot_general3A_84 = arith.constant dense<0.000000e+00> : vector<128x64xf32>
    %dot_general3A_85 = tpu.matmul %slice3A_80, %get3A_83, %dot_general3A_84 {dimension_numbers = #tpu.dot_dimension_numbers<[1], [0], [0], [1], [0, 0, 1, 1], [], []>, transpose_lhs_hint = false} : vector<128x64xf32>, vector<64x64xf32>, vector<128x64xf32> -> vector<128x64xf32>
    %slice3A_86 = vector.extract_strided_slice %max3A_74 {offsets = [0, 128], sizes = [128, 64], strides = [1, 1]} : vector<128x512xf32> to vector<128x64xf32>
    %get3A_87 = arith.constant 0 : index
    %get3A_88 = arith.constant 0 : index
    %get3A_89 = vector.load %arg6[%get3A_87, %get3A_88] : memref<64x64xf32, #tpu.memory_space<vmem>>, vector<64x64xf32>
    %dot_general3A_90 = arith.constant dense<0.000000e+00> : vector<128x64xf32>
    %dot_general3A_91 = tpu.matmul %slice3A_86, %get3A_89, %dot_general3A_90 {dimension_numbers = #tpu.dot_dimension_numbers<[1], [0], [0], [1], [0, 0, 1, 1], [], []>, transpose_lhs_hint = false} : vector<128x64xf32>, vector<64x64xf32>, vector<128x64xf32> -> vector<128x64xf32>
    %slice3A_92 = vector.extract_strided_slice %max3A_74 {offsets = [0, 192], sizes = [128, 64], strides = [1, 1]} : vector<128x512xf32> to vector<128x64xf32>
    %get3A_93 = arith.constant 0 : index
    %get3A_94 = arith.constant 0 : index
    %get3A_95 = vector.load %arg6[%get3A_93, %get3A_94] : memref<64x64xf32, #tpu.memory_space<vmem>>, vector<64x64xf32>
    %dot_general3A_96 = arith.constant dense<0.000000e+00> : vector<128x64xf32>
    %dot_general3A_97 = tpu.matmul %slice3A_92, %get3A_95, %dot_general3A_96 {dimension_numbers = #tpu.dot_dimension_numbers<[1], [0], [0], [1], [0, 0, 1, 1], [], []>, transpose_lhs_hint = false} : vector<128x64xf32>, vector<64x64xf32>, vector<128x64xf32> -> vector<128x64xf32>
    %slice3A_98 = vector.extract_strided_slice %max3A_74 {offsets = [0, 256], sizes = [128, 64], strides = [1, 1]} : vector<128x512xf32> to vector<128x64xf32>
    %get3A_99 = arith.constant 0 : index
    %get3A_100 = arith.constant 0 : index
    %get3A_101 = vector.load %arg6[%get3A_99, %get3A_100] : memref<64x64xf32, #tpu.memory_space<vmem>>, vector<64x64xf32>
    %dot_general3A_102 = arith.constant dense<0.000000e+00> : vector<128x64xf32>
    %dot_general3A_103 = tpu.matmul %slice3A_98, %get3A_101, %dot_general3A_102 {dimension_numbers = #tpu.dot_dimension_numbers<[1], [0], [0], [1], [0, 0, 1, 1], [], []>, transpose_lhs_hint = false} : vector<128x64xf32>, vector<64x64xf32>, vector<128x64xf32> -> vector<128x64xf32>
    %slice3A_104 = vector.extract_strided_slice %max3A_74 {offsets = [0, 320], sizes = [128, 64], strides = [1, 1]} : vector<128x512xf32> to vector<128x64xf32>
    %get3A_105 = arith.constant 0 : index
    %get3A_106 = arith.constant 0 : index
    %get3A_107 = vector.load %arg6[%get3A_105, %get3A_106] : memref<64x64xf32, #tpu.memory_space<vmem>>, vector<64x64xf32>
    %dot_general3A_108 = arith.constant dense<0.000000e+00> : vector<128x64xf32>
    %dot_general3A_109 = tpu.matmul %slice3A_104, %get3A_107, %dot_general3A_108 {dimension_numbers = #tpu.dot_dimension_numbers<[1], [0], [0], [1], [0, 0, 1, 1], [], []>, transpose_lhs_hint = false} : vector<128x64xf32>, vector<64x64xf32>, vector<128x64xf32> -> vector<128x64xf32>
    %slice3A_110 = vector.extract_strided_slice %max3A_74 {offsets = [0, 384], sizes = [128, 64], strides = [1, 1]} : vector<128x512xf32> to vector<128x64xf32>
    %get3A_111 = arith.constant 0 : index
    %get3A_112 = arith.constant 0 : index
    %get3A_113 = vector.load %arg6[%get3A_111, %get3A_112] : memref<64x64xf32, #tpu.memory_space<vmem>>, vector<64x64xf32>
    %dot_general3A_114 = arith.constant dense<0.000000e+00> : vector<128x64xf32>
    %dot_general3A_115 = tpu.matmul %slice3A_110, %get3A_113, %dot_general3A_114 {dimension_numbers = #tpu.dot_dimension_numbers<[1], [0], [0], [1], [0, 0, 1, 1], [], []>, transpose_lhs_hint = false} : vector<128x64xf32>, vector<64x64xf32>, vector<128x64xf32> -> vector<128x64xf32>
    %slice3A_116 = vector.extract_strided_slice %max3A_74 {offsets = [0, 448], sizes = [128, 64], strides = [1, 1]} : vector<128x512xf32> to vector<128x64xf32>
    %get3A_117 = arith.constant 0 : index
    %get3A_118 = arith.constant 0 : index
    %get3A_119 = vector.load %arg6[%get3A_117, %get3A_118] : memref<64x64xf32, #tpu.memory_space<vmem>>, vector<64x64xf32>
    %dot_general3A_120 = arith.constant dense<0.000000e+00> : vector<128x64xf32>
    %dot_general3A_121 = tpu.matmul %slice3A_116, %get3A_119, %dot_general3A_120 {dimension_numbers = #tpu.dot_dimension_numbers<[1], [0], [0], [1], [0, 0, 1, 1], [], []>, transpose_lhs_hint = false} : vector<128x64xf32>, vector<64x64xf32>, vector<128x64xf32> -> vector<128x64xf32>
    %concatenate3A_122 = tpu.concatenate %dot_general3A_79, %dot_general3A_85, %dot_general3A_91, %dot_general3A_97, %dot_general3A_103, %dot_general3A_109, %dot_general3A_115, %dot_general3A_121 in 1 : vector<128x64xf32>, vector<128x64xf32>, vector<128x64xf32>, vector<128x64xf32>, vector<128x64xf32>, vector<128x64xf32>, vector<128x64xf32>, vector<128x64xf32> -> vector<128x512xf32>
    %mul3A_123 = arith.mulf %concatenate3A_122, %concatenate3A : vector<128x512xf32>
    %slice3A_124 = vector.extract_strided_slice %mul3A_123 {offsets = [0, 0], sizes = [128, 16], strides = [1, 1]} : vector<128x512xf32> to vector<128x16xf32>
    %slice3A_125 = vector.extract_strided_slice %mul3A_123 {offsets = [0, 64], sizes = [128, 16], strides = [1, 1]} : vector<128x512xf32> to vector<128x16xf32>
    %slice3A_126 = vector.extract_strided_slice %mul3A_123 {offsets = [0, 128], sizes = [128, 16], strides = [1, 1]} : vector<128x512xf32> to vector<128x16xf32>
    %slice3A_127 = vector.extract_strided_slice %mul3A_123 {offsets = [0, 192], sizes = [128, 16], strides = [1, 1]} : vector<128x512xf32> to vector<128x16xf32>
    %slice3A_128 = vector.extract_strided_slice %mul3A_123 {offsets = [0, 256], sizes = [128, 16], strides = [1, 1]} : vector<128x512xf32> to vector<128x16xf32>
    %slice3A_129 = vector.extract_strided_slice %mul3A_123 {offsets = [0, 320], sizes = [128, 16], strides = [1, 1]} : vector<128x512xf32> to vector<128x16xf32>
    %slice3A_130 = vector.extract_strided_slice %mul3A_123 {offsets = [0, 384], sizes = [128, 16], strides = [1, 1]} : vector<128x512xf32> to vector<128x16xf32>
    %slice3A_131 = vector.extract_strided_slice %mul3A_123 {offsets = [0, 448], sizes = [128, 16], strides = [1, 1]} : vector<128x512xf32> to vector<128x16xf32>
    %concatenate3A_132 = tpu.concatenate %slice3A_124, %slice3A_125, %slice3A_126, %slice3A_127, %slice3A_128, %slice3A_129, %slice3A_130, %slice3A_131 in 1 : vector<128x16xf32>, vector<128x16xf32>, vector<128x16xf32>, vector<128x16xf32>, vector<128x16xf32>, vector<128x16xf32>, vector<128x16xf32>, vector<128x16xf32> -> vector<128x128xf32>
    %swap3A = arith.constant 0 : index
    %swap3A_133 = arith.constant 0 : index
    %swap3A_134 = vector.load %arg8[%swap3A, %swap3A_133] : memref<128x128xf32, #tpu.memory_space<vmem>>, vector<128x128xf32>
    tpu.vector_store %arg8[%swap3A, %swap3A_133], %concatenate3A_132 {strides = array<i32>} : memref<128x128xf32, #tpu.memory_space<vmem>>, vector<128x128xf32>,
    %slice3A_135 = vector.extract_strided_slice %mul3A_123 {offsets = [0, 16], sizes = [128, 16], strides = [1, 1]} : vector<128x512xf32> to vector<128x16xf32>
    %slice3A_136 = vector.extract_strided_slice %mul3A_123 {offsets = [0, 80], sizes = [128, 16], strides = [1, 1]} : vector<128x512xf32> to vector<128x16xf32>
    %slice3A_137 = vector.extract_strided_slice %mul3A_123 {offsets = [0, 144], sizes = [128, 16], strides = [1, 1]} : vector<128x512xf32> to vector<128x16xf32>
    %slice3A_138 = vector.extract_strided_slice %mul3A_123 {offsets = [0, 208], sizes = [128, 16], strides = [1, 1]} : vector<128x512xf32> to vector<128x16xf32>
    %slice3A_139 = vector.extract_strided_slice %mul3A_123 {offsets = [0, 272], sizes = [128, 16], strides = [1, 1]} : vector<128x512xf32> to vector<128x16xf32>
    %slice3A_140 = vector.extract_strided_slice %mul3A_123 {offsets = [0, 336], sizes = [128, 16], strides = [1, 1]} : vector<128x512xf32> to vector<128x16xf32>
    %slice3A_141 = vector.extract_strided_slice %mul3A_123 {offsets = [0, 400], sizes = [128, 16], strides = [1, 1]} : vector<128x512xf32> to vector<128x16xf32>
    %slice3A_142 = vector.extract_strided_slice %mul3A_123 {offsets = [0, 464], sizes = [128, 16], strides = [1, 1]} : vector<128x512xf32> to vector<128x16xf32>
    %concatenate3A_143 = tpu.concatenate %slice3A_135, %slice3A_136, %slice3A_137, %slice3A_138, %slice3A_139, %slice3A_140, %slice3A_141, %slice3A_142 in 1 : vector<128x16xf32>, vector<128x16xf32>, vector<128x16xf32>, vector<128x16xf32>, vector<128x16xf32>, vector<128x16xf32>, vector<128x16xf32>, vector<128x16xf32> -> vector<128x128xf32>
    %swap3A_144 = arith.constant 0 : index
    %swap3A_145 = arith.constant 0 : index
    %swap3A_146 = vector.load %arg9[%swap3A_144, %swap3A_145] : memref<128x128xf32, #tpu.memory_space<vmem>>, vector<128x128xf32>
    tpu.vector_store %arg9[%swap3A_144, %swap3A_145], %concatenate3A_143 {strides = array<i32>} : memref<128x128xf32, #tpu.memory_space<vmem>>, vector<128x128xf32>,
    %slice3A_147 = vector.extract_strided_slice %mul3A_123 {offsets = [0, 32], sizes = [128, 16], strides = [1, 1]} : vector<128x512xf32> to vector<128x16xf32>
    %slice3A_148 = vector.extract_strided_slice %mul3A_123 {offsets = [0, 96], sizes = [128, 16], strides = [1, 1]} : vector<128x512xf32> to vector<128x16xf32>
    %slice3A_149 = vector.extract_strided_slice %mul3A_123 {offsets = [0, 160], sizes = [128, 16], strides = [1, 1]} : vector<128x512xf32> to vector<128x16xf32>
    %slice3A_150 = vector.extract_strided_slice %mul3A_123 {offsets = [0, 224], sizes = [128, 16], strides = [1, 1]} : vector<128x512xf32> to vector<128x16xf32>
    %slice3A_151 = vector.extract_strided_slice %mul3A_123 {offsets = [0, 288], sizes = [128, 16], strides = [1, 1]} : vector<128x512xf32> to vector<128x16xf32>
    %slice3A_152 = vector.extract_strided_slice %mul3A_123 {offsets = [0, 352], sizes = [128, 16], strides = [1, 1]} : vector<128x512xf32> to vector<128x16xf32>
    %slice3A_153 = vector.extract_strided_slice %mul3A_123 {offsets = [0, 416], sizes = [128, 16], strides = [1, 1]} : vector<128x512xf32> to vector<128x16xf32>
    %slice3A_154 = vector.extract_strided_slice %mul3A_123 {offsets = [0, 480], sizes = [128, 16], strides = [1, 1]} : vector<128x512xf32> to vector<128x16xf32>
    %concatenate3A_155 = tpu.concatenate %slice3A_147, %slice3A_148, %slice3A_149, %slice3A_150, %slice3A_151, %slice3A_152, %slice3A_153, %slice3A_154 in 1 : vector<128x16xf32>, vector<128x16xf32>, vector<128x16xf32>, vector<128x16xf32>, vector<128x16xf32>, vector<128x16xf32>, vector<128x16xf32>, vector<128x16xf32> -> vector<128x128xf32>
    %swap3A_156 = arith.constant 0 : index
    %swap3A_157 = arith.constant 0 : index
    %swap3A_158 = vector.load %arg10[%swap3A_156, %swap3A_157] : memref<128x128xf32, #tpu.memory_space<vmem>>, vector<128x128xf32>
    tpu.vector_store %arg10[%swap3A_156, %swap3A_157], %concatenate3A_155 {strides = array<i32>} : memref<128x128xf32, #tpu.memory_space<vmem>>, vector<128x128xf32>,
    %slice3A_159 = vector.extract_strided_slice %mul3A_123 {offsets = [0, 48], sizes = [128, 16], strides = [1, 1]} : vector<128x512xf32> to vector<128x16xf32>
    %slice3A_160 = vector.extract_strided_slice %mul3A_123 {offsets = [0, 112], sizes = [128, 16], strides = [1, 1]} : vector<128x512xf32> to vector<128x16xf32>
    %slice3A_161 = vector.extract_strided_slice %mul3A_123 {offsets = [0, 176], sizes = [128, 16], strides = [1, 1]} : vector<128x512xf32> to vector<128x16xf32>
    %slice3A_162 = vector.extract_strided_slice %mul3A_123 {offsets = [0, 240], sizes = [128, 16], strides = [1, 1]} : vector<128x512xf32> to vector<128x16xf32>
    %slice3A_163 = vector.extract_strided_slice %mul3A_123 {offsets = [0, 304], sizes = [128, 16], strides = [1, 1]} : vector<128x512xf32> to vector<128x16xf32>
    %slice3A_164 = vector.extract_strided_slice %mul3A_123 {offsets = [0, 368], sizes = [128, 16], strides = [1, 1]} : vector<128x512xf32> to vector<128x16xf32>
    %slice3A_165 = vector.extract_strided_slice %mul3A_123 {offsets = [0, 432], sizes = [128, 16], strides = [1, 1]} : vector<128x512xf32> to vector<128x16xf32>
    %slice3A_166 = vector.extract_strided_slice %mul3A_123 {offsets = [0, 496], sizes = [128, 16], strides = [1, 1]} : vector<128x512xf32> to vector<128x16xf32>
    %concatenate3A_167 = tpu.concatenate %slice3A_159, %slice3A_160, %slice3A_161, %slice3A_162, %slice3A_163, %slice3A_164, %slice3A_165, %slice3A_166 in 1 : vector<128x16xf32>, vector<128x16xf32>, vector<128x16xf32>, vector<128x16xf32>, vector<128x16xf32>, vector<128x16xf32>, vector<128x16xf32>, vector<128x16xf32> -> vector<128x128xf32>
    %swap3A_168 = arith.constant 0 : index
    %swap3A_169 = arith.constant 0 : index
    %swap3A_170 = vector.load %arg11[%swap3A_168, %swap3A_169] : memref<128x128xf32, #tpu.memory_space<vmem>>, vector<128x128xf32>
    tpu.vector_store %arg11[%swap3A_168, %swap3A_169], %concatenate3A_167 {strides = array<i32>} : memref<128x128xf32, #tpu.memory_space<vmem>>, vector<128x128xf32>,
    return
  }
  func.func @transform_0(%arg0: i32) -> (i32, i32) {
    %c0_i32 = arith.constant 0 : i32
    %c0_i32_0 = arith.constant 0 : i32
    return %arg0, %c0_i32 : i32, i32
  }
  func.func @transform_1(%arg0: i32) -> (i32, i32) {
    %c0_i32 = arith.constant 0 : i32
    %c0_i32_0 = arith.constant 0 : i32
    return %arg0, %c0_i32 : i32, i32
  }
  func.func @transform_2(%arg0: i32) -> (i32, i32) {
    %c0_i32 = arith.constant 0 : i32
    %c0_i32_0 = arith.constant 0 : i32
    return %arg0, %c0_i32 : i32, i32
  }
  func.func @transform_3(%arg0: i32) -> (i32, i32) {
    %c0_i32 = arith.constant 0 : i32
    %c0_i32_0 = arith.constant 0 : i32
    return %arg0, %c0_i32 : i32, i32
  }
  func.func @transform_4(%arg0: i32) -> (i32, i32) {
    %c0_i32 = arith.constant 0 : i32
    %c0_i32_0 = arith.constant 0 : i32
    return %arg0, %c0_i32 : i32, i32
  }
  func.func @transform_5(%arg0: i32) -> (i32, i32) {
    %c0_i32 = arith.constant 0 : i32
    %c0_i32_0 = arith.constant 0 : i32
    %c0_i32_1 = arith.constant 0 : i32
    return %c0_i32, %c0_i32_0 : i32, i32
  }
  func.func @transform_6(%arg0: i32) -> (i32, i32) {
    %c0_i32 = arith.constant 0 : i32
    %c0_i32_0 = arith.constant 0 : i32
    %c0_i32_1 = arith.constant 0 : i32
    return %c0_i32, %c0_i32_0 : i32, i32
  }
  func.func @transform_7(%arg0: i32) -> (i32, i32) {
    %c0_i32 = arith.constant 0 : i32
    %c0_i32_0 = arith.constant 0 : i32
    return %arg0, %c0_i32 : i32, i32
  }
  func.func @transform_8(%arg0: i32) -> (i32, i32) {
    %c0_i32 = arith.constant 0 : i32
    %c0_i32_0 = arith.constant 0 : i32
    return %arg0, %c0_i32 : i32, i32
  }
  func.func @transform_9(%arg0: i32) -> (i32, i32) {
    %c0_i32 = arith.constant 0 : i32
    %c0_i32_0 = arith.constant 0 : i32
    return %arg0, %c0_i32 : i32, i32
  }
  func.func @transform_10(%arg0: i32) -> (i32, i32) {
    %c0_i32 = arith.constant 0 : i32
    %c0_i32_0 = arith.constant 0 : i32
    return %arg0, %c0_i32 : i32, i32
  }
}

module attributes {stable_mosaic.version = 14 : i64} {
  func.func @_dense3_body(%arg0: i32, %arg1: memref<128x128xf32, #tpu.memory_space<vmem>>, %arg2: memref<128x128xf32, #tpu.memory_space<vmem>>, %arg3: memref<128x128xf32, #tpu.memory_space<vmem>>, %arg4: memref<128x128xf32, #tpu.memory_space<vmem>>, %arg5: memref<128x128xf32, #tpu.memory_space<vmem>>, %arg6: memref<64x1xf32, #tpu.memory_space<vmem>>, %arg7: memref<1x512xf32, #tpu.memory_space<vmem>>, %arg8: memref<1x1xf32, #tpu.memory_space<vmem>>, %arg9: memref<128x8xf32, #tpu.memory_space<vmem>>) attributes {dimension_semantics = [#tpu.dimension_semantics<arbitrary>], iteration_bounds = array<i64: 49>, scalar_prefetch = 0 : i64, scratch_operands = 0 : i64, tpu.core_type = #tpu.core_type<tc>, window_params = [{transform_indices = @transform_0, window_bounds = array<i64: 128, 128>}, {transform_indices = @transform_1, window_bounds = array<i64: 128, 128>}, {transform_indices = @transform_2, window_bounds = array<i64: 128, 128>}, {transform_indices = @transform_3, window_bounds = array<i64: 128, 128>}, {transform_indices = @transform_4, window_bounds = array<i64: 128, 128>}, {pipeline_mode = #tpu.pipeline_mode<synchronous>, transform_indices = @transform_5, window_bounds = array<i64: 64, 1>}, {pipeline_mode = #tpu.pipeline_mode<synchronous>, transform_indices = @transform_6, window_bounds = array<i64: 1, 512>}, {pipeline_mode = #tpu.pipeline_mode<synchronous>, transform_indices = @transform_7, window_bounds = array<i64: 1, 1>}, {transform_indices = @transform_8, window_bounds = array<i64: 128, 8>}]} {
    %get3A = arith.constant 0 : index
    %get3A_0 = arith.constant 0 : index
    %get3A_1 = vector.load %arg5[%get3A, %get3A_0] : memref<128x128xf32, #tpu.memory_space<vmem>>, vector<128x128xf32>
    %slice3A = vector.extract_strided_slice %get3A_1 {offsets = [0, 0], sizes = [128, 1], strides = [1, 1]} : vector<128x128xf32> to vector<128x1xf32>
    %broadcast_in_dim3A = vector.shape_cast %slice3A : vector<128x1xf32> to vector<128x1xf32>
    %broadcast_in_dim3A_2 = vector.broadcast %broadcast_in_dim3A : vector<128x1xf32> to vector<128x64xf32>
    %slice3A_3 = vector.extract_strided_slice %get3A_1 {offsets = [0, 16], sizes = [128, 1], strides = [1, 1]} : vector<128x128xf32> to vector<128x1xf32>
    %broadcast_in_dim3A_4 = vector.shape_cast %slice3A_3 : vector<128x1xf32> to vector<128x1xf32>
    %broadcast_in_dim3A_5 = vector.broadcast %broadcast_in_dim3A_4 : vector<128x1xf32> to vector<128x64xf32>
    %slice3A_6 = vector.extract_strided_slice %get3A_1 {offsets = [0, 32], sizes = [128, 1], strides = [1, 1]} : vector<128x128xf32> to vector<128x1xf32>
    %broadcast_in_dim3A_7 = vector.shape_cast %slice3A_6 : vector<128x1xf32> to vector<128x1xf32>
    %broadcast_in_dim3A_8 = vector.broadcast %broadcast_in_dim3A_7 : vector<128x1xf32> to vector<128x64xf32>
    %slice3A_9 = vector.extract_strided_slice %get3A_1 {offsets = [0, 48], sizes = [128, 1], strides = [1, 1]} : vector<128x128xf32> to vector<128x1xf32>
    %broadcast_in_dim3A_10 = vector.shape_cast %slice3A_9 : vector<128x1xf32> to vector<128x1xf32>
    %broadcast_in_dim3A_11 = vector.broadcast %broadcast_in_dim3A_10 : vector<128x1xf32> to vector<128x64xf32>
    %slice3A_12 = vector.extract_strided_slice %get3A_1 {offsets = [0, 64], sizes = [128, 1], strides = [1, 1]} : vector<128x128xf32> to vector<128x1xf32>
    %broadcast_in_dim3A_13 = vector.shape_cast %slice3A_12 : vector<128x1xf32> to vector<128x1xf32>
    %broadcast_in_dim3A_14 = vector.broadcast %broadcast_in_dim3A_13 : vector<128x1xf32> to vector<128x64xf32>
    %slice3A_15 = vector.extract_strided_slice %get3A_1 {offsets = [0, 80], sizes = [128, 1], strides = [1, 1]} : vector<128x128xf32> to vector<128x1xf32>
    %broadcast_in_dim3A_16 = vector.shape_cast %slice3A_15 : vector<128x1xf32> to vector<128x1xf32>
    %broadcast_in_dim3A_17 = vector.broadcast %broadcast_in_dim3A_16 : vector<128x1xf32> to vector<128x64xf32>
    %slice3A_18 = vector.extract_strided_slice %get3A_1 {offsets = [0, 96], sizes = [128, 1], strides = [1, 1]} : vector<128x128xf32> to vector<128x1xf32>
    %broadcast_in_dim3A_19 = vector.shape_cast %slice3A_18 : vector<128x1xf32> to vector<128x1xf32>
    %broadcast_in_dim3A_20 = vector.broadcast %broadcast_in_dim3A_19 : vector<128x1xf32> to vector<128x64xf32>
    %slice3A_21 = vector.extract_strided_slice %get3A_1 {offsets = [0, 112], sizes = [128, 1], strides = [1, 1]} : vector<128x128xf32> to vector<128x1xf32>
    %broadcast_in_dim3A_22 = vector.shape_cast %slice3A_21 : vector<128x1xf32> to vector<128x1xf32>
    %broadcast_in_dim3A_23 = vector.broadcast %broadcast_in_dim3A_22 : vector<128x1xf32> to vector<128x64xf32>
    %concatenate3A = tpu.concatenate %broadcast_in_dim3A_2, %broadcast_in_dim3A_5, %broadcast_in_dim3A_8, %broadcast_in_dim3A_11, %broadcast_in_dim3A_14, %broadcast_in_dim3A_17, %broadcast_in_dim3A_20, %broadcast_in_dim3A_23 in 1 : vector<128x64xf32>, vector<128x64xf32>, vector<128x64xf32>, vector<128x64xf32>, vector<128x64xf32>, vector<128x64xf32>, vector<128x64xf32>, vector<128x64xf32> -> vector<128x512xf32>
    %get3A_24 = arith.constant 0 : index
    %get3A_25 = arith.constant 0 : index
    %get3A_26 = vector.load %arg1[%get3A_24, %get3A_25] : memref<128x128xf32, #tpu.memory_space<vmem>>, vector<128x128xf32>
    %get3A_27 = arith.constant 0 : index
    %get3A_28 = arith.constant 0 : index
    %get3A_29 = vector.load %arg2[%get3A_27, %get3A_28] : memref<128x128xf32, #tpu.memory_space<vmem>>, vector<128x128xf32>
    %get3A_30 = arith.constant 0 : index
    %get3A_31 = arith.constant 0 : index
    %get3A_32 = vector.load %arg3[%get3A_30, %get3A_31] : memref<128x128xf32, #tpu.memory_space<vmem>>, vector<128x128xf32>
    %get3A_33 = arith.constant 0 : index
    %get3A_34 = arith.constant 0 : index
    %get3A_35 = vector.load %arg4[%get3A_33, %get3A_34] : memref<128x128xf32, #tpu.memory_space<vmem>>, vector<128x128xf32>
    %slice3A_36 = vector.extract_strided_slice %get3A_26 {offsets = [0, 0], sizes = [128, 16], strides = [1, 1]} : vector<128x128xf32> to vector<128x16xf32>
    %slice3A_37 = vector.extract_strided_slice %get3A_29 {offsets = [0, 0], sizes = [128, 16], strides = [1, 1]} : vector<128x128xf32> to vector<128x16xf32>
    %slice3A_38 = vector.extract_strided_slice %get3A_32 {offsets = [0, 0], sizes = [128, 16], strides = [1, 1]} : vector<128x128xf32> to vector<128x16xf32>
    %slice3A_39 = vector.extract_strided_slice %get3A_35 {offsets = [0, 0], sizes = [128, 16], strides = [1, 1]} : vector<128x128xf32> to vector<128x16xf32>
    %slice3A_40 = vector.extract_strided_slice %get3A_26 {offsets = [0, 16], sizes = [128, 16], strides = [1, 1]} : vector<128x128xf32> to vector<128x16xf32>
    %slice3A_41 = vector.extract_strided_slice %get3A_29 {offsets = [0, 16], sizes = [128, 16], strides = [1, 1]} : vector<128x128xf32> to vector<128x16xf32>
    %slice3A_42 = vector.extract_strided_slice %get3A_32 {offsets = [0, 16], sizes = [128, 16], strides = [1, 1]} : vector<128x128xf32> to vector<128x16xf32>
    %slice3A_43 = vector.extract_strided_slice %get3A_35 {offsets = [0, 16], sizes = [128, 16], strides = [1, 1]} : vector<128x128xf32> to vector<128x16xf32>
    %slice3A_44 = vector.extract_strided_slice %get3A_26 {offsets = [0, 32], sizes = [128, 16], strides = [1, 1]} : vector<128x128xf32> to vector<128x16xf32>
    %slice3A_45 = vector.extract_strided_slice %get3A_29 {offsets = [0, 32], sizes = [128, 16], strides = [1, 1]} : vector<128x128xf32> to vector<128x16xf32>
    %slice3A_46 = vector.extract_strided_slice %get3A_32 {offsets = [0, 32], sizes = [128, 16], strides = [1, 1]} : vector<128x128xf32> to vector<128x16xf32>
    %slice3A_47 = vector.extract_strided_slice %get3A_35 {offsets = [0, 32], sizes = [128, 16], strides = [1, 1]} : vector<128x128xf32> to vector<128x16xf32>
    %slice3A_48 = vector.extract_strided_slice %get3A_26 {offsets = [0, 48], sizes = [128, 16], strides = [1, 1]} : vector<128x128xf32> to vector<128x16xf32>
    %slice3A_49 = vector.extract_strided_slice %get3A_29 {offsets = [0, 48], sizes = [128, 16], strides = [1, 1]} : vector<128x128xf32> to vector<128x16xf32>
    %slice3A_50 = vector.extract_strided_slice %get3A_32 {offsets = [0, 48], sizes = [128, 16], strides = [1, 1]} : vector<128x128xf32> to vector<128x16xf32>
    %slice3A_51 = vector.extract_strided_slice %get3A_35 {offsets = [0, 48], sizes = [128, 16], strides = [1, 1]} : vector<128x128xf32> to vector<128x16xf32>
    %slice3A_52 = vector.extract_strided_slice %get3A_26 {offsets = [0, 64], sizes = [128, 16], strides = [1, 1]} : vector<128x128xf32> to vector<128x16xf32>
    %slice3A_53 = vector.extract_strided_slice %get3A_29 {offsets = [0, 64], sizes = [128, 16], strides = [1, 1]} : vector<128x128xf32> to vector<128x16xf32>
    %slice3A_54 = vector.extract_strided_slice %get3A_32 {offsets = [0, 64], sizes = [128, 16], strides = [1, 1]} : vector<128x128xf32> to vector<128x16xf32>
    %slice3A_55 = vector.extract_strided_slice %get3A_35 {offsets = [0, 64], sizes = [128, 16], strides = [1, 1]} : vector<128x128xf32> to vector<128x16xf32>
    %slice3A_56 = vector.extract_strided_slice %get3A_26 {offsets = [0, 80], sizes = [128, 16], strides = [1, 1]} : vector<128x128xf32> to vector<128x16xf32>
    %slice3A_57 = vector.extract_strided_slice %get3A_29 {offsets = [0, 80], sizes = [128, 16], strides = [1, 1]} : vector<128x128xf32> to vector<128x16xf32>
    %slice3A_58 = vector.extract_strided_slice %get3A_32 {offsets = [0, 80], sizes = [128, 16], strides = [1, 1]} : vector<128x128xf32> to vector<128x16xf32>
    %slice3A_59 = vector.extract_strided_slice %get3A_35 {offsets = [0, 80], sizes = [128, 16], strides = [1, 1]} : vector<128x128xf32> to vector<128x16xf32>
    %slice3A_60 = vector.extract_strided_slice %get3A_26 {offsets = [0, 96], sizes = [128, 16], strides = [1, 1]} : vector<128x128xf32> to vector<128x16xf32>
    %slice3A_61 = vector.extract_strided_slice %get3A_29 {offsets = [0, 96], sizes = [128, 16], strides = [1, 1]} : vector<128x128xf32> to vector<128x16xf32>
    %slice3A_62 = vector.extract_strided_slice %get3A_32 {offsets = [0, 96], sizes = [128, 16], strides = [1, 1]} : vector<128x128xf32> to vector<128x16xf32>
    %slice3A_63 = vector.extract_strided_slice %get3A_35 {offsets = [0, 96], sizes = [128, 16], strides = [1, 1]} : vector<128x128xf32> to vector<128x16xf32>
    %slice3A_64 = vector.extract_strided_slice %get3A_26 {offsets = [0, 112], sizes = [128, 16], strides = [1, 1]} : vector<128x128xf32> to vector<128x16xf32>
    %slice3A_65 = vector.extract_strided_slice %get3A_29 {offsets = [0, 112], sizes = [128, 16], strides = [1, 1]} : vector<128x128xf32> to vector<128x16xf32>
    %slice3A_66 = vector.extract_strided_slice %get3A_32 {offsets = [0, 112], sizes = [128, 16], strides = [1, 1]} : vector<128x128xf32> to vector<128x16xf32>
    %slice3A_67 = vector.extract_strided_slice %get3A_35 {offsets = [0, 112], sizes = [128, 16], strides = [1, 1]} : vector<128x128xf32> to vector<128x16xf32>
    %concatenate3A_68 = tpu.concatenate %slice3A_36, %slice3A_37, %slice3A_38, %slice3A_39, %slice3A_40, %slice3A_41, %slice3A_42, %slice3A_43, %slice3A_44, %slice3A_45, %slice3A_46, %slice3A_47, %slice3A_48, %slice3A_49, %slice3A_50, %slice3A_51, %slice3A_52, %slice3A_53, %slice3A_54, %slice3A_55, %slice3A_56, %slice3A_57, %slice3A_58, %slice3A_59, %slice3A_60, %slice3A_61, %slice3A_62, %slice3A_63, %slice3A_64, %slice3A_65, %slice3A_66, %slice3A_67 in 1 : vector<128x16xf32>, vector<128x16xf32>, vector<128x16xf32>, vector<128x16xf32>, vector<128x16xf32>, vector<128x16xf32>, vector<128x16xf32>, vector<128x16xf32>, vector<128x16xf32>, vector<128x16xf32>, vector<128x16xf32>, vector<128x16xf32>, vector<128x16xf32>, vector<128x16xf32>, vector<128x16xf32>, vector<128x16xf32>, vector<128x16xf32>, vector<128x16xf32>, vector<128x16xf32>, vector<128x16xf32>, vector<128x16xf32>, vector<128x16xf32>, vector<128x16xf32>, vector<128x16xf32>, vector<128x16xf32>, vector<128x16xf32>, vector<128x16xf32>, vector<128x16xf32>, vector<128x16xf32>, vector<128x16xf32>, vector<128x16xf32>, vector<128x16xf32> -> vector<128x512xf32>
    %mul3A = arith.mulf %concatenate3A_68, %concatenate3A : vector<128x512xf32>
    %get3A_69 = arith.constant 0 : index
    %get3A_70 = arith.constant 0 : index
    %get3A_71 = vector.load %arg7[%get3A_69, %get3A_70] : memref<1x512xf32, #tpu.memory_space<vmem>>, vector<1x512xf32>
    %add3A = vector.broadcast %get3A_71 : vector<1x512xf32> to vector<128x512xf32>
    %add3A_72 = arith.addf %mul3A, %add3A : vector<128x512xf32>
    %max3A = arith.constant 0.000000e+00 : f32
    %max3A_73 = vector.broadcast %max3A : f32 to vector<128x512xf32>
    %max3A_74 = arith.maximumf %add3A_72, %max3A_73 : vector<128x512xf32>
    %slice3A_75 = vector.extract_strided_slice %max3A_74 {offsets = [0, 0], sizes = [128, 64], strides = [1, 1]} : vector<128x512xf32> to vector<128x64xf32>
    %get3A_76 = arith.constant 0 : index
    %get3A_77 = arith.constant 0 : index
    %get3A_78 = vector.load %arg6[%get3A_76, %get3A_77] : memref<64x1xf32, #tpu.memory_space<vmem>>, vector<64x1xf32>
    %dot_general3A = arith.constant dense<0.000000e+00> : vector<128x1xf32>
    %dot_general3A_79 = tpu.matmul %slice3A_75, %get3A_78, %dot_general3A {dimension_numbers = #tpu.dot_dimension_numbers<[1], [0], [0], [1], [0, 0, 1, 1], [], []>, transpose_lhs_hint = false} : vector<128x64xf32>, vector<64x1xf32>, vector<128x1xf32> -> vector<128x1xf32>
    %slice3A_80 = vector.extract_strided_slice %max3A_74 {offsets = [0, 64], sizes = [128, 64], strides = [1, 1]} : vector<128x512xf32> to vector<128x64xf32>
    %get3A_81 = arith.constant 0 : index
    %get3A_82 = arith.constant 0 : index
    %get3A_83 = vector.load %arg6[%get3A_81, %get3A_82] : memref<64x1xf32, #tpu.memory_space<vmem>>, vector<64x1xf32>
    %dot_general3A_84 = arith.constant dense<0.000000e+00> : vector<128x1xf32>
    %dot_general3A_85 = tpu.matmul %slice3A_80, %get3A_83, %dot_general3A_84 {dimension_numbers = #tpu.dot_dimension_numbers<[1], [0], [0], [1], [0, 0, 1, 1], [], []>, transpose_lhs_hint = false} : vector<128x64xf32>, vector<64x1xf32>, vector<128x1xf32> -> vector<128x1xf32>
    %slice3A_86 = vector.extract_strided_slice %max3A_74 {offsets = [0, 128], sizes = [128, 64], strides = [1, 1]} : vector<128x512xf32> to vector<128x64xf32>
    %get3A_87 = arith.constant 0 : index
    %get3A_88 = arith.constant 0 : index
    %get3A_89 = vector.load %arg6[%get3A_87, %get3A_88] : memref<64x1xf32, #tpu.memory_space<vmem>>, vector<64x1xf32>
    %dot_general3A_90 = arith.constant dense<0.000000e+00> : vector<128x1xf32>
    %dot_general3A_91 = tpu.matmul %slice3A_86, %get3A_89, %dot_general3A_90 {dimension_numbers = #tpu.dot_dimension_numbers<[1], [0], [0], [1], [0, 0, 1, 1], [], []>, transpose_lhs_hint = false} : vector<128x64xf32>, vector<64x1xf32>, vector<128x1xf32> -> vector<128x1xf32>
    %slice3A_92 = vector.extract_strided_slice %max3A_74 {offsets = [0, 192], sizes = [128, 64], strides = [1, 1]} : vector<128x512xf32> to vector<128x64xf32>
    %get3A_93 = arith.constant 0 : index
    %get3A_94 = arith.constant 0 : index
    %get3A_95 = vector.load %arg6[%get3A_93, %get3A_94] : memref<64x1xf32, #tpu.memory_space<vmem>>, vector<64x1xf32>
    %dot_general3A_96 = arith.constant dense<0.000000e+00> : vector<128x1xf32>
    %dot_general3A_97 = tpu.matmul %slice3A_92, %get3A_95, %dot_general3A_96 {dimension_numbers = #tpu.dot_dimension_numbers<[1], [0], [0], [1], [0, 0, 1, 1], [], []>, transpose_lhs_hint = false} : vector<128x64xf32>, vector<64x1xf32>, vector<128x1xf32> -> vector<128x1xf32>
    %slice3A_98 = vector.extract_strided_slice %max3A_74 {offsets = [0, 256], sizes = [128, 64], strides = [1, 1]} : vector<128x512xf32> to vector<128x64xf32>
    %get3A_99 = arith.constant 0 : index
    %get3A_100 = arith.constant 0 : index
    %get3A_101 = vector.load %arg6[%get3A_99, %get3A_100] : memref<64x1xf32, #tpu.memory_space<vmem>>, vector<64x1xf32>
    %dot_general3A_102 = arith.constant dense<0.000000e+00> : vector<128x1xf32>
    %dot_general3A_103 = tpu.matmul %slice3A_98, %get3A_101, %dot_general3A_102 {dimension_numbers = #tpu.dot_dimension_numbers<[1], [0], [0], [1], [0, 0, 1, 1], [], []>, transpose_lhs_hint = false} : vector<128x64xf32>, vector<64x1xf32>, vector<128x1xf32> -> vector<128x1xf32>
    %slice3A_104 = vector.extract_strided_slice %max3A_74 {offsets = [0, 320], sizes = [128, 64], strides = [1, 1]} : vector<128x512xf32> to vector<128x64xf32>
    %get3A_105 = arith.constant 0 : index
    %get3A_106 = arith.constant 0 : index
    %get3A_107 = vector.load %arg6[%get3A_105, %get3A_106] : memref<64x1xf32, #tpu.memory_space<vmem>>, vector<64x1xf32>
    %dot_general3A_108 = arith.constant dense<0.000000e+00> : vector<128x1xf32>
    %dot_general3A_109 = tpu.matmul %slice3A_104, %get3A_107, %dot_general3A_108 {dimension_numbers = #tpu.dot_dimension_numbers<[1], [0], [0], [1], [0, 0, 1, 1], [], []>, transpose_lhs_hint = false} : vector<128x64xf32>, vector<64x1xf32>, vector<128x1xf32> -> vector<128x1xf32>
    %slice3A_110 = vector.extract_strided_slice %max3A_74 {offsets = [0, 384], sizes = [128, 64], strides = [1, 1]} : vector<128x512xf32> to vector<128x64xf32>
    %get3A_111 = arith.constant 0 : index
    %get3A_112 = arith.constant 0 : index
    %get3A_113 = vector.load %arg6[%get3A_111, %get3A_112] : memref<64x1xf32, #tpu.memory_space<vmem>>, vector<64x1xf32>
    %dot_general3A_114 = arith.constant dense<0.000000e+00> : vector<128x1xf32>
    %dot_general3A_115 = tpu.matmul %slice3A_110, %get3A_113, %dot_general3A_114 {dimension_numbers = #tpu.dot_dimension_numbers<[1], [0], [0], [1], [0, 0, 1, 1], [], []>, transpose_lhs_hint = false} : vector<128x64xf32>, vector<64x1xf32>, vector<128x1xf32> -> vector<128x1xf32>
    %slice3A_116 = vector.extract_strided_slice %max3A_74 {offsets = [0, 448], sizes = [128, 64], strides = [1, 1]} : vector<128x512xf32> to vector<128x64xf32>
    %get3A_117 = arith.constant 0 : index
    %get3A_118 = arith.constant 0 : index
    %get3A_119 = vector.load %arg6[%get3A_117, %get3A_118] : memref<64x1xf32, #tpu.memory_space<vmem>>, vector<64x1xf32>
    %dot_general3A_120 = arith.constant dense<0.000000e+00> : vector<128x1xf32>
    %dot_general3A_121 = tpu.matmul %slice3A_116, %get3A_119, %dot_general3A_120 {dimension_numbers = #tpu.dot_dimension_numbers<[1], [0], [0], [1], [0, 0, 1, 1], [], []>, transpose_lhs_hint = false} : vector<128x64xf32>, vector<64x1xf32>, vector<128x1xf32> -> vector<128x1xf32>
    %concatenate3A_122 = tpu.concatenate %dot_general3A_79, %dot_general3A_85, %dot_general3A_91, %dot_general3A_97, %dot_general3A_103, %dot_general3A_109, %dot_general3A_115, %dot_general3A_121 in 1 : vector<128x1xf32>, vector<128x1xf32>, vector<128x1xf32>, vector<128x1xf32>, vector<128x1xf32>, vector<128x1xf32>, vector<128x1xf32>, vector<128x1xf32> -> vector<128x8xf32>
    %get3A_123 = arith.constant 0 : index
    %get3A_124 = arith.constant 0 : index
    %get3A_125 = vector.load %arg8[%get3A_123, %get3A_124] : memref<1x1xf32, #tpu.memory_space<vmem>>, vector<1x1xf32>
    %get3A_126 = vector.extract %get3A_125[0, 0] : f32 from vector<1x1xf32>
    %add3A_127 = vector.broadcast %get3A_126 : f32 to vector<128x8xf32>
    %add3A_128 = arith.addf %concatenate3A_122, %add3A_127 : vector<128x8xf32>
    %swap3A = arith.constant 0 : index
    %swap3A_129 = arith.constant 0 : index
    %swap3A_130 = vector.load %arg9[%swap3A, %swap3A_129] : memref<128x8xf32, #tpu.memory_space<vmem>>, vector<128x8xf32>
    tpu.vector_store %arg9[%swap3A, %swap3A_129], %add3A_128 {strides = array<i32>} : memref<128x8xf32, #tpu.memory_space<vmem>>, vector<128x8xf32>,
    return
  }
  func.func @transform_0(%arg0: i32) -> (i32, i32) {
    %c0_i32 = arith.constant 0 : i32
    %c0_i32_0 = arith.constant 0 : i32
    return %arg0, %c0_i32 : i32, i32
  }
  func.func @transform_1(%arg0: i32) -> (i32, i32) {
    %c0_i32 = arith.constant 0 : i32
    %c0_i32_0 = arith.constant 0 : i32
    return %arg0, %c0_i32 : i32, i32
  }
  func.func @transform_2(%arg0: i32) -> (i32, i32) {
    %c0_i32 = arith.constant 0 : i32
    %c0_i32_0 = arith.constant 0 : i32
    return %arg0, %c0_i32 : i32, i32
  }
  func.func @transform_3(%arg0: i32) -> (i32, i32) {
    %c0_i32 = arith.constant 0 : i32
    %c0_i32_0 = arith.constant 0 : i32
    return %arg0, %c0_i32 : i32, i32
  }
  func.func @transform_4(%arg0: i32) -> (i32, i32) {
    %c0_i32 = arith.constant 0 : i32
    %c0_i32_0 = arith.constant 0 : i32
    return %arg0, %c0_i32 : i32, i32
  }
  func.func @transform_5(%arg0: i32) -> (i32, i32) {
    %c0_i32 = arith.constant 0 : i32
    %c0_i32_0 = arith.constant 0 : i32
    %c0_i32_1 = arith.constant 0 : i32
    return %c0_i32, %c0_i32_0 : i32, i32
  }
  func.func @transform_6(%arg0: i32) -> (i32, i32) {
    %c0_i32 = arith.constant 0 : i32
    %c0_i32_0 = arith.constant 0 : i32
    %c0_i32_1 = arith.constant 0 : i32
    return %c0_i32, %c0_i32_0 : i32, i32
  }
  func.func @transform_7(%arg0: i32) -> (i32, i32) {
    %c0_i32 = arith.constant 0 : i32
    %c0_i32_0 = arith.constant 0 : i32
    %c0_i32_1 = arith.constant 0 : i32
    return %c0_i32, %c0_i32_0 : i32, i32
  }
  func.func @transform_8(%arg0: i32) -> (i32, i32) {
    %c0_i32 = arith.constant 0 : i32
    %c0_i32_0 = arith.constant 0 : i32
    return %arg0, %c0_i32 : i32, i32
  }
}

</mosaic_0001>

<sc_bundles>
// kernel: kernel.11.cloned.1.call-start
scs
__scs_entry_jumppad:
0x0: {  	(pc) =	sbr.rel $0x88, $3  }
0x1: {  	(tag) =	ssettag $0x0;
	lr =	simm.s32 $0x1  }
0x2: {  	[smem:$0x3F99] =	sst lr;
	_ =	strace $0xD0000000  }
0x3: {  	_ = 	snop  }
0x4: {  	_ = 	snop  }
0x5: {  	_ = 	snop  }
0x6: {  	_ = 	snop  }
0x7: {  	_ = 	snop  }
__scs_overlays_trampoline_lowered:
0x8: {  	[smem:$0x3FA8] =	sst s0  }
0x9: {  	[smem:$0x3FA9] =	sst s1  }
0xa: {  	[smem:$0x3FAA] =	sst s2  }
0xb: {  	[smem:$0x3FAB] =	sst s3  }
0xc: {  	[smem:$0x3FAC] =	sst s4  }
0xd: {  	[smem:$0x3FAD] =	sst s5  }
0xe: {  	[smem:$0x3FAE] =	sst s6  }
0xf: {  	[smem:$0x3FAF] =	sst s7  }
0x10: {  	[smem:$0x3FB0] =	sst s8  }
0x11: {  	[smem:$0x3FB1] =	sst s9;
	s0 =	simm.s32 @!p0 $0x0  }
0x12: {  	s1 =	sld [smem:$0x3F97];
	s0 =	simm.s32 @p0 $0x1  }
0x13: {  	[smem:$0x3FB2] =	sst s0;
	s0 =	simm.s32 @!p1 $0x0  }
0x14: {  	s2 =	sld [smem:$0x3F96];
	s0 =	simm.s32 @p1 $0x1  }
0x15: {  	[smem:$0x3FB3] =	sst s0;
	s0 =	simm.s32 @!p2 $0x0  }
0x16: {  	s3 =	sld [smem:$0x3FDB];
	s0 =	simm.s32 @p2 $0x1  }
0x17: {  	s4 =	simm.s32 $0x1BF5;
	[smem:$0x3FB5] =	sst s0  }
0x18: {  	s0 =	sld [smem:$0x3F98];
	_ =	swait.ge [sflag:s4], $0x0  }
0x19: {  	s7 =	sld [smem:$0x3F99]  }
0x1a: {  	s8 =	sadd.s32 $0xFFFFE003, lr  }
0x1b: {  	s9 =	sadd.s32 $0xFFFFFEF7, lr;
	s5 =	simm.s32 $0xFFFFFFFF;
	p2 =	slt.u32 s8, $0xFFFFF086  }
0x1c: {  	p1 =	slt.u32 s9, $0xF7A;
	s5 =	simm.s32 @!p2 $0x0  }
0x1d: {  	s5 =	simm.s32 @p1 $0x1;
	p0 =	seq.s32 s7, s2  }
0x1e: {  	s7 =	smul.u32 @!p0 $0xF7A, s2;
	p2 =	seq.s32 @!p0 s5, $0x0  }
0x1f: {  	s9 =	smul.u32 $0xF7A, s1;
	s8 =	simm.s32 @!p0 $0x1BF5;
	p2 =	por !p2, p0  }
0x20: {  	[sflag:s8] =	ssyncset.s32 @!p0 $0xFFFFF086;
	s6 =	sadd.s32 @!p0 s3, s7;
	s7 =	simm.s32 @!p0 $0x108  }
0x21: {  	s3 =	sadd.s32 s3, s9;
	s6 =	sadd.s32 @!p0 $0x88, s6;
	s7 =	simm.s32 @p2 $0x1082  }
0x22: {  	[simem:s7], [sflag:s8] =	dma.local @!p0 [hbm:s6], $0xF7A  }
0x23: {  	s9 =	sor.u32 $0xD0000000, s2;
	s6 =	simm.s32 $0x108;
	_ =	swait.ge @!p0 [sflag:s8], $0x0  }
0x24: {  	s3 =	sadd.s32 $0x88, s3;
	s6 =	simm.s32 @!p1 $0x1082;
	[sflag:s4] =	ssyncset.s32 $0xFFFFF086  }
0x25: {  	[simem:s6], [sflag:s4] =	dma.local [hbm:s3], $0xF7A  }
0x26: {  	[smem:$0x3F99] =	sst s1;
	(tag) =	ssettag s2;
	_ =	strace s9  }
0x27: {  	s1 =	sld [smem:$0x3FA9]  }
0x28: {  	s2 =	sld [smem:$0x3FAA]  }
0x29: {  	s4 =	sld [smem:$0x3FAC]  }
0x2a: {  	p0 =	seq.s32 s5, $0x0;
	s5 =	sld [smem:$0x3FAD]  }
0x2b: {  	s6 =	sld [smem:$0x3FAE]  }
0x2c: {  	s7 =	sld [smem:$0x3FAF]  }
0x2d: {  	s3 =	simm.s32 $0x108;
	s8 =	sld [smem:$0x3FB0]  }
0x2e: {  	s3 =	simm.s32 @!p0 $0x1082;
	s9 =	sld [smem:$0x3FB1]  }
0x2f: {  	lr =	sadd.s32 s0, s3;
	s0 =	sld [smem:$0x3FA8]  }
0x30: {  	s3 =	sld [smem:$0x3FAB]  }
0x31: {  	[smem:$0x3FB4] =	sst s10  }
0x32: {  	s10 =	sld [smem:$0x3FB2];
	_ =	sdelay $0x3  }
0x33: {  	p0 =	seq.s32 s10, $0x1;
	s10 =	sld [smem:$0x3FB4];
	_ =	sdelay $0x3  }
0x34: {  	[smem:$0x3FB4] =	sst s10  }
0x35: {  	s10 =	sld [smem:$0x3FB3];
	_ =	sdelay $0x3  }
0x36: {  	p1 =	seq.s32 s10, $0x1;
	s10 =	sld [smem:$0x3FB4];
	_ =	sdelay $0x3  }
0x37: {  	[smem:$0x3FB4] =	sst s10  }
0x38: {  	s10 =	sld [smem:$0x3FB5]  }
0x39: {  	_ = 	snop;
	(pc) =	sbr.ind lr, $3  }
0x3a: {  	_ = 	snop  }
0x3b: {  	_ = 	snop  }
0x3c: {  	p2 =	seq.s32 s10, $0x1;
	s10 =	sld [smem:$0x3FB4]  }
0x3d: {  	_ =	shalt  }
0x3e: {  	_ =	shalt  }
0x3f: {  	_ =	shalt  }
0x40: {  	_ =	shalt  }
0x41: {  	_ =	shalt  }
0x42: {  	_ =	shalt  }
0x43: {  	_ =	shalt  }
0x44: {  	_ =	shalt  }
0x45: {  	_ =	shalt  }
0x46: {  	_ =	shalt  }
0x47: {  	_ =	shalt  }
0x48: {  	_ =	shalt  }
0x49: {  	_ =	shalt  }
0x4a: {  	_ =	shalt  }
0x4b: {  	_ =	shalt  }
0x4c: {  	_ =	shalt  }
0x4d: {  	_ =	shalt  }
0x4e: {  	_ =	shalt  }
0x4f: {  	_ =	shalt  }
0x50: {  	_ =	shalt  }
0x51: {  	_ =	shalt  }
0x52: {  	_ =	shalt  }
0x53: {  	_ =	shalt  }
0x54: {  	_ =	shalt  }
0x55: {  	_ =	shalt  }
0x56: {  	_ =	shalt  }
0x57: {  	_ =	shalt  }
0x58: {  	_ =	shalt  }
0x59: {  	_ =	shalt  }
0x5a: {  	_ =	shalt  }
0x5b: {  	_ =	shalt  }
0x5c: {  	_ =	shalt  }
0x5d: {  	_ =	shalt  }
0x5e: {  	_ =	shalt  }
0x5f: {  	_ =	shalt  }
0x60: {  	_ =	shalt  }
0x61: {  	_ =	shalt  }
0x62: {  	_ =	shalt  }
0x63: {  	_ =	shalt  }
0x64: {  	_ =	shalt  }
0x65: {  	_ =	shalt  }
0x66: {  	_ =	shalt  }
0x67: {  	_ =	shalt  }
0x68: {  	_ =	shalt  }
0x69: {  	_ =	shalt  }
0x6a: {  	_ =	shalt  }
0x6b: {  	_ =	shalt  }
0x6c: {  	_ =	shalt  }
0x6d: {  	_ =	shalt  }
0x6e: {  	_ =	shalt  }
0x6f: {  	_ =	shalt  }
0x70: {  	_ =	shalt  }
0x71: {  	_ =	shalt  }
0x72: {  	_ =	shalt  }
0x73: {  	_ =	shalt  }
0x74: {  	_ =	shalt  }
0x75: {  	_ =	shalt  }
0x76: {  	_ =	shalt  }
0x77: {  	_ =	shalt  }
0x78: {  	_ =	shalt  }
0x79: {  	_ =	shalt  }
0x7a: {  	_ =	shalt  }
0x7b: {  	_ =	shalt  }
0x7c: {  	_ =	shalt  }
0x7d: {  	_ =	shalt  }
0x7e: {  	_ =	shalt  }
0x7f: {  	_ =	shalt  }
0x80: {  	_ =	shalt  }
0x81: {  	_ =	shalt  }
0x82: {  	_ =	shalt  }
0x83: {  	_ =	shalt  }
0x84: {  	_ =	shalt  }
0x85: {  	_ =	shalt  }
0x86: {  	_ =	shalt  }
0x87: {  	_ =	shalt  }
.Lfunc_end0:
.L_simem_size_0:
called_computation.1_lowered:
.L_overlay_start_0:
0x88: {  	s2 =	sld [smem:$0x3FD9]  }
0x89: {  	s3 =	sld [smem:$0x3FFE];
	_ =	sdelay $0x1  }
0x8a: {  	s1 =	srdreg.scid  }
0x8b: {  	s0 =	sand.u32 $0x1, s1  }
0x8c: {  	s16 =	sshll.u32 s0, $0xA;
	s2 =	sadd.s32 s3, s2  }
0x8d: {  	s2 =	sadd.s32 s2, s16  }
0x8e: {  	[smem:$0x3FC0] =	sst s2  }
0x8f: {  	_ = 	snop  }
0x90: {  	(tm) =	ssettm $0x1  }
0x91: {  	s17 =	sld [smem:$0x3FFB];
	_ =	sdelay $0x3  }
0x92: {  	_ =	strace s17  }
0x93: {  	s2 =	sld [smem:$0x3FFC];
	_ =	sdelay $0x3  }
0x94: {  	_ =	strace s2  }
0x95: {  	s2 =	sld [smem:$0x3FFD];
	_ =	sdelay $0x3  }
0x96: {  	_ =	strace s2  }
0x97: {  	_ =	strace $0x8FFFFFFF  }
0x98: {  	s18 =	sld [smem:$0x3FDB];
	_ =	sdelay $0x1  }
0x99: {  	s19 =	simm.s32 $_scs_section_size  }
0x9a: {  	s4 =	simm.s32 $_size__tile_overlayer_lowered;
	s5 =	simm.s32 $_tile_overlayer_lowered  }
0x9b: {  	s22 =	simm.s32 $0x1BFF;
	s21 =	sshll.u32 s5, $0x1;
	s2 =	sadd.s32 s19, s18  }
0x9c: {  	s6 =	simm.s32 $0x0;
	s20 =	sshll.u32 s4, $0x1;
	s4 =	sadd.s32 s21, s2  }
0x9d: {  	[timem:s6], [sflag:s22] =	dma.local [hbm:s4], s20  }
0x9e: {  	_ =	swait.ge [sflag:s22], s20  }
0x9f: {  	s3 =	ssub.s32 $0x0, s20;
	[sflag:s22] =	ssyncset.done $0x0  }
0xa0: {  	[sflag:s22] =	ssyncadd.s32 s3;
	_ =	sdelay $0x1  }
0xa1: {  	s23 =	simm.s32 $0x1B8B  }
0xa2: {  	_ =	swait.ge [sflag:s23], $0x1  }
0xa3: {  	[sflag:s23] =	ssyncset.done $0x0  }
0xa4: {  	s25 =	simm.s32 $0x1B8E;
	s24 =	sld [smem:$0x3FFE];
	[sflag:s23] =	ssyncadd.s32 $0xFFFFFFFF  }
0xa5: {  	s26 =	simm.s32 $execute0_lowered;
	[smem:$0x3FD2] =	sst s25  }
0xa6: {  	s4 =	sshll.u32 s26, $0x1;
	_ =	strace $0x80000049;
	[dreg:$0x1] =	wrdreg $0xFFFFFFFF  }
0xa7: {  	s28 =	simm.s32 $_size_execute0_lowered;
	s2 =	sadd.s32 s2, s4;
	[dreg:$0x0] =	wrdreg $0x0  }
0xa8: {  	s4 =	sshll.u32 s28, $0x1;
	[dreg:$0x2] =	wrdreg s2  }
0xa9: {  	[dreg:$0x3] =	wrdreg s4  }
0xaa: {  	[dreg:$0x4] =	wrdreg $0xC0  }
0xab: {  	_ =	task [dreg:s6], $0x5FFFF  }
0xac: {  	[dreg:$0x1] =	wrdreg $0xFFFFFFFF  }
0xad: {  	[dreg:$0x0] =	wrdreg $0x60  }
0xae: {  	[dreg:$0x2] =	wrdreg s24  }
0xaf: {  	[dreg:$0x3] =	wrdreg $0xDC800  }
0xb0: {  	[dreg:$0x4] =	wrdreg $0x9  }
0xb1: {  	_ =	task.clear_ibuf [dreg:s6], $0x5FFFF;
	_ =	strace $0x90000049  }
0xb2: {  	s29 =	simm.s32 $0x9;
	_ =	strace $0x8000004B  }
0xb3: {  	_ =	swait.ge [sflag:s29], $0x1  }
0xb4: {  	[sflag:s29] =	ssyncadd.s32 $0xFFFFFFFF  }
0xb5: {  	_ =	strace $0x9000004B  }
0xb6: {  	_ =	sfence  }
0xb7: {  	s30 =	sld [smem:$0x0];
	_ =	sdelay $0x2  }
0xb8: {  	s31 =	sshll.u32 s1, $0xD;
	s1 =	sshrl.u32 s1, $0x2  }
0xb9: {  	s3 =	sand.u32 $0x4000, s31;
	s1 =	sadd.s32 s1, s30  }
0xba: {  	s0 =	sor.u32 s3, s0;
	s1 =	sshll.u32 s1, $0x11  }
0xbb: {  	s0 =	sor.u32 s1, s0  }
0xbc: {  	s0 =	sadd.s32 $0x8F2B, s0  }
0xbd: {  	[sflag:s0] =	ssyncadd.remote.s32 $0x1  }
0xbe: {  	_ =	sfence.sel $0xFFFF  }
0xbf: {  	[dreg:$0x0] =	wrdreg $0xFFFFFFFF;
	(pc) =	sbr.abs _section_cstart, $3  }
0xc0: {  	[dreg:$0x1] =	wrdreg $0xFFFFFFFF  }
0xc1: {  	_ =	task.clear_ibuf [dreg:s6], $0x2FFFF;
	_ =	strace $0x9FFFFFFF  }
0xc2: {  	(tm) =	ssettm $0x7FFFFFFF  }
0xc3: {  	_ =	shalt  }
tec
execute0_lowered:
.L_overlay_start_1:
0x0: {  	(tag) =	ssettag $0x1  }
0x1: {  	s0 =	rddreg [dreg:$0x0]  }
0x2: {  	s1 =	rddreg [dreg:$0x1];
	s2 =	simm.s32 $0x0;
	s8 =	stileid.u32  }
0x3: {  	s3 =	srdreg.scid;
	s30 =	simm.s32 $0x6;
	s31 =	simm.s32 $0xC40  }
0x4: {  	s28 =	simm.s32 $0x4;
	s29 =	simm.s32 $0x0;
	[smem:$0x7FF] =	sst s2  }
0x5: {  	s4 =	sadd.s32 $0x129E00, s0;
	s5 =	sadd.s32 $0x4600, s0;
	s6 =	sadd.s32 $0x1CE00, s0  }
0x6: {  	s7 =	sadd.s32 $0x35600, s0;
	s8 =	smul.u32 $0xC400, s8;
	s3 =	sand.u32 $0x1, s3  }
0x7: {  	s9 =	sadd.s32 $0x4DE00, s0;
	s10 =	sadd.s32 $0x66600, s0;
	s12 =	sadd.s32 $0xAFE00, s0  }
0x8: {  	_ =	strace $0x8000004A;
	s11 =	ssub.s32 $0x2, s3;
	[dreg:$0x3] =	wrdreg s12  }
0x9: {  	p0 =	seq.s32 s3, $0x1;
	s3 =	simm.s32 $0x1;
	s14 =	sshrl.u32 s8, $0x3  }
0xa: {  	s23 =	sshrl.u32 s11, $0x1;
	s25 =	sadd.s32 s8, s1;
	s16 =	sadd.s32 $0xBDE0, s8  }
0xb: {  	s13 =	sadd.s32 s14, s0;
	s0 =	sadd.s32 $0xE0E00, s0;
	[dreg:$0x6] =	wrdreg s25  }
0xc: {  	s24 =	ssub.s32 s11, s23;
	s26 =	sadd.s32 s6, s14;
	[dreg:$0x4] =	wrdreg s14  }
0xd: {  	s11 =	sadd.s32 s4, s14;
	s12 =	sadd.s32 $0xC4, s14;
	[dreg:$0x5] =	wrdreg s0  }
0xe: {  	s15 =	sadd.s32 s5, s14;
	s21 =	sshrl.u32 s16, $0x3;
	[dreg:$0x7] =	wrdreg s26  }
0xf: {  	s22 =	sadd.s32 s7, s14;
	s23 =	sadd.s32 s9, s14;
	[dreg:$0x8] =	wrdreg s11  }
0x10: {  	[dreg:$0x9] =	wrdreg s15;
	s17 =	sadd.s32 s4, s12;
	s20 =	sadd.s32 s5, s12  }
0x11: {  	s18 =	sadd.s32 $0x97600, s13;
	s19 =	sadd.s32 $0xC8600, s13;
	[dreg:$0xe] =	wrdreg s22  }
0x12: {  	s0 =	smax.u32 s24, $0x1;
	s24 =	sadd.s32 s4, s21;
	[dreg:$0xf] =	wrdreg s23  }
.Ltmp0:
0x13: {  	s25 =	sadd.s32 s5, s21;
	[dreg:$0xa] =	wrdreg s17;
	(pc) =	sbr.rel .LBB2_1-.Ltmp0, $4  }
0x14: {  	s26 =	sadd.s32 s10, s14;
	s11 =	simm.s32 $0x1880;
	[dreg:$0xb] =	wrdreg s18  }
0x15: {  	s15 =	simm.s32 $0x1260;
	s13 =	simm.s32 $0x5;
	[dreg:$0xc] =	wrdreg s19  }
0x16: {  	s21 =	simm.s32 $0x7A80;
	s22 =	simm.s32 $0x3;
	[dreg:$0xd] =	wrdreg s0  }
0x17: {  	[dreg:$0x10] =	wrdreg s26;
	s0 =	simm.s32 $0x620;
	s26 =	simm.s32 $0x2  }
.LBB2_11:
0x18: {  	[sflag:s28] =	ssyncadd.s32 $0xFFFF9E00  }
0x19: {  	[tilespmem:s0], [sflag:$0x5] =	stream.linear.gather [hbm4b:s17+s2], $0x620, $0x38;
	[tilespmem:$0x1A080] =	vst v63  }
0x1a: {  	s12 =	rddreg [dreg:$0x5];
	s17 =	smov.u32 s10  }
0x1b: {  	[tilespmem:s15], [sflag:$0x5] =	stream.linear.gather [hbm4b:s18+s2], $0x620, $0x38;
	[tilespmem:$0x1A080] =	vst v63  }
.LBB2_12:
0x1c: {  	_ =	swait.ge [sflag:s3], $0x6200  }
0x1d: {  	[sflag:s3] =	ssyncset.done $0x0  }
0x1e: {  	[sflag:s3] =	ssyncadd.s32 $0xFFFF9E00  }
0x1f: {  	[spmem:s1] =	stream.indirect.scatter.add.f32 [tilespmem:s11], [sflag:$0x3], $0x10, s31, s0, $0xb8;
	[tilespmem:$0x1A080] =	vst v63  }
0x20: {  	_ =	swait.ge [sflag:s13], $0x620  }
0x21: {  	[sflag:s13] =	ssyncset.done $0x0  }
0x22: {  	[sflag:s13] =	ssyncadd.s32 $0xFFFFF9E0  }
0x23: {  	_ =	swait.ge [sflag:s13], $0x620  }
0x24: {  	[sflag:s13] =	ssyncset.done $0x0  }
0x25: {  	[sflag:s13] =	ssyncadd.s32 $0xFFFFF9E0  }
0x26: {  	[tilespmem:s21], [sflag:$0x2] =	stream.indirect.gather [hbm4b:s17+s0], $0x10, s0, s0, $0xb8;
	[tilespmem:$0x1A080] =	vst v63  }
0x27: {  	_ =	swait.ge [sflag:s22], $0x6200  }
0x28: {  	[sflag:s22] =	ssyncset.done $0x0  }
0x29: {  	[sflag:s22] =	ssyncadd.s32 $0xFFFF9E00  }
0x2a: {  	[tilespmem:s2], [sflag:$0x5] =	stream.linear.gather [hbm4b:s24+s2], $0x620, $0x38;
	[tilespmem:$0x1A080] =	vst v63  }
0x2b: {  	_ = 	snop  }
0x2c: {  	[tilespmem:s31], [sflag:$0x5] =	stream.linear.gather [hbm4b:s25+s2], $0x620, $0x38;
	[tilespmem:$0x1A080] =	vst v63  }
0x2d: {  	_ =	swait.ge [sflag:s26], $0x6200  }
0x2e: {  	[sflag:s26] =	ssyncset.done $0x0  }
0x2f: {  	[sflag:s26] =	ssyncadd.s32 $0xFFFF9E00  }
0x30: {  	[spmem:s1] =	stream.indirect.scatter.add.f32 [tilespmem:s21], [sflag:$0x4], $0x10, s15, s0, $0xb8;
	[tilespmem:$0x1A080] =	vst v63  }
0x31: {  	_ =	swait.ge [sflag:s13], $0x620  }
0x32: {  	[sflag:s13] =	ssyncset.done $0x0  }
0x33: {  	[sflag:s13] =	ssyncadd.s32 $0xFFFFF9E0  }
0x34: {  	_ =	swait.ge [sflag:s13], $0x620  }
0x35: {  	[sflag:s13] =	ssyncset.done $0x0  }
0x36: {  	[sflag:s13] =	ssyncadd.s32 $0xFFFFF9E0  }
0x37: {  	_ =	swait.ge [sflag:s28], $0x6200  }
0x38: {  	[sflag:s28] =	ssyncset.done $0x0  }
0x39: {  	s19 =	rddreg [dreg:$0x4];
	[sflag:s28] =	ssyncadd.s32 $0xFFFF9E00  }
0x3a: {  	s12 =	sadd.s32 s12, s19;
	[bflag:$0x0] =	sbarrier.arrive $0xFFFF  }
0x3b: {  	[hbm:s12], [sflag:s23] =	dma.local [spmem:s14], $0x1880  }
0x3c: {  	_ =	swait.ge [sflag:s30], $0x1880  }
0x3d: {  	s29 =	sadd.s32 $0x1, s29;
	s23 =	rddreg [dreg:$0xd]  }
0x3e: {  	p1 =	sne.s32 s29, s23  }
.Ltmp1:
0x3f: {  	_ = 	snop;
	(pc) =	sbr.rel @!p1 .LBB2_13-.Ltmp1, $3  }
0x40: {  	_ =	sdelay $0x1  }
0x41: {  	[sflag:s30] =	ssyncset.done $0x0  }
0x42: {  	[sflag:s30] =	ssyncadd.s32 $0xFFFFE780  }
.LBB2_1:
.Ltmp2:
0x43: {  	(pc) =	sbr.rel @!p0 .LBB2_2-.Ltmp2, $4  }
0x44: {  	_ = 	snop  }
0x45: {  	s12 =	stileid.u32  }
0x46: {  	s14 =	rddreg [dreg:$0x6];
	s12 =	sshll.u32 s12, $0x6  }
0x47: {  	s14 =	sshrl.u32 s14, $0x3;
	s23 =	sor.u32 $0x1C06, s12  }
0x48: {  	s23 =	sor.u32 $0x1C06, s12;
	s18 =	rddreg [dreg:$0xf]  }
0x49: {  	[spmem:s14], [sflag:s23] =	dma.local [hbm:s18], $0x1880  }
0x4a: {  	_ =	swait.ge [sflag:s30], $0x1880  }
0x4b: {  	[sflag:s30] =	ssyncset.done $0x0  }
0x4c: {  	[sflag:s30] =	ssyncadd.s32 $0xFFFFE780  }
0x4d: {  	[bflag:$0x0] =	sbarrier.arrive $0xFFFF  }
0x4e: {  	s19 =	rddreg [dreg:$0x8]  }
0x4f: {  	[tilespmem:s2], [sflag:$0x6] =	stream.linear.gather [hbm4b:s19+s2], $0x620, $0x38;
	[tilespmem:$0x1A080] =	vst v63  }
0x50: {  	_ =	swait.ge [sflag:s30], $0x620  }
0x51: {  	[sflag:s30] =	ssyncset.done $0x0  }
0x52: {  	s17 =	rddreg [dreg:$0x9];
	[sflag:s30] =	ssyncadd.s32 $0xFFFFF9E0  }
0x53: {  	[tilespmem:s31], [sflag:$0x6] =	stream.linear.gather [hbm4b:s17+s2], $0x620, $0x38;
	[tilespmem:$0x1A080] =	vst v63  }
0x54: {  	_ =	swait.ge [sflag:s30], $0x620  }
0x55: {  	[sflag:s30] =	ssyncset.done $0x0  }
0x56: {  	[sflag:s30] =	ssyncadd.s32 $0xFFFFF9E0  }
0x57: {  	[tilespmem:s11], [sflag:$0x1] =	stream.indirect.gather [hbm4b:s9+s0], $0x10, s2, s0, $0xb8;
	[tilespmem:$0x1A080] =	vst v63  }
0x58: {  	s18 =	rddreg [dreg:$0xa]  }
0x59: {  	[tilespmem:s0], [sflag:$0x5] =	stream.linear.gather [hbm4b:s18+s2], $0x620, $0x38;
	[tilespmem:$0x1A080] =	vst v63  }
0x5a: {  	_ = 	snop  }
0x5b: {  	[tilespmem:s15], [sflag:$0x5] =	stream.linear.gather [hbm4b:s20+s2], $0x620, $0x38;
	[tilespmem:$0x1A080] =	vst v63  }
0x5c: {  	_ =	swait.ge [sflag:s3], $0x6200  }
0x5d: {  	[sflag:s3] =	ssyncset.done $0x0  }
0x5e: {  	[sflag:s3] =	ssyncadd.s32 $0xFFFF9E00  }
0x5f: {  	[spmem:s1] =	stream.indirect.scatter.add.f32 [tilespmem:s11], [sflag:$0x3], $0x10, s31, s0, $0xb8;
	[tilespmem:$0x1A080] =	vst v63  }
0x60: {  	_ =	swait.ge [sflag:s13], $0x620  }
0x61: {  	[sflag:s13] =	ssyncset.done $0x0  }
0x62: {  	[sflag:s13] =	ssyncadd.s32 $0xFFFFF9E0  }
0x63: {  	s19 =	sadd.s32 $0xFFFF4840, s8;
	_ =	swait.ge [sflag:s13], $0x620  }
0x64: {  	s17 =	sadd.s32 $0xC400, s19;
	[sflag:s13] =	ssyncset.done $0x0  }
0x65: {  	p1 =	slt.s32 s17, s16;
	s18 =	smov.u32 s16;
	[sflag:s13] =	ssyncadd.s32 $0xFFFFF9E0  }
0x66: {  	[tilespmem:s21], [sflag:$0x2] =	stream.indirect.gather [hbm4b:s9+s0], $0x10, s0, s0, $0xb8;
	[tilespmem:$0x1A080] =	vst v63  }
0x67: {  	s18 =	smov.u32 @p1 s17;
	_ =	swait.ge [sflag:s22], $0x6200  }
0x68: {  	s17 =	sshrl.u32 s18, $0x3;
	[sflag:s22] =	ssyncset.done $0x0  }
0x69: {  	s18 =	sadd.s32 s4, s17;
	[sflag:s22] =	ssyncadd.s32 $0xFFFF9E00  }
0x6a: {  	[tilespmem:s2], [sflag:$0x5] =	stream.linear.gather [hbm4b:s18+s2], $0x620, $0x38;
	[tilespmem:$0x1A080] =	vst v63  }
0x6b: {  	s17 =	sadd.s32 s5, s17  }
0x6c: {  	[tilespmem:s31], [sflag:$0x5] =	stream.linear.gather [hbm4b:s17+s2], $0x620, $0x38;
	[tilespmem:$0x1A080] =	vst v63  }
0x6d: {  	_ =	swait.ge [sflag:s26], $0x6200  }
0x6e: {  	[sflag:s26] =	ssyncset.done $0x0  }
0x6f: {  	[sflag:s26] =	ssyncadd.s32 $0xFFFF9E00  }
0x70: {  	[spmem:s1] =	stream.indirect.scatter.add.f32 [tilespmem:s21], [sflag:$0x4], $0x10, s15, s0, $0xb8;
	[tilespmem:$0x1A080] =	vst v63  }
0x71: {  	_ =	swait.ge [sflag:s13], $0x620  }
0x72: {  	[sflag:s13] =	ssyncset.done $0x0  }
0x73: {  	[sflag:s13] =	ssyncadd.s32 $0xFFFFF9E0  }
0x74: {  	s12 =	sadd.s32 $0xCA20, s19;
	_ =	swait.ge [sflag:s13], $0x620  }
0x75: {  	p1 =	slt.s32 s12, s16;
	s17 =	smov.u32 s16;
	[sflag:s13] =	ssyncset.done $0x0  }
0x76: {  	s17 =	smov.u32 @p1 s12;
	[sflag:s13] =	ssyncadd.s32 $0xFFFFF9E0  }
0x77: {  	[tilespmem:s11], [sflag:$0x1] =	stream.indirect.gather [hbm4b:s9+s0], $0x10, s2, s0, $0xb8;
	[tilespmem:$0x1A080] =	vst v63  }
0x78: {  	s12 =	simm.s32 $0xFFFF5480;
	s19 =	sshrl.u32 s17, $0x3;
	_ =	swait.ge [sflag:s28], $0x6200  }
0x79: {  	s17 =	sadd.s32 s4, s19;
	s18 =	sadd.s32 s5, s19;
	[sflag:s28] =	ssyncset.done $0x0  }
.LBB2_8:
0x7a: {  	p1 =	sne.s32 s12, $0xFFFFF3C0  }
0x7b: {  	[sflag:s28] =	ssyncadd.s32 $0xFFFF9E00;
	s19 =	smov.u32 s12;
	s12 =	sadd.s32 $0xC40, s12  }
0x7c: {  	[tilespmem:s0], [sflag:$0x5] =	stream.linear.gather [hbm4b:s17+s2], $0x620, $0x38;
	[tilespmem:$0x1A080] =	vst v63  }
0x7d: {  	_ = 	snop  }
0x7e: {  	[tilespmem:s15], [sflag:$0x5] =	stream.linear.gather [hbm4b:s18+s2], $0x620, $0x38;
	[tilespmem:$0x1A080] =	vst v63  }
0x7f: {  	_ =	swait.ge [sflag:s3], $0x6200  }
0x80: {  	[sflag:s3] =	ssyncset.done $0x0  }
0x81: {  	[sflag:s3] =	ssyncadd.s32 $0xFFFF9E00  }
0x82: {  	[spmem:s1] =	stream.indirect.scatter.add.f32 [tilespmem:s11], [sflag:$0x3], $0x10, s31, s0, $0xb8;
	[tilespmem:$0x1A080] =	vst v63  }
0x83: {  	s17 =	sadd.s32 s19, s8;
	s19 =	smov.u32 s16;
	_ =	swait.ge [sflag:s13], $0x620  }
0x84: {  	s18 =	sadd.s32 $0xC400, s17;
	s17 =	sadd.s32 $0xCA20, s17;
	[sflag:s13] =	ssyncset.done $0x0  }
0x85: {  	p2 =	slt.s32 s18, s16;
	p3 =	slt.s32 s17, s16;
	[sflag:s13] =	ssyncadd.s32 $0xFFFFF9E0  }
0x86: {  	s19 =	smov.u32 @p2 s18;
	s18 =	smov.u32 s16;
	_ =	swait.ge [sflag:s13], $0x620  }
0x87: {  	s18 =	smov.u32 @p3 s17;
	[sflag:s13] =	ssyncset.done $0x0  }
0x88: {  	s17 =	sshrl.u32 s19, $0x3;
	s18 =	sshrl.u32 s18, $0x3;
	[sflag:s13] =	ssyncadd.s32 $0xFFFFF9E0  }
0x89: {  	[tilespmem:s21], [sflag:$0x2] =	stream.indirect.gather [hbm4b:s9+s0], $0x10, s0, s0, $0xb8;
	[tilespmem:$0x1A080] =	vst v63  }
0x8a: {  	_ =	swait.ge [sflag:s22], $0x6200  }
0x8b: {  	s19 =	sadd.s32 s4, s17;
	[sflag:s22] =	ssyncset.done $0x0  }
0x8c: {  	s17 =	sadd.s32 s5, s17;
	[sflag:s22] =	ssyncadd.s32 $0xFFFF9E00  }
0x8d: {  	[tilespmem:s2], [sflag:$0x5] =	stream.linear.gather [hbm4b:s19+s2], $0x620, $0x38;
	[tilespmem:$0x1A080] =	vst v63  }
0x8e: {  	_ = 	snop  }
0x8f: {  	[tilespmem:s31], [sflag:$0x5] =	stream.linear.gather [hbm4b:s17+s2], $0x620, $0x38;
	[tilespmem:$0x1A080] =	vst v63  }
0x90: {  	_ =	swait.ge [sflag:s26], $0x6200  }
0x91: {  	[sflag:s26] =	ssyncset.done $0x0  }
0x92: {  	[sflag:s26] =	ssyncadd.s32 $0xFFFF9E00  }
0x93: {  	[spmem:s1] =	stream.indirect.scatter.add.f32 [tilespmem:s21], [sflag:$0x4], $0x10, s15, s0, $0xb8;
	[tilespmem:$0x1A080] =	vst v63  }
0x94: {  	_ =	swait.ge [sflag:s13], $0x620  }
0x95: {  	[sflag:s13] =	ssyncset.done $0x0  }
0x96: {  	[sflag:s13] =	ssyncadd.s32 $0xFFFFF9E0  }
0x97: {  	_ =	swait.ge [sflag:s13], $0x620  }
.Ltmp3:
0x98: {  	[sflag:s13] =	ssyncset.done $0x0;
	(pc) =	sbr.rel @p1 .LBB2_8-.Ltmp3, $4  }
0x99: {  	s17 =	sadd.s32 s4, s18;
	[sflag:s13] =	ssyncadd.s32 $0xFFFFF9E0  }
0x9a: {  	[tilespmem:s11], [sflag:$0x1] =	stream.indirect.gather [hbm4b:s9+s0], $0x10, s2, s0, $0xb8;
	[tilespmem:$0x1A080] =	vst v63  }
0x9b: {  	_ =	swait.ge [sflag:s28], $0x6200  }
0x9c: {  	s18 =	sadd.s32 s5, s18;
	[sflag:s28] =	ssyncset.done $0x0  }
0x9d: {  	[sflag:s28] =	ssyncadd.s32 $0xFFFF9E00  }
0x9e: {  	[tilespmem:s0], [sflag:$0x5] =	stream.linear.gather [hbm4b:s17+s2], $0x620, $0x38;
	[tilespmem:$0x1A080] =	vst v63  }
0x9f: {  	_ = 	snop  }
0xa0: {  	[tilespmem:s15], [sflag:$0x5] =	stream.linear.gather [hbm4b:s18+s2], $0x620, $0x38;
	[tilespmem:$0x1A080] =	vst v63  }
0xa1: {  	_ =	swait.ge [sflag:s3], $0x6200  }
0xa2: {  	[sflag:s3] =	ssyncset.done $0x0  }
0xa3: {  	[sflag:s3] =	ssyncadd.s32 $0xFFFF9E00  }
0xa4: {  	[spmem:s1] =	stream.indirect.scatter.add.f32 [tilespmem:s11], [sflag:$0x3], $0x10, s31, s0, $0xb8;
	[tilespmem:$0x1A080] =	vst v63  }
0xa5: {  	_ =	swait.ge [sflag:s13], $0x620  }
0xa6: {  	[sflag:s13] =	ssyncset.done $0x0  }
0xa7: {  	[sflag:s13] =	ssyncadd.s32 $0xFFFFF9E0  }
0xa8: {  	_ =	swait.ge [sflag:s13], $0x620  }
0xa9: {  	[sflag:s13] =	ssyncset.done $0x0  }
0xaa: {  	[sflag:s13] =	ssyncadd.s32 $0xFFFFF9E0  }
0xab: {  	[tilespmem:s21], [sflag:$0x2] =	stream.indirect.gather [hbm4b:s9+s0], $0x10, s0, s0, $0xb8;
	[tilespmem:$0x1A080] =	vst v63  }
0xac: {  	_ =	swait.ge [sflag:s22], $0x6200  }
0xad: {  	[sflag:s22] =	ssyncset.done $0x0  }
0xae: {  	[sflag:s22] =	ssyncadd.s32 $0xFFFF9E00  }
0xaf: {  	[tilespmem:s2], [sflag:$0x5] =	stream.linear.gather [hbm4b:s24+s2], $0x620, $0x38;
	[tilespmem:$0x1A080] =	vst v63  }
0xb0: {  	_ = 	snop  }
0xb1: {  	[tilespmem:s31], [sflag:$0x5] =	stream.linear.gather [hbm4b:s25+s2], $0x620, $0x38;
	[tilespmem:$0x1A080] =	vst v63  }
0xb2: {  	_ =	swait.ge [sflag:s26], $0x6200  }
0xb3: {  	[sflag:s26] =	ssyncset.done $0x0  }
0xb4: {  	[sflag:s26] =	ssyncadd.s32 $0xFFFF9E00  }
0xb5: {  	[spmem:s1] =	stream.indirect.scatter.add.f32 [tilespmem:s21], [sflag:$0x4], $0x10, s15, s0, $0xb8;
	[tilespmem:$0x1A080] =	vst v63  }
0xb6: {  	_ =	swait.ge [sflag:s13], $0x620  }
0xb7: {  	[sflag:s13] =	ssyncset.done $0x0  }
0xb8: {  	[sflag:s13] =	ssyncadd.s32 $0xFFFFF9E0  }
0xb9: {  	_ =	swait.ge [sflag:s13], $0x620  }
0xba: {  	[sflag:s13] =	ssyncset.done $0x0  }
0xbb: {  	[sflag:s13] =	ssyncadd.s32 $0xFFFFF9E0  }
0xbc: {  	_ =	swait.ge [sflag:s28], $0x6200  }
0xbd: {  	[sflag:s28] =	ssyncset.done $0x0  }
0xbe: {  	[sflag:s28] =	ssyncadd.s32 $0xFFFF9E00  }
0xbf: {  	[bflag:$0x0] =	sbarrier.arrive $0xFFFF  }
0xc0: {  	s12 =	rddreg [dreg:$0xc]  }
0xc1: {  	[hbm:s12], [sflag:s23] =	dma.local [spmem:s14], $0x1880  }
0xc2: {  	_ =	swait.ge [sflag:s30], $0x1880  }
0xc3: {  	[sflag:s30] =	ssyncset.done $0x0  }
0xc4: {  	s18 =	rddreg [dreg:$0x10];
	[sflag:s30] =	ssyncadd.s32 $0xFFFFE780  }
0xc5: {  	[spmem:s14], [sflag:s23] =	dma.local [hbm:s18], $0x1880  }
0xc6: {  	_ =	swait.ge [sflag:s30], $0x1880  }
0xc7: {  	[sflag:s30] =	ssyncset.done $0x0  }
0xc8: {  	[sflag:s30] =	ssyncadd.s32 $0xFFFFE780  }
0xc9: {  	[bflag:$0x0] =	sbarrier.arrive $0xFFFF  }
0xca: {  	s19 =	rddreg [dreg:$0x8]  }
0xcb: {  	[tilespmem:s2], [sflag:$0x6] =	stream.linear.gather [hbm4b:s19+s2], $0x620, $0x38;
	[tilespmem:$0x1A080] =	vst v63  }
0xcc: {  	_ =	swait.ge [sflag:s30], $0x620  }
0xcd: {  	[sflag:s30] =	ssyncset.done $0x0  }
0xce: {  	s17 =	rddreg [dreg:$0x9];
	[sflag:s30] =	ssyncadd.s32 $0xFFFFF9E0  }
0xcf: {  	[tilespmem:s31], [sflag:$0x6] =	stream.linear.gather [hbm4b:s17+s2], $0x620, $0x38;
	[tilespmem:$0x1A080] =	vst v63  }
0xd0: {  	_ =	swait.ge [sflag:s30], $0x620  }
0xd1: {  	[sflag:s30] =	ssyncset.done $0x0  }
0xd2: {  	[sflag:s30] =	ssyncadd.s32 $0xFFFFF9E0  }
0xd3: {  	[tilespmem:s11], [sflag:$0x1] =	stream.indirect.gather [hbm4b:s10+s0], $0x10, s2, s0, $0xb8;
	[tilespmem:$0x1A080] =	vst v63  }
0xd4: {  	s18 =	rddreg [dreg:$0xa]  }
0xd5: {  	[tilespmem:s0], [sflag:$0x5] =	stream.linear.gather [hbm4b:s18+s2], $0x620, $0x38;
	[tilespmem:$0x1A080] =	vst v63  }
0xd6: {  	_ = 	snop  }
0xd7: {  	[tilespmem:s15], [sflag:$0x5] =	stream.linear.gather [hbm4b:s20+s2], $0x620, $0x38;
	[tilespmem:$0x1A080] =	vst v63  }
0xd8: {  	_ =	swait.ge [sflag:s3], $0x6200  }
0xd9: {  	[sflag:s3] =	ssyncset.done $0x0  }
0xda: {  	[sflag:s3] =	ssyncadd.s32 $0xFFFF9E00  }
0xdb: {  	[spmem:s1] =	stream.indirect.scatter.add.f32 [tilespmem:s11], [sflag:$0x3], $0x10, s31, s0, $0xb8;
	[tilespmem:$0x1A080] =	vst v63  }
0xdc: {  	_ =	swait.ge [sflag:s13], $0x620  }
0xdd: {  	[sflag:s13] =	ssyncset.done $0x0  }
0xde: {  	[sflag:s13] =	ssyncadd.s32 $0xFFFFF9E0  }
0xdf: {  	s19 =	sadd.s32 $0xFFFF4840, s8;
	_ =	swait.ge [sflag:s13], $0x620  }
0xe0: {  	s17 =	sadd.s32 $0xC400, s19;
	[sflag:s13] =	ssyncset.done $0x0  }
0xe1: {  	p1 =	slt.s32 s17, s16;
	s18 =	smov.u32 s16;
	[sflag:s13] =	ssyncadd.s32 $0xFFFFF9E0  }
0xe2: {  	[tilespmem:s21], [sflag:$0x2] =	stream.indirect.gather [hbm4b:s10+s0], $0x10, s0, s0, $0xb8;
	[tilespmem:$0x1A080] =	vst v63  }
0xe3: {  	s18 =	smov.u32 @p1 s17;
	_ =	swait.ge [sflag:s22], $0x6200  }
0xe4: {  	s17 =	sshrl.u32 s18, $0x3;
	[sflag:s22] =	ssyncset.done $0x0  }
0xe5: {  	s18 =	sadd.s32 s4, s17;
	[sflag:s22] =	ssyncadd.s32 $0xFFFF9E00  }
0xe6: {  	[tilespmem:s2], [sflag:$0x5] =	stream.linear.gather [hbm4b:s18+s2], $0x620, $0x38;
	[tilespmem:$0x1A080] =	vst v63  }
0xe7: {  	s17 =	sadd.s32 s5, s17  }
0xe8: {  	[tilespmem:s31], [sflag:$0x5] =	stream.linear.gather [hbm4b:s17+s2], $0x620, $0x38;
	[tilespmem:$0x1A080] =	vst v63  }
0xe9: {  	_ =	swait.ge [sflag:s26], $0x6200  }
0xea: {  	[sflag:s26] =	ssyncset.done $0x0  }
0xeb: {  	[sflag:s26] =	ssyncadd.s32 $0xFFFF9E00  }
0xec: {  	[spmem:s1] =	stream.indirect.scatter.add.f32 [tilespmem:s21], [sflag:$0x4], $0x10, s15, s0, $0xb8;
	[tilespmem:$0x1A080] =	vst v63  }
0xed: {  	_ =	swait.ge [sflag:s13], $0x620  }
0xee: {  	[sflag:s13] =	ssyncset.done $0x0  }
0xef: {  	[sflag:s13] =	ssyncadd.s32 $0xFFFFF9E0  }
0xf0: {  	s12 =	sadd.s32 $0xCA20, s19;
	_ =	swait.ge [sflag:s13], $0x620  }
0xf1: {  	p1 =	slt.s32 s12, s16;
	s17 =	smov.u32 s16;
	[sflag:s13] =	ssyncset.done $0x0  }
0xf2: {  	s17 =	smov.u32 @p1 s12;
	[sflag:s13] =	ssyncadd.s32 $0xFFFFF9E0  }
0xf3: {  	[tilespmem:s11], [sflag:$0x1] =	stream.indirect.gather [hbm4b:s10+s0], $0x10, s2, s0, $0xb8;
	[tilespmem:$0x1A080] =	vst v63  }
0xf4: {  	s12 =	simm.s32 $0xFFFF5480;
	s19 =	sshrl.u32 s17, $0x3;
	_ =	swait.ge [sflag:s28], $0x6200  }
0xf5: {  	s17 =	sadd.s32 s4, s19;
	s18 =	sadd.s32 s5, s19;
	[sflag:s28] =	ssyncset.done $0x0  }
.LBB2_10:
0xf6: {  	p1 =	sne.s32 s12, $0xFFFFF3C0  }
0xf7: {  	[sflag:s28] =	ssyncadd.s32 $0xFFFF9E00;
	s19 =	smov.u32 s12;
	s12 =	sadd.s32 $0xC40, s12  }
0xf8: {  	[tilespmem:s0], [sflag:$0x5] =	stream.linear.gather [hbm4b:s17+s2], $0x620, $0x38;
	[tilespmem:$0x1A080] =	vst v63  }
0xf9: {  	_ = 	snop  }
0xfa: {  	[tilespmem:s15], [sflag:$0x5] =	stream.linear.gather [hbm4b:s18+s2], $0x620, $0x38;
	[tilespmem:$0x1A080] =	vst v63  }
0xfb: {  	_ =	swait.ge [sflag:s3], $0x6200  }
0xfc: {  	[sflag:s3] =	ssyncset.done $0x0  }
0xfd: {  	[sflag:s3] =	ssyncadd.s32 $0xFFFF9E00  }
0xfe: {  	[spmem:s1] =	stream.indirect.scatter.add.f32 [tilespmem:s11], [sflag:$0x3], $0x10, s31, s0, $0xb8;
	[tilespmem:$0x1A080] =	vst v63  }
0xff: {  	s17 =	sadd.s32 s19, s8;
	s19 =	smov.u32 s16;
	_ =	swait.ge [sflag:s13], $0x620  }
0x100: {  	s18 =	sadd.s32 $0xC400, s17;
	s17 =	sadd.s32 $0xCA20, s17;
	[sflag:s13] =	ssyncset.done $0x0  }
0x101: {  	p2 =	slt.s32 s18, s16;
	p3 =	slt.s32 s17, s16;
	[sflag:s13] =	ssyncadd.s32 $0xFFFFF9E0  }
0x102: {  	s19 =	smov.u32 @p2 s18;
	s18 =	smov.u32 s16;
	_ =	swait.ge [sflag:s13], $0x620  }
0x103: {  	s18 =	smov.u32 @p3 s17;
	[sflag:s13] =	ssyncset.done $0x0  }
0x104: {  	s17 =	sshrl.u32 s19, $0x3;
	s18 =	sshrl.u32 s18, $0x3;
	[sflag:s13] =	ssyncadd.s32 $0xFFFFF9E0  }
0x105: {  	[tilespmem:s21], [sflag:$0x2] =	stream.indirect.gather [hbm4b:s10+s0], $0x10, s0, s0, $0xb8;
	[tilespmem:$0x1A080] =	vst v63  }
0x106: {  	_ =	swait.ge [sflag:s22], $0x6200  }
0x107: {  	s19 =	sadd.s32 s4, s17;
	[sflag:s22] =	ssyncset.done $0x0  }
0x108: {  	s17 =	sadd.s32 s5, s17;
	[sflag:s22] =	ssyncadd.s32 $0xFFFF9E00  }
0x109: {  	[tilespmem:s2], [sflag:$0x5] =	stream.linear.gather [hbm4b:s19+s2], $0x620, $0x38;
	[tilespmem:$0x1A080] =	vst v63  }
0x10a: {  	_ = 	snop  }
0x10b: {  	[tilespmem:s31], [sflag:$0x5] =	stream.linear.gather [hbm4b:s17+s2], $0x620, $0x38;
	[tilespmem:$0x1A080] =	vst v63  }
0x10c: {  	_ =	swait.ge [sflag:s26], $0x6200  }
0x10d: {  	[sflag:s26] =	ssyncset.done $0x0  }
0x10e: {  	[sflag:s26] =	ssyncadd.s32 $0xFFFF9E00  }
0x10f: {  	[spmem:s1] =	stream.indirect.scatter.add.f32 [tilespmem:s21], [sflag:$0x4], $0x10, s15, s0, $0xb8;
	[tilespmem:$0x1A080] =	vst v63  }
0x110: {  	_ =	swait.ge [sflag:s13], $0x620  }
0x111: {  	[sflag:s13] =	ssyncset.done $0x0  }
0x112: {  	[sflag:s13] =	ssyncadd.s32 $0xFFFFF9E0  }
0x113: {  	_ =	swait.ge [sflag:s13], $0x620  }
.Ltmp4:
0x114: {  	[sflag:s13] =	ssyncset.done $0x0;
	(pc) =	sbr.rel @p1 .LBB2_10-.Ltmp4, $4  }
0x115: {  	s17 =	sadd.s32 s4, s18;
	[sflag:s13] =	ssyncadd.s32 $0xFFFFF9E0  }
0x116: {  	[tilespmem:s11], [sflag:$0x1] =	stream.indirect.gather [hbm4b:s10+s0], $0x10, s2, s0, $0xb8;
	[tilespmem:$0x1A080] =	vst v63  }
0x117: {  	_ =	swait.ge [sflag:s28], $0x6200  }
0x118: {  	s18 =	sadd.s32 s5, s18;
	[sflag:s28] =	ssyncset.done $0x0  }
.Ltmp5:
0x119: {  	_ = 	snop;
	(pc) =	sbr.rel .LBB2_11-.Ltmp5, $1  }
0x11a: {  	_ =	sdelay $0x3  }
.LBB2_2:
0x11b: {  	s12 =	rddreg [dreg:$0x7]  }
0x11c: {  	[spmem:s14], [sflag:s23] =	dma.local [hbm:s12], $0x1880  }
0x11d: {  	_ =	swait.ge [sflag:s30], $0x1880  }
0x11e: {  	[sflag:s30] =	ssyncset.done $0x0  }
0x11f: {  	[sflag:s30] =	ssyncadd.s32 $0xFFFFE780  }
0x120: {  	[bflag:$0x0] =	sbarrier.arrive $0xFFFF  }
0x121: {  	s19 =	rddreg [dreg:$0x8]  }
0x122: {  	[tilespmem:s2], [sflag:$0x6] =	stream.linear.gather [hbm4b:s19+s2], $0x620, $0x38;
	[tilespmem:$0x1A080] =	vst v63  }
0x123: {  	_ =	swait.ge [sflag:s30], $0x620  }
0x124: {  	[sflag:s30] =	ssyncset.done $0x0  }
0x125: {  	s17 =	rddreg [dreg:$0x9];
	[sflag:s30] =	ssyncadd.s32 $0xFFFFF9E0  }
0x126: {  	[tilespmem:s31], [sflag:$0x6] =	stream.linear.gather [hbm4b:s17+s2], $0x620, $0x38;
	[tilespmem:$0x1A080] =	vst v63  }
0x127: {  	_ =	swait.ge [sflag:s30], $0x620  }
0x128: {  	[sflag:s30] =	ssyncset.done $0x0  }
0x129: {  	[sflag:s30] =	ssyncadd.s32 $0xFFFFF9E0  }
0x12a: {  	[tilespmem:s11], [sflag:$0x1] =	stream.indirect.gather [hbm4b:s6+s0], $0x10, s2, s0, $0xb8;
	[tilespmem:$0x1A080] =	vst v63  }
0x12b: {  	s18 =	rddreg [dreg:$0xa]  }
0x12c: {  	[tilespmem:s0], [sflag:$0x5] =	stream.linear.gather [hbm4b:s18+s2], $0x620, $0x38;
	[tilespmem:$0x1A080] =	vst v63  }
0x12d: {  	_ = 	snop  }
0x12e: {  	[tilespmem:s15], [sflag:$0x5] =	stream.linear.gather [hbm4b:s20+s2], $0x620, $0x38;
	[tilespmem:$0x1A080] =	vst v63  }
0x12f: {  	_ =	swait.ge [sflag:s3], $0x6200  }
0x130: {  	[sflag:s3] =	ssyncset.done $0x0  }
0x131: {  	[sflag:s3] =	ssyncadd.s32 $0xFFFF9E00  }
0x132: {  	[spmem:s1] =	stream.indirect.scatter.add.f32 [tilespmem:s11], [sflag:$0x3], $0x10, s31, s0, $0xb8;
	[tilespmem:$0x1A080] =	vst v63  }
0x133: {  	_ =	swait.ge [sflag:s13], $0x620  }
0x134: {  	[sflag:s13] =	ssyncset.done $0x0  }
0x135: {  	[sflag:s13] =	ssyncadd.s32 $0xFFFFF9E0  }
0x136: {  	s19 =	sadd.s32 $0xFFFF4840, s8;
	_ =	swait.ge [sflag:s13], $0x620  }
0x137: {  	s17 =	sadd.s32 $0xC400, s19;
	[sflag:s13] =	ssyncset.done $0x0  }
0x138: {  	p1 =	slt.s32 s17, s16;
	s18 =	smov.u32 s16;
	[sflag:s13] =	ssyncadd.s32 $0xFFFFF9E0  }
0x139: {  	[tilespmem:s21], [sflag:$0x2] =	stream.indirect.gather [hbm4b:s6+s0], $0x10, s0, s0, $0xb8;
	[tilespmem:$0x1A080] =	vst v63  }
0x13a: {  	s18 =	smov.u32 @p1 s17;
	_ =	swait.ge [sflag:s22], $0x6200  }
0x13b: {  	s17 =	sshrl.u32 s18, $0x3;
	[sflag:s22] =	ssyncset.done $0x0  }
0x13c: {  	s18 =	sadd.s32 s4, s17;
	[sflag:s22] =	ssyncadd.s32 $0xFFFF9E00  }
0x13d: {  	[tilespmem:s2], [sflag:$0x5] =	stream.linear.gather [hbm4b:s18+s2], $0x620, $0x38;
	[tilespmem:$0x1A080] =	vst v63  }
0x13e: {  	s17 =	sadd.s32 s5, s17  }
0x13f: {  	[tilespmem:s31], [sflag:$0x5] =	stream.linear.gather [hbm4b:s17+s2], $0x620, $0x38;
	[tilespmem:$0x1A080] =	vst v63  }
0x140: {  	_ =	swait.ge [sflag:s26], $0x6200  }
0x141: {  	[sflag:s26] =	ssyncset.done $0x0  }
0x142: {  	[sflag:s26] =	ssyncadd.s32 $0xFFFF9E00  }
0x143: {  	[spmem:s1] =	stream.indirect.scatter.add.f32 [tilespmem:s21], [sflag:$0x4], $0x10, s15, s0, $0xb8;
	[tilespmem:$0x1A080] =	vst v63  }
0x144: {  	_ =	swait.ge [sflag:s13], $0x620  }
0x145: {  	[sflag:s13] =	ssyncset.done $0x0  }
0x146: {  	[sflag:s13] =	ssyncadd.s32 $0xFFFFF9E0  }
0x147: {  	s12 =	sadd.s32 $0xCA20, s19;
	_ =	swait.ge [sflag:s13], $0x620  }
0x148: {  	p1 =	slt.s32 s12, s16;
	s17 =	smov.u32 s16;
	[sflag:s13] =	ssyncset.done $0x0  }
0x149: {  	s17 =	smov.u32 @p1 s12;
	[sflag:s13] =	ssyncadd.s32 $0xFFFFF9E0  }
0x14a: {  	[tilespmem:s11], [sflag:$0x1] =	stream.indirect.gather [hbm4b:s6+s0], $0x10, s2, s0, $0xb8;
	[tilespmem:$0x1A080] =	vst v63  }
0x14b: {  	s12 =	simm.s32 $0xFFFF5480;
	s19 =	sshrl.u32 s17, $0x3;
	_ =	swait.ge [sflag:s28], $0x6200  }
0x14c: {  	s17 =	sadd.s32 s4, s19;
	s18 =	sadd.s32 s5, s19;
	[sflag:s28] =	ssyncset.done $0x0  }
.LBB2_3:
0x14d: {  	p1 =	sne.s32 s12, $0xFFFFF3C0  }
0x14e: {  	[sflag:s28] =	ssyncadd.s32 $0xFFFF9E00;
	s19 =	smov.u32 s12;
	s12 =	sadd.s32 $0xC40, s12  }
0x14f: {  	[tilespmem:s0], [sflag:$0x5] =	stream.linear.gather [hbm4b:s17+s2], $0x620, $0x38;
	[tilespmem:$0x1A080] =	vst v63  }
0x150: {  	_ = 	snop  }
0x151: {  	[tilespmem:s15], [sflag:$0x5] =	stream.linear.gather [hbm4b:s18+s2], $0x620, $0x38;
	[tilespmem:$0x1A080] =	vst v63  }
0x152: {  	_ =	swait.ge [sflag:s3], $0x6200  }
0x153: {  	[sflag:s3] =	ssyncset.done $0x0  }
0x154: {  	[sflag:s3] =	ssyncadd.s32 $0xFFFF9E00  }
0x155: {  	[spmem:s1] =	stream.indirect.scatter.add.f32 [tilespmem:s11], [sflag:$0x3], $0x10, s31, s0, $0xb8;
	[tilespmem:$0x1A080] =	vst v63  }
0x156: {  	s17 =	sadd.s32 s19, s8;
	s19 =	smov.u32 s16;
	_ =	swait.ge [sflag:s13], $0x620  }
0x157: {  	s18 =	sadd.s32 $0xC400, s17;
	s17 =	sadd.s32 $0xCA20, s17;
	[sflag:s13] =	ssyncset.done $0x0  }
0x158: {  	p2 =	slt.s32 s18, s16;
	p3 =	slt.s32 s17, s16;
	[sflag:s13] =	ssyncadd.s32 $0xFFFFF9E0  }
0x159: {  	s19 =	smov.u32 @p2 s18;
	s18 =	smov.u32 s16;
	_ =	swait.ge [sflag:s13], $0x620  }
0x15a: {  	s18 =	smov.u32 @p3 s17;
	[sflag:s13] =	ssyncset.done $0x0  }
0x15b: {  	s17 =	sshrl.u32 s19, $0x3;
	s18 =	sshrl.u32 s18, $0x3;
	[sflag:s13] =	ssyncadd.s32 $0xFFFFF9E0  }
0x15c: {  	[tilespmem:s21], [sflag:$0x2] =	stream.indirect.gather [hbm4b:s6+s0], $0x10, s0, s0, $0xb8;
	[tilespmem:$0x1A080] =	vst v63  }
0x15d: {  	_ =	swait.ge [sflag:s22], $0x6200  }
0x15e: {  	s19 =	sadd.s32 s4, s17;
	[sflag:s22] =	ssyncset.done $0x0  }
0x15f: {  	s17 =	sadd.s32 s5, s17;
	[sflag:s22] =	ssyncadd.s32 $0xFFFF9E00  }
0x160: {  	[tilespmem:s2], [sflag:$0x5] =	stream.linear.gather [hbm4b:s19+s2], $0x620, $0x38;
	[tilespmem:$0x1A080] =	vst v63  }
0x161: {  	_ = 	snop  }
0x162: {  	[tilespmem:s31], [sflag:$0x5] =	stream.linear.gather [hbm4b:s17+s2], $0x620, $0x38;
	[tilespmem:$0x1A080] =	vst v63  }
0x163: {  	_ =	swait.ge [sflag:s26], $0x6200  }
0x164: {  	[sflag:s26] =	ssyncset.done $0x0  }
0x165: {  	[sflag:s26] =	ssyncadd.s32 $0xFFFF9E00  }
0x166: {  	[spmem:s1] =	stream.indirect.scatter.add.f32 [tilespmem:s21], [sflag:$0x4], $0x10, s15, s0, $0xb8;
	[tilespmem:$0x1A080] =	vst v63  }
0x167: {  	_ =	swait.ge [sflag:s13], $0x620  }
0x168: {  	[sflag:s13] =	ssyncset.done $0x0  }
0x169: {  	[sflag:s13] =	ssyncadd.s32 $0xFFFFF9E0  }
0x16a: {  	_ =	swait.ge [sflag:s13], $0x620  }
.Ltmp6:
0x16b: {  	[sflag:s13] =	ssyncset.done $0x0;
	(pc) =	sbr.rel @p1 .LBB2_3-.Ltmp6, $4  }
0x16c: {  	s17 =	sadd.s32 s4, s18;
	[sflag:s13] =	ssyncadd.s32 $0xFFFFF9E0  }
0x16d: {  	[tilespmem:s11], [sflag:$0x1] =	stream.indirect.gather [hbm4b:s6+s0], $0x10, s2, s0, $0xb8;
	[tilespmem:$0x1A080] =	vst v63  }
0x16e: {  	_ =	swait.ge [sflag:s28], $0x6200  }
0x16f: {  	s18 =	sadd.s32 s5, s18;
	[sflag:s28] =	ssyncset.done $0x0  }
0x170: {  	[sflag:s28] =	ssyncadd.s32 $0xFFFF9E00  }
0x171: {  	[tilespmem:s0], [sflag:$0x5] =	stream.linear.gather [hbm4b:s17+s2], $0x620, $0x38;
	[tilespmem:$0x1A080] =	vst v63  }
0x172: {  	_ = 	snop  }
0x173: {  	[tilespmem:s15], [sflag:$0x5] =	stream.linear.gather [hbm4b:s18+s2], $0x620, $0x38;
	[tilespmem:$0x1A080] =	vst v63  }
0x174: {  	_ =	swait.ge [sflag:s3], $0x6200  }
0x175: {  	[sflag:s3] =	ssyncset.done $0x0  }
0x176: {  	[sflag:s3] =	ssyncadd.s32 $0xFFFF9E00  }
0x177: {  	[spmem:s1] =	stream.indirect.scatter.add.f32 [tilespmem:s11], [sflag:$0x3], $0x10, s31, s0, $0xb8;
	[tilespmem:$0x1A080] =	vst v63  }
0x178: {  	_ =	swait.ge [sflag:s13], $0x620  }
0x179: {  	[sflag:s13] =	ssyncset.done $0x0  }
0x17a: {  	[sflag:s13] =	ssyncadd.s32 $0xFFFFF9E0  }
0x17b: {  	_ =	swait.ge [sflag:s13], $0x620  }
0x17c: {  	[sflag:s13] =	ssyncset.done $0x0  }
0x17d: {  	[sflag:s13] =	ssyncadd.s32 $0xFFFFF9E0  }
0x17e: {  	[tilespmem:s21], [sflag:$0x2] =	stream.indirect.gather [hbm4b:s6+s0], $0x10, s0, s0, $0xb8;
	[tilespmem:$0x1A080] =	vst v63  }
0x17f: {  	_ =	swait.ge [sflag:s22], $0x6200  }
0x180: {  	[sflag:s22] =	ssyncset.done $0x0  }
0x181: {  	[sflag:s22] =	ssyncadd.s32 $0xFFFF9E00  }
0x182: {  	[tilespmem:s2], [sflag:$0x5] =	stream.linear.gather [hbm4b:s24+s2], $0x620, $0x38;
	[tilespmem:$0x1A080] =	vst v63  }
0x183: {  	_ = 	snop  }
0x184: {  	[tilespmem:s31], [sflag:$0x5] =	stream.linear.gather [hbm4b:s25+s2], $0x620, $0x38;
	[tilespmem:$0x1A080] =	vst v63  }
0x185: {  	_ =	swait.ge [sflag:s26], $0x6200  }
0x186: {  	[sflag:s26] =	ssyncset.done $0x0  }
0x187: {  	[sflag:s26] =	ssyncadd.s32 $0xFFFF9E00  }
0x188: {  	[spmem:s1] =	stream.indirect.scatter.add.f32 [tilespmem:s21], [sflag:$0x4], $0x10, s15, s0, $0xb8;
	[tilespmem:$0x1A080] =	vst v63  }
0x189: {  	_ =	swait.ge [sflag:s13], $0x620  }
0x18a: {  	[sflag:s13] =	ssyncset.done $0x0  }
0x18b: {  	[sflag:s13] =	ssyncadd.s32 $0xFFFFF9E0  }
0x18c: {  	_ =	swait.ge [sflag:s13], $0x620  }
0x18d: {  	[sflag:s13] =	ssyncset.done $0x0  }
0x18e: {  	[sflag:s13] =	ssyncadd.s32 $0xFFFFF9E0  }
0x18f: {  	_ =	swait.ge [sflag:s28], $0x6200  }
0x190: {  	[sflag:s28] =	ssyncset.done $0x0  }
0x191: {  	[sflag:s28] =	ssyncadd.s32 $0xFFFF9E00  }
0x192: {  	[bflag:$0x0] =	sbarrier.arrive $0xFFFF  }
0x193: {  	s12 =	rddreg [dreg:$0xb]  }
0x194: {  	[hbm:s12], [sflag:s23] =	dma.local [spmem:s14], $0x1880  }
0x195: {  	_ =	swait.ge [sflag:s30], $0x1880  }
0x196: {  	[sflag:s30] =	ssyncset.done $0x0  }
0x197: {  	s18 =	rddreg [dreg:$0xe];
	[sflag:s30] =	ssyncadd.s32 $0xFFFFE780  }
0x198: {  	[spmem:s14], [sflag:s23] =	dma.local [hbm:s18], $0x1880  }
0x199: {  	_ =	swait.ge [sflag:s30], $0x1880  }
0x19a: {  	[sflag:s30] =	ssyncset.done $0x0  }
0x19b: {  	[sflag:s30] =	ssyncadd.s32 $0xFFFFE780  }
0x19c: {  	[bflag:$0x0] =	sbarrier.arrive $0xFFFF  }
0x19d: {  	s19 =	rddreg [dreg:$0x8]  }
0x19e: {  	[tilespmem:s2], [sflag:$0x6] =	stream.linear.gather [hbm4b:s19+s2], $0x620, $0x38;
	[tilespmem:$0x1A080] =	vst v63  }
0x19f: {  	_ =	swait.ge [sflag:s30], $0x620  }
0x1a0: {  	[sflag:s30] =	ssyncset.done $0x0  }
0x1a1: {  	s17 =	rddreg [dreg:$0x9];
	[sflag:s30] =	ssyncadd.s32 $0xFFFFF9E0  }
0x1a2: {  	[tilespmem:s31], [sflag:$0x6] =	stream.linear.gather [hbm4b:s17+s2], $0x620, $0x38;
	[tilespmem:$0x1A080] =	vst v63  }
0x1a3: {  	_ =	swait.ge [sflag:s30], $0x620  }
0x1a4: {  	[sflag:s30] =	ssyncset.done $0x0  }
0x1a5: {  	[sflag:s30] =	ssyncadd.s32 $0xFFFFF9E0  }
0x1a6: {  	[tilespmem:s11], [sflag:$0x1] =	stream.indirect.gather [hbm4b:s7+s0], $0x10, s2, s0, $0xb8;
	[tilespmem:$0x1A080] =	vst v63  }
0x1a7: {  	s18 =	rddreg [dreg:$0xa]  }
0x1a8: {  	[tilespmem:s0], [sflag:$0x5] =	stream.linear.gather [hbm4b:s18+s2], $0x620, $0x38;
	[tilespmem:$0x1A080] =	vst v63  }
0x1a9: {  	_ = 	snop  }
0x1aa: {  	[tilespmem:s15], [sflag:$0x5] =	stream.linear.gather [hbm4b:s20+s2], $0x620, $0x38;
	[tilespmem:$0x1A080] =	vst v63  }
0x1ab: {  	_ =	swait.ge [sflag:s3], $0x6200  }
0x1ac: {  	[sflag:s3] =	ssyncset.done $0x0  }
0x1ad: {  	[sflag:s3] =	ssyncadd.s32 $0xFFFF9E00  }
0x1ae: {  	[spmem:s1] =	stream.indirect.scatter.add.f32 [tilespmem:s11], [sflag:$0x3], $0x10, s31, s0, $0xb8;
	[tilespmem:$0x1A080] =	vst v63  }
0x1af: {  	_ =	swait.ge [sflag:s13], $0x620  }
0x1b0: {  	[sflag:s13] =	ssyncset.done $0x0  }
0x1b1: {  	[sflag:s13] =	ssyncadd.s32 $0xFFFFF9E0  }
0x1b2: {  	s19 =	sadd.s32 $0xFFFF4840, s8;
	_ =	swait.ge [sflag:s13], $0x620  }
0x1b3: {  	s17 =	sadd.s32 $0xC400, s19;
	[sflag:s13] =	ssyncset.done $0x0  }
0x1b4: {  	p1 =	slt.s32 s17, s16;
	s18 =	smov.u32 s16;
	[sflag:s13] =	ssyncadd.s32 $0xFFFFF9E0  }
0x1b5: {  	[tilespmem:s21], [sflag:$0x2] =	stream.indirect.gather [hbm4b:s7+s0], $0x10, s0, s0, $0xb8;
	[tilespmem:$0x1A080] =	vst v63  }
0x1b6: {  	s18 =	smov.u32 @p1 s17;
	_ =	swait.ge [sflag:s22], $0x6200  }
0x1b7: {  	s17 =	sshrl.u32 s18, $0x3;
	[sflag:s22] =	ssyncset.done $0x0  }
0x1b8: {  	s18 =	sadd.s32 s4, s17;
	[sflag:s22] =	ssyncadd.s32 $0xFFFF9E00  }
0x1b9: {  	[tilespmem:s2], [sflag:$0x5] =	stream.linear.gather [hbm4b:s18+s2], $0x620, $0x38;
	[tilespmem:$0x1A080] =	vst v63  }
0x1ba: {  	s17 =	sadd.s32 s5, s17  }
0x1bb: {  	[tilespmem:s31], [sflag:$0x5] =	stream.linear.gather [hbm4b:s17+s2], $0x620, $0x38;
	[tilespmem:$0x1A080] =	vst v63  }
0x1bc: {  	_ =	swait.ge [sflag:s26], $0x6200  }
0x1bd: {  	[sflag:s26] =	ssyncset.done $0x0  }
0x1be: {  	[sflag:s26] =	ssyncadd.s32 $0xFFFF9E00  }
0x1bf: {  	[spmem:s1] =	stream.indirect.scatter.add.f32 [tilespmem:s21], [sflag:$0x4], $0x10, s15, s0, $0xb8;
	[tilespmem:$0x1A080] =	vst v63  }
0x1c0: {  	_ =	swait.ge [sflag:s13], $0x620  }
0x1c1: {  	[sflag:s13] =	ssyncset.done $0x0  }
0x1c2: {  	[sflag:s13] =	ssyncadd.s32 $0xFFFFF9E0  }
0x1c3: {  	s12 =	sadd.s32 $0xCA20, s19;
	_ =	swait.ge [sflag:s13], $0x620  }
0x1c4: {  	p1 =	slt.s32 s12, s16;
	s17 =	smov.u32 s16;
	[sflag:s13] =	ssyncset.done $0x0  }
0x1c5: {  	s17 =	smov.u32 @p1 s12;
	[sflag:s13] =	ssyncadd.s32 $0xFFFFF9E0  }
0x1c6: {  	[tilespmem:s11], [sflag:$0x1] =	stream.indirect.gather [hbm4b:s7+s0], $0x10, s2, s0, $0xb8;
	[tilespmem:$0x1A080] =	vst v63  }
0x1c7: {  	s12 =	simm.s32 $0xFFFF5480;
	s19 =	sshrl.u32 s17, $0x3;
	_ =	swait.ge [sflag:s28], $0x6200  }
0x1c8: {  	s17 =	sadd.s32 s4, s19;
	s18 =	sadd.s32 s5, s19;
	[sflag:s28] =	ssyncset.done $0x0  }
.LBB2_5:
0x1c9: {  	p1 =	seq.s32 s12, $0xFFFFF3C0  }
0x1ca: {  	[sflag:s28] =	ssyncadd.s32 $0xFFFF9E00;
	s19 =	smov.u32 s12;
	s12 =	sadd.s32 $0xC40, s12  }
0x1cb: {  	[tilespmem:s0], [sflag:$0x5] =	stream.linear.gather [hbm4b:s17+s2], $0x620, $0x38;
	[tilespmem:$0x1A080] =	vst v63  }
0x1cc: {  	_ = 	snop  }
0x1cd: {  	[tilespmem:s15], [sflag:$0x5] =	stream.linear.gather [hbm4b:s18+s2], $0x620, $0x38;
	[tilespmem:$0x1A080] =	vst v63  }
0x1ce: {  	_ =	swait.ge [sflag:s3], $0x6200  }
0x1cf: {  	[sflag:s3] =	ssyncset.done $0x0  }
0x1d0: {  	[sflag:s3] =	ssyncadd.s32 $0xFFFF9E00  }
0x1d1: {  	[spmem:s1] =	stream.indirect.scatter.add.f32 [tilespmem:s11], [sflag:$0x3], $0x10, s31, s0, $0xb8;
	[tilespmem:$0x1A080] =	vst v63  }
0x1d2: {  	s17 =	sadd.s32 s19, s8;
	s19 =	smov.u32 s16;
	_ =	swait.ge [sflag:s13], $0x620  }
0x1d3: {  	s18 =	sadd.s32 $0xC400, s17;
	s17 =	sadd.s32 $0xCA20, s17;
	[sflag:s13] =	ssyncset.done $0x0  }
0x1d4: {  	p2 =	slt.s32 s18, s16;
	p3 =	slt.s32 s17, s16;
	[sflag:s13] =	ssyncadd.s32 $0xFFFFF9E0  }
0x1d5: {  	s19 =	smov.u32 @p2 s18;
	s18 =	smov.u32 s16;
	_ =	swait.ge [sflag:s13], $0x620  }
0x1d6: {  	s18 =	smov.u32 @p3 s17;
	[sflag:s13] =	ssyncset.done $0x0  }
0x1d7: {  	s17 =	sshrl.u32 s19, $0x3;
	s18 =	sshrl.u32 s18, $0x3;
	[sflag:s13] =	ssyncadd.s32 $0xFFFFF9E0  }
0x1d8: {  	[tilespmem:s21], [sflag:$0x2] =	stream.indirect.gather [hbm4b:s7+s0], $0x10, s0, s0, $0xb8;
	[tilespmem:$0x1A080] =	vst v63  }
0x1d9: {  	_ =	swait.ge [sflag:s22], $0x6200  }
0x1da: {  	s19 =	sadd.s32 s4, s17;
	[sflag:s22] =	ssyncset.done $0x0  }
0x1db: {  	s17 =	sadd.s32 s5, s17;
	[sflag:s22] =	ssyncadd.s32 $0xFFFF9E00  }
0x1dc: {  	[tilespmem:s2], [sflag:$0x5] =	stream.linear.gather [hbm4b:s19+s2], $0x620, $0x38;
	[tilespmem:$0x1A080] =	vst v63  }
0x1dd: {  	_ = 	snop  }
0x1de: {  	[tilespmem:s31], [sflag:$0x5] =	stream.linear.gather [hbm4b:s17+s2], $0x620, $0x38;
	[tilespmem:$0x1A080] =	vst v63  }
0x1df: {  	_ =	swait.ge [sflag:s26], $0x6200  }
0x1e0: {  	[sflag:s26] =	ssyncset.done $0x0  }
0x1e1: {  	[sflag:s26] =	ssyncadd.s32 $0xFFFF9E00  }
0x1e2: {  	[spmem:s1] =	stream.indirect.scatter.add.f32 [tilespmem:s21], [sflag:$0x4], $0x10, s15, s0, $0xb8;
	[tilespmem:$0x1A080] =	vst v63  }
0x1e3: {  	_ =	swait.ge [sflag:s13], $0x620  }
0x1e4: {  	[sflag:s13] =	ssyncset.done $0x0  }
0x1e5: {  	[sflag:s13] =	ssyncadd.s32 $0xFFFFF9E0  }
0x1e6: {  	_ =	swait.ge [sflag:s13], $0x620  }
.Ltmp7:
0x1e7: {  	[sflag:s13] =	ssyncset.done $0x0;
	(pc) =	sbr.rel @!p1 .LBB2_5-.Ltmp7, $4  }
0x1e8: {  	s17 =	sadd.s32 s4, s18;
	[sflag:s13] =	ssyncadd.s32 $0xFFFFF9E0  }
0x1e9: {  	[tilespmem:s11], [sflag:$0x1] =	stream.indirect.gather [hbm4b:s7+s0], $0x10, s2, s0, $0xb8;
	[tilespmem:$0x1A080] =	vst v63  }
0x1ea: {  	_ =	swait.ge [sflag:s28], $0x6200  }
0x1eb: {  	s18 =	sadd.s32 s5, s18;
	[sflag:s28] =	ssyncset.done $0x0  }
.Ltmp8:
0x1ec: {  	(pc) =	sbr.rel .LBB2_12-.Ltmp8, $4  }
0x1ed: {  	[sflag:s28] =	ssyncadd.s32 $0xFFFF9E00  }
0x1ee: {  	[tilespmem:s0], [sflag:$0x5] =	stream.linear.gather [hbm4b:s17+s2], $0x620, $0x38;
	[tilespmem:$0x1A080] =	vst v63  }
0x1ef: {  	s12 =	rddreg [dreg:$0x3];
	s17 =	smov.u32 s7  }
0x1f0: {  	[tilespmem:s15], [sflag:$0x5] =	stream.linear.gather [hbm4b:s18+s2], $0x620, $0x38;
	[tilespmem:$0x1A080] =	vst v63  }
.LBB2_13:
0x1f1: {  	_ =	sfence.sel $0x180000  }
0x1f2: {  	[bflag:$0x0] =	sbarrier.arrive $0xFFFF  }
0x1f3: {  	_ =	strace $0x9000004A  }
0x1f4: {  	s0 =	stileid.u32;
	[bflag:$0x2] =	sbarrier.arrive $0xFFFF  }
0x1f5: {  	p0 =	sne.s32 s0, $0x0;
	s0 =	rddreg [dreg:$0x2]  }
0x1f6: {  	s0 =	sadd.s32 @!p0 $0x100000, s0  }
0x1f7: {  	[sflag:s0] =	ssyncadd.tile.s32 @!p0 $0x1;
	_ =	shalt  }
.Lfunc_end2:
_tile_overlayer_lowered:
.L_overlay_start_2:
0x1f8: {  	(tag) =	ssettag $0x2  }
0x1f9: {  	s0 =	rddreg [dreg:$0x0];
	s2 =	stileid.u32  }
0x1fa: {  	s1 =	rddreg [dreg:$0x1];
	p0 =	sne.s32 s2, $0x0  }
0x1fb: {  	s3 =	rddreg [dreg:$0x2];
	[bflag:$0x3] =	sbarrier.arrive $0xFFFF;
	s2 =	simm.s32 @!p0 $0x1C06  }
0x1fc: {  	[timem:s3], [sflag:s2] =	dma.local @!p0 [hbm:s0], s1  }
0x1fd: {  	s0 =	simm.s32 @!p0 $0x6  }
0x1fe: {  	_ =	swait.ge @!p0 [sflag:s0], s1  }
0x1ff: {  	s1 =	ssub.s32 @!p0 $0x0, s1;
	[sflag:s0] =	ssyncset.done @!p0 $0x0  }
0x200: {  	[sflag:s0] =	ssyncadd.s32 @!p0 s1  }
0x201: {  	[bflag:$0x3] =	sbarrier.arrive $0xFFFF  }
0x202: {  	_ =	shalt  }

// kernel: kernel.14.cloned.1.call-start
scs
__scs_entry_jumppad:
0x0: {  	(pc) =	sbr.rel $0x88, $3  }
0x1: {  	(tag) =	ssettag $0x0;
	lr =	simm.s32 $0x1  }
0x2: {  	[smem:$0x3F99] =	sst lr;
	_ =	strace $0xD0000000  }
0x3: {  	_ = 	snop  }
0x4: {  	_ = 	snop  }
0x5: {  	_ = 	snop  }
0x6: {  	_ = 	snop  }
0x7: {  	_ = 	snop  }
__scs_overlays_trampoline_lowered:
0x8: {  	[smem:$0x3FA8] =	sst s0  }
0x9: {  	[smem:$0x3FA9] =	sst s1  }
0xa: {  	[smem:$0x3FAA] =	sst s2  }
0xb: {  	[smem:$0x3FAB] =	sst s3  }
0xc: {  	[smem:$0x3FAC] =	sst s4  }
0xd: {  	[smem:$0x3FAD] =	sst s5  }
0xe: {  	[smem:$0x3FAE] =	sst s6  }
0xf: {  	[smem:$0x3FAF] =	sst s7  }
0x10: {  	[smem:$0x3FB0] =	sst s8  }
0x11: {  	[smem:$0x3FB1] =	sst s9;
	s0 =	simm.s32 @!p0 $0x0  }
0x12: {  	s1 =	sld [smem:$0x3F97];
	s0 =	simm.s32 @p0 $0x1  }
0x13: {  	[smem:$0x3FB2] =	sst s0;
	s0 =	simm.s32 @!p1 $0x0  }
0x14: {  	s2 =	sld [smem:$0x3F96];
	s0 =	simm.s32 @p1 $0x1  }
0x15: {  	[smem:$0x3FB3] =	sst s0;
	s0 =	simm.s32 @!p2 $0x0  }
0x16: {  	s3 =	sld [smem:$0x3FDB];
	s0 =	simm.s32 @p2 $0x1  }
0x17: {  	s4 =	simm.s32 $0x1BF5;
	[smem:$0x3FB5] =	sst s0  }
0x18: {  	s0 =	sld [smem:$0x3F98];
	_ =	swait.ge [sflag:s4], $0x0  }
0x19: {  	s7 =	sld [smem:$0x3F99]  }
0x1a: {  	s8 =	sadd.s32 $0xFFFFE003, lr  }
0x1b: {  	s9 =	sadd.s32 $0xFFFFFEF7, lr;
	s5 =	simm.s32 $0xFFFFFFFF;
	p2 =	slt.u32 s8, $0xFFFFF086  }
0x1c: {  	p1 =	slt.u32 s9, $0xF7A;
	s5 =	simm.s32 @!p2 $0x0  }
0x1d: {  	s5 =	simm.s32 @p1 $0x1;
	p0 =	seq.s32 s7, s2  }
0x1e: {  	s7 =	smul.u32 @!p0 $0xF7A, s2;
	p2 =	seq.s32 @!p0 s5, $0x0  }
0x1f: {  	s9 =	smul.u32 $0xF7A, s1;
	s8 =	simm.s32 @!p0 $0x1BF5;
	p2 =	por !p2, p0  }
0x20: {  	[sflag:s8] =	ssyncset.s32 @!p0 $0xFFFFF086;
	s6 =	sadd.s32 @!p0 s3, s7;
	s7 =	simm.s32 @!p0 $0x108  }
0x21: {  	s3 =	sadd.s32 s3, s9;
	s6 =	sadd.s32 @!p0 $0x88, s6;
	s7 =	simm.s32 @p2 $0x1082  }
0x22: {  	[simem:s7], [sflag:s8] =	dma.local @!p0 [hbm:s6], $0xF7A  }
0x23: {  	s9 =	sor.u32 $0xD0000000, s2;
	s6 =	simm.s32 $0x108;
	_ =	swait.ge @!p0 [sflag:s8], $0x0  }
0x24: {  	s3 =	sadd.s32 $0x88, s3;
	s6 =	simm.s32 @!p1 $0x1082;
	[sflag:s4] =	ssyncset.s32 $0xFFFFF086  }
0x25: {  	[simem:s6], [sflag:s4] =	dma.local [hbm:s3], $0xF7A  }
0x26: {  	[smem:$0x3F99] =	sst s1;
	(tag) =	ssettag s2;
	_ =	strace s9  }
0x27: {  	s1 =	sld [smem:$0x3FA9]  }
0x28: {  	s2 =	sld [smem:$0x3FAA]  }
0x29: {  	s4 =	sld [smem:$0x3FAC]  }
0x2a: {  	p0 =	seq.s32 s5, $0x0;
	s5 =	sld [smem:$0x3FAD]  }
0x2b: {  	s6 =	sld [smem:$0x3FAE]  }
0x2c: {  	s7 =	sld [smem:$0x3FAF]  }
0x2d: {  	s3 =	simm.s32 $0x108;
	s8 =	sld [smem:$0x3FB0]  }
0x2e: {  	s3 =	simm.s32 @!p0 $0x1082;
	s9 =	sld [smem:$0x3FB1]  }
0x2f: {  	lr =	sadd.s32 s0, s3;
	s0 =	sld [smem:$0x3FA8]  }
0x30: {  	s3 =	sld [smem:$0x3FAB]  }
0x31: {  	[smem:$0x3FB4] =	sst s10  }
0x32: {  	s10 =	sld [smem:$0x3FB2];
	_ =	sdelay $0x3  }
0x33: {  	p0 =	seq.s32 s10, $0x1;
	s10 =	sld [smem:$0x3FB4];
	_ =	sdelay $0x3  }
0x34: {  	[smem:$0x3FB4] =	sst s10  }
0x35: {  	s10 =	sld [smem:$0x3FB3];
	_ =	sdelay $0x3  }
0x36: {  	p1 =	seq.s32 s10, $0x1;
	s10 =	sld [smem:$0x3FB4];
	_ =	sdelay $0x3  }
0x37: {  	[smem:$0x3FB4] =	sst s10  }
0x38: {  	s10 =	sld [smem:$0x3FB5]  }
0x39: {  	_ = 	snop;
	(pc) =	sbr.ind lr, $3  }
0x3a: {  	_ = 	snop  }
0x3b: {  	_ = 	snop  }
0x3c: {  	p2 =	seq.s32 s10, $0x1;
	s10 =	sld [smem:$0x3FB4]  }
0x3d: {  	_ =	shalt  }
0x3e: {  	_ =	shalt  }
0x3f: {  	_ =	shalt  }
0x40: {  	_ =	shalt  }
0x41: {  	_ =	shalt  }
0x42: {  	_ =	shalt  }
0x43: {  	_ =	shalt  }
0x44: {  	_ =	shalt  }
0x45: {  	_ =	shalt  }
0x46: {  	_ =	shalt  }
0x47: {  	_ =	shalt  }
0x48: {  	_ =	shalt  }
0x49: {  	_ =	shalt  }
0x4a: {  	_ =	shalt  }
0x4b: {  	_ =	shalt  }
0x4c: {  	_ =	shalt  }
0x4d: {  	_ =	shalt  }
0x4e: {  	_ =	shalt  }
0x4f: {  	_ =	shalt  }
0x50: {  	_ =	shalt  }
0x51: {  	_ =	shalt  }
0x52: {  	_ =	shalt  }
0x53: {  	_ =	shalt  }
0x54: {  	_ =	shalt  }
0x55: {  	_ =	shalt  }
0x56: {  	_ =	shalt  }
0x57: {  	_ =	shalt  }
0x58: {  	_ =	shalt  }
0x59: {  	_ =	shalt  }
0x5a: {  	_ =	shalt  }
0x5b: {  	_ =	shalt  }
0x5c: {  	_ =	shalt  }
0x5d: {  	_ =	shalt  }
0x5e: {  	_ =	shalt  }
0x5f: {  	_ =	shalt  }
0x60: {  	_ =	shalt  }
0x61: {  	_ =	shalt  }
0x62: {  	_ =	shalt  }
0x63: {  	_ =	shalt  }
0x64: {  	_ =	shalt  }
0x65: {  	_ =	shalt  }
0x66: {  	_ =	shalt  }
0x67: {  	_ =	shalt  }
0x68: {  	_ =	shalt  }
0x69: {  	_ =	shalt  }
0x6a: {  	_ =	shalt  }
0x6b: {  	_ =	shalt  }
0x6c: {  	_ =	shalt  }
0x6d: {  	_ =	shalt  }
0x6e: {  	_ =	shalt  }
0x6f: {  	_ =	shalt  }
0x70: {  	_ =	shalt  }
0x71: {  	_ =	shalt  }
0x72: {  	_ =	shalt  }
0x73: {  	_ =	shalt  }
0x74: {  	_ =	shalt  }
0x75: {  	_ =	shalt  }
0x76: {  	_ =	shalt  }
0x77: {  	_ =	shalt  }
0x78: {  	_ =	shalt  }
0x79: {  	_ =	shalt  }
0x7a: {  	_ =	shalt  }
0x7b: {  	_ =	shalt  }
0x7c: {  	_ =	shalt  }
0x7d: {  	_ =	shalt  }
0x7e: {  	_ =	shalt  }
0x7f: {  	_ =	shalt  }
0x80: {  	_ =	shalt  }
0x81: {  	_ =	shalt  }
0x82: {  	_ =	shalt  }
0x83: {  	_ =	shalt  }
0x84: {  	_ =	shalt  }
0x85: {  	_ =	shalt  }
0x86: {  	_ =	shalt  }
0x87: {  	_ =	shalt  }
.Lfunc_end0:
.L_simem_size_0:
called_computation.2_lowered:
.L_overlay_start_0:
0x88: {  	s2 =	sld [smem:$0x3FD9]  }
0x89: {  	s3 =	sld [smem:$0x3FFE];
	_ =	sdelay $0x1  }
0x8a: {  	s1 =	srdreg.scid  }
0x8b: {  	s0 =	sand.u32 $0x1, s1  }
0x8c: {  	s16 =	sshll.u32 s0, $0xA;
	s2 =	sadd.s32 s3, s2  }
0x8d: {  	s2 =	sadd.s32 s2, s16  }
0x8e: {  	[smem:$0x3FC0] =	sst s2  }
0x8f: {  	_ = 	snop  }
0x90: {  	(tm) =	ssettm $0x1  }
0x91: {  	s17 =	sld [smem:$0x3FFB];
	_ =	sdelay $0x3  }
0x92: {  	_ =	strace s17  }
0x93: {  	s2 =	sld [smem:$0x3FFC];
	_ =	sdelay $0x3  }
0x94: {  	_ =	strace s2  }
0x95: {  	s2 =	sld [smem:$0x3FFD];
	_ =	sdelay $0x3  }
0x96: {  	_ =	strace s2  }
0x97: {  	_ =	strace $0x8FFFFFFF  }
0x98: {  	s18 =	sld [smem:$0x3FDB];
	_ =	sdelay $0x1  }
0x99: {  	s19 =	simm.s32 $_scs_section_size  }
0x9a: {  	s4 =	simm.s32 $_size__tile_overlayer_lowered;
	s5 =	simm.s32 $_tile_overlayer_lowered  }
0x9b: {  	s22 =	simm.s32 $0x1BFF;
	s21 =	sshll.u32 s5, $0x1;
	s2 =	sadd.s32 s19, s18  }
0x9c: {  	s6 =	simm.s32 $0x0;
	s20 =	sshll.u32 s4, $0x1;
	s4 =	sadd.s32 s21, s2  }
0x9d: {  	[timem:s6], [sflag:s22] =	dma.local [hbm:s4], s20  }
0x9e: {  	_ =	swait.ge [sflag:s22], s20  }
0x9f: {  	s3 =	ssub.s32 $0x0, s20;
	[sflag:s22] =	ssyncset.done $0x0  }
0xa0: {  	[sflag:s22] =	ssyncadd.s32 s3;
	_ =	sdelay $0x1  }
0xa1: {  	s23 =	simm.s32 $0x1B8B  }
0xa2: {  	_ =	swait.ge [sflag:s23], $0x1  }
0xa3: {  	[sflag:s23] =	ssyncset.done $0x0  }
0xa4: {  	s25 =	simm.s32 $0x1B8E;
	s24 =	sld [smem:$0x3FFE];
	[sflag:s23] =	ssyncadd.s32 $0xFFFFFFFF  }
0xa5: {  	s26 =	simm.s32 $execute0_lowered;
	[smem:$0x3FD2] =	sst s25  }
0xa6: {  	s4 =	sshll.u32 s26, $0x1;
	_ =	strace $0x8000004C;
	[dreg:$0x1] =	wrdreg $0xFFFFFFFF  }
0xa7: {  	s28 =	simm.s32 $_size_execute0_lowered;
	s2 =	sadd.s32 s2, s4;
	[dreg:$0x0] =	wrdreg $0x0  }
0xa8: {  	s4 =	sshll.u32 s28, $0x1;
	[dreg:$0x2] =	wrdreg s2  }
0xa9: {  	[dreg:$0x3] =	wrdreg s4  }
0xaa: {  	[dreg:$0x4] =	wrdreg $0xC0  }
0xab: {  	_ =	task [dreg:s6], $0x5FFFF  }
0xac: {  	[dreg:$0x1] =	wrdreg $0xFFFFFFFF  }
0xad: {  	[dreg:$0x0] =	wrdreg $0x60  }
0xae: {  	[dreg:$0x2] =	wrdreg s24  }
0xaf: {  	[dreg:$0x3] =	wrdreg $0xDC800  }
0xb0: {  	[dreg:$0x4] =	wrdreg $0x9  }
0xb1: {  	_ =	task.clear_ibuf [dreg:s6], $0x5FFFF;
	_ =	strace $0x9000004C  }
0xb2: {  	s29 =	simm.s32 $0x9;
	_ =	strace $0x8000004E  }
0xb3: {  	_ =	swait.ge [sflag:s29], $0x1  }
0xb4: {  	[sflag:s29] =	ssyncadd.s32 $0xFFFFFFFF  }
0xb5: {  	_ =	strace $0x9000004E  }
0xb6: {  	_ =	sfence  }
0xb7: {  	s30 =	sld [smem:$0x0];
	_ =	sdelay $0x2  }
0xb8: {  	s31 =	sshll.u32 s1, $0xD;
	s1 =	sshrl.u32 s1, $0x2  }
0xb9: {  	s3 =	sand.u32 $0x4000, s31;
	s1 =	sadd.s32 s1, s30  }
0xba: {  	s0 =	sor.u32 s3, s0;
	s1 =	sshll.u32 s1, $0x11  }
0xbb: {  	s0 =	sor.u32 s1, s0  }
0xbc: {  	s0 =	sadd.s32 $0x8F2B, s0  }
0xbd: {  	[sflag:s0] =	ssyncadd.remote.s32 $0x1  }
0xbe: {  	_ =	sfence.sel $0xFFFF  }
0xbf: {  	[dreg:$0x0] =	wrdreg $0xFFFFFFFF;
	(pc) =	sbr.abs _section_cstart, $3  }
0xc0: {  	[dreg:$0x1] =	wrdreg $0xFFFFFFFF  }
0xc1: {  	_ =	task.clear_ibuf [dreg:s6], $0x2FFFF;
	_ =	strace $0x9FFFFFFF  }
0xc2: {  	(tm) =	ssettm $0x7FFFFFFF  }
0xc3: {  	_ =	shalt  }
tec
execute0_lowered:
.L_overlay_start_1:
0x0: {  	(tag) =	ssettag $0x1  }
0x1: {  	s0 =	rddreg [dreg:$0x0]  }
0x2: {  	s1 =	rddreg [dreg:$0x1];
	s2 =	simm.s32 $0x0;
	s8 =	stileid.u32  }
0x3: {  	s3 =	srdreg.scid;
	s30 =	simm.s32 $0x6;
	s31 =	simm.s32 $0xC40  }
0x4: {  	s28 =	simm.s32 $0x4;
	s29 =	simm.s32 $0x0;
	[smem:$0x7FF] =	sst s2  }
0x5: {  	s4 =	sadd.s32 $0x129E00, s0;
	s5 =	sadd.s32 $0x4600, s0;
	s6 =	sadd.s32 $0x1CE00, s0  }
0x6: {  	s7 =	sadd.s32 $0x35600, s0;
	s8 =	smul.u32 $0xC400, s8;
	s3 =	sand.u32 $0x1, s3  }
0x7: {  	s9 =	sadd.s32 $0x4DE00, s0;
	s10 =	sadd.s32 $0x66600, s0;
	s12 =	sadd.s32 $0xAFE00, s0  }
0x8: {  	_ =	strace $0x8000004D;
	s11 =	ssub.s32 $0x2, s3;
	[dreg:$0x3] =	wrdreg s12  }
0x9: {  	p0 =	seq.s32 s3, $0x1;
	s3 =	simm.s32 $0x1;
	s14 =	sshrl.u32 s8, $0x3  }
0xa: {  	s23 =	sshrl.u32 s11, $0x1;
	s25 =	sadd.s32 s8, s1;
	s16 =	sadd.s32 $0xBDE0, s8  }
0xb: {  	s13 =	sadd.s32 s14, s0;
	s0 =	sadd.s32 $0xE0E00, s0;
	[dreg:$0x6] =	wrdreg s25  }
0xc: {  	s24 =	ssub.s32 s11, s23;
	s26 =	sadd.s32 s6, s14;
	[dreg:$0x4] =	wrdreg s14  }
0xd: {  	s11 =	sadd.s32 s4, s14;
	s12 =	sadd.s32 $0xC4, s14;
	[dreg:$0x5] =	wrdreg s0  }
0xe: {  	s15 =	sadd.s32 s5, s14;
	s21 =	sshrl.u32 s16, $0x3;
	[dreg:$0x7] =	wrdreg s26  }
0xf: {  	s22 =	sadd.s32 s7, s14;
	s23 =	sadd.s32 s9, s14;
	[dreg:$0x8] =	wrdreg s11  }
0x10: {  	[dreg:$0x9] =	wrdreg s15;
	s17 =	sadd.s32 s4, s12;
	s20 =	sadd.s32 s5, s12  }
0x11: {  	s18 =	sadd.s32 $0x97600, s13;
	s19 =	sadd.s32 $0xC8600, s13;
	[dreg:$0xe] =	wrdreg s22  }
0x12: {  	s0 =	smax.u32 s24, $0x1;
	s24 =	sadd.s32 s4, s21;
	[dreg:$0xf] =	wrdreg s23  }
.Ltmp0:
0x13: {  	s25 =	sadd.s32 s5, s21;
	[dreg:$0xa] =	wrdreg s17;
	(pc) =	sbr.rel .LBB2_1-.Ltmp0, $4  }
0x14: {  	s26 =	sadd.s32 s10, s14;
	s11 =	simm.s32 $0x1880;
	[dreg:$0xb] =	wrdreg s18  }
0x15: {  	s15 =	simm.s32 $0x1260;
	s13 =	simm.s32 $0x5;
	[dreg:$0xc] =	wrdreg s19  }
0x16: {  	s21 =	simm.s32 $0x7A80;
	s22 =	simm.s32 $0x3;
	[dreg:$0xd] =	wrdreg s0  }
0x17: {  	[dreg:$0x10] =	wrdreg s26;
	s0 =	simm.s32 $0x620;
	s26 =	simm.s32 $0x2  }
.LBB2_11:
0x18: {  	[sflag:s28] =	ssyncadd.s32 $0xFFFF9E00  }
0x19: {  	[tilespmem:s0], [sflag:$0x5] =	stream.linear.gather [hbm4b:s17+s2], $0x620, $0x38;
	[tilespmem:$0x1A080] =	vst v63  }
0x1a: {  	s12 =	rddreg [dreg:$0x5];
	s17 =	smov.u32 s10  }
0x1b: {  	[tilespmem:s15], [sflag:$0x5] =	stream.linear.gather [hbm4b:s18+s2], $0x620, $0x38;
	[tilespmem:$0x1A080] =	vst v63  }
.LBB2_12:
0x1c: {  	_ =	swait.ge [sflag:s3], $0x6200  }
0x1d: {  	[sflag:s3] =	ssyncset.done $0x0  }
0x1e: {  	[sflag:s3] =	ssyncadd.s32 $0xFFFF9E00  }
0x1f: {  	[spmem:s1] =	stream.indirect.scatter.add.f32 [tilespmem:s11], [sflag:$0x3], $0x10, s31, s0, $0xb8;
	[tilespmem:$0x1A080] =	vst v63  }
0x20: {  	_ =	swait.ge [sflag:s13], $0x620  }
0x21: {  	[sflag:s13] =	ssyncset.done $0x0  }
0x22: {  	[sflag:s13] =	ssyncadd.s32 $0xFFFFF9E0  }
0x23: {  	_ =	swait.ge [sflag:s13], $0x620  }
0x24: {  	[sflag:s13] =	ssyncset.done $0x0  }
0x25: {  	[sflag:s13] =	ssyncadd.s32 $0xFFFFF9E0  }
0x26: {  	[tilespmem:s21], [sflag:$0x2] =	stream.indirect.gather [hbm4b:s17+s0], $0x10, s0, s0, $0xb8;
	[tilespmem:$0x1A080] =	vst v63  }
0x27: {  	_ =	swait.ge [sflag:s22], $0x6200  }
0x28: {  	[sflag:s22] =	ssyncset.done $0x0  }
0x29: {  	[sflag:s22] =	ssyncadd.s32 $0xFFFF9E00  }
0x2a: {  	[tilespmem:s2], [sflag:$0x5] =	stream.linear.gather [hbm4b:s24+s2], $0x620, $0x38;
	[tilespmem:$0x1A080] =	vst v63  }
0x2b: {  	_ = 	snop  }
0x2c: {  	[tilespmem:s31], [sflag:$0x5] =	stream.linear.gather [hbm4b:s25+s2], $0x620, $0x38;
	[tilespmem:$0x1A080] =	vst v63  }
0x2d: {  	_ =	swait.ge [sflag:s26], $0x6200  }
0x2e: {  	[sflag:s26] =	ssyncset.done $0x0  }
0x2f: {  	[sflag:s26] =	ssyncadd.s32 $0xFFFF9E00  }
0x30: {  	[spmem:s1] =	stream.indirect.scatter.add.f32 [tilespmem:s21], [sflag:$0x4], $0x10, s15, s0, $0xb8;
	[tilespmem:$0x1A080] =	vst v63  }
0x31: {  	_ =	swait.ge [sflag:s13], $0x620  }
0x32: {  	[sflag:s13] =	ssyncset.done $0x0  }
0x33: {  	[sflag:s13] =	ssyncadd.s32 $0xFFFFF9E0  }
0x34: {  	_ =	swait.ge [sflag:s13], $0x620  }
0x35: {  	[sflag:s13] =	ssyncset.done $0x0  }
0x36: {  	[sflag:s13] =	ssyncadd.s32 $0xFFFFF9E0  }
0x37: {  	_ =	swait.ge [sflag:s28], $0x6200  }
0x38: {  	[sflag:s28] =	ssyncset.done $0x0  }
0x39: {  	s19 =	rddreg [dreg:$0x4];
	[sflag:s28] =	ssyncadd.s32 $0xFFFF9E00  }
0x3a: {  	s12 =	sadd.s32 s12, s19;
	[bflag:$0x0] =	sbarrier.arrive $0xFFFF  }
0x3b: {  	[hbm:s12], [sflag:s23] =	dma.local [spmem:s14], $0x1880  }
0x3c: {  	_ =	swait.ge [sflag:s30], $0x1880  }
0x3d: {  	s29 =	sadd.s32 $0x1, s29;
	s23 =	rddreg [dreg:$0xd]  }
0x3e: {  	p1 =	sne.s32 s29, s23  }
.Ltmp1:
0x3f: {  	_ = 	snop;
	(pc) =	sbr.rel @!p1 .LBB2_13-.Ltmp1, $3  }
0x40: {  	_ =	sdelay $0x1  }
0x41: {  	[sflag:s30] =	ssyncset.done $0x0  }
0x42: {  	[sflag:s30] =	ssyncadd.s32 $0xFFFFE780  }
.LBB2_1:
.Ltmp2:
0x43: {  	(pc) =	sbr.rel @!p0 .LBB2_2-.Ltmp2, $4  }
0x44: {  	_ = 	snop  }
0x45: {  	s12 =	stileid.u32  }
0x46: {  	s14 =	rddreg [dreg:$0x6];
	s12 =	sshll.u32 s12, $0x6  }
0x47: {  	s14 =	sshrl.u32 s14, $0x3;
	s23 =	sor.u32 $0x1C06, s12  }
0x48: {  	s23 =	sor.u32 $0x1C06, s12;
	s18 =	rddreg [dreg:$0xf]  }
0x49: {  	[spmem:s14], [sflag:s23] =	dma.local [hbm:s18], $0x1880  }
0x4a: {  	_ =	swait.ge [sflag:s30], $0x1880  }
0x4b: {  	[sflag:s30] =	ssyncset.done $0x0  }
0x4c: {  	[sflag:s30] =	ssyncadd.s32 $0xFFFFE780  }
0x4d: {  	[bflag:$0x0] =	sbarrier.arrive $0xFFFF  }
0x4e: {  	s19 =	rddreg [dreg:$0x8]  }
0x4f: {  	[tilespmem:s2], [sflag:$0x6] =	stream.linear.gather [hbm4b:s19+s2], $0x620, $0x38;
	[tilespmem:$0x1A080] =	vst v63  }
0x50: {  	_ =	swait.ge [sflag:s30], $0x620  }
0x51: {  	[sflag:s30] =	ssyncset.done $0x0  }
0x52: {  	s17 =	rddreg [dreg:$0x9];
	[sflag:s30] =	ssyncadd.s32 $0xFFFFF9E0  }
0x53: {  	[tilespmem:s31], [sflag:$0x6] =	stream.linear.gather [hbm4b:s17+s2], $0x620, $0x38;
	[tilespmem:$0x1A080] =	vst v63  }
0x54: {  	_ =	swait.ge [sflag:s30], $0x620  }
0x55: {  	[sflag:s30] =	ssyncset.done $0x0  }
0x56: {  	[sflag:s30] =	ssyncadd.s32 $0xFFFFF9E0  }
0x57: {  	[tilespmem:s11], [sflag:$0x1] =	stream.indirect.gather [hbm4b:s9+s0], $0x10, s2, s0, $0xb8;
	[tilespmem:$0x1A080] =	vst v63  }
0x58: {  	s18 =	rddreg [dreg:$0xa]  }
0x59: {  	[tilespmem:s0], [sflag:$0x5] =	stream.linear.gather [hbm4b:s18+s2], $0x620, $0x38;
	[tilespmem:$0x1A080] =	vst v63  }
0x5a: {  	_ = 	snop  }
0x5b: {  	[tilespmem:s15], [sflag:$0x5] =	stream.linear.gather [hbm4b:s20+s2], $0x620, $0x38;
	[tilespmem:$0x1A080] =	vst v63  }
0x5c: {  	_ =	swait.ge [sflag:s3], $0x6200  }
0x5d: {  	[sflag:s3] =	ssyncset.done $0x0  }
0x5e: {  	[sflag:s3] =	ssyncadd.s32 $0xFFFF9E00  }
0x5f: {  	[spmem:s1] =	stream.indirect.scatter.add.f32 [tilespmem:s11], [sflag:$0x3], $0x10, s31, s0, $0xb8;
	[tilespmem:$0x1A080] =	vst v63  }
0x60: {  	_ =	swait.ge [sflag:s13], $0x620  }
0x61: {  	[sflag:s13] =	ssyncset.done $0x0  }
0x62: {  	[sflag:s13] =	ssyncadd.s32 $0xFFFFF9E0  }
0x63: {  	s19 =	sadd.s32 $0xFFFF4840, s8;
	_ =	swait.ge [sflag:s13], $0x620  }
0x64: {  	s17 =	sadd.s32 $0xC400, s19;
	[sflag:s13] =	ssyncset.done $0x0  }
0x65: {  	p1 =	slt.s32 s17, s16;
	s18 =	smov.u32 s16;
	[sflag:s13] =	ssyncadd.s32 $0xFFFFF9E0  }
0x66: {  	[tilespmem:s21], [sflag:$0x2] =	stream.indirect.gather [hbm4b:s9+s0], $0x10, s0, s0, $0xb8;
	[tilespmem:$0x1A080] =	vst v63  }
0x67: {  	s18 =	smov.u32 @p1 s17;
	_ =	swait.ge [sflag:s22], $0x6200  }
0x68: {  	s17 =	sshrl.u32 s18, $0x3;
	[sflag:s22] =	ssyncset.done $0x0  }
0x69: {  	s18 =	sadd.s32 s4, s17;
	[sflag:s22] =	ssyncadd.s32 $0xFFFF9E00  }
0x6a: {  	[tilespmem:s2], [sflag:$0x5] =	stream.linear.gather [hbm4b:s18+s2], $0x620, $0x38;
	[tilespmem:$0x1A080] =	vst v63  }
0x6b: {  	s17 =	sadd.s32 s5, s17  }
0x6c: {  	[tilespmem:s31], [sflag:$0x5] =	stream.linear.gather [hbm4b:s17+s2], $0x620, $0x38;
	[tilespmem:$0x1A080] =	vst v63  }
0x6d: {  	_ =	swait.ge [sflag:s26], $0x6200  }
0x6e: {  	[sflag:s26] =	ssyncset.done $0x0  }
0x6f: {  	[sflag:s26] =	ssyncadd.s32 $0xFFFF9E00  }
0x70: {  	[spmem:s1] =	stream.indirect.scatter.add.f32 [tilespmem:s21], [sflag:$0x4], $0x10, s15, s0, $0xb8;
	[tilespmem:$0x1A080] =	vst v63  }
0x71: {  	_ =	swait.ge [sflag:s13], $0x620  }
0x72: {  	[sflag:s13] =	ssyncset.done $0x0  }
0x73: {  	[sflag:s13] =	ssyncadd.s32 $0xFFFFF9E0  }
0x74: {  	s12 =	sadd.s32 $0xCA20, s19;
	_ =	swait.ge [sflag:s13], $0x620  }
0x75: {  	p1 =	slt.s32 s12, s16;
	s17 =	smov.u32 s16;
	[sflag:s13] =	ssyncset.done $0x0  }
0x76: {  	s17 =	smov.u32 @p1 s12;
	[sflag:s13] =	ssyncadd.s32 $0xFFFFF9E0  }
0x77: {  	[tilespmem:s11], [sflag:$0x1] =	stream.indirect.gather [hbm4b:s9+s0], $0x10, s2, s0, $0xb8;
	[tilespmem:$0x1A080] =	vst v63  }
0x78: {  	s12 =	simm.s32 $0xFFFF5480;
	s19 =	sshrl.u32 s17, $0x3;
	_ =	swait.ge [sflag:s28], $0x6200  }
0x79: {  	s17 =	sadd.s32 s4, s19;
	s18 =	sadd.s32 s5, s19;
	[sflag:s28] =	ssyncset.done $0x0  }
.LBB2_8:
0x7a: {  	p1 =	sne.s32 s12, $0xFFFFF3C0  }
0x7b: {  	[sflag:s28] =	ssyncadd.s32 $0xFFFF9E00;
	s19 =	smov.u32 s12;
	s12 =	sadd.s32 $0xC40, s12  }
0x7c: {  	[tilespmem:s0], [sflag:$0x5] =	stream.linear.gather [hbm4b:s17+s2], $0x620, $0x38;
	[tilespmem:$0x1A080] =	vst v63  }
0x7d: {  	_ = 	snop  }
0x7e: {  	[tilespmem:s15], [sflag:$0x5] =	stream.linear.gather [hbm4b:s18+s2], $0x620, $0x38;
	[tilespmem:$0x1A080] =	vst v63  }
0x7f: {  	_ =	swait.ge [sflag:s3], $0x6200  }
0x80: {  	[sflag:s3] =	ssyncset.done $0x0  }
0x81: {  	[sflag:s3] =	ssyncadd.s32 $0xFFFF9E00  }
0x82: {  	[spmem:s1] =	stream.indirect.scatter.add.f32 [tilespmem:s11], [sflag:$0x3], $0x10, s31, s0, $0xb8;
	[tilespmem:$0x1A080] =	vst v63  }
0x83: {  	s17 =	sadd.s32 s19, s8;
	s19 =	smov.u32 s16;
	_ =	swait.ge [sflag:s13], $0x620  }
0x84: {  	s18 =	sadd.s32 $0xC400, s17;
	s17 =	sadd.s32 $0xCA20, s17;
	[sflag:s13] =	ssyncset.done $0x0  }
0x85: {  	p2 =	slt.s32 s18, s16;
	p3 =	slt.s32 s17, s16;
	[sflag:s13] =	ssyncadd.s32 $0xFFFFF9E0  }
0x86: {  	s19 =	smov.u32 @p2 s18;
	s18 =	smov.u32 s16;
	_ =	swait.ge [sflag:s13], $0x620  }
0x87: {  	s18 =	smov.u32 @p3 s17;
	[sflag:s13] =	ssyncset.done $0x0  }
0x88: {  	s17 =	sshrl.u32 s19, $0x3;
	s18 =	sshrl.u32 s18, $0x3;
	[sflag:s13] =	ssyncadd.s32 $0xFFFFF9E0  }
0x89: {  	[tilespmem:s21], [sflag:$0x2] =	stream.indirect.gather [hbm4b:s9+s0], $0x10, s0, s0, $0xb8;
	[tilespmem:$0x1A080] =	vst v63  }
0x8a: {  	_ =	swait.ge [sflag:s22], $0x6200  }
0x8b: {  	s19 =	sadd.s32 s4, s17;
	[sflag:s22] =	ssyncset.done $0x0  }
0x8c: {  	s17 =	sadd.s32 s5, s17;
	[sflag:s22] =	ssyncadd.s32 $0xFFFF9E00  }
0x8d: {  	[tilespmem:s2], [sflag:$0x5] =	stream.linear.gather [hbm4b:s19+s2], $0x620, $0x38;
	[tilespmem:$0x1A080] =	vst v63  }
0x8e: {  	_ = 	snop  }
0x8f: {  	[tilespmem:s31], [sflag:$0x5] =	stream.linear.gather [hbm4b:s17+s2], $0x620, $0x38;
	[tilespmem:$0x1A080] =	vst v63  }
0x90: {  	_ =	swait.ge [sflag:s26], $0x6200  }
0x91: {  	[sflag:s26] =	ssyncset.done $0x0  }
0x92: {  	[sflag:s26] =	ssyncadd.s32 $0xFFFF9E00  }
0x93: {  	[spmem:s1] =	stream.indirect.scatter.add.f32 [tilespmem:s21], [sflag:$0x4], $0x10, s15, s0, $0xb8;
	[tilespmem:$0x1A080] =	vst v63  }
0x94: {  	_ =	swait.ge [sflag:s13], $0x620  }
0x95: {  	[sflag:s13] =	ssyncset.done $0x0  }
0x96: {  	[sflag:s13] =	ssyncadd.s32 $0xFFFFF9E0  }
0x97: {  	_ =	swait.ge [sflag:s13], $0x620  }
.Ltmp3:
0x98: {  	[sflag:s13] =	ssyncset.done $0x0;
	(pc) =	sbr.rel @p1 .LBB2_8-.Ltmp3, $4  }
0x99: {  	s17 =	sadd.s32 s4, s18;
	[sflag:s13] =	ssyncadd.s32 $0xFFFFF9E0  }
0x9a: {  	[tilespmem:s11], [sflag:$0x1] =	stream.indirect.gather [hbm4b:s9+s0], $0x10, s2, s0, $0xb8;
	[tilespmem:$0x1A080] =	vst v63  }
0x9b: {  	_ =	swait.ge [sflag:s28], $0x6200  }
0x9c: {  	s18 =	sadd.s32 s5, s18;
	[sflag:s28] =	ssyncset.done $0x0  }
0x9d: {  	[sflag:s28] =	ssyncadd.s32 $0xFFFF9E00  }
0x9e: {  	[tilespmem:s0], [sflag:$0x5] =	stream.linear.gather [hbm4b:s17+s2], $0x620, $0x38;
	[tilespmem:$0x1A080] =	vst v63  }
0x9f: {  	_ = 	snop  }
0xa0: {  	[tilespmem:s15], [sflag:$0x5] =	stream.linear.gather [hbm4b:s18+s2], $0x620, $0x38;
	[tilespmem:$0x1A080] =	vst v63  }
0xa1: {  	_ =	swait.ge [sflag:s3], $0x6200  }
0xa2: {  	[sflag:s3] =	ssyncset.done $0x0  }
0xa3: {  	[sflag:s3] =	ssyncadd.s32 $0xFFFF9E00  }
0xa4: {  	[spmem:s1] =	stream.indirect.scatter.add.f32 [tilespmem:s11], [sflag:$0x3], $0x10, s31, s0, $0xb8;
	[tilespmem:$0x1A080] =	vst v63  }
0xa5: {  	_ =	swait.ge [sflag:s13], $0x620  }
0xa6: {  	[sflag:s13] =	ssyncset.done $0x0  }
0xa7: {  	[sflag:s13] =	ssyncadd.s32 $0xFFFFF9E0  }
0xa8: {  	_ =	swait.ge [sflag:s13], $0x620  }
0xa9: {  	[sflag:s13] =	ssyncset.done $0x0  }
0xaa: {  	[sflag:s13] =	ssyncadd.s32 $0xFFFFF9E0  }
0xab: {  	[tilespmem:s21], [sflag:$0x2] =	stream.indirect.gather [hbm4b:s9+s0], $0x10, s0, s0, $0xb8;
	[tilespmem:$0x1A080] =	vst v63  }
0xac: {  	_ =	swait.ge [sflag:s22], $0x6200  }
0xad: {  	[sflag:s22] =	ssyncset.done $0x0  }
0xae: {  	[sflag:s22] =	ssyncadd.s32 $0xFFFF9E00  }
0xaf: {  	[tilespmem:s2], [sflag:$0x5] =	stream.linear.gather [hbm4b:s24+s2], $0x620, $0x38;
	[tilespmem:$0x1A080] =	vst v63  }
0xb0: {  	_ = 	snop  }
0xb1: {  	[tilespmem:s31], [sflag:$0x5] =	stream.linear.gather [hbm4b:s25+s2], $0x620, $0x38;
	[tilespmem:$0x1A080] =	vst v63  }
0xb2: {  	_ =	swait.ge [sflag:s26], $0x6200  }
0xb3: {  	[sflag:s26] =	ssyncset.done $0x0  }
0xb4: {  	[sflag:s26] =	ssyncadd.s32 $0xFFFF9E00  }
0xb5: {  	[spmem:s1] =	stream.indirect.scatter.add.f32 [tilespmem:s21], [sflag:$0x4], $0x10, s15, s0, $0xb8;
	[tilespmem:$0x1A080] =	vst v63  }
0xb6: {  	_ =	swait.ge [sflag:s13], $0x620  }
0xb7: {  	[sflag:s13] =	ssyncset.done $0x0  }
0xb8: {  	[sflag:s13] =	ssyncadd.s32 $0xFFFFF9E0  }
0xb9: {  	_ =	swait.ge [sflag:s13], $0x620  }
0xba: {  	[sflag:s13] =	ssyncset.done $0x0  }
0xbb: {  	[sflag:s13] =	ssyncadd.s32 $0xFFFFF9E0  }
0xbc: {  	_ =	swait.ge [sflag:s28], $0x6200  }
0xbd: {  	[sflag:s28] =	ssyncset.done $0x0  }
0xbe: {  	[sflag:s28] =	ssyncadd.s32 $0xFFFF9E00  }
0xbf: {  	[bflag:$0x0] =	sbarrier.arrive $0xFFFF  }
0xc0: {  	s12 =	rddreg [dreg:$0xc]  }
0xc1: {  	[hbm:s12], [sflag:s23] =	dma.local [spmem:s14], $0x1880  }
0xc2: {  	_ =	swait.ge [sflag:s30], $0x1880  }
0xc3: {  	[sflag:s30] =	ssyncset.done $0x0  }
0xc4: {  	s18 =	rddreg [dreg:$0x10];
	[sflag:s30] =	ssyncadd.s32 $0xFFFFE780  }
0xc5: {  	[spmem:s14], [sflag:s23] =	dma.local [hbm:s18], $0x1880  }
0xc6: {  	_ =	swait.ge [sflag:s30], $0x1880  }
0xc7: {  	[sflag:s30] =	ssyncset.done $0x0  }
0xc8: {  	[sflag:s30] =	ssyncadd.s32 $0xFFFFE780  }
0xc9: {  	[bflag:$0x0] =	sbarrier.arrive $0xFFFF  }
0xca: {  	s19 =	rddreg [dreg:$0x8]  }
0xcb: {  	[tilespmem:s2], [sflag:$0x6] =	stream.linear.gather [hbm4b:s19+s2], $0x620, $0x38;
	[tilespmem:$0x1A080] =	vst v63  }
0xcc: {  	_ =	swait.ge [sflag:s30], $0x620  }
0xcd: {  	[sflag:s30] =	ssyncset.done $0x0  }
0xce: {  	s17 =	rddreg [dreg:$0x9];
	[sflag:s30] =	ssyncadd.s32 $0xFFFFF9E0  }
0xcf: {  	[tilespmem:s31], [sflag:$0x6] =	stream.linear.gather [hbm4b:s17+s2], $0x620, $0x38;
	[tilespmem:$0x1A080] =	vst v63  }
0xd0: {  	_ =	swait.ge [sflag:s30], $0x620  }
0xd1: {  	[sflag:s30] =	ssyncset.done $0x0  }
0xd2: {  	[sflag:s30] =	ssyncadd.s32 $0xFFFFF9E0  }
0xd3: {  	[tilespmem:s11], [sflag:$0x1] =	stream.indirect.gather [hbm4b:s10+s0], $0x10, s2, s0, $0xb8;
	[tilespmem:$0x1A080] =	vst v63  }
0xd4: {  	s18 =	rddreg [dreg:$0xa]  }
0xd5: {  	[tilespmem:s0], [sflag:$0x5] =	stream.linear.gather [hbm4b:s18+s2], $0x620, $0x38;
	[tilespmem:$0x1A080] =	vst v63  }
0xd6: {  	_ = 	snop  }
0xd7: {  	[tilespmem:s15], [sflag:$0x5] =	stream.linear.gather [hbm4b:s20+s2], $0x620, $0x38;
	[tilespmem:$0x1A080] =	vst v63  }
0xd8: {  	_ =	swait.ge [sflag:s3], $0x6200  }
0xd9: {  	[sflag:s3] =	ssyncset.done $0x0  }
0xda: {  	[sflag:s3] =	ssyncadd.s32 $0xFFFF9E00  }
0xdb: {  	[spmem:s1] =	stream.indirect.scatter.add.f32 [tilespmem:s11], [sflag:$0x3], $0x10, s31, s0, $0xb8;
	[tilespmem:$0x1A080] =	vst v63  }
0xdc: {  	_ =	swait.ge [sflag:s13], $0x620  }
0xdd: {  	[sflag:s13] =	ssyncset.done $0x0  }
0xde: {  	[sflag:s13] =	ssyncadd.s32 $0xFFFFF9E0  }
0xdf: {  	s19 =	sadd.s32 $0xFFFF4840, s8;
	_ =	swait.ge [sflag:s13], $0x620  }
0xe0: {  	s17 =	sadd.s32 $0xC400, s19;
	[sflag:s13] =	ssyncset.done $0x0  }
0xe1: {  	p1 =	slt.s32 s17, s16;
	s18 =	smov.u32 s16;
	[sflag:s13] =	ssyncadd.s32 $0xFFFFF9E0  }
0xe2: {  	[tilespmem:s21], [sflag:$0x2] =	stream.indirect.gather [hbm4b:s10+s0], $0x10, s0, s0, $0xb8;
	[tilespmem:$0x1A080] =	vst v63  }
0xe3: {  	s18 =	smov.u32 @p1 s17;
	_ =	swait.ge [sflag:s22], $0x6200  }
0xe4: {  	s17 =	sshrl.u32 s18, $0x3;
	[sflag:s22] =	ssyncset.done $0x0  }
0xe5: {  	s18 =	sadd.s32 s4, s17;
	[sflag:s22] =	ssyncadd.s32 $0xFFFF9E00  }
0xe6: {  	[tilespmem:s2], [sflag:$0x5] =	stream.linear.gather [hbm4b:s18+s2], $0x620, $0x38;
	[tilespmem:$0x1A080] =	vst v63  }
0xe7: {  	s17 =	sadd.s32 s5, s17  }
0xe8: {  	[tilespmem:s31], [sflag:$0x5] =	stream.linear.gather [hbm4b:s17+s2], $0x620, $0x38;
	[tilespmem:$0x1A080] =	vst v63  }
0xe9: {  	_ =	swait.ge [sflag:s26], $0x6200  }
0xea: {  	[sflag:s26] =	ssyncset.done $0x0  }
0xeb: {  	[sflag:s26] =	ssyncadd.s32 $0xFFFF9E00  }
0xec: {  	[spmem:s1] =	stream.indirect.scatter.add.f32 [tilespmem:s21], [sflag:$0x4], $0x10, s15, s0, $0xb8;
	[tilespmem:$0x1A080] =	vst v63  }
0xed: {  	_ =	swait.ge [sflag:s13], $0x620  }
0xee: {  	[sflag:s13] =	ssyncset.done $0x0  }
0xef: {  	[sflag:s13] =	ssyncadd.s32 $0xFFFFF9E0  }
0xf0: {  	s12 =	sadd.s32 $0xCA20, s19;
	_ =	swait.ge [sflag:s13], $0x620  }
0xf1: {  	p1 =	slt.s32 s12, s16;
	s17 =	smov.u32 s16;
	[sflag:s13] =	ssyncset.done $0x0  }
0xf2: {  	s17 =	smov.u32 @p1 s12;
	[sflag:s13] =	ssyncadd.s32 $0xFFFFF9E0  }
0xf3: {  	[tilespmem:s11], [sflag:$0x1] =	stream.indirect.gather [hbm4b:s10+s0], $0x10, s2, s0, $0xb8;
	[tilespmem:$0x1A080] =	vst v63  }
0xf4: {  	s12 =	simm.s32 $0xFFFF5480;
	s19 =	sshrl.u32 s17, $0x3;
	_ =	swait.ge [sflag:s28], $0x6200  }
0xf5: {  	s17 =	sadd.s32 s4, s19;
	s18 =	sadd.s32 s5, s19;
	[sflag:s28] =	ssyncset.done $0x0  }
.LBB2_10:
0xf6: {  	p1 =	sne.s32 s12, $0xFFFFF3C0  }
0xf7: {  	[sflag:s28] =	ssyncadd.s32 $0xFFFF9E00;
	s19 =	smov.u32 s12;
	s12 =	sadd.s32 $0xC40, s12  }
0xf8: {  	[tilespmem:s0], [sflag:$0x5] =	stream.linear.gather [hbm4b:s17+s2], $0x620, $0x38;
	[tilespmem:$0x1A080] =	vst v63  }
0xf9: {  	_ = 	snop  }
0xfa: {  	[tilespmem:s15], [sflag:$0x5] =	stream.linear.gather [hbm4b:s18+s2], $0x620, $0x38;
	[tilespmem:$0x1A080] =	vst v63  }
0xfb: {  	_ =	swait.ge [sflag:s3], $0x6200  }
0xfc: {  	[sflag:s3] =	ssyncset.done $0x0  }
0xfd: {  	[sflag:s3] =	ssyncadd.s32 $0xFFFF9E00  }
0xfe: {  	[spmem:s1] =	stream.indirect.scatter.add.f32 [tilespmem:s11], [sflag:$0x3], $0x10, s31, s0, $0xb8;
	[tilespmem:$0x1A080] =	vst v63  }
0xff: {  	s17 =	sadd.s32 s19, s8;
	s19 =	smov.u32 s16;
	_ =	swait.ge [sflag:s13], $0x620  }
0x100: {  	s18 =	sadd.s32 $0xC400, s17;
	s17 =	sadd.s32 $0xCA20, s17;
	[sflag:s13] =	ssyncset.done $0x0  }
0x101: {  	p2 =	slt.s32 s18, s16;
	p3 =	slt.s32 s17, s16;
	[sflag:s13] =	ssyncadd.s32 $0xFFFFF9E0  }
0x102: {  	s19 =	smov.u32 @p2 s18;
	s18 =	smov.u32 s16;
	_ =	swait.ge [sflag:s13], $0x620  }
0x103: {  	s18 =	smov.u32 @p3 s17;
	[sflag:s13] =	ssyncset.done $0x0  }
0x104: {  	s17 =	sshrl.u32 s19, $0x3;
	s18 =	sshrl.u32 s18, $0x3;
	[sflag:s13] =	ssyncadd.s32 $0xFFFFF9E0  }
0x105: {  	[tilespmem:s21], [sflag:$0x2] =	stream.indirect.gather [hbm4b:s10+s0], $0x10, s0, s0, $0xb8;
	[tilespmem:$0x1A080] =	vst v63  }
0x106: {  	_ =	swait.ge [sflag:s22], $0x6200  }
0x107: {  	s19 =	sadd.s32 s4, s17;
	[sflag:s22] =	ssyncset.done $0x0  }
0x108: {  	s17 =	sadd.s32 s5, s17;
	[sflag:s22] =	ssyncadd.s32 $0xFFFF9E00  }
0x109: {  	[tilespmem:s2], [sflag:$0x5] =	stream.linear.gather [hbm4b:s19+s2], $0x620, $0x38;
	[tilespmem:$0x1A080] =	vst v63  }
0x10a: {  	_ = 	snop  }
0x10b: {  	[tilespmem:s31], [sflag:$0x5] =	stream.linear.gather [hbm4b:s17+s2], $0x620, $0x38;
	[tilespmem:$0x1A080] =	vst v63  }
0x10c: {  	_ =	swait.ge [sflag:s26], $0x6200  }
0x10d: {  	[sflag:s26] =	ssyncset.done $0x0  }
0x10e: {  	[sflag:s26] =	ssyncadd.s32 $0xFFFF9E00  }
0x10f: {  	[spmem:s1] =	stream.indirect.scatter.add.f32 [tilespmem:s21], [sflag:$0x4], $0x10, s15, s0, $0xb8;
	[tilespmem:$0x1A080] =	vst v63  }
0x110: {  	_ =	swait.ge [sflag:s13], $0x620  }
0x111: {  	[sflag:s13] =	ssyncset.done $0x0  }
0x112: {  	[sflag:s13] =	ssyncadd.s32 $0xFFFFF9E0  }
0x113: {  	_ =	swait.ge [sflag:s13], $0x620  }
.Ltmp4:
0x114: {  	[sflag:s13] =	ssyncset.done $0x0;
	(pc) =	sbr.rel @p1 .LBB2_10-.Ltmp4, $4  }
0x115: {  	s17 =	sadd.s32 s4, s18;
	[sflag:s13] =	ssyncadd.s32 $0xFFFFF9E0  }
0x116: {  	[tilespmem:s11], [sflag:$0x1] =	stream.indirect.gather [hbm4b:s10+s0], $0x10, s2, s0, $0xb8;
	[tilespmem:$0x1A080] =	vst v63  }
0x117: {  	_ =	swait.ge [sflag:s28], $0x6200  }
0x118: {  	s18 =	sadd.s32 s5, s18;
	[sflag:s28] =	ssyncset.done $0x0  }
.Ltmp5:
0x119: {  	_ = 	snop;
	(pc) =	sbr.rel .LBB2_11-.Ltmp5, $1  }
0x11a: {  	_ =	sdelay $0x3  }
.LBB2_2:
0x11b: {  	s12 =	rddreg [dreg:$0x7]  }
0x11c: {  	[spmem:s14], [sflag:s23] =	dma.local [hbm:s12], $0x1880  }
0x11d: {  	_ =	swait.ge [sflag:s30], $0x1880  }
0x11e: {  	[sflag:s30] =	ssyncset.done $0x0  }
0x11f: {  	[sflag:s30] =	ssyncadd.s32 $0xFFFFE780  }
0x120: {  	[bflag:$0x0] =	sbarrier.arrive $0xFFFF  }
0x121: {  	s19 =	rddreg [dreg:$0x8]  }
0x122: {  	[tilespmem:s2], [sflag:$0x6] =	stream.linear.gather [hbm4b:s19+s2], $0x620, $0x38;
	[tilespmem:$0x1A080] =	vst v63  }
0x123: {  	_ =	swait.ge [sflag:s30], $0x620  }
0x124: {  	[sflag:s30] =	ssyncset.done $0x0  }
0x125: {  	s17 =	rddreg [dreg:$0x9];
	[sflag:s30] =	ssyncadd.s32 $0xFFFFF9E0  }
0x126: {  	[tilespmem:s31], [sflag:$0x6] =	stream.linear.gather [hbm4b:s17+s2], $0x620, $0x38;
	[tilespmem:$0x1A080] =	vst v63  }
0x127: {  	_ =	swait.ge [sflag:s30], $0x620  }
0x128: {  	[sflag:s30] =	ssyncset.done $0x0  }
0x129: {  	[sflag:s30] =	ssyncadd.s32 $0xFFFFF9E0  }
0x12a: {  	[tilespmem:s11], [sflag:$0x1] =	stream.indirect.gather [hbm4b:s6+s0], $0x10, s2, s0, $0xb8;
	[tilespmem:$0x1A080] =	vst v63  }
0x12b: {  	s18 =	rddreg [dreg:$0xa]  }
0x12c: {  	[tilespmem:s0], [sflag:$0x5] =	stream.linear.gather [hbm4b:s18+s2], $0x620, $0x38;
	[tilespmem:$0x1A080] =	vst v63  }
0x12d: {  	_ = 	snop  }
0x12e: {  	[tilespmem:s15], [sflag:$0x5] =	stream.linear.gather [hbm4b:s20+s2], $0x620, $0x38;
	[tilespmem:$0x1A080] =	vst v63  }
0x12f: {  	_ =	swait.ge [sflag:s3], $0x6200  }
0x130: {  	[sflag:s3] =	ssyncset.done $0x0  }
0x131: {  	[sflag:s3] =	ssyncadd.s32 $0xFFFF9E00  }
0x132: {  	[spmem:s1] =	stream.indirect.scatter.add.f32 [tilespmem:s11], [sflag:$0x3], $0x10, s31, s0, $0xb8;
	[tilespmem:$0x1A080] =	vst v63  }
0x133: {  	_ =	swait.ge [sflag:s13], $0x620  }
0x134: {  	[sflag:s13] =	ssyncset.done $0x0  }
0x135: {  	[sflag:s13] =	ssyncadd.s32 $0xFFFFF9E0  }
0x136: {  	s19 =	sadd.s32 $0xFFFF4840, s8;
	_ =	swait.ge [sflag:s13], $0x620  }
0x137: {  	s17 =	sadd.s32 $0xC400, s19;
	[sflag:s13] =	ssyncset.done $0x0  }
0x138: {  	p1 =	slt.s32 s17, s16;
	s18 =	smov.u32 s16;
	[sflag:s13] =	ssyncadd.s32 $0xFFFFF9E0  }
0x139: {  	[tilespmem:s21], [sflag:$0x2] =	stream.indirect.gather [hbm4b:s6+s0], $0x10, s0, s0, $0xb8;
	[tilespmem:$0x1A080] =	vst v63  }
0x13a: {  	s18 =	smov.u32 @p1 s17;
	_ =	swait.ge [sflag:s22], $0x6200  }
0x13b: {  	s17 =	sshrl.u32 s18, $0x3;
	[sflag:s22] =	ssyncset.done $0x0  }
0x13c: {  	s18 =	sadd.s32 s4, s17;
	[sflag:s22] =	ssyncadd.s32 $0xFFFF9E00  }
0x13d: {  	[tilespmem:s2], [sflag:$0x5] =	stream.linear.gather [hbm4b:s18+s2], $0x620, $0x38;
	[tilespmem:$0x1A080] =	vst v63  }
0x13e: {  	s17 =	sadd.s32 s5, s17  }
0x13f: {  	[tilespmem:s31], [sflag:$0x5] =	stream.linear.gather [hbm4b:s17+s2], $0x620, $0x38;
	[tilespmem:$0x1A080] =	vst v63  }
0x140: {  	_ =	swait.ge [sflag:s26], $0x6200  }
0x141: {  	[sflag:s26] =	ssyncset.done $0x0  }
0x142: {  	[sflag:s26] =	ssyncadd.s32 $0xFFFF9E00  }
0x143: {  	[spmem:s1] =	stream.indirect.scatter.add.f32 [tilespmem:s21], [sflag:$0x4], $0x10, s15, s0, $0xb8;
	[tilespmem:$0x1A080] =	vst v63  }
0x144: {  	_ =	swait.ge [sflag:s13], $0x620  }
0x145: {  	[sflag:s13] =	ssyncset.done $0x0  }
0x146: {  	[sflag:s13] =	ssyncadd.s32 $0xFFFFF9E0  }
0x147: {  	s12 =	sadd.s32 $0xCA20, s19;
	_ =	swait.ge [sflag:s13], $0x620  }
0x148: {  	p1 =	slt.s32 s12, s16;
	s17 =	smov.u32 s16;
	[sflag:s13] =	ssyncset.done $0x0  }
0x149: {  	s17 =	smov.u32 @p1 s12;
	[sflag:s13] =	ssyncadd.s32 $0xFFFFF9E0  }
0x14a: {  	[tilespmem:s11], [sflag:$0x1] =	stream.indirect.gather [hbm4b:s6+s0], $0x10, s2, s0, $0xb8;
	[tilespmem:$0x1A080] =	vst v63  }
0x14b: {  	s12 =	simm.s32 $0xFFFF5480;
	s19 =	sshrl.u32 s17, $0x3;
	_ =	swait.ge [sflag:s28], $0x6200  }
0x14c: {  	s17 =	sadd.s32 s4, s19;
	s18 =	sadd.s32 s5, s19;
	[sflag:s28] =	ssyncset.done $0x0  }
.LBB2_3:
0x14d: {  	p1 =	sne.s32 s12, $0xFFFFF3C0  }
0x14e: {  	[sflag:s28] =	ssyncadd.s32 $0xFFFF9E00;
	s19 =	smov.u32 s12;
	s12 =	sadd.s32 $0xC40, s12  }
0x14f: {  	[tilespmem:s0], [sflag:$0x5] =	stream.linear.gather [hbm4b:s17+s2], $0x620, $0x38;
	[tilespmem:$0x1A080] =	vst v63  }
0x150: {  	_ = 	snop  }
0x151: {  	[tilespmem:s15], [sflag:$0x5] =	stream.linear.gather [hbm4b:s18+s2], $0x620, $0x38;
	[tilespmem:$0x1A080] =	vst v63  }
0x152: {  	_ =	swait.ge [sflag:s3], $0x6200  }
0x153: {  	[sflag:s3] =	ssyncset.done $0x0  }
0x154: {  	[sflag:s3] =	ssyncadd.s32 $0xFFFF9E00  }
0x155: {  	[spmem:s1] =	stream.indirect.scatter.add.f32 [tilespmem:s11], [sflag:$0x3], $0x10, s31, s0, $0xb8;
	[tilespmem:$0x1A080] =	vst v63  }
0x156: {  	s17 =	sadd.s32 s19, s8;
	s19 =	smov.u32 s16;
	_ =	swait.ge [sflag:s13], $0x620  }
0x157: {  	s18 =	sadd.s32 $0xC400, s17;
	s17 =	sadd.s32 $0xCA20, s17;
	[sflag:s13] =	ssyncset.done $0x0  }
0x158: {  	p2 =	slt.s32 s18, s16;
	p3 =	slt.s32 s17, s16;
	[sflag:s13] =	ssyncadd.s32 $0xFFFFF9E0  }
0x159: {  	s19 =	smov.u32 @p2 s18;
	s18 =	smov.u32 s16;
	_ =	swait.ge [sflag:s13], $0x620  }
0x15a: {  	s18 =	smov.u32 @p3 s17;
	[sflag:s13] =	ssyncset.done $0x0  }
0x15b: {  	s17 =	sshrl.u32 s19, $0x3;
	s18 =	sshrl.u32 s18, $0x3;
	[sflag:s13] =	ssyncadd.s32 $0xFFFFF9E0  }
0x15c: {  	[tilespmem:s21], [sflag:$0x2] =	stream.indirect.gather [hbm4b:s6+s0], $0x10, s0, s0, $0xb8;
	[tilespmem:$0x1A080] =	vst v63  }
0x15d: {  	_ =	swait.ge [sflag:s22], $0x6200  }
0x15e: {  	s19 =	sadd.s32 s4, s17;
	[sflag:s22] =	ssyncset.done $0x0  }
0x15f: {  	s17 =	sadd.s32 s5, s17;
	[sflag:s22] =	ssyncadd.s32 $0xFFFF9E00  }
0x160: {  	[tilespmem:s2], [sflag:$0x5] =	stream.linear.gather [hbm4b:s19+s2], $0x620, $0x38;
	[tilespmem:$0x1A080] =	vst v63  }
0x161: {  	_ = 	snop  }
0x162: {  	[tilespmem:s31], [sflag:$0x5] =	stream.linear.gather [hbm4b:s17+s2], $0x620, $0x38;
	[tilespmem:$0x1A080] =	vst v63  }
0x163: {  	_ =	swait.ge [sflag:s26], $0x6200  }
0x164: {  	[sflag:s26] =	ssyncset.done $0x0  }
0x165: {  	[sflag:s26] =	ssyncadd.s32 $0xFFFF9E00  }
0x166: {  	[spmem:s1] =	stream.indirect.scatter.add.f32 [tilespmem:s21], [sflag:$0x4], $0x10, s15, s0, $0xb8;
	[tilespmem:$0x1A080] =	vst v63  }
0x167: {  	_ =	swait.ge [sflag:s13], $0x620  }
0x168: {  	[sflag:s13] =	ssyncset.done $0x0  }
0x169: {  	[sflag:s13] =	ssyncadd.s32 $0xFFFFF9E0  }
0x16a: {  	_ =	swait.ge [sflag:s13], $0x620  }
.Ltmp6:
0x16b: {  	[sflag:s13] =	ssyncset.done $0x0;
	(pc) =	sbr.rel @p1 .LBB2_3-.Ltmp6, $4  }
0x16c: {  	s17 =	sadd.s32 s4, s18;
	[sflag:s13] =	ssyncadd.s32 $0xFFFFF9E0  }
0x16d: {  	[tilespmem:s11], [sflag:$0x1] =	stream.indirect.gather [hbm4b:s6+s0], $0x10, s2, s0, $0xb8;
	[tilespmem:$0x1A080] =	vst v63  }
0x16e: {  	_ =	swait.ge [sflag:s28], $0x6200  }
0x16f: {  	s18 =	sadd.s32 s5, s18;
	[sflag:s28] =	ssyncset.done $0x0  }
0x170: {  	[sflag:s28] =	ssyncadd.s32 $0xFFFF9E00  }
0x171: {  	[tilespmem:s0], [sflag:$0x5] =	stream.linear.gather [hbm4b:s17+s2], $0x620, $0x38;
	[tilespmem:$0x1A080] =	vst v63  }
0x172: {  	_ = 	snop  }
0x173: {  	[tilespmem:s15], [sflag:$0x5] =	stream.linear.gather [hbm4b:s18+s2], $0x620, $0x38;
	[tilespmem:$0x1A080] =	vst v63  }
0x174: {  	_ =	swait.ge [sflag:s3], $0x6200  }
0x175: {  	[sflag:s3] =	ssyncset.done $0x0  }
0x176: {  	[sflag:s3] =	ssyncadd.s32 $0xFFFF9E00  }
0x177: {  	[spmem:s1] =	stream.indirect.scatter.add.f32 [tilespmem:s11], [sflag:$0x3], $0x10, s31, s0, $0xb8;
	[tilespmem:$0x1A080] =	vst v63  }
0x178: {  	_ =	swait.ge [sflag:s13], $0x620  }
0x179: {  	[sflag:s13] =	ssyncset.done $0x0  }
0x17a: {  	[sflag:s13] =	ssyncadd.s32 $0xFFFFF9E0  }
0x17b: {  	_ =	swait.ge [sflag:s13], $0x620  }
0x17c: {  	[sflag:s13] =	ssyncset.done $0x0  }
0x17d: {  	[sflag:s13] =	ssyncadd.s32 $0xFFFFF9E0  }
0x17e: {  	[tilespmem:s21], [sflag:$0x2] =	stream.indirect.gather [hbm4b:s6+s0], $0x10, s0, s0, $0xb8;
	[tilespmem:$0x1A080] =	vst v63  }
0x17f: {  	_ =	swait.ge [sflag:s22], $0x6200  }
0x180: {  	[sflag:s22] =	ssyncset.done $0x0  }
0x181: {  	[sflag:s22] =	ssyncadd.s32 $0xFFFF9E00  }
0x182: {  	[tilespmem:s2], [sflag:$0x5] =	stream.linear.gather [hbm4b:s24+s2], $0x620, $0x38;
	[tilespmem:$0x1A080] =	vst v63  }
0x183: {  	_ = 	snop  }
0x184: {  	[tilespmem:s31], [sflag:$0x5] =	stream.linear.gather [hbm4b:s25+s2], $0x620, $0x38;
	[tilespmem:$0x1A080] =	vst v63  }
0x185: {  	_ =	swait.ge [sflag:s26], $0x6200  }
0x186: {  	[sflag:s26] =	ssyncset.done $0x0  }
0x187: {  	[sflag:s26] =	ssyncadd.s32 $0xFFFF9E00  }
0x188: {  	[spmem:s1] =	stream.indirect.scatter.add.f32 [tilespmem:s21], [sflag:$0x4], $0x10, s15, s0, $0xb8;
	[tilespmem:$0x1A080] =	vst v63  }
0x189: {  	_ =	swait.ge [sflag:s13], $0x620  }
0x18a: {  	[sflag:s13] =	ssyncset.done $0x0  }
0x18b: {  	[sflag:s13] =	ssyncadd.s32 $0xFFFFF9E0  }
0x18c: {  	_ =	swait.ge [sflag:s13], $0x620  }
0x18d: {  	[sflag:s13] =	ssyncset.done $0x0  }
0x18e: {  	[sflag:s13] =	ssyncadd.s32 $0xFFFFF9E0  }
0x18f: {  	_ =	swait.ge [sflag:s28], $0x6200  }
0x190: {  	[sflag:s28] =	ssyncset.done $0x0  }
0x191: {  	[sflag:s28] =	ssyncadd.s32 $0xFFFF9E00  }
0x192: {  	[bflag:$0x0] =	sbarrier.arrive $0xFFFF  }
0x193: {  	s12 =	rddreg [dreg:$0xb]  }
0x194: {  	[hbm:s12], [sflag:s23] =	dma.local [spmem:s14], $0x1880  }
0x195: {  	_ =	swait.ge [sflag:s30], $0x1880  }
0x196: {  	[sflag:s30] =	ssyncset.done $0x0  }
0x197: {  	s18 =	rddreg [dreg:$0xe];
	[sflag:s30] =	ssyncadd.s32 $0xFFFFE780  }
0x198: {  	[spmem:s14], [sflag:s23] =	dma.local [hbm:s18], $0x1880  }
0x199: {  	_ =	swait.ge [sflag:s30], $0x1880  }
0x19a: {  	[sflag:s30] =	ssyncset.done $0x0  }
0x19b: {  	[sflag:s30] =	ssyncadd.s32 $0xFFFFE780  }
0x19c: {  	[bflag:$0x0] =	sbarrier.arrive $0xFFFF  }
0x19d: {  	s19 =	rddreg [dreg:$0x8]  }
0x19e: {  	[tilespmem:s2], [sflag:$0x6] =	stream.linear.gather [hbm4b:s19+s2], $0x620, $0x38;
	[tilespmem:$0x1A080] =	vst v63  }
0x19f: {  	_ =	swait.ge [sflag:s30], $0x620  }
0x1a0: {  	[sflag:s30] =	ssyncset.done $0x0  }
0x1a1: {  	s17 =	rddreg [dreg:$0x9];
	[sflag:s30] =	ssyncadd.s32 $0xFFFFF9E0  }
0x1a2: {  	[tilespmem:s31], [sflag:$0x6] =	stream.linear.gather [hbm4b:s17+s2], $0x620, $0x38;
	[tilespmem:$0x1A080] =	vst v63  }
0x1a3: {  	_ =	swait.ge [sflag:s30], $0x620  }
0x1a4: {  	[sflag:s30] =	ssyncset.done $0x0  }
0x1a5: {  	[sflag:s30] =	ssyncadd.s32 $0xFFFFF9E0  }
0x1a6: {  	[tilespmem:s11], [sflag:$0x1] =	stream.indirect.gather [hbm4b:s7+s0], $0x10, s2, s0, $0xb8;
	[tilespmem:$0x1A080] =	vst v63  }
0x1a7: {  	s18 =	rddreg [dreg:$0xa]  }
0x1a8: {  	[tilespmem:s0], [sflag:$0x5] =	stream.linear.gather [hbm4b:s18+s2], $0x620, $0x38;
	[tilespmem:$0x1A080] =	vst v63  }
0x1a9: {  	_ = 	snop  }
0x1aa: {  	[tilespmem:s15], [sflag:$0x5] =	stream.linear.gather [hbm4b:s20+s2], $0x620, $0x38;
	[tilespmem:$0x1A080] =	vst v63  }
0x1ab: {  	_ =	swait.ge [sflag:s3], $0x6200  }
0x1ac: {  	[sflag:s3] =	ssyncset.done $0x0  }
0x1ad: {  	[sflag:s3] =	ssyncadd.s32 $0xFFFF9E00  }
0x1ae: {  	[spmem:s1] =	stream.indirect.scatter.add.f32 [tilespmem:s11], [sflag:$0x3], $0x10, s31, s0, $0xb8;
	[tilespmem:$0x1A080] =	vst v63  }
0x1af: {  	_ =	swait.ge [sflag:s13], $0x620  }
0x1b0: {  	[sflag:s13] =	ssyncset.done $0x0  }
0x1b1: {  	[sflag:s13] =	ssyncadd.s32 $0xFFFFF9E0  }
0x1b2: {  	s19 =	sadd.s32 $0xFFFF4840, s8;
	_ =	swait.ge [sflag:s13], $0x620  }
0x1b3: {  	s17 =	sadd.s32 $0xC400, s19;
	[sflag:s13] =	ssyncset.done $0x0  }
0x1b4: {  	p1 =	slt.s32 s17, s16;
	s18 =	smov.u32 s16;
	[sflag:s13] =	ssyncadd.s32 $0xFFFFF9E0  }
0x1b5: {  	[tilespmem:s21], [sflag:$0x2] =	stream.indirect.gather [hbm4b:s7+s0], $0x10, s0, s0, $0xb8;
	[tilespmem:$0x1A080] =	vst v63  }
0x1b6: {  	s18 =	smov.u32 @p1 s17;
	_ =	swait.ge [sflag:s22], $0x6200  }
0x1b7: {  	s17 =	sshrl.u32 s18, $0x3;
	[sflag:s22] =	ssyncset.done $0x0  }
0x1b8: {  	s18 =	sadd.s32 s4, s17;
	[sflag:s22] =	ssyncadd.s32 $0xFFFF9E00  }
0x1b9: {  	[tilespmem:s2], [sflag:$0x5] =	stream.linear.gather [hbm4b:s18+s2], $0x620, $0x38;
	[tilespmem:$0x1A080] =	vst v63  }
0x1ba: {  	s17 =	sadd.s32 s5, s17  }
0x1bb: {  	[tilespmem:s31], [sflag:$0x5] =	stream.linear.gather [hbm4b:s17+s2], $0x620, $0x38;
	[tilespmem:$0x1A080] =	vst v63  }
0x1bc: {  	_ =	swait.ge [sflag:s26], $0x6200  }
0x1bd: {  	[sflag:s26] =	ssyncset.done $0x0  }
0x1be: {  	[sflag:s26] =	ssyncadd.s32 $0xFFFF9E00  }
0x1bf: {  	[spmem:s1] =	stream.indirect.scatter.add.f32 [tilespmem:s21], [sflag:$0x4], $0x10, s15, s0, $0xb8;
	[tilespmem:$0x1A080] =	vst v63  }
0x1c0: {  	_ =	swait.ge [sflag:s13], $0x620  }
0x1c1: {  	[sflag:s13] =	ssyncset.done $0x0  }
0x1c2: {  	[sflag:s13] =	ssyncadd.s32 $0xFFFFF9E0  }
0x1c3: {  	s12 =	sadd.s32 $0xCA20, s19;
	_ =	swait.ge [sflag:s13], $0x620  }
0x1c4: {  	p1 =	slt.s32 s12, s16;
	s17 =	smov.u32 s16;
	[sflag:s13] =	ssyncset.done $0x0  }
0x1c5: {  	s17 =	smov.u32 @p1 s12;
	[sflag:s13] =	ssyncadd.s32 $0xFFFFF9E0  }
0x1c6: {  	[tilespmem:s11], [sflag:$0x1] =	stream.indirect.gather [hbm4b:s7+s0], $0x10, s2, s0, $0xb8;
	[tilespmem:$0x1A080] =	vst v63  }
0x1c7: {  	s12 =	simm.s32 $0xFFFF5480;
	s19 =	sshrl.u32 s17, $0x3;
	_ =	swait.ge [sflag:s28], $0x6200  }
0x1c8: {  	s17 =	sadd.s32 s4, s19;
	s18 =	sadd.s32 s5, s19;
	[sflag:s28] =	ssyncset.done $0x0  }
.LBB2_5:
0x1c9: {  	p1 =	seq.s32 s12, $0xFFFFF3C0  }
0x1ca: {  	[sflag:s28] =	ssyncadd.s32 $0xFFFF9E00;
	s19 =	smov.u32 s12;
	s12 =	sadd.s32 $0xC40, s12  }
0x1cb: {  	[tilespmem:s0], [sflag:$0x5] =	stream.linear.gather [hbm4b:s17+s2], $0x620, $0x38;
	[tilespmem:$0x1A080] =	vst v63  }
0x1cc: {  	_ = 	snop  }
0x1cd: {  	[tilespmem:s15], [sflag:$0x5] =	stream.linear.gather [hbm4b:s18+s2], $0x620, $0x38;
	[tilespmem:$0x1A080] =	vst v63  }
0x1ce: {  	_ =	swait.ge [sflag:s3], $0x6200  }
0x1cf: {  	[sflag:s3] =	ssyncset.done $0x0  }
0x1d0: {  	[sflag:s3] =	ssyncadd.s32 $0xFFFF9E00  }
0x1d1: {  	[spmem:s1] =	stream.indirect.scatter.add.f32 [tilespmem:s11], [sflag:$0x3], $0x10, s31, s0, $0xb8;
	[tilespmem:$0x1A080] =	vst v63  }
0x1d2: {  	s17 =	sadd.s32 s19, s8;
	s19 =	smov.u32 s16;
	_ =	swait.ge [sflag:s13], $0x620  }
0x1d3: {  	s18 =	sadd.s32 $0xC400, s17;
	s17 =	sadd.s32 $0xCA20, s17;
	[sflag:s13] =	ssyncset.done $0x0  }
0x1d4: {  	p2 =	slt.s32 s18, s16;
	p3 =	slt.s32 s17, s16;
	[sflag:s13] =	ssyncadd.s32 $0xFFFFF9E0  }
0x1d5: {  	s19 =	smov.u32 @p2 s18;
	s18 =	smov.u32 s16;
	_ =	swait.ge [sflag:s13], $0x620  }
0x1d6: {  	s18 =	smov.u32 @p3 s17;
	[sflag:s13] =	ssyncset.done $0x0  }
0x1d7: {  	s17 =	sshrl.u32 s19, $0x3;
	s18 =	sshrl.u32 s18, $0x3;
	[sflag:s13] =	ssyncadd.s32 $0xFFFFF9E0  }
0x1d8: {  	[tilespmem:s21], [sflag:$0x2] =	stream.indirect.gather [hbm4b:s7+s0], $0x10, s0, s0, $0xb8;
	[tilespmem:$0x1A080] =	vst v63  }
0x1d9: {  	_ =	swait.ge [sflag:s22], $0x6200  }
0x1da: {  	s19 =	sadd.s32 s4, s17;
	[sflag:s22] =	ssyncset.done $0x0  }
0x1db: {  	s17 =	sadd.s32 s5, s17;
	[sflag:s22] =	ssyncadd.s32 $0xFFFF9E00  }
0x1dc: {  	[tilespmem:s2], [sflag:$0x5] =	stream.linear.gather [hbm4b:s19+s2], $0x620, $0x38;
	[tilespmem:$0x1A080] =	vst v63  }
0x1dd: {  	_ = 	snop  }
0x1de: {  	[tilespmem:s31], [sflag:$0x5] =	stream.linear.gather [hbm4b:s17+s2], $0x620, $0x38;
	[tilespmem:$0x1A080] =	vst v63  }
0x1df: {  	_ =	swait.ge [sflag:s26], $0x6200  }
0x1e0: {  	[sflag:s26] =	ssyncset.done $0x0  }
0x1e1: {  	[sflag:s26] =	ssyncadd.s32 $0xFFFF9E00  }
0x1e2: {  	[spmem:s1] =	stream.indirect.scatter.add.f32 [tilespmem:s21], [sflag:$0x4], $0x10, s15, s0, $0xb8;
	[tilespmem:$0x1A080] =	vst v63  }
0x1e3: {  	_ =	swait.ge [sflag:s13], $0x620  }
0x1e4: {  	[sflag:s13] =	ssyncset.done $0x0  }
0x1e5: {  	[sflag:s13] =	ssyncadd.s32 $0xFFFFF9E0  }
0x1e6: {  	_ =	swait.ge [sflag:s13], $0x620  }
.Ltmp7:
0x1e7: {  	[sflag:s13] =	ssyncset.done $0x0;
	(pc) =	sbr.rel @!p1 .LBB2_5-.Ltmp7, $4  }
0x1e8: {  	s17 =	sadd.s32 s4, s18;
	[sflag:s13] =	ssyncadd.s32 $0xFFFFF9E0  }
0x1e9: {  	[tilespmem:s11], [sflag:$0x1] =	stream.indirect.gather [hbm4b:s7+s0], $0x10, s2, s0, $0xb8;
	[tilespmem:$0x1A080] =	vst v63  }
0x1ea: {  	_ =	swait.ge [sflag:s28], $0x6200  }
0x1eb: {  	s18 =	sadd.s32 s5, s18;
	[sflag:s28] =	ssyncset.done $0x0  }
.Ltmp8:
0x1ec: {  	(pc) =	sbr.rel .LBB2_12-.Ltmp8, $4  }
0x1ed: {  	[sflag:s28] =	ssyncadd.s32 $0xFFFF9E00  }
0x1ee: {  	[tilespmem:s0], [sflag:$0x5] =	stream.linear.gather [hbm4b:s17+s2], $0x620, $0x38;
	[tilespmem:$0x1A080] =	vst v63  }
0x1ef: {  	s12 =	rddreg [dreg:$0x3];
	s17 =	smov.u32 s7  }
0x1f0: {  	[tilespmem:s15], [sflag:$0x5] =	stream.linear.gather [hbm4b:s18+s2], $0x620, $0x38;
	[tilespmem:$0x1A080] =	vst v63  }
.LBB2_13:
0x1f1: {  	_ =	sfence.sel $0x180000  }
0x1f2: {  	[bflag:$0x0] =	sbarrier.arrive $0xFFFF  }
0x1f3: {  	_ =	strace $0x9000004D  }
0x1f4: {  	s0 =	stileid.u32;
	[bflag:$0x2] =	sbarrier.arrive $0xFFFF  }
0x1f5: {  	p0 =	sne.s32 s0, $0x0;
	s0 =	rddreg [dreg:$0x2]  }
0x1f6: {  	s0 =	sadd.s32 @!p0 $0x100000, s0  }
0x1f7: {  	[sflag:s0] =	ssyncadd.tile.s32 @!p0 $0x1;
	_ =	shalt  }
.Lfunc_end2:
_tile_overlayer_lowered:
.L_overlay_start_2:
0x1f8: {  	(tag) =	ssettag $0x2  }
0x1f9: {  	s0 =	rddreg [dreg:$0x0];
	s2 =	stileid.u32  }
0x1fa: {  	s1 =	rddreg [dreg:$0x1];
	p0 =	sne.s32 s2, $0x0  }
0x1fb: {  	s3 =	rddreg [dreg:$0x2];
	[bflag:$0x3] =	sbarrier.arrive $0xFFFF;
	s2 =	simm.s32 @!p0 $0x1C06  }
0x1fc: {  	[timem:s3], [sflag:s2] =	dma.local @!p0 [hbm:s0], s1  }
0x1fd: {  	s0 =	simm.s32 @!p0 $0x6  }
0x1fe: {  	_ =	swait.ge @!p0 [sflag:s0], s1  }
0x1ff: {  	s1 =	ssub.s32 @!p0 $0x0, s1;
	[sflag:s0] =	ssyncset.done @!p0 $0x0  }
0x200: {  	[sflag:s0] =	ssyncadd.s32 @!p0 s1  }
0x201: {  	[bflag:$0x3] =	sbarrier.arrive $0xFFFF  }
0x202: {  	_ =	shalt  }

// kernel: kernel.8.cloned.1.call-start
scs
__scs_entry_jumppad:
0x0: {  	(pc) =	sbr.rel $0x88, $3  }
0x1: {  	(tag) =	ssettag $0x0;
	lr =	simm.s32 $0x1  }
0x2: {  	[smem:$0x3F99] =	sst lr;
	_ =	strace $0xD0000000  }
0x3: {  	_ = 	snop  }
0x4: {  	_ = 	snop  }
0x5: {  	_ = 	snop  }
0x6: {  	_ = 	snop  }
0x7: {  	_ = 	snop  }
__scs_overlays_trampoline_lowered:
0x8: {  	[smem:$0x3FA8] =	sst s0  }
0x9: {  	[smem:$0x3FA9] =	sst s1  }
0xa: {  	[smem:$0x3FAA] =	sst s2  }
0xb: {  	[smem:$0x3FAB] =	sst s3  }
0xc: {  	[smem:$0x3FAC] =	sst s4  }
0xd: {  	[smem:$0x3FAD] =	sst s5  }
0xe: {  	[smem:$0x3FAE] =	sst s6  }
0xf: {  	[smem:$0x3FAF] =	sst s7  }
0x10: {  	[smem:$0x3FB0] =	sst s8  }
0x11: {  	[smem:$0x3FB1] =	sst s9;
	s0 =	simm.s32 @!p0 $0x0  }
0x12: {  	s1 =	sld [smem:$0x3F97];
	s0 =	simm.s32 @p0 $0x1  }
0x13: {  	[smem:$0x3FB2] =	sst s0;
	s0 =	simm.s32 @!p1 $0x0  }
0x14: {  	s2 =	sld [smem:$0x3F96];
	s0 =	simm.s32 @p1 $0x1  }
0x15: {  	[smem:$0x3FB3] =	sst s0;
	s0 =	simm.s32 @!p2 $0x0  }
0x16: {  	s3 =	sld [smem:$0x3FDB];
	s0 =	simm.s32 @p2 $0x1  }
0x17: {  	s4 =	simm.s32 $0x1BF5;
	[smem:$0x3FB5] =	sst s0  }
0x18: {  	s0 =	sld [smem:$0x3F98];
	_ =	swait.ge [sflag:s4], $0x0  }
0x19: {  	s7 =	sld [smem:$0x3F99]  }
0x1a: {  	s8 =	sadd.s32 $0xFFFFE003, lr  }
0x1b: {  	s9 =	sadd.s32 $0xFFFFFEF7, lr;
	s5 =	simm.s32 $0xFFFFFFFF;
	p2 =	slt.u32 s8, $0xFFFFF086  }
0x1c: {  	p1 =	slt.u32 s9, $0xF7A;
	s5 =	simm.s32 @!p2 $0x0  }
0x1d: {  	s5 =	simm.s32 @p1 $0x1;
	p0 =	seq.s32 s7, s2  }
0x1e: {  	s7 =	smul.u32 @!p0 $0xF7A, s2;
	p2 =	seq.s32 @!p0 s5, $0x0  }
0x1f: {  	s9 =	smul.u32 $0xF7A, s1;
	s8 =	simm.s32 @!p0 $0x1BF5;
	p2 =	por !p2, p0  }
0x20: {  	[sflag:s8] =	ssyncset.s32 @!p0 $0xFFFFF086;
	s6 =	sadd.s32 @!p0 s3, s7;
	s7 =	simm.s32 @!p0 $0x108  }
0x21: {  	s3 =	sadd.s32 s3, s9;
	s6 =	sadd.s32 @!p0 $0x88, s6;
	s7 =	simm.s32 @p2 $0x1082  }
0x22: {  	[simem:s7], [sflag:s8] =	dma.local @!p0 [hbm:s6], $0xF7A  }
0x23: {  	s9 =	sor.u32 $0xD0000000, s2;
	s6 =	simm.s32 $0x108;
	_ =	swait.ge @!p0 [sflag:s8], $0x0  }
0x24: {  	s3 =	sadd.s32 $0x88, s3;
	s6 =	simm.s32 @!p1 $0x1082;
	[sflag:s4] =	ssyncset.s32 $0xFFFFF086  }
0x25: {  	[simem:s6], [sflag:s4] =	dma.local [hbm:s3], $0xF7A  }
0x26: {  	[smem:$0x3F99] =	sst s1;
	(tag) =	ssettag s2;
	_ =	strace s9  }
0x27: {  	s1 =	sld [smem:$0x3FA9]  }
0x28: {  	s2 =	sld [smem:$0x3FAA]  }
0x29: {  	s4 =	sld [smem:$0x3FAC]  }
0x2a: {  	p0 =	seq.s32 s5, $0x0;
	s5 =	sld [smem:$0x3FAD]  }
0x2b: {  	s6 =	sld [smem:$0x3FAE]  }
0x2c: {  	s7 =	sld [smem:$0x3FAF]  }
0x2d: {  	s3 =	simm.s32 $0x108;
	s8 =	sld [smem:$0x3FB0]  }
0x2e: {  	s3 =	simm.s32 @!p0 $0x1082;
	s9 =	sld [smem:$0x3FB1]  }
0x2f: {  	lr =	sadd.s32 s0, s3;
	s0 =	sld [smem:$0x3FA8]  }
0x30: {  	s3 =	sld [smem:$0x3FAB]  }
0x31: {  	[smem:$0x3FB4] =	sst s10  }
0x32: {  	s10 =	sld [smem:$0x3FB2];
	_ =	sdelay $0x3  }
0x33: {  	p0 =	seq.s32 s10, $0x1;
	s10 =	sld [smem:$0x3FB4];
	_ =	sdelay $0x3  }
0x34: {  	[smem:$0x3FB4] =	sst s10  }
0x35: {  	s10 =	sld [smem:$0x3FB3];
	_ =	sdelay $0x3  }
0x36: {  	p1 =	seq.s32 s10, $0x1;
	s10 =	sld [smem:$0x3FB4];
	_ =	sdelay $0x3  }
0x37: {  	[smem:$0x3FB4] =	sst s10  }
0x38: {  	s10 =	sld [smem:$0x3FB5]  }
0x39: {  	_ = 	snop;
	(pc) =	sbr.ind lr, $3  }
0x3a: {  	_ = 	snop  }
0x3b: {  	_ = 	snop  }
0x3c: {  	p2 =	seq.s32 s10, $0x1;
	s10 =	sld [smem:$0x3FB4]  }
0x3d: {  	_ =	shalt  }
0x3e: {  	_ =	shalt  }
0x3f: {  	_ =	shalt  }
0x40: {  	_ =	shalt  }
0x41: {  	_ =	shalt  }
0x42: {  	_ =	shalt  }
0x43: {  	_ =	shalt  }
0x44: {  	_ =	shalt  }
0x45: {  	_ =	shalt  }
0x46: {  	_ =	shalt  }
0x47: {  	_ =	shalt  }
0x48: {  	_ =	shalt  }
0x49: {  	_ =	shalt  }
0x4a: {  	_ =	shalt  }
0x4b: {  	_ =	shalt  }
0x4c: {  	_ =	shalt  }
0x4d: {  	_ =	shalt  }
0x4e: {  	_ =	shalt  }
0x4f: {  	_ =	shalt  }
0x50: {  	_ =	shalt  }
0x51: {  	_ =	shalt  }
0x52: {  	_ =	shalt  }
0x53: {  	_ =	shalt  }
0x54: {  	_ =	shalt  }
0x55: {  	_ =	shalt  }
0x56: {  	_ =	shalt  }
0x57: {  	_ =	shalt  }
0x58: {  	_ =	shalt  }
0x59: {  	_ =	shalt  }
0x5a: {  	_ =	shalt  }
0x5b: {  	_ =	shalt  }
0x5c: {  	_ =	shalt  }
0x5d: {  	_ =	shalt  }
0x5e: {  	_ =	shalt  }
0x5f: {  	_ =	shalt  }
0x60: {  	_ =	shalt  }
0x61: {  	_ =	shalt  }
0x62: {  	_ =	shalt  }
0x63: {  	_ =	shalt  }
0x64: {  	_ =	shalt  }
0x65: {  	_ =	shalt  }
0x66: {  	_ =	shalt  }
0x67: {  	_ =	shalt  }
0x68: {  	_ =	shalt  }
0x69: {  	_ =	shalt  }
0x6a: {  	_ =	shalt  }
0x6b: {  	_ =	shalt  }
0x6c: {  	_ =	shalt  }
0x6d: {  	_ =	shalt  }
0x6e: {  	_ =	shalt  }
0x6f: {  	_ =	shalt  }
0x70: {  	_ =	shalt  }
0x71: {  	_ =	shalt  }
0x72: {  	_ =	shalt  }
0x73: {  	_ =	shalt  }
0x74: {  	_ =	shalt  }
0x75: {  	_ =	shalt  }
0x76: {  	_ =	shalt  }
0x77: {  	_ =	shalt  }
0x78: {  	_ =	shalt  }
0x79: {  	_ =	shalt  }
0x7a: {  	_ =	shalt  }
0x7b: {  	_ =	shalt  }
0x7c: {  	_ =	shalt  }
0x7d: {  	_ =	shalt  }
0x7e: {  	_ =	shalt  }
0x7f: {  	_ =	shalt  }
0x80: {  	_ =	shalt  }
0x81: {  	_ =	shalt  }
0x82: {  	_ =	shalt  }
0x83: {  	_ =	shalt  }
0x84: {  	_ =	shalt  }
0x85: {  	_ =	shalt  }
0x86: {  	_ =	shalt  }
0x87: {  	_ =	shalt  }
.Lfunc_end0:
.L_simem_size_0:
called_computation_lowered:
.L_overlay_start_0:
0x88: {  	s2 =	sld [smem:$0x3FD9]  }
0x89: {  	s3 =	sld [smem:$0x3FFE];
	_ =	sdelay $0x1  }
0x8a: {  	s1 =	srdreg.scid  }
0x8b: {  	s0 =	sand.u32 $0x1, s1  }
0x8c: {  	s17 =	sshll.u32 s0, $0xA;
	s2 =	sadd.s32 s3, s2  }
0x8d: {  	s2 =	sadd.s32 s2, s17  }
0x8e: {  	[smem:$0x3FC0] =	sst s2  }
0x8f: {  	_ = 	snop  }
0x90: {  	s2 =	sld [smem:$0x3FD0];
	(tm) =	ssettm $0x1  }
0x91: {  	s18 =	sld [smem:$0x3FFB];
	_ =	sdelay $0x3  }
0x92: {  	_ =	strace s18  }
0x93: {  	s3 =	sld [smem:$0x3FFC];
	_ =	sdelay $0x3  }
0x94: {  	_ =	strace s3  }
0x95: {  	s3 =	sld [smem:$0x3FFD];
	_ =	sdelay $0x3  }
0x96: {  	_ =	strace s3  }
0x97: {  	_ =	strace $0x8FFFFFFF  }
0x98: {  	s19 =	sld [smem:$0x3FDB];
	_ =	sdelay $0x1  }
0x99: {  	s4 =	simm.s32 $_scs_section_size  }
0x9a: {  	s5 =	simm.s32 $_size__tile_overlayer_lowered;
	s6 =	simm.s32 $_tile_overlayer_lowered  }
0x9b: {  	s22 =	simm.s32 $0x1BFF;
	s21 =	sshll.u32 s6, $0x1;
	s3 =	sadd.s32 s4, s19  }
0x9c: {  	s7 =	simm.s32 $0x0;
	s20 =	sshll.u32 s5, $0x1;
	s5 =	sadd.s32 s21, s3  }
0x9d: {  	[timem:s7], [sflag:s22] =	dma.local [hbm:s5], s20  }
0x9e: {  	_ =	swait.ge [sflag:s22], s20  }
0x9f: {  	s4 =	ssub.s32 $0x0, s20;
	[sflag:s22] =	ssyncset.done $0x0  }
0xa0: {  	[sflag:s22] =	ssyncadd.s32 s4;
	_ =	sdelay $0x1  }
0xa1: {  	s23 =	simm.s32 $0x1B8B  }
0xa2: {  	_ =	swait.ge [sflag:s23], $0x1  }
0xa3: {  	[sflag:s23] =	ssyncset.done $0x0  }
0xa4: {  	s25 =	simm.s32 $0x1B8E;
	s24 =	sld [smem:$0x3FFE];
	[sflag:s23] =	ssyncadd.s32 $0xFFFFFFFF  }
0xa5: {  	s26 =	simm.s32 $execute0_lowered;
	[smem:$0x3FD2] =	sst s25  }
0xa6: {  	s5 =	sshll.u32 s26, $0x1;
	_ =	strace $0x80000046;
	[dreg:$0x1] =	wrdreg $0xFFFFFFFF  }
0xa7: {  	s28 =	simm.s32 $_size_execute0_lowered;
	s3 =	sadd.s32 s3, s5;
	[dreg:$0x0] =	wrdreg $0x0  }
0xa8: {  	s5 =	sshll.u32 s28, $0x1;
	[dreg:$0x2] =	wrdreg s3  }
0xa9: {  	[dreg:$0x3] =	wrdreg s5  }
0xaa: {  	[dreg:$0x4] =	wrdreg $0xC0  }
0xab: {  	_ =	task [dreg:s7], $0x5FFFF  }
0xac: {  	[dreg:$0x1] =	wrdreg $0xFFFFFFFF  }
0xad: {  	[dreg:$0x0] =	wrdreg $0x60  }
0xae: {  	[dreg:$0x2] =	wrdreg s24  }
0xaf: {  	[dreg:$0x3] =	wrdreg s2  }
0xb0: {  	[dreg:$0x4] =	wrdreg $0x6E400  }
0xb1: {  	[dreg:$0x5] =	wrdreg $0x9  }
0xb2: {  	_ =	task.clear_ibuf [dreg:s7], $0x6FFFF;
	_ =	strace $0x90000046  }
0xb3: {  	s29 =	simm.s32 $0x9;
	_ =	strace $0x80000048  }
0xb4: {  	_ =	swait.ge [sflag:s29], $0x1  }
0xb5: {  	[sflag:s29] =	ssyncadd.s32 $0xFFFFFFFF  }
0xb6: {  	_ =	strace $0x90000048  }
0xb7: {  	_ =	sfence  }
0xb8: {  	s30 =	sld [smem:$0x0];
	_ =	sdelay $0x2  }
0xb9: {  	s31 =	sshll.u32 s1, $0xD;
	s1 =	sshrl.u32 s1, $0x2  }
0xba: {  	s3 =	sand.u32 $0x4000, s31;
	s1 =	sadd.s32 s1, s30  }
0xbb: {  	s0 =	sor.u32 s3, s0;
	s1 =	sshll.u32 s1, $0x11  }
0xbc: {  	s0 =	sor.u32 s1, s0  }
0xbd: {  	s0 =	sadd.s32 $0x8F2B, s0  }
0xbe: {  	[sflag:s0] =	ssyncadd.remote.s32 $0x1  }
0xbf: {  	_ =	sfence.sel $0xFFFF  }
0xc0: {  	[dreg:$0x0] =	wrdreg $0xFFFFFFFF;
	(pc) =	sbr.abs _section_cstart, $3  }
0xc1: {  	[dreg:$0x1] =	wrdreg $0xFFFFFFFF  }
0xc2: {  	_ =	task.clear_ibuf [dreg:s7], $0x2FFFF;
	_ =	strace $0x9FFFFFFF  }
0xc3: {  	(tm) =	ssettm $0x7FFFFFFF  }
tec
execute0_lowered:
.L_overlay_start_1:
0x0: {  	(tag) =	ssettag $0x1  }
0x1: {  	s6 =	rddreg [dreg:$0x0]  }
0x2: {  	s1 =	rddreg [dreg:$0x1]  }
0x3: {  	s2 =	rddreg [dreg:$0x2];
	s3 =	srdreg.scid  }
0x4: {  	s0 =	rddreg [dreg:$0x3];
	s4 =	simm.s32 $0x0;
	s14 =	simm.s32 $0x3  }
0x5: {  	s17 =	simm.s32 $0x620;
	s18 =	simm.s32 $0x1;
	s19 =	simm.s32 $0x2  }
0x6: {  	s20 =	simm.s32 $0x0;
	s8 =	sand.u32 $0x1, s3;
	s3 =	stileid.u32  }
0x7: {  	[smem:$0x7FF] =	sst s4;
	s5 =	sshll.u32 s8, $0x4;
	s7 =	smul.u32 $0xC400, s3  }
0x8: {  	_ =	strace $0x80000047;
	s10 =	ssub.s32 $0x2, s8;
	s13 =	smul.u32 $0x62000, s8  }
0x9: {  	s30 =	smul.u32 $0x6200, s3;
	p0 =	seq.s32 s8, $0x1;
	s15 =	sshll.u32 s3, $0x6  }
0xa: {  	s9 =	sor.u32 s3, s5;
	s5 =	sadd.s32 $0x4600, s6;
	s12 =	sshrl.u32 s10, $0x1  }
0xb: {  	s15 =	sor.u32 $0x1C03, s15;
	s9 =	smul.u32 $0x6200, s9;
	s11 =	sshrl.u32 s7, $0x3  }
0xc: {  	s10 =	ssub.s32 s10, s12;
	s16 =	sadd.s32 s7, s2;
	s12 =	sadd.s32 s30, s13  }
0xd: {  	s11 =	sadd.s32 s11, s6;
	s8 =	smax.u32 s10, $0x1;
	s10 =	simm.s32 $0x4DE00  }
0xe: {  	s13 =	sadd.s32 $0x620, s12;
	s12 =	sadd.s32 $0xC40, s12;
	s16 =	sshrl.u32 s16, $0x3  }
0xf: {  	s6 =	sadd.s32 $0x1CE00, s11;
	s31 =	sshrl.u32 s9, $0x3;
	s10 =	simm.s32 @!p0 $0x35600  }
0x10: {  	s13 =	sshrl.u32 s13, $0x3;
	s7 =	sadd.s32 s5, s31;
	s10 =	sadd.s32 s10, s11  }
0x11: {  	s11 =	sadd.s32 s13, s5;
	s13 =	simm.s32 $0xC40;
	s9 =	sadd.s32 $0xB7C, s7  }
.LBB2_1:
0x12: {  	[tilespmem:s13], [sflag:$0x3] =	stream.linear.gather [hbm4b:s1+s4], $0x6200, $0x38;
	[tilespmem:$0x13240] =	vst v63  }
0x13: {  	_ =	swait.ge [sflag:s14], $0x6200  }
0x14: {  	[sflag:s14] =	ssyncset.done $0x0  }
0x15: {  	[sflag:s14] =	ssyncadd.s32 $0xFFFF9E00  }
0x16: {  	[spmem:s16], [sflag:s15] =	dma.local [hbm:s6], $0x1880  }
0x17: {  	_ =	swait.ge [sflag:s14], $0x1880  }
0x18: {  	[sflag:s14] =	ssyncset.done $0x0  }
0x19: {  	[sflag:s14] =	ssyncadd.s32 $0xFFFFE780  }
0x1a: {  	[bflag:$0x0] =	sbarrier.arrive $0xFFFF  }
0x1b: {  	[tilespmem:s4], [sflag:$0x3] =	stream.linear.gather [hbm4b:s7+s4], $0x620, $0x38;
	[tilespmem:$0x13240] =	vst v63  }
0x1c: {  	_ =	swait.ge [sflag:s14], $0x620  }
0x1d: {  	[sflag:s14] =	ssyncset.done $0x0  }
0x1e: {  	[sflag:s14] =	ssyncadd.s32 $0xFFFFF9E0  }
0x1f: {  	[spmem:s2] =	stream.indirect.scatter.add.f32 [tilespmem:s13], [sflag:$0x1], $0x10, s4, s17, $0xb8;
	[tilespmem:$0x13240] =	vst v63  }
0x20: {  	s21 =	sadd.s32 $0x0, s11  }
0x21: {  	[tilespmem:s17], [sflag:$0x3] =	stream.linear.gather [hbm4b:s21+s4], $0x620, $0x38;
	[tilespmem:$0x13240] =	vst v63  }
0x22: {  	_ =	swait.ge [sflag:s14], $0x620  }
0x23: {  	[sflag:s14] =	ssyncset.done $0x0  }
0x24: {  	[sflag:s14] =	ssyncadd.s32 $0xFFFFF9E0  }
0x25: {  	_ =	swait.ge [sflag:s18], $0x6200  }
0x26: {  	[sflag:s18] =	ssyncset.done $0x0  }
0x27: {  	s31 =	sshrl.u32 s12, $0x3;
	[sflag:s18] =	ssyncadd.s32 $0xFFFF9E00  }
0x28: {  	[spmem:s2] =	stream.indirect.scatter.add.f32 [tilespmem:s13], [sflag:$0x2], $0x10, s17, s17, $0xb8;
	[tilespmem:$0x13240] =	vst v63  }
0x29: {  	s21 =	sadd.s32 s5, s31  }
0x2a: {  	[tilespmem:s4], [sflag:$0x3] =	stream.linear.gather [hbm4b:s21+s4], $0x620, $0x38;
	[tilespmem:$0x13240] =	vst v63  }
0x2b: {  	_ =	swait.ge [sflag:s14], $0x620  }
0x2c: {  	[sflag:s14] =	ssyncset.done $0x0  }
0x2d: {  	[sflag:s14] =	ssyncadd.s32 $0xFFFFF9E0  }
0x2e: {  	_ =	swait.ge [sflag:s19], $0x6200  }
0x2f: {  	s22 =	smov.u32 s12;
	s21 =	simm.s32 $0x188;
	[sflag:s19] =	ssyncset.done $0x0  }
.LBB2_2:
0x30: {  	p0 =	sne.s32 s21, $0x930;
	[sflag:s19] =	ssyncadd.s32 $0xFFFF9E00;
	s22 =	sadd.s32 $0xC40, s22  }
0x31: {  	[spmem:s2] =	stream.indirect.scatter.add.f32 [tilespmem:s13], [sflag:$0x1], $0x10, s4, s17, $0xb8;
	[tilespmem:$0x13240] =	vst v63  }
0x32: {  	s23 =	sadd.s32 s21, s11;
	s21 =	sadd.s32 $0x188, s21  }
0x33: {  	[tilespmem:s17], [sflag:$0x3] =	stream.linear.gather [hbm4b:s23+s4], $0x620, $0x38;
	[tilespmem:$0x13240] =	vst v63  }
0x34: {  	_ =	swait.ge [sflag:s14], $0x620  }
0x35: {  	[sflag:s14] =	ssyncset.done $0x0  }
0x36: {  	[sflag:s14] =	ssyncadd.s32 $0xFFFFF9E0  }
0x37: {  	_ =	swait.ge [sflag:s18], $0x6200  }
0x38: {  	[sflag:s18] =	ssyncset.done $0x0  }
0x39: {  	s23 =	sshrl.u32 s22, $0x3;
	[sflag:s18] =	ssyncadd.s32 $0xFFFF9E00  }
0x3a: {  	[spmem:s2] =	stream.indirect.scatter.add.f32 [tilespmem:s13], [sflag:$0x2], $0x10, s17, s17, $0xb8;
	[tilespmem:$0x13240] =	vst v63  }
0x3b: {  	s23 =	sadd.s32 s5, s23  }
0x3c: {  	[tilespmem:s4], [sflag:$0x3] =	stream.linear.gather [hbm4b:s23+s4], $0x620, $0x38;
	[tilespmem:$0x13240] =	vst v63  }
.Ltmp0:
0x3d: {  	_ =	swait.ge [sflag:s14], $0x620;
	(pc) =	sbr.rel @p0 .LBB2_2-.Ltmp0, $4  }
0x3e: {  	[sflag:s14] =	ssyncset.done $0x0  }
0x3f: {  	[sflag:s14] =	ssyncadd.s32 $0xFFFFF9E0  }
0x40: {  	_ =	swait.ge [sflag:s19], $0x6200  }
0x41: {  	[sflag:s19] =	ssyncset.done $0x0  }
0x42: {  	[sflag:s19] =	ssyncadd.s32 $0xFFFF9E00  }
0x43: {  	[spmem:s2] =	stream.indirect.scatter.add.f32 [tilespmem:s13], [sflag:$0x1], $0x10, s4, s17, $0xb8;
	[tilespmem:$0x13240] =	vst v63  }
0x44: {  	_ = 	snop  }
0x45: {  	[tilespmem:s17], [sflag:$0x3] =	stream.linear.gather [hbm4b:s9+s4], $0x620, $0x38;
	[tilespmem:$0x13240] =	vst v63  }
0x46: {  	_ =	swait.ge [sflag:s14], $0x620  }
0x47: {  	[sflag:s14] =	ssyncset.done $0x0  }
0x48: {  	[sflag:s14] =	ssyncadd.s32 $0xFFFFF9E0  }
0x49: {  	_ =	swait.ge [sflag:s18], $0x6200  }
0x4a: {  	[sflag:s18] =	ssyncset.done $0x0  }
0x4b: {  	[sflag:s18] =	ssyncadd.s32 $0xFFFF9E00  }
0x4c: {  	[spmem:s2] =	stream.indirect.scatter.add.f32 [tilespmem:s13], [sflag:$0x2], $0x10, s17, s17, $0xb8;
	[tilespmem:$0x13240] =	vst v63  }
0x4d: {  	_ = 	snop  }
0x4e: {  	[tilespmem:s4], [sflag:$0x3] =	stream.linear.gather [hbm4b:s9+s4], $0x620, $0x38;
	[tilespmem:$0x13240] =	vst v63  }
0x4f: {  	_ =	swait.ge [sflag:s14], $0x620  }
0x50: {  	[sflag:s14] =	ssyncset.done $0x0  }
0x51: {  	[sflag:s14] =	ssyncadd.s32 $0xFFFFF9E0  }
0x52: {  	_ =	swait.ge [sflag:s19], $0x6200  }
0x53: {  	s20 =	sadd.s32 $0x1, s20;
	[sflag:s19] =	ssyncset.done $0x0  }
0x54: {  	p0 =	sne.s32 s20, s8;
	[sflag:s19] =	ssyncadd.s32 $0xFFFF9E00  }
.Ltmp1:
0x55: {  	[bflag:$0x0] =	sbarrier.arrive $0xFFFF;
	(pc) =	sbr.rel @p0 .LBB2_1-.Ltmp1, $4  }
0x56: {  	[hbm:s10], [sflag:s15] =	dma.local [spmem:s16], $0x1880  }
0x57: {  	_ =	swait.ge [sflag:s14], $0x1880  }
0x58: {  	[sflag:s14] =	ssyncset.done $0x0  }
0x59: {  	[sflag:s14] =	ssyncadd.s32 $0xFFFFE780  }
0x5a: {  	_ =	sfence.sel $0x180000  }
0x5b: {  	[bflag:$0x0] =	sbarrier.arrive $0xFFFF  }
0x5c: {  	p0 =	sne.s32 s3, $0x0;
	_ =	strace $0x90000047  }
0x5d: {  	s0 =	sadd.s32 @!p0 $0x100000, s0;
	[bflag:$0x2] =	sbarrier.arrive $0xFFFF  }
0x5e: {  	[sflag:s0] =	ssyncadd.tile.s32 @!p0 $0x1;
	_ =	shalt  }
.Lfunc_end2:
_tile_overlayer_lowered:
.L_overlay_start_2:
0x5f: {  	(tag) =	ssettag $0x2  }
0x60: {  	s0 =	rddreg [dreg:$0x0];
	s2 =	stileid.u32  }
0x61: {  	s1 =	rddreg [dreg:$0x1];
	p0 =	sne.s32 s2, $0x0  }
0x62: {  	s3 =	rddreg [dreg:$0x2];
	[bflag:$0x3] =	sbarrier.arrive $0xFFFF;
	s2 =	simm.s32 @!p0 $0x1C03  }
0x63: {  	[timem:s3], [sflag:s2] =	dma.local @!p0 [hbm:s0], s1  }
0x64: {  	s0 =	simm.s32 @!p0 $0x3  }
0x65: {  	_ =	swait.ge @!p0 [sflag:s0], s1  }
0x66: {  	s1 =	ssub.s32 @!p0 $0x0, s1;
	[sflag:s0] =	ssyncset.done @!p0 $0x0  }
0x67: {  	[sflag:s0] =	ssyncadd.s32 @!p0 s1  }
0x68: {  	[bflag:$0x3] =	sbarrier.arrive $0xFFFF  }
0x69: {  	_ =	shalt  }

</sc_bundles>
